<compile_context>
chip_gen: v7x
topology: tpu7x:2x2x1
jax: 0.10.2.dev20260603
libtpu: 0.0.44.dev20260713+nightly
codegen_flags: <defaults>
</compile_context>

<pallas_src>
import functools

import jax
import jax.numpy as jnp
from jax import lax
from jax.experimental import pallas as pl
from jax.experimental.pallas import tpu as pltpu
from jax.experimental.pallas import tpu_sc as plsc

_K = 64
_ROWS = 128
_DEPTH = 32768
_NW = 32
_RPW = _ROWS // _NW
_NV = _DEPTH // 16
_CAND_CAP = 8224


def _scal(v):
    return lax.squeeze(lax.slice(v, (0,), (1,)), (0,))


def _sc_stats(x):
    mesh = plsc.VectorSubcoreMesh(
        core_axis_name="c", subcore_axis_name="s", num_cores=2, num_subcores=16)

    @functools.partial(
        pl.kernel,
        out_type=(
            jax.ShapeDtypeStruct((_NW, 16), jnp.int32),
            jax.ShapeDtypeStruct((_NW, 16), jnp.float32),
            jax.ShapeDtypeStruct((_NW, 16), jnp.float32),
        ),
        mesh=mesh,
        compiler_params=pltpu.CompilerParams(needs_layout_passes=False),
        scratch_types=[
            pltpu.VMEM((_DEPTH,), jnp.float32),
            pltpu.VMEM((_DEPTH,), jnp.int32),
            pltpu.VMEM((16 * 2049 + 16,), jnp.int32),
            pltpu.VMEM((2048,), jnp.int32),
            pltpu.VMEM((_CAND_CAP,), jnp.int32),
            pltpu.VMEM((16,), jnp.int32),
            pltpu.VMEM((16,), jnp.float32),
            pltpu.VMEM((16,), jnp.float32),
        ],
    )
    def sc_kernel(x_hbm, t_hbm, xm_hbm, dn_hbm, row_v, ukey_v, priv_v,
                  hist_v, cand_v, t_stage, xm_stage, dn_stage):
        wid = lax.axis_index("s") * 2 + lax.axis_index("c")
        lanes = lax.iota(jnp.int32, 16)
        zeros16 = jnp.zeros((16,), jnp.int32)
        ones16 = jnp.ones((16,), jnp.int32)
        int_min = jnp.int32(-2147483648)
        magn = jnp.int32(0x7FFFFFFF)

        t_acc = zeros16
        xm_acc = jnp.zeros((16,), jnp.float32)
        dn_acc = jnp.zeros((16,), jnp.float32)

        for r in range(_RPW):
            row = wid * _RPW + r
            pltpu.sync_copy(x_hbm.at[row], row_v)

            def clr(i, c):
                priv_v[pl.ds(i * 16, 16)] = zeros16
                return c
            lax.fori_loop(0, 2050, clr, 0, unroll=8)

            laneoff = lanes * 2049

            def h_step(i, c):
                v = row_v[pl.ds(i * 16, 16)]
                bits = lax.bitcast_convert_type(v, jnp.int32)
                m = lax.shift_right_arithmetic(bits, 31)
                ukey = bits ^ (m | int_min)
                ukey_v[pl.ds(i * 16, 16)] = ukey
                bucket = lax.shift_right_logical(ukey, 21)
                plsc.addupdate_scatter(priv_v, [laneoff + bucket], ones16)
                return c
            lax.fori_loop(0, _NV, h_step, 0, unroll=8)

            def mrg(i, c):
                acc = priv_v[pl.ds(i * 16, 16)]
                for l in range(1, 16):
                    acc = acc + priv_v[pl.ds(l * 2049 + i * 16, 16)]
                hist_v[pl.ds(i * 16, 16)] = acc
                return c
            lax.fori_loop(0, 128, mrg, 0, unroll=2)

            def s_step(i, carry):
                acc, jfound, accb = carry
                j = 127 - i
                s = jnp.sum(hist_v[pl.ds(j * 16, 16)])
                hit = jnp.logical_and(acc < _K, acc + s >= _K)
                jfound = jnp.where(hit, j, jfound)
                accb = jnp.where(hit, acc, accb)
                return acc + s, jfound, accb
            _, jc, accc = lax.fori_loop(
                0, 128, s_step, (jnp.int32(0), jnp.int32(0), jnp.int32(0)))

            def _cross(vec, above):
                rev = lax.rev(vec, (0,))
                cum = plsc.cumsum(rev)
                ffs_s = _scal(plsc.all_reduce_ffs((cum + above) >= _K))
                lane = 15 - ffs_s
                c_above = above + jnp.sum(jnp.where(lanes < ffs_s, rev, 0))
                return lane, c_above

            l1, acc1 = _cross(hist_v[pl.ds(jc * 16, 16)], accc)
            del acc1
            bucket_b = jc * 16 + l1
            p_lo_s = lax.shift_left(bucket_b, 21) ^ int_min

            def c_step(i, off):
                ku = ukey_v[pl.ds(i * 16, 16)]
                msk = jnp.logical_and((ku ^ int_min) >= p_lo_s,
                                      off < jnp.int32(_CAND_CAP - 48))
                plsc.store_compressed(cand_v.at[pl.ds(off, 16)], ku, mask=msk)
                cnt = plsc.all_reduce_population_count(msk)
                return off + _scal(cnt)
            ccnt = lax.fori_loop(0, _NV, c_step, jnp.int32(0), unroll=8)

            nv = (ccnt + 15) // 16
            cand_v[pl.ds(ccnt, 16)] = zeros16

            def b_step(i, tpat):
                bit = lax.shift_left(jnp.int32(1), jnp.int32(31) - i)
                cand_s = (tpat | bit) ^ int_min

                def cnt_step(j, accv):
                    kv = cand_v[pl.ds(j * 16, 16)] ^ int_min
                    return accv + plsc.all_reduce_population_count(kv >= cand_s)
                accv = lax.fori_loop(0, nv, cnt_step, zeros16)
                return jnp.where(_scal(accv) >= _K, tpat | bit, tpat)
            tpat = lax.fori_loop(0, 32, b_step, jnp.int32(0))
            t_s = tpat ^ int_min

            def unkey(ku):
                ks = ku ^ int_min
                m2 = lax.shift_right_arithmetic(ks, 31)
                return lax.bitcast_convert_type(ks ^ (m2 & magn), jnp.float32)

            def m_step(j, mv):
                ku = cand_v[pl.ds(j * 16, 16)]
                vv = jnp.where(ku == 0, jnp.float32(-3.4e38), unkey(ku))
                return jnp.maximum(mv, vv)
            mv = lax.fori_loop(
                0, nv, m_step, jnp.full((16,), -3.4e38, jnp.float32))
            xm = jnp.max(mv)

            def d_step(j, carry):
                ev, cv = carry
                ku = cand_v[pl.ds(j * 16, 16)]
                msk = (ku ^ int_min) >= t_s
                ev = ev + jnp.where(msk, jnp.exp(unkey(ku) - xm), 0.0)
                cv = cv + plsc.all_reduce_population_count(msk)
                return ev, cv
            ev, cv = lax.fori_loop(
                0, nv, d_step, (jnp.zeros((16,), jnp.float32), zeros16))
            s_ge = jnp.sum(ev)
            c_ge = _scal(cv)

            bt = jnp.where(t_s < 0, t_s ^ magn, t_s)
            tf = lax.bitcast_convert_type(bt, jnp.float32)
            et = _scal(jnp.exp(jnp.full((16,), tf - xm, jnp.float32)))
            denom = s_ge - (c_ge - _K).astype(jnp.float32) * et

            sel = lanes == r
            t_acc = jnp.where(sel, t_s, t_acc)
            xm_acc = jnp.where(sel, xm, xm_acc)
            dn_acc = jnp.where(sel, denom, dn_acc)

        t_stage[...] = t_acc
        xm_stage[...] = xm_acc
        dn_stage[...] = dn_acc
        pltpu.sync_copy(t_stage, t_hbm.at[wid])
        pltpu.sync_copy(xm_stage, xm_hbm.at[wid])
        pltpu.sync_copy(dn_stage, dn_hbm.at[wid])

    return sc_kernel(x)


def _tc_body(x_ref, t_ref, xm_ref, dn_ref, o_ref):
    mask = jnp.int32(0x7FFFFFFF)
    x = x_ref[...]
    b = lax.bitcast_convert_type(x, jnp.int32)
    keys = jnp.where(b < 0, b ^ mask, b)
    t = t_ref[...]
    e = jnp.exp(x - xm_ref[...])
    o_ref[...] = jnp.where(keys >= t, e / dn_ref[...], 0.0)


@functools.partial(jax.jit, static_argnums=())
def kernel(inputs):
    n_rows, depth = inputs.shape
    t_w, xm_w, dn_w = _sc_stats(inputs)
    t = t_w[:, :_RPW].reshape(n_rows, 1)
    xm = xm_w[:, :_RPW].reshape(n_rows, 1)
    dn = dn_w[:, :_RPW].reshape(n_rows, 1)
    block_rows = 32
    grid = (n_rows // block_rows,)
    small = pl.BlockSpec((block_rows, 1), lambda i: (i, 0))
    return pl.pallas_call(
        _tc_body,
        grid=grid,
        in_specs=[pl.BlockSpec((block_rows, depth), lambda i: (i, 0)),
                  small, small, small],
        out_specs=pl.BlockSpec((block_rows, depth), lambda i: (i, 0)),
        out_shape=jax.ShapeDtypeStruct((n_rows, depth), jnp.float32),
    )(inputs, t, xm, dn)

# --- scband reference (transcript-rebuilt; emitter-appended) ---
"""Pipeline reference for scband-annealing-top-ksoft-max-56392920597027 (READ-ONLY COPY).

The authoritative reference and input builder live on the scoring server;
editing this copy changes nothing except your own understanding.
"""

import jax, jax.numpy as jnp
import numpy as np

# AnnealingTopKSoftMax at inference (num_calls=0): first boundary pred (0 <= 0 < 1000) fires -> k=64.
K = 64

def setup_inputs(seed: int = 0) -> dict:
    key = jax.random.key(seed)
    inputs = jax.random.normal(key, (128, 32768), dtype=jnp.float32)
    return {"inputs": inputs}

def reference(inputs):
    depth = inputs.shape[1]
    B = inputs.shape[0]
    top_k_values, top_k_indices = jax.lax.top_k(inputs, K)
    # tf.reduce_sum(tf.one_hot(top_k_indices, depth), axis=1) == per-row count matrix;
    # implemented as an equivalent scatter-add (same math, avoids materializing [B,K,depth]).
    rows = jnp.arange(B)[:, None]
    top_k_one_hot = jnp.zeros((B, depth), dtype=jnp.float32).at[rows, top_k_indices].add(1.0)
    sparse_inputs = jnp.where(top_k_one_hot > 0.0, inputs, jnp.full_like(inputs, -1e16))
    sparse_gates = jax.nn.softmax(sparse_inputs, axis=1)
    return sparse_gates

if __name__ == "__main__":
    import jax
    _d = setup_inputs()
    print(jax.jit(kernel)(*tuple(_d.values())))

</pallas_src>

<mosaic_0001>
#map = affine_map<(d0, d1) -> (0, 0)>
module attributes {stable_mosaic.version = 14 : i64} {
  func.func @sc_kernel(%arg0: i32, %arg1: i32, %arg2: memref<128x32768xf32, #tpu.memory_space<hbm>>, %arg3: memref<32x16xi32, #tpu.memory_space<hbm>>, %arg4: memref<32x16xf32, #tpu.memory_space<hbm>>, %arg5: memref<32x16xf32, #tpu.memory_space<hbm>>, %arg6: memref<32768xf32, #tpu.memory_space<vmem>>, %arg7: memref<32768xi32, #tpu.memory_space<vmem>>, %arg8: memref<32800xi32, #tpu.memory_space<vmem>>, %arg9: memref<2048xi32, #tpu.memory_space<vmem>>, %arg10: memref<8224xi32, #tpu.memory_space<vmem>>, %arg11: memref<16xi32, #tpu.memory_space<vmem>>, %arg12: memref<16xf32, #tpu.memory_space<vmem>>, %arg13: memref<16xf32, #tpu.memory_space<vmem>>) attributes {dimension_semantics = [#tpu.dimension_semantics<core_parallel>, #tpu.dimension_semantics<subcore_parallel>], iteration_bounds = array<i64: 2, 16>, scalar_prefetch = 0 : i64, scratch_operands = 8 : i64, tpu.core_type = #tpu.core_type<sc_vector_subcore>, window_params = [{transform_indices = #map}, {transform_indices = #map}, {transform_indices = #map}, {transform_indices = #map}]} {
    %mul3A = arith.constant 2 : i32
    %mul3A_0 = arith.muli %arg1, %mul3A : i32
    %add3A = arith.addi %mul3A_0, %arg0 : i32
    %iota3A = tpu.iota {dimensions = array<i32: 0>} : vector<16xi32>
    %broadcast_in_dim3A = arith.constant 0 : i32
    %broadcast_in_dim3A_1 = vector.broadcast %broadcast_in_dim3A : i32 to vector<16xi32>
    %broadcast_in_dim3A_2 = arith.constant 1 : i32
    %broadcast_in_dim3A_3 = vector.broadcast %broadcast_in_dim3A_2 : i32 to vector<16xi32>
    %broadcast_in_dim3A_4 = arith.constant 0.000000e+00 : f32
    %broadcast_in_dim3A_5 = vector.broadcast %broadcast_in_dim3A_4 : f32 to vector<16xf32>
    %broadcast_in_dim3A_6 = arith.constant 0.000000e+00 : f32
    %broadcast_in_dim3A_7 = vector.broadcast %broadcast_in_dim3A_6 : f32 to vector<16xf32>
    %mul3A_8 = arith.constant 4 : i32
    %mul3A_9 = arith.muli %add3A, %mul3A_8 : i32
    %add3A_10 = arith.constant 0 : i32
    %add3A_11 = arith.addi %mul3A_9, %add3A_10 : i32
    "tpu.region"() ({
      %run_scoped3A = tpu.sem_alloc : memref<!tpu.dma_semaphore, #tpu.memory_space<semaphore_mem>>
      %dma_start3A = arith.constant 0 : i32
      %dma_start3A_775 = tpu.memref_slice %arg2[%add3A_11, %dma_start3A] : memref<128x32768xf32, #tpu.memory_space<hbm>> -> memref<1x32768xf32, #tpu.memory_space<hbm>>
      %dma_start3A_776 = tpu.memref_squeeze %dma_start3A_775 : memref<1x32768xf32, #tpu.memory_space<hbm>> -> memref<32768xf32, #tpu.memory_space<hbm>>
      %dma_start3A_777 = arith.constant 0 : i32
      %dma_start3A_778 = tpu.memref_slice %arg2[%add3A_11, %dma_start3A_777] : memref<128x32768xf32, #tpu.memory_space<hbm>> -> memref<1x32768xf32, #tpu.memory_space<hbm>>
      %dma_start3A_779 = tpu.memref_squeeze %dma_start3A_778 : memref<1x32768xf32, #tpu.memory_space<hbm>> -> memref<32768xf32, #tpu.memory_space<hbm>>
      tpu.enqueue_dma source(%dma_start3A_779 : memref<32768xf32, #tpu.memory_space<hbm>>) target(%arg6 : memref<32768xf32, #tpu.memory_space<vmem>>) target_semaphore(%run_scoped3A : memref<!tpu.dma_semaphore, #tpu.memory_space<semaphore_mem>>)
      %dma_wait3A = arith.constant 0 : i32
      %dma_wait3A_780 = tpu.memref_slice %arg2[%add3A_11, %dma_wait3A] : memref<128x32768xf32, #tpu.memory_space<hbm>> -> memref<1x32768xf32, #tpu.memory_space<hbm>>
      %dma_wait3A_781 = tpu.memref_squeeze %dma_wait3A_780 : memref<1x32768xf32, #tpu.memory_space<hbm>> -> memref<32768xf32, #tpu.memory_space<hbm>>
      %dma_wait3A_782 = arith.constant 0 : i32
      %dma_wait3A_783 = tpu.memref_slice %arg2[%add3A_11, %dma_wait3A_782] : memref<128x32768xf32, #tpu.memory_space<hbm>> -> memref<1x32768xf32, #tpu.memory_space<hbm>>
      %dma_wait3A_784 = tpu.memref_squeeze %dma_wait3A_783 : memref<1x32768xf32, #tpu.memory_space<hbm>> -> memref<32768xf32, #tpu.memory_space<hbm>>
      tpu.wait_dma2 semaphore(%run_scoped3A : memref<!tpu.dma_semaphore, #tpu.memory_space<semaphore_mem>>) src(%dma_wait3A_784 : memref<32768xf32, #tpu.memory_space<hbm>>) dst(%arg6 : memref<32768xf32, #tpu.memory_space<vmem>>)
      tpu.yield
    }) : () -> ()
    %scan3A = arith.constant 0 : i32
    %scan3A_12 = arith.constant 0 : i32
    %scan3A_13 = arith.constant 2048 : i32
    %scan3A_14 = arith.addi %scan3A_12, %scan3A_13 : i32
    %scan3A_15 = arith.constant 8 : i32
    scf.for %scan3A_775 = %scan3A_12 to %scan3A_14 step %scan3A_15  : i32 {
      %mul3A_776 = arith.constant 16 : i32
      %mul3A_777 = arith.muli %scan3A_775, %mul3A_776 : i32
      %swap3A_778 = arith.index_cast %mul3A_777 : i32 to index
      %swap3A_779 = tpu.vector_load %arg8[%swap3A_778] {strides = array<i32>} : memref<32800xi32, #tpu.memory_space<vmem>>, vector<16xi32>,
      tpu.vector_store %arg8[%swap3A_778], %broadcast_in_dim3A_1 {strides = array<i32>} : memref<32800xi32, #tpu.memory_space<vmem>>, vector<16xi32>,
      %scan3A_780 = arith.constant 1 : i32
      %scan3A_781 = arith.addi %scan3A_775, %scan3A_780 : i32
      %mul3A_782 = arith.constant 16 : i32
      %mul3A_783 = arith.muli %scan3A_781, %mul3A_782 : i32
      %swap3A_784 = arith.index_cast %mul3A_783 : i32 to index
      %swap3A_785 = tpu.vector_load %arg8[%swap3A_784] {strides = array<i32>} : memref<32800xi32, #tpu.memory_space<vmem>>, vector<16xi32>,
      tpu.vector_store %arg8[%swap3A_784], %broadcast_in_dim3A_1 {strides = array<i32>} : memref<32800xi32, #tpu.memory_space<vmem>>, vector<16xi32>,
      %scan3A_786 = arith.constant 2 : i32
      %scan3A_787 = arith.addi %scan3A_775, %scan3A_786 : i32
      %mul3A_788 = arith.constant 16 : i32
      %mul3A_789 = arith.muli %scan3A_787, %mul3A_788 : i32
      %swap3A_790 = arith.index_cast %mul3A_789 : i32 to index
      %swap3A_791 = tpu.vector_load %arg8[%swap3A_790] {strides = array<i32>} : memref<32800xi32, #tpu.memory_space<vmem>>, vector<16xi32>,
      tpu.vector_store %arg8[%swap3A_790], %broadcast_in_dim3A_1 {strides = array<i32>} : memref<32800xi32, #tpu.memory_space<vmem>>, vector<16xi32>,
      %scan3A_792 = arith.constant 3 : i32
      %scan3A_793 = arith.addi %scan3A_775, %scan3A_792 : i32
      %mul3A_794 = arith.constant 16 : i32
      %mul3A_795 = arith.muli %scan3A_793, %mul3A_794 : i32
      %swap3A_796 = arith.index_cast %mul3A_795 : i32 to index
      %swap3A_797 = tpu.vector_load %arg8[%swap3A_796] {strides = array<i32>} : memref<32800xi32, #tpu.memory_space<vmem>>, vector<16xi32>,
      tpu.vector_store %arg8[%swap3A_796], %broadcast_in_dim3A_1 {strides = array<i32>} : memref<32800xi32, #tpu.memory_space<vmem>>, vector<16xi32>,
      %scan3A_798 = arith.constant 4 : i32
      %scan3A_799 = arith.addi %scan3A_775, %scan3A_798 : i32
      %mul3A_800 = arith.constant 16 : i32
      %mul3A_801 = arith.muli %scan3A_799, %mul3A_800 : i32
      %swap3A_802 = arith.index_cast %mul3A_801 : i32 to index
      %swap3A_803 = tpu.vector_load %arg8[%swap3A_802] {strides = array<i32>} : memref<32800xi32, #tpu.memory_space<vmem>>, vector<16xi32>,
      tpu.vector_store %arg8[%swap3A_802], %broadcast_in_dim3A_1 {strides = array<i32>} : memref<32800xi32, #tpu.memory_space<vmem>>, vector<16xi32>,
      %scan3A_804 = arith.constant 5 : i32
      %scan3A_805 = arith.addi %scan3A_775, %scan3A_804 : i32
      %mul3A_806 = arith.constant 16 : i32
      %mul3A_807 = arith.muli %scan3A_805, %mul3A_806 : i32
      %swap3A_808 = arith.index_cast %mul3A_807 : i32 to index
      %swap3A_809 = tpu.vector_load %arg8[%swap3A_808] {strides = array<i32>} : memref<32800xi32, #tpu.memory_space<vmem>>, vector<16xi32>,
      tpu.vector_store %arg8[%swap3A_808], %broadcast_in_dim3A_1 {strides = array<i32>} : memref<32800xi32, #tpu.memory_space<vmem>>, vector<16xi32>,
      %scan3A_810 = arith.constant 6 : i32
      %scan3A_811 = arith.addi %scan3A_775, %scan3A_810 : i32
      %mul3A_812 = arith.constant 16 : i32
      %mul3A_813 = arith.muli %scan3A_811, %mul3A_812 : i32
      %swap3A_814 = arith.index_cast %mul3A_813 : i32 to index
      %swap3A_815 = tpu.vector_load %arg8[%swap3A_814] {strides = array<i32>} : memref<32800xi32, #tpu.memory_space<vmem>>, vector<16xi32>,
      tpu.vector_store %arg8[%swap3A_814], %broadcast_in_dim3A_1 {strides = array<i32>} : memref<32800xi32, #tpu.memory_space<vmem>>, vector<16xi32>,
      %scan3A_816 = arith.constant 7 : i32
      %scan3A_817 = arith.addi %scan3A_775, %scan3A_816 : i32
      %mul3A_818 = arith.constant 16 : i32
      %mul3A_819 = arith.muli %scan3A_817, %mul3A_818 : i32
      %swap3A_820 = arith.index_cast %mul3A_819 : i32 to index
      %swap3A_821 = tpu.vector_load %arg8[%swap3A_820] {strides = array<i32>} : memref<32800xi32, #tpu.memory_space<vmem>>, vector<16xi32>,
      tpu.vector_store %arg8[%swap3A_820], %broadcast_in_dim3A_1 {strides = array<i32>} : memref<32800xi32, #tpu.memory_space<vmem>>, vector<16xi32>,
    }
    %scan3A_16 = arith.constant 2048 : i32
    %scan3A_17 = arith.addi %scan3A_12, %scan3A_16 : i32
    %mul3A_18 = arith.constant 16 : i32
    %mul3A_19 = arith.muli %scan3A_17, %mul3A_18 : i32
    %swap3A = arith.index_cast %mul3A_19 : i32 to index
    %swap3A_20 = tpu.vector_load %arg8[%swap3A] {strides = array<i32>} : memref<32800xi32, #tpu.memory_space<vmem>>, vector<16xi32>,
    tpu.vector_store %arg8[%swap3A], %broadcast_in_dim3A_1 {strides = array<i32>} : memref<32800xi32, #tpu.memory_space<vmem>>, vector<16xi32>,
    %scan3A_21 = arith.constant 2049 : i32
    %scan3A_22 = arith.addi %scan3A_12, %scan3A_21 : i32
    %mul3A_23 = arith.constant 16 : i32
    %mul3A_24 = arith.muli %scan3A_22, %mul3A_23 : i32
    %swap3A_25 = arith.index_cast %mul3A_24 : i32 to index
    %swap3A_26 = tpu.vector_load %arg8[%swap3A_25] {strides = array<i32>} : memref<32800xi32, #tpu.memory_space<vmem>>, vector<16xi32>,
    tpu.vector_store %arg8[%swap3A_25], %broadcast_in_dim3A_1 {strides = array<i32>} : memref<32800xi32, #tpu.memory_space<vmem>>, vector<16xi32>,
    %scan3A_27 = arith.constant 2050 : i32
    %mul3A_28 = arith.constant 2049 : i32
    %mul3A_29 = vector.broadcast %mul3A_28 : i32 to vector<16xi32>
    %mul3A_30 = arith.muli %iota3A, %mul3A_29 : vector<16xi32>
    %scan3A_31 = arith.constant 0 : i32
    %scan3A_32 = arith.constant -2147483648 : i32
    %scan3A_33 = arith.constant 0 : i32
    %scan3A_34 = arith.constant 2048 : i32
    %scan3A_35 = arith.addi %scan3A_33, %scan3A_34 : i32
    %scan3A_36 = arith.constant 8 : i32
    scf.for %scan3A_775 = %scan3A_33 to %scan3A_35 step %scan3A_36  : i32 {
      %mul3A_776 = arith.constant 16 : i32
      %mul3A_777 = arith.muli %scan3A_775, %mul3A_776 : i32
      %get3A_778 = arith.index_cast %mul3A_777 : i32 to index
      %get3A_779 = tpu.vector_load %arg6[%get3A_778] {strides = array<i32>} : memref<32768xf32, #tpu.memory_space<vmem>>, vector<16xf32>,
      %bitcast_convert_type3A_780 = tpu.bitcast %get3A_779 : vector<16xf32> -> vector<16xi32>
      %shift_right_arithmetic3A = arith.constant 31 : i32
      %shift_right_arithmetic3A_781 = vector.broadcast %shift_right_arithmetic3A : i32 to vector<16xi32>
      %shift_right_arithmetic3A_782 = arith.shrsi %bitcast_convert_type3A_780, %shift_right_arithmetic3A_781 : vector<16xi32>
      %or3A = vector.broadcast %scan3A_32 : i32 to vector<16xi32>
      %or3A_783 = arith.ori %shift_right_arithmetic3A_782, %or3A : vector<16xi32>
      %xor3A_784 = arith.xori %bitcast_convert_type3A_780, %or3A_783 : vector<16xi32>
      %mul3A_785 = arith.constant 16 : i32
      %mul3A_786 = arith.muli %scan3A_775, %mul3A_785 : i32
      %swap3A_787 = arith.index_cast %mul3A_786 : i32 to index
      %swap3A_788 = tpu.vector_load %arg7[%swap3A_787] {strides = array<i32>} : memref<32768xi32, #tpu.memory_space<vmem>>, vector<16xi32>,
      tpu.vector_store %arg7[%swap3A_787], %xor3A_784 {strides = array<i32>} : memref<32768xi32, #tpu.memory_space<vmem>>, vector<16xi32>,
      %shift_right_logical3A = arith.constant 21 : i32
      %shift_right_logical3A_789 = vector.broadcast %shift_right_logical3A : i32 to vector<16xi32>
      %shift_right_logical3A_790 = arith.shrui %xor3A_784, %shift_right_logical3A_789 : vector<16xi32>
      %add3A_791 = arith.addi %mul3A_30, %shift_right_logical3A_790 : vector<16xi32>
      tpu.vector_store_idx %arg8[%add3A_791], %broadcast_in_dim3A_3 {add = true} : memref<32800xi32, #tpu.memory_space<vmem>>[vector<16xi32>], vector<16xi32>,
      %scan3A_792 = arith.constant 1 : i32
      %scan3A_793 = arith.addi %scan3A_775, %scan3A_792 : i32
      %mul3A_794 = arith.constant 16 : i32
      %mul3A_795 = arith.muli %scan3A_793, %mul3A_794 : i32
      %get3A_796 = arith.index_cast %mul3A_795 : i32 to index
      %get3A_797 = tpu.vector_load %arg6[%get3A_796] {strides = array<i32>} : memref<32768xf32, #tpu.memory_space<vmem>>, vector<16xf32>,
      %bitcast_convert_type3A_798 = tpu.bitcast %get3A_797 : vector<16xf32> -> vector<16xi32>
      %shift_right_arithmetic3A_799 = arith.constant 31 : i32
      %shift_right_arithmetic3A_800 = vector.broadcast %shift_right_arithmetic3A_799 : i32 to vector<16xi32>
      %shift_right_arithmetic3A_801 = arith.shrsi %bitcast_convert_type3A_798, %shift_right_arithmetic3A_800 : vector<16xi32>
      %or3A_802 = vector.broadcast %scan3A_32 : i32 to vector<16xi32>
      %or3A_803 = arith.ori %shift_right_arithmetic3A_801, %or3A_802 : vector<16xi32>
      %xor3A_804 = arith.xori %bitcast_convert_type3A_798, %or3A_803 : vector<16xi32>
      %mul3A_805 = arith.constant 16 : i32
      %mul3A_806 = arith.muli %scan3A_793, %mul3A_805 : i32
      %swap3A_807 = arith.index_cast %mul3A_806 : i32 to index
      %swap3A_808 = tpu.vector_load %arg7[%swap3A_807] {strides = array<i32>} : memref<32768xi32, #tpu.memory_space<vmem>>, vector<16xi32>,
      tpu.vector_store %arg7[%swap3A_807], %xor3A_804 {strides = array<i32>} : memref<32768xi32, #tpu.memory_space<vmem>>, vector<16xi32>,
      %shift_right_logical3A_809 = arith.constant 21 : i32
      %shift_right_logical3A_810 = vector.broadcast %shift_right_logical3A_809 : i32 to vector<16xi32>
      %shift_right_logical3A_811 = arith.shrui %xor3A_804, %shift_right_logical3A_810 : vector<16xi32>
      %add3A_812 = arith.addi %mul3A_30, %shift_right_logical3A_811 : vector<16xi32>
      tpu.vector_store_idx %arg8[%add3A_812], %broadcast_in_dim3A_3 {add = true} : memref<32800xi32, #tpu.memory_space<vmem>>[vector<16xi32>], vector<16xi32>,
      %scan3A_813 = arith.constant 2 : i32
      %scan3A_814 = arith.addi %scan3A_775, %scan3A_813 : i32
      %mul3A_815 = arith.constant 16 : i32
      %mul3A_816 = arith.muli %scan3A_814, %mul3A_815 : i32
      %get3A_817 = arith.index_cast %mul3A_816 : i32 to index
      %get3A_818 = tpu.vector_load %arg6[%get3A_817] {strides = array<i32>} : memref<32768xf32, #tpu.memory_space<vmem>>, vector<16xf32>,
      %bitcast_convert_type3A_819 = tpu.bitcast %get3A_818 : vector<16xf32> -> vector<16xi32>
      %shift_right_arithmetic3A_820 = arith.constant 31 : i32
      %shift_right_arithmetic3A_821 = vector.broadcast %shift_right_arithmetic3A_820 : i32 to vector<16xi32>
      %shift_right_arithmetic3A_822 = arith.shrsi %bitcast_convert_type3A_819, %shift_right_arithmetic3A_821 : vector<16xi32>
      %or3A_823 = vector.broadcast %scan3A_32 : i32 to vector<16xi32>
      %or3A_824 = arith.ori %shift_right_arithmetic3A_822, %or3A_823 : vector<16xi32>
      %xor3A_825 = arith.xori %bitcast_convert_type3A_819, %or3A_824 : vector<16xi32>
      %mul3A_826 = arith.constant 16 : i32
      %mul3A_827 = arith.muli %scan3A_814, %mul3A_826 : i32
      %swap3A_828 = arith.index_cast %mul3A_827 : i32 to index
      %swap3A_829 = tpu.vector_load %arg7[%swap3A_828] {strides = array<i32>} : memref<32768xi32, #tpu.memory_space<vmem>>, vector<16xi32>,
      tpu.vector_store %arg7[%swap3A_828], %xor3A_825 {strides = array<i32>} : memref<32768xi32, #tpu.memory_space<vmem>>, vector<16xi32>,
      %shift_right_logical3A_830 = arith.constant 21 : i32
      %shift_right_logical3A_831 = vector.broadcast %shift_right_logical3A_830 : i32 to vector<16xi32>
      %shift_right_logical3A_832 = arith.shrui %xor3A_825, %shift_right_logical3A_831 : vector<16xi32>
      %add3A_833 = arith.addi %mul3A_30, %shift_right_logical3A_832 : vector<16xi32>
      tpu.vector_store_idx %arg8[%add3A_833], %broadcast_in_dim3A_3 {add = true} : memref<32800xi32, #tpu.memory_space<vmem>>[vector<16xi32>], vector<16xi32>,
      %scan3A_834 = arith.constant 3 : i32
      %scan3A_835 = arith.addi %scan3A_775, %scan3A_834 : i32
      %mul3A_836 = arith.constant 16 : i32
      %mul3A_837 = arith.muli %scan3A_835, %mul3A_836 : i32
      %get3A_838 = arith.index_cast %mul3A_837 : i32 to index
      %get3A_839 = tpu.vector_load %arg6[%get3A_838] {strides = array<i32>} : memref<32768xf32, #tpu.memory_space<vmem>>, vector<16xf32>,
      %bitcast_convert_type3A_840 = tpu.bitcast %get3A_839 : vector<16xf32> -> vector<16xi32>
      %shift_right_arithmetic3A_841 = arith.constant 31 : i32
      %shift_right_arithmetic3A_842 = vector.broadcast %shift_right_arithmetic3A_841 : i32 to vector<16xi32>
      %shift_right_arithmetic3A_843 = arith.shrsi %bitcast_convert_type3A_840, %shift_right_arithmetic3A_842 : vector<16xi32>
      %or3A_844 = vector.broadcast %scan3A_32 : i32 to vector<16xi32>
      %or3A_845 = arith.ori %shift_right_arithmetic3A_843, %or3A_844 : vector<16xi32>
      %xor3A_846 = arith.xori %bitcast_convert_type3A_840, %or3A_845 : vector<16xi32>
      %mul3A_847 = arith.constant 16 : i32
      %mul3A_848 = arith.muli %scan3A_835, %mul3A_847 : i32
      %swap3A_849 = arith.index_cast %mul3A_848 : i32 to index
      %swap3A_850 = tpu.vector_load %arg7[%swap3A_849] {strides = array<i32>} : memref<32768xi32, #tpu.memory_space<vmem>>, vector<16xi32>,
      tpu.vector_store %arg7[%swap3A_849], %xor3A_846 {strides = array<i32>} : memref<32768xi32, #tpu.memory_space<vmem>>, vector<16xi32>,
      %shift_right_logical3A_851 = arith.constant 21 : i32
      %shift_right_logical3A_852 = vector.broadcast %shift_right_logical3A_851 : i32 to vector<16xi32>
      %shift_right_logical3A_853 = arith.shrui %xor3A_846, %shift_right_logical3A_852 : vector<16xi32>
      %add3A_854 = arith.addi %mul3A_30, %shift_right_logical3A_853 : vector<16xi32>
      tpu.vector_store_idx %arg8[%add3A_854], %broadcast_in_dim3A_3 {add = true} : memref<32800xi32, #tpu.memory_space<vmem>>[vector<16xi32>], vector<16xi32>,
      %scan3A_855 = arith.constant 4 : i32
      %scan3A_856 = arith.addi %scan3A_775, %scan3A_855 : i32
      %mul3A_857 = arith.constant 16 : i32
      %mul3A_858 = arith.muli %scan3A_856, %mul3A_857 : i32
      %get3A_859 = arith.index_cast %mul3A_858 : i32 to index
      %get3A_860 = tpu.vector_load %arg6[%get3A_859] {strides = array<i32>} : memref<32768xf32, #tpu.memory_space<vmem>>, vector<16xf32>,
      %bitcast_convert_type3A_861 = tpu.bitcast %get3A_860 : vector<16xf32> -> vector<16xi32>
      %shift_right_arithmetic3A_862 = arith.constant 31 : i32
      %shift_right_arithmetic3A_863 = vector.broadcast %shift_right_arithmetic3A_862 : i32 to vector<16xi32>
      %shift_right_arithmetic3A_864 = arith.shrsi %bitcast_convert_type3A_861, %shift_right_arithmetic3A_863 : vector<16xi32>
      %or3A_865 = vector.broadcast %scan3A_32 : i32 to vector<16xi32>
      %or3A_866 = arith.ori %shift_right_arithmetic3A_864, %or3A_865 : vector<16xi32>
      %xor3A_867 = arith.xori %bitcast_convert_type3A_861, %or3A_866 : vector<16xi32>
      %mul3A_868 = arith.constant 16 : i32
      %mul3A_869 = arith.muli %scan3A_856, %mul3A_868 : i32
      %swap3A_870 = arith.index_cast %mul3A_869 : i32 to index
      %swap3A_871 = tpu.vector_load %arg7[%swap3A_870] {strides = array<i32>} : memref<32768xi32, #tpu.memory_space<vmem>>, vector<16xi32>,
      tpu.vector_store %arg7[%swap3A_870], %xor3A_867 {strides = array<i32>} : memref<32768xi32, #tpu.memory_space<vmem>>, vector<16xi32>,
      %shift_right_logical3A_872 = arith.constant 21 : i32
      %shift_right_logical3A_873 = vector.broadcast %shift_right_logical3A_872 : i32 to vector<16xi32>
      %shift_right_logical3A_874 = arith.shrui %xor3A_867, %shift_right_logical3A_873 : vector<16xi32>
      %add3A_875 = arith.addi %mul3A_30, %shift_right_logical3A_874 : vector<16xi32>
      tpu.vector_store_idx %arg8[%add3A_875], %broadcast_in_dim3A_3 {add = true} : memref<32800xi32, #tpu.memory_space<vmem>>[vector<16xi32>], vector<16xi32>,
      %scan3A_876 = arith.constant 5 : i32
      %scan3A_877 = arith.addi %scan3A_775, %scan3A_876 : i32
      %mul3A_878 = arith.constant 16 : i32
      %mul3A_879 = arith.muli %scan3A_877, %mul3A_878 : i32
      %get3A_880 = arith.index_cast %mul3A_879 : i32 to index
      %get3A_881 = tpu.vector_load %arg6[%get3A_880] {strides = array<i32>} : memref<32768xf32, #tpu.memory_space<vmem>>, vector<16xf32>,
      %bitcast_convert_type3A_882 = tpu.bitcast %get3A_881 : vector<16xf32> -> vector<16xi32>
      %shift_right_arithmetic3A_883 = arith.constant 31 : i32
      %shift_right_arithmetic3A_884 = vector.broadcast %shift_right_arithmetic3A_883 : i32 to vector<16xi32>
      %shift_right_arithmetic3A_885 = arith.shrsi %bitcast_convert_type3A_882, %shift_right_arithmetic3A_884 : vector<16xi32>
      %or3A_886 = vector.broadcast %scan3A_32 : i32 to vector<16xi32>
      %or3A_887 = arith.ori %shift_right_arithmetic3A_885, %or3A_886 : vector<16xi32>
      %xor3A_888 = arith.xori %bitcast_convert_type3A_882, %or3A_887 : vector<16xi32>
      %mul3A_889 = arith.constant 16 : i32
      %mul3A_890 = arith.muli %scan3A_877, %mul3A_889 : i32
      %swap3A_891 = arith.index_cast %mul3A_890 : i32 to index
      %swap3A_892 = tpu.vector_load %arg7[%swap3A_891] {strides = array<i32>} : memref<32768xi32, #tpu.memory_space<vmem>>, vector<16xi32>,
      tpu.vector_store %arg7[%swap3A_891], %xor3A_888 {strides = array<i32>} : memref<32768xi32, #tpu.memory_space<vmem>>, vector<16xi32>,
      %shift_right_logical3A_893 = arith.constant 21 : i32
      %shift_right_logical3A_894 = vector.broadcast %shift_right_logical3A_893 : i32 to vector<16xi32>
      %shift_right_logical3A_895 = arith.shrui %xor3A_888, %shift_right_logical3A_894 : vector<16xi32>
      %add3A_896 = arith.addi %mul3A_30, %shift_right_logical3A_895 : vector<16xi32>
      tpu.vector_store_idx %arg8[%add3A_896], %broadcast_in_dim3A_3 {add = true} : memref<32800xi32, #tpu.memory_space<vmem>>[vector<16xi32>], vector<16xi32>,
      %scan3A_897 = arith.constant 6 : i32
      %scan3A_898 = arith.addi %scan3A_775, %scan3A_897 : i32
      %mul3A_899 = arith.constant 16 : i32
      %mul3A_900 = arith.muli %scan3A_898, %mul3A_899 : i32
      %get3A_901 = arith.index_cast %mul3A_900 : i32 to index
      %get3A_902 = tpu.vector_load %arg6[%get3A_901] {strides = array<i32>} : memref<32768xf32, #tpu.memory_space<vmem>>, vector<16xf32>,
      %bitcast_convert_type3A_903 = tpu.bitcast %get3A_902 : vector<16xf32> -> vector<16xi32>
      %shift_right_arithmetic3A_904 = arith.constant 31 : i32
      %shift_right_arithmetic3A_905 = vector.broadcast %shift_right_arithmetic3A_904 : i32 to vector<16xi32>
      %shift_right_arithmetic3A_906 = arith.shrsi %bitcast_convert_type3A_903, %shift_right_arithmetic3A_905 : vector<16xi32>
      %or3A_907 = vector.broadcast %scan3A_32 : i32 to vector<16xi32>
      %or3A_908 = arith.ori %shift_right_arithmetic3A_906, %or3A_907 : vector<16xi32>
      %xor3A_909 = arith.xori %bitcast_convert_type3A_903, %or3A_908 : vector<16xi32>
      %mul3A_910 = arith.constant 16 : i32
      %mul3A_911 = arith.muli %scan3A_898, %mul3A_910 : i32
      %swap3A_912 = arith.index_cast %mul3A_911 : i32 to index
      %swap3A_913 = tpu.vector_load %arg7[%swap3A_912] {strides = array<i32>} : memref<32768xi32, #tpu.memory_space<vmem>>, vector<16xi32>,
      tpu.vector_store %arg7[%swap3A_912], %xor3A_909 {strides = array<i32>} : memref<32768xi32, #tpu.memory_space<vmem>>, vector<16xi32>,
      %shift_right_logical3A_914 = arith.constant 21 : i32
      %shift_right_logical3A_915 = vector.broadcast %shift_right_logical3A_914 : i32 to vector<16xi32>
      %shift_right_logical3A_916 = arith.shrui %xor3A_909, %shift_right_logical3A_915 : vector<16xi32>
      %add3A_917 = arith.addi %mul3A_30, %shift_right_logical3A_916 : vector<16xi32>
      tpu.vector_store_idx %arg8[%add3A_917], %broadcast_in_dim3A_3 {add = true} : memref<32800xi32, #tpu.memory_space<vmem>>[vector<16xi32>], vector<16xi32>,
      %scan3A_918 = arith.constant 7 : i32
      %scan3A_919 = arith.addi %scan3A_775, %scan3A_918 : i32
      %mul3A_920 = arith.constant 16 : i32
      %mul3A_921 = arith.muli %scan3A_919, %mul3A_920 : i32
      %get3A_922 = arith.index_cast %mul3A_921 : i32 to index
      %get3A_923 = tpu.vector_load %arg6[%get3A_922] {strides = array<i32>} : memref<32768xf32, #tpu.memory_space<vmem>>, vector<16xf32>,
      %bitcast_convert_type3A_924 = tpu.bitcast %get3A_923 : vector<16xf32> -> vector<16xi32>
      %shift_right_arithmetic3A_925 = arith.constant 31 : i32
      %shift_right_arithmetic3A_926 = vector.broadcast %shift_right_arithmetic3A_925 : i32 to vector<16xi32>
      %shift_right_arithmetic3A_927 = arith.shrsi %bitcast_convert_type3A_924, %shift_right_arithmetic3A_926 : vector<16xi32>
      %or3A_928 = vector.broadcast %scan3A_32 : i32 to vector<16xi32>
      %or3A_929 = arith.ori %shift_right_arithmetic3A_927, %or3A_928 : vector<16xi32>
      %xor3A_930 = arith.xori %bitcast_convert_type3A_924, %or3A_929 : vector<16xi32>
      %mul3A_931 = arith.constant 16 : i32
      %mul3A_932 = arith.muli %scan3A_919, %mul3A_931 : i32
      %swap3A_933 = arith.index_cast %mul3A_932 : i32 to index
      %swap3A_934 = tpu.vector_load %arg7[%swap3A_933] {strides = array<i32>} : memref<32768xi32, #tpu.memory_space<vmem>>, vector<16xi32>,
      tpu.vector_store %arg7[%swap3A_933], %xor3A_930 {strides = array<i32>} : memref<32768xi32, #tpu.memory_space<vmem>>, vector<16xi32>,
      %shift_right_logical3A_935 = arith.constant 21 : i32
      %shift_right_logical3A_936 = vector.broadcast %shift_right_logical3A_935 : i32 to vector<16xi32>
      %shift_right_logical3A_937 = arith.shrui %xor3A_930, %shift_right_logical3A_936 : vector<16xi32>
      %add3A_938 = arith.addi %mul3A_30, %shift_right_logical3A_937 : vector<16xi32>
      tpu.vector_store_idx %arg8[%add3A_938], %broadcast_in_dim3A_3 {add = true} : memref<32800xi32, #tpu.memory_space<vmem>>[vector<16xi32>], vector<16xi32>,
    }
    %scan3A_37 = arith.constant 2048 : i32
    %scan3A_38 = arith.constant 0 : i32
    %scan3A_39 = arith.constant 0 : i32
    %scan3A_40 = arith.constant 128 : i32
    %scan3A_41 = arith.addi %scan3A_39, %scan3A_40 : i32
    %scan3A_42 = arith.constant 2 : i32
    scf.for %scan3A_775 = %scan3A_39 to %scan3A_41 step %scan3A_42  : i32 {
      %mul3A_776 = arith.constant 16 : i32
      %mul3A_777 = arith.muli %scan3A_775, %mul3A_776 : i32
      %get3A_778 = arith.index_cast %mul3A_777 : i32 to index
      %get3A_779 = tpu.vector_load %arg8[%get3A_778] {strides = array<i32>} : memref<32800xi32, #tpu.memory_space<vmem>>, vector<16xi32>,
      %mul3A_780 = arith.constant 16 : i32
      %mul3A_781 = arith.muli %scan3A_775, %mul3A_780 : i32
      %add3A_782 = arith.constant 2049 : i32
      %add3A_783 = arith.addi %add3A_782, %mul3A_781 : i32
      %get3A_784 = arith.index_cast %add3A_783 : i32 to index
      %get3A_785 = tpu.vector_load %arg8[%get3A_784] {strides = array<i32>} : memref<32800xi32, #tpu.memory_space<vmem>>, vector<16xi32>,
      %add3A_786 = arith.addi %get3A_779, %get3A_785 : vector<16xi32>
      %mul3A_787 = arith.constant 16 : i32
      %mul3A_788 = arith.muli %scan3A_775, %mul3A_787 : i32
      %add3A_789 = arith.constant 4098 : i32
      %add3A_790 = arith.addi %add3A_789, %mul3A_788 : i32
      %get3A_791 = arith.index_cast %add3A_790 : i32 to index
      %get3A_792 = tpu.vector_load %arg8[%get3A_791] {strides = array<i32>} : memref<32800xi32, #tpu.memory_space<vmem>>, vector<16xi32>,
      %add3A_793 = arith.addi %add3A_786, %get3A_792 : vector<16xi32>
      %mul3A_794 = arith.constant 16 : i32
      %mul3A_795 = arith.muli %scan3A_775, %mul3A_794 : i32
      %add3A_796 = arith.constant 6147 : i32
      %add3A_797 = arith.addi %add3A_796, %mul3A_795 : i32
      %get3A_798 = arith.index_cast %add3A_797 : i32 to index
      %get3A_799 = tpu.vector_load %arg8[%get3A_798] {strides = array<i32>} : memref<32800xi32, #tpu.memory_space<vmem>>, vector<16xi32>,
      %add3A_800 = arith.addi %add3A_793, %get3A_799 : vector<16xi32>
      %mul3A_801 = arith.constant 16 : i32
      %mul3A_802 = arith.muli %scan3A_775, %mul3A_801 : i32
      %add3A_803 = arith.constant 8196 : i32
      %add3A_804 = arith.addi %add3A_803, %mul3A_802 : i32
      %get3A_805 = arith.index_cast %add3A_804 : i32 to index
      %get3A_806 = tpu.vector_load %arg8[%get3A_805] {strides = array<i32>} : memref<32800xi32, #tpu.memory_space<vmem>>, vector<16xi32>,
      %add3A_807 = arith.addi %add3A_800, %get3A_806 : vector<16xi32>
      %mul3A_808 = arith.constant 16 : i32
      %mul3A_809 = arith.muli %scan3A_775, %mul3A_808 : i32
      %add3A_810 = arith.constant 10245 : i32
      %add3A_811 = arith.addi %add3A_810, %mul3A_809 : i32
      %get3A_812 = arith.index_cast %add3A_811 : i32 to index
      %get3A_813 = tpu.vector_load %arg8[%get3A_812] {strides = array<i32>} : memref<32800xi32, #tpu.memory_space<vmem>>, vector<16xi32>,
      %add3A_814 = arith.addi %add3A_807, %get3A_813 : vector<16xi32>
      %mul3A_815 = arith.constant 16 : i32
      %mul3A_816 = arith.muli %scan3A_775, %mul3A_815 : i32
      %add3A_817 = arith.constant 12294 : i32
      %add3A_818 = arith.addi %add3A_817, %mul3A_816 : i32
      %get3A_819 = arith.index_cast %add3A_818 : i32 to index
      %get3A_820 = tpu.vector_load %arg8[%get3A_819] {strides = array<i32>} : memref<32800xi32, #tpu.memory_space<vmem>>, vector<16xi32>,
      %add3A_821 = arith.addi %add3A_814, %get3A_820 : vector<16xi32>
      %mul3A_822 = arith.constant 16 : i32
      %mul3A_823 = arith.muli %scan3A_775, %mul3A_822 : i32
      %add3A_824 = arith.constant 14343 : i32
      %add3A_825 = arith.addi %add3A_824, %mul3A_823 : i32
      %get3A_826 = arith.index_cast %add3A_825 : i32 to index
      %get3A_827 = tpu.vector_load %arg8[%get3A_826] {strides = array<i32>} : memref<32800xi32, #tpu.memory_space<vmem>>, vector<16xi32>,
      %add3A_828 = arith.addi %add3A_821, %get3A_827 : vector<16xi32>
      %mul3A_829 = arith.constant 16 : i32
      %mul3A_830 = arith.muli %scan3A_775, %mul3A_829 : i32
      %add3A_831 = arith.constant 16392 : i32
      %add3A_832 = arith.addi %add3A_831, %mul3A_830 : i32
      %get3A_833 = arith.index_cast %add3A_832 : i32 to index
      %get3A_834 = tpu.vector_load %arg8[%get3A_833] {strides = array<i32>} : memref<32800xi32, #tpu.memory_space<vmem>>, vector<16xi32>,
      %add3A_835 = arith.addi %add3A_828, %get3A_834 : vector<16xi32>
      %mul3A_836 = arith.constant 16 : i32
      %mul3A_837 = arith.muli %scan3A_775, %mul3A_836 : i32
      %add3A_838 = arith.constant 18441 : i32
      %add3A_839 = arith.addi %add3A_838, %mul3A_837 : i32
      %get3A_840 = arith.index_cast %add3A_839 : i32 to index
      %get3A_841 = tpu.vector_load %arg8[%get3A_840] {strides = array<i32>} : memref<32800xi32, #tpu.memory_space<vmem>>, vector<16xi32>,
      %add3A_842 = arith.addi %add3A_835, %get3A_841 : vector<16xi32>
      %mul3A_843 = arith.constant 16 : i32
      %mul3A_844 = arith.muli %scan3A_775, %mul3A_843 : i32
      %add3A_845 = arith.constant 20490 : i32
      %add3A_846 = arith.addi %add3A_845, %mul3A_844 : i32
      %get3A_847 = arith.index_cast %add3A_846 : i32 to index
      %get3A_848 = tpu.vector_load %arg8[%get3A_847] {strides = array<i32>} : memref<32800xi32, #tpu.memory_space<vmem>>, vector<16xi32>,
      %add3A_849 = arith.addi %add3A_842, %get3A_848 : vector<16xi32>
      %mul3A_850 = arith.constant 16 : i32
      %mul3A_851 = arith.muli %scan3A_775, %mul3A_850 : i32
      %add3A_852 = arith.constant 22539 : i32
      %add3A_853 = arith.addi %add3A_852, %mul3A_851 : i32
      %get3A_854 = arith.index_cast %add3A_853 : i32 to index
      %get3A_855 = tpu.vector_load %arg8[%get3A_854] {strides = array<i32>} : memref<32800xi32, #tpu.memory_space<vmem>>, vector<16xi32>,
      %add3A_856 = arith.addi %add3A_849, %get3A_855 : vector<16xi32>
      %mul3A_857 = arith.constant 16 : i32
      %mul3A_858 = arith.muli %scan3A_775, %mul3A_857 : i32
      %add3A_859 = arith.constant 24588 : i32
      %add3A_860 = arith.addi %add3A_859, %mul3A_858 : i32
      %get3A_861 = arith.index_cast %add3A_860 : i32 to index
      %get3A_862 = tpu.vector_load %arg8[%get3A_861] {strides = array<i32>} : memref<32800xi32, #tpu.memory_space<vmem>>, vector<16xi32>,
      %add3A_863 = arith.addi %add3A_856, %get3A_862 : vector<16xi32>
      %mul3A_864 = arith.constant 16 : i32
      %mul3A_865 = arith.muli %scan3A_775, %mul3A_864 : i32
      %add3A_866 = arith.constant 26637 : i32
      %add3A_867 = arith.addi %add3A_866, %mul3A_865 : i32
      %get3A_868 = arith.index_cast %add3A_867 : i32 to index
      %get3A_869 = tpu.vector_load %arg8[%get3A_868] {strides = array<i32>} : memref<32800xi32, #tpu.memory_space<vmem>>, vector<16xi32>,
      %add3A_870 = arith.addi %add3A_863, %get3A_869 : vector<16xi32>
      %mul3A_871 = arith.constant 16 : i32
      %mul3A_872 = arith.muli %scan3A_775, %mul3A_871 : i32
      %add3A_873 = arith.constant 28686 : i32
      %add3A_874 = arith.addi %add3A_873, %mul3A_872 : i32
      %get3A_875 = arith.index_cast %add3A_874 : i32 to index
      %get3A_876 = tpu.vector_load %arg8[%get3A_875] {strides = array<i32>} : memref<32800xi32, #tpu.memory_space<vmem>>, vector<16xi32>,
      %add3A_877 = arith.addi %add3A_870, %get3A_876 : vector<16xi32>
      %mul3A_878 = arith.constant 16 : i32
      %mul3A_879 = arith.muli %scan3A_775, %mul3A_878 : i32
      %add3A_880 = arith.constant 30735 : i32
      %add3A_881 = arith.addi %add3A_880, %mul3A_879 : i32
      %get3A_882 = arith.index_cast %add3A_881 : i32 to index
      %get3A_883 = tpu.vector_load %arg8[%get3A_882] {strides = array<i32>} : memref<32800xi32, #tpu.memory_space<vmem>>, vector<16xi32>,
      %add3A_884 = arith.addi %add3A_877, %get3A_883 : vector<16xi32>
      %mul3A_885 = arith.constant 16 : i32
      %mul3A_886 = arith.muli %scan3A_775, %mul3A_885 : i32
      %swap3A_887 = arith.index_cast %mul3A_886 : i32 to index
      %swap3A_888 = tpu.vector_load %arg9[%swap3A_887] {strides = array<i32>} : memref<2048xi32, #tpu.memory_space<vmem>>, vector<16xi32>,
      tpu.vector_store %arg9[%swap3A_887], %add3A_884 {strides = array<i32>} : memref<2048xi32, #tpu.memory_space<vmem>>, vector<16xi32>,
      %scan3A_889 = arith.constant 1 : i32
      %scan3A_890 = arith.addi %scan3A_775, %scan3A_889 : i32
      %mul3A_891 = arith.constant 16 : i32
      %mul3A_892 = arith.muli %scan3A_890, %mul3A_891 : i32
      %get3A_893 = arith.index_cast %mul3A_892 : i32 to index
      %get3A_894 = tpu.vector_load %arg8[%get3A_893] {strides = array<i32>} : memref<32800xi32, #tpu.memory_space<vmem>>, vector<16xi32>,
      %mul3A_895 = arith.constant 16 : i32
      %mul3A_896 = arith.muli %scan3A_890, %mul3A_895 : i32
      %add3A_897 = arith.constant 2049 : i32
      %add3A_898 = arith.addi %add3A_897, %mul3A_896 : i32
      %get3A_899 = arith.index_cast %add3A_898 : i32 to index
      %get3A_900 = tpu.vector_load %arg8[%get3A_899] {strides = array<i32>} : memref<32800xi32, #tpu.memory_space<vmem>>, vector<16xi32>,
      %add3A_901 = arith.addi %get3A_894, %get3A_900 : vector<16xi32>
      %mul3A_902 = arith.constant 16 : i32
      %mul3A_903 = arith.muli %scan3A_890, %mul3A_902 : i32
      %add3A_904 = arith.constant 4098 : i32
      %add3A_905 = arith.addi %add3A_904, %mul3A_903 : i32
      %get3A_906 = arith.index_cast %add3A_905 : i32 to index
      %get3A_907 = tpu.vector_load %arg8[%get3A_906] {strides = array<i32>} : memref<32800xi32, #tpu.memory_space<vmem>>, vector<16xi32>,
      %add3A_908 = arith.addi %add3A_901, %get3A_907 : vector<16xi32>
      %mul3A_909 = arith.constant 16 : i32
      %mul3A_910 = arith.muli %scan3A_890, %mul3A_909 : i32
      %add3A_911 = arith.constant 6147 : i32
      %add3A_912 = arith.addi %add3A_911, %mul3A_910 : i32
      %get3A_913 = arith.index_cast %add3A_912 : i32 to index
      %get3A_914 = tpu.vector_load %arg8[%get3A_913] {strides = array<i32>} : memref<32800xi32, #tpu.memory_space<vmem>>, vector<16xi32>,
      %add3A_915 = arith.addi %add3A_908, %get3A_914 : vector<16xi32>
      %mul3A_916 = arith.constant 16 : i32
      %mul3A_917 = arith.muli %scan3A_890, %mul3A_916 : i32
      %add3A_918 = arith.constant 8196 : i32
      %add3A_919 = arith.addi %add3A_918, %mul3A_917 : i32
      %get3A_920 = arith.index_cast %add3A_919 : i32 to index
      %get3A_921 = tpu.vector_load %arg8[%get3A_920] {strides = array<i32>} : memref<32800xi32, #tpu.memory_space<vmem>>, vector<16xi32>,
      %add3A_922 = arith.addi %add3A_915, %get3A_921 : vector<16xi32>
      %mul3A_923 = arith.constant 16 : i32
      %mul3A_924 = arith.muli %scan3A_890, %mul3A_923 : i32
      %add3A_925 = arith.constant 10245 : i32
      %add3A_926 = arith.addi %add3A_925, %mul3A_924 : i32
      %get3A_927 = arith.index_cast %add3A_926 : i32 to index
      %get3A_928 = tpu.vector_load %arg8[%get3A_927] {strides = array<i32>} : memref<32800xi32, #tpu.memory_space<vmem>>, vector<16xi32>,
      %add3A_929 = arith.addi %add3A_922, %get3A_928 : vector<16xi32>
      %mul3A_930 = arith.constant 16 : i32
      %mul3A_931 = arith.muli %scan3A_890, %mul3A_930 : i32
      %add3A_932 = arith.constant 12294 : i32
      %add3A_933 = arith.addi %add3A_932, %mul3A_931 : i32
      %get3A_934 = arith.index_cast %add3A_933 : i32 to index
      %get3A_935 = tpu.vector_load %arg8[%get3A_934] {strides = array<i32>} : memref<32800xi32, #tpu.memory_space<vmem>>, vector<16xi32>,
      %add3A_936 = arith.addi %add3A_929, %get3A_935 : vector<16xi32>
      %mul3A_937 = arith.constant 16 : i32
      %mul3A_938 = arith.muli %scan3A_890, %mul3A_937 : i32
      %add3A_939 = arith.constant 14343 : i32
      %add3A_940 = arith.addi %add3A_939, %mul3A_938 : i32
      %get3A_941 = arith.index_cast %add3A_940 : i32 to index
      %get3A_942 = tpu.vector_load %arg8[%get3A_941] {strides = array<i32>} : memref<32800xi32, #tpu.memory_space<vmem>>, vector<16xi32>,
      %add3A_943 = arith.addi %add3A_936, %get3A_942 : vector<16xi32>
      %mul3A_944 = arith.constant 16 : i32
      %mul3A_945 = arith.muli %scan3A_890, %mul3A_944 : i32
      %add3A_946 = arith.constant 16392 : i32
      %add3A_947 = arith.addi %add3A_946, %mul3A_945 : i32
      %get3A_948 = arith.index_cast %add3A_947 : i32 to index
      %get3A_949 = tpu.vector_load %arg8[%get3A_948] {strides = array<i32>} : memref<32800xi32, #tpu.memory_space<vmem>>, vector<16xi32>,
      %add3A_950 = arith.addi %add3A_943, %get3A_949 : vector<16xi32>
      %mul3A_951 = arith.constant 16 : i32
      %mul3A_952 = arith.muli %scan3A_890, %mul3A_951 : i32
      %add3A_953 = arith.constant 18441 : i32
      %add3A_954 = arith.addi %add3A_953, %mul3A_952 : i32
      %get3A_955 = arith.index_cast %add3A_954 : i32 to index
      %get3A_956 = tpu.vector_load %arg8[%get3A_955] {strides = array<i32>} : memref<32800xi32, #tpu.memory_space<vmem>>, vector<16xi32>,
      %add3A_957 = arith.addi %add3A_950, %get3A_956 : vector<16xi32>
      %mul3A_958 = arith.constant 16 : i32
      %mul3A_959 = arith.muli %scan3A_890, %mul3A_958 : i32
      %add3A_960 = arith.constant 20490 : i32
      %add3A_961 = arith.addi %add3A_960, %mul3A_959 : i32
      %get3A_962 = arith.index_cast %add3A_961 : i32 to index
      %get3A_963 = tpu.vector_load %arg8[%get3A_962] {strides = array<i32>} : memref<32800xi32, #tpu.memory_space<vmem>>, vector<16xi32>,
      %add3A_964 = arith.addi %add3A_957, %get3A_963 : vector<16xi32>
      %mul3A_965 = arith.constant 16 : i32
      %mul3A_966 = arith.muli %scan3A_890, %mul3A_965 : i32
      %add3A_967 = arith.constant 22539 : i32
      %add3A_968 = arith.addi %add3A_967, %mul3A_966 : i32
      %get3A_969 = arith.index_cast %add3A_968 : i32 to index
      %get3A_970 = tpu.vector_load %arg8[%get3A_969] {strides = array<i32>} : memref<32800xi32, #tpu.memory_space<vmem>>, vector<16xi32>,
      %add3A_971 = arith.addi %add3A_964, %get3A_970 : vector<16xi32>
      %mul3A_972 = arith.constant 16 : i32
      %mul3A_973 = arith.muli %scan3A_890, %mul3A_972 : i32
      %add3A_974 = arith.constant 24588 : i32
      %add3A_975 = arith.addi %add3A_974, %mul3A_973 : i32
      %get3A_976 = arith.index_cast %add3A_975 : i32 to index
      %get3A_977 = tpu.vector_load %arg8[%get3A_976] {strides = array<i32>} : memref<32800xi32, #tpu.memory_space<vmem>>, vector<16xi32>,
      %add3A_978 = arith.addi %add3A_971, %get3A_977 : vector<16xi32>
      %mul3A_979 = arith.constant 16 : i32
      %mul3A_980 = arith.muli %scan3A_890, %mul3A_979 : i32
      %add3A_981 = arith.constant 26637 : i32
      %add3A_982 = arith.addi %add3A_981, %mul3A_980 : i32
      %get3A_983 = arith.index_cast %add3A_982 : i32 to index
      %get3A_984 = tpu.vector_load %arg8[%get3A_983] {strides = array<i32>} : memref<32800xi32, #tpu.memory_space<vmem>>, vector<16xi32>,
      %add3A_985 = arith.addi %add3A_978, %get3A_984 : vector<16xi32>
      %mul3A_986 = arith.constant 16 : i32
      %mul3A_987 = arith.muli %scan3A_890, %mul3A_986 : i32
      %add3A_988 = arith.constant 28686 : i32
      %add3A_989 = arith.addi %add3A_988, %mul3A_987 : i32
      %get3A_990 = arith.index_cast %add3A_989 : i32 to index
      %get3A_991 = tpu.vector_load %arg8[%get3A_990] {strides = array<i32>} : memref<32800xi32, #tpu.memory_space<vmem>>, vector<16xi32>,
      %add3A_992 = arith.addi %add3A_985, %get3A_991 : vector<16xi32>
      %mul3A_993 = arith.constant 16 : i32
      %mul3A_994 = arith.muli %scan3A_890, %mul3A_993 : i32
      %add3A_995 = arith.constant 30735 : i32
      %add3A_996 = arith.addi %add3A_995, %mul3A_994 : i32
      %get3A_997 = arith.index_cast %add3A_996 : i32 to index
      %get3A_998 = tpu.vector_load %arg8[%get3A_997] {strides = array<i32>} : memref<32800xi32, #tpu.memory_space<vmem>>, vector<16xi32>,
      %add3A_999 = arith.addi %add3A_992, %get3A_998 : vector<16xi32>
      %mul3A_1000 = arith.constant 16 : i32
      %mul3A_1001 = arith.muli %scan3A_890, %mul3A_1000 : i32
      %swap3A_1002 = arith.index_cast %mul3A_1001 : i32 to index
      %swap3A_1003 = tpu.vector_load %arg9[%swap3A_1002] {strides = array<i32>} : memref<2048xi32, #tpu.memory_space<vmem>>, vector<16xi32>,
      tpu.vector_store %arg9[%swap3A_1002], %add3A_999 {strides = array<i32>} : memref<2048xi32, #tpu.memory_space<vmem>>, vector<16xi32>,
    }
    %scan3A_43 = arith.constant 128 : i32
    %scan3A_44 = arith.constant 0 : i32
    %scan3A_45 = arith.constant 0 : i32
    %scan3A_46 = arith.constant 0 : i32
    %scan3A_47 = arith.constant 0 : i32
    %scan3A_48 = arith.constant 128 : i32
    %scan3A_49 = arith.addi %scan3A_47, %scan3A_48 : i32
    %scan3A_50 = arith.constant 1 : i32
    %scan3A_51:3 = scf.for %scan3A_775 = %scan3A_47 to %scan3A_49 step %scan3A_50 iter_args(%scan3A_776 = %scan3A_44, %scan3A_777 = %scan3A_45, %scan3A_778 = %scan3A_46) -> (i32, i32, i32)  : i32 {
      %sub3A_779 = arith.constant 127 : i32
      %sub3A_780 = arith.subi %sub3A_779, %scan3A_775 : i32
      %mul3A_781 = arith.constant 16 : i32
      %mul3A_782 = arith.muli %sub3A_780, %mul3A_781 : i32
      %get3A_783 = arith.index_cast %mul3A_782 : i32 to index
      %get3A_784 = tpu.vector_load %arg9[%get3A_783] {strides = array<i32>} : memref<2048xi32, #tpu.memory_space<vmem>>, vector<16xi32>,
      %reduce_sum3A_785 = arith.constant true
      %reduce_sum3A_786 = vector.broadcast %reduce_sum3A_785 : i1 to vector<16xi1>
      %reduce_sum3A_787 = tpu.scan <sum>, %get3A_784 masked %reduce_sum3A_786 : vector<16xi32>, vector<16xi1> -> vector<16xi32>
      %reduce_sum3A_788 = vector.extract %reduce_sum3A_787[15] : i32 from vector<16xi32>
      %lt3A_789 = arith.constant 64 : i32
      %lt3A_790 = arith.cmpi slt, %scan3A_776, %lt3A_789 : i32
      %add3A_791 = arith.addi %scan3A_776, %reduce_sum3A_788 : i32
      %ge3A_792 = arith.constant 64 : i32
      %ge3A_793 = arith.cmpi sge, %add3A_791, %ge3A_792 : i32
      %and3A_794 = arith.andi %lt3A_790, %ge3A_793 : i1
      %select_n3A_795 = arith.select %and3A_794, %sub3A_780, %scan3A_777 : i32
      %select_n3A_796 = arith.select %and3A_794, %scan3A_776, %scan3A_778 : i32
      %add3A_797 = arith.addi %scan3A_776, %reduce_sum3A_788 : i32
      scf.yield %add3A_797, %select_n3A_795, %select_n3A_796 : i32, i32, i32
    }
    %scan3A_52 = arith.constant 128 : i32
    %mul3A_53 = arith.constant 16 : i32
    %mul3A_54 = arith.muli %scan3A_51#1, %mul3A_53 : i32
    %get3A = arith.index_cast %mul3A_54 : i32 to index
    %get3A_55 = tpu.vector_load %arg9[%get3A] {strides = array<i32>} : memref<2048xi32, #tpu.memory_space<vmem>>, vector<16xi32>,
    %rev3A = arith.constant 15 : i32
    %rev3A_56 = vector.broadcast %rev3A : i32 to vector<16xi32>
    %rev3A_57 = tpu.iota {dimensions = array<i32: 0>} : vector<16xi32>
    %rev3A_58 = arith.subi %rev3A_56, %rev3A_57 : vector<16xi32>
    %rev3A_59 = tpu.dynamic_gather %get3A_55[%rev3A_58] in [0] : vector<16xi32>, vector<16xi32> -> vector<16xi32>
    %broadcast_in_dim3A_60 = arith.constant true
    %broadcast_in_dim3A_61 = vector.broadcast %broadcast_in_dim3A_60 : i1 to vector<16xi1>
    %masked_cumsum3A = tpu.scan <sum>, %rev3A_59 masked %broadcast_in_dim3A_61 : vector<16xi32>, vector<16xi1> -> vector<16xi32>
    %add3A_62 = vector.broadcast %scan3A_51#2 : i32 to vector<16xi32>
    %add3A_63 = arith.addi %masked_cumsum3A, %add3A_62 : vector<16xi32>
    %ge3A = arith.constant 64 : i32
    %ge3A_64 = vector.broadcast %ge3A : i32 to vector<16xi32>
    %ge3A_65 = arith.cmpi sge, %add3A_63, %ge3A_64 : vector<16xi32>
    %all_reduce_ffs3A = tpu.all_reduce %ge3A_65 {dim = 0 : i64, kind = #tpu.reduction_kind<find_first_set>} : vector<16xi1> -> vector<16xi32>
    %slice3A = vector.extract_strided_slice %all_reduce_ffs3A {offsets = [0], sizes = [1], strides = [1]} : vector<16xi32> to vector<1xi32>
    %squeeze3A = vector.extract %slice3A[0] : i32 from vector<1xi32>
    %sub3A = arith.constant 15 : i32
    %sub3A_66 = arith.subi %sub3A, %squeeze3A : i32
    %lt3A = vector.broadcast %squeeze3A : i32 to vector<16xi32>
    %lt3A_67 = arith.cmpi slt, %iota3A, %lt3A : vector<16xi32>
    %jit3A = arith.constant 0 : i32
    %broadcast_in_dim3A_68 = vector.broadcast %jit3A : i32 to vector<16xi32>
    %select_n3A = arith.select %lt3A_67, %rev3A_59, %broadcast_in_dim3A_68 : vector<16xi1>, vector<16xi32>
    %reduce_sum3A = arith.constant true
    %reduce_sum3A_69 = vector.broadcast %reduce_sum3A : i1 to vector<16xi1>
    %reduce_sum3A_70 = tpu.scan <sum>, %select_n3A masked %reduce_sum3A_69 : vector<16xi32>, vector<16xi1> -> vector<16xi32>
    %reduce_sum3A_71 = vector.extract %reduce_sum3A_70[15] : i32 from vector<16xi32>
    %add3A_72 = arith.addi %scan3A_51#2, %reduce_sum3A_71 : i32
    %mul3A_73 = arith.constant 16 : i32
    %mul3A_74 = arith.muli %scan3A_51#1, %mul3A_73 : i32
    %add3A_75 = arith.addi %mul3A_74, %sub3A_66 : i32
    %shift_left3A = arith.constant 21 : i32
    %shift_left3A_76 = arith.shli %add3A_75, %shift_left3A : i32
    %xor3A = arith.constant -2147483648 : i32
    %xor3A_77 = arith.xori %shift_left3A_76, %xor3A : i32
    %scan3A_78 = arith.constant -2147483648 : i32
    %scan3A_79 = arith.constant 0 : i32
    %scan3A_80 = arith.constant 0 : i32
    %scan3A_81 = arith.constant 2048 : i32
    %scan3A_82 = arith.addi %scan3A_80, %scan3A_81 : i32
    %scan3A_83 = arith.constant 8 : i32
    %scan3A_84 = scf.for %scan3A_775 = %scan3A_80 to %scan3A_82 step %scan3A_83 iter_args(%scan3A_776 = %scan3A_79) -> (i32)  : i32 {
      %mul3A_777 = arith.constant 16 : i32
      %mul3A_778 = arith.muli %scan3A_775, %mul3A_777 : i32
      %get3A_779 = arith.index_cast %mul3A_778 : i32 to index
      %get3A_780 = tpu.vector_load %arg7[%get3A_779] {strides = array<i32>} : memref<32768xi32, #tpu.memory_space<vmem>>, vector<16xi32>,
      %xor3A_781 = vector.broadcast %scan3A_78 : i32 to vector<16xi32>
      %xor3A_782 = arith.xori %get3A_780, %xor3A_781 : vector<16xi32>
      %ge3A_783 = vector.broadcast %xor3A_77 : i32 to vector<16xi32>
      %ge3A_784 = arith.cmpi sge, %xor3A_782, %ge3A_783 : vector<16xi32>
      %lt3A_785 = arith.constant 8176 : i32
      %lt3A_786 = arith.cmpi slt, %scan3A_776, %lt3A_785 : i32
      %and3A_787 = vector.broadcast %lt3A_786 : i1 to vector<16xi1>
      %and3A_788 = arith.andi %ge3A_784, %and3A_787 : vector<16xi1>
      %swap3A_789 = arith.index_cast %scan3A_776 : i32 to index
      %swap3A_790 = tpu.vector_load %arg10[%swap3A_789] masked %and3A_788 {strides = array<i32>} : memref<8224xi32, #tpu.memory_space<vmem>>, vector<16xi32>, vector<16xi1>
      tpu.vector_store %arg10[%swap3A_789], %get3A_780 masked %and3A_788 {strides = array<i32>} : memref<8224xi32, #tpu.memory_space<vmem>>, vector<16xi32>, vector<16xi1>
      %all_reduce_population_count3A = tpu.all_reduce %and3A_788 {dim = 0 : i64, kind = #tpu.reduction_kind<sum>} : vector<16xi1> -> vector<16xi32>
      %slice3A_791 = vector.extract_strided_slice %all_reduce_population_count3A {offsets = [0], sizes = [1], strides = [1]} : vector<16xi32> to vector<1xi32>
      %squeeze3A_792 = vector.extract %slice3A_791[0] : i32 from vector<1xi32>
      %add3A_793 = arith.addi %scan3A_776, %squeeze3A_792 : i32
      %scan3A_794 = arith.constant 1 : i32
      %scan3A_795 = arith.addi %scan3A_775, %scan3A_794 : i32
      %mul3A_796 = arith.constant 16 : i32
      %mul3A_797 = arith.muli %scan3A_795, %mul3A_796 : i32
      %get3A_798 = arith.index_cast %mul3A_797 : i32 to index
      %get3A_799 = tpu.vector_load %arg7[%get3A_798] {strides = array<i32>} : memref<32768xi32, #tpu.memory_space<vmem>>, vector<16xi32>,
      %xor3A_800 = vector.broadcast %scan3A_78 : i32 to vector<16xi32>
      %xor3A_801 = arith.xori %get3A_799, %xor3A_800 : vector<16xi32>
      %ge3A_802 = vector.broadcast %xor3A_77 : i32 to vector<16xi32>
      %ge3A_803 = arith.cmpi sge, %xor3A_801, %ge3A_802 : vector<16xi32>
      %lt3A_804 = arith.constant 8176 : i32
      %lt3A_805 = arith.cmpi slt, %add3A_793, %lt3A_804 : i32
      %and3A_806 = vector.broadcast %lt3A_805 : i1 to vector<16xi1>
      %and3A_807 = arith.andi %ge3A_803, %and3A_806 : vector<16xi1>
      %swap3A_808 = arith.index_cast %add3A_793 : i32 to index
      %swap3A_809 = tpu.vector_load %arg10[%swap3A_808] masked %and3A_807 {strides = array<i32>} : memref<8224xi32, #tpu.memory_space<vmem>>, vector<16xi32>, vector<16xi1>
      tpu.vector_store %arg10[%swap3A_808], %get3A_799 masked %and3A_807 {strides = array<i32>} : memref<8224xi32, #tpu.memory_space<vmem>>, vector<16xi32>, vector<16xi1>
      %all_reduce_population_count3A_810 = tpu.all_reduce %and3A_807 {dim = 0 : i64, kind = #tpu.reduction_kind<sum>} : vector<16xi1> -> vector<16xi32>
      %slice3A_811 = vector.extract_strided_slice %all_reduce_population_count3A_810 {offsets = [0], sizes = [1], strides = [1]} : vector<16xi32> to vector<1xi32>
      %squeeze3A_812 = vector.extract %slice3A_811[0] : i32 from vector<1xi32>
      %add3A_813 = arith.addi %add3A_793, %squeeze3A_812 : i32
      %scan3A_814 = arith.constant 2 : i32
      %scan3A_815 = arith.addi %scan3A_775, %scan3A_814 : i32
      %mul3A_816 = arith.constant 16 : i32
      %mul3A_817 = arith.muli %scan3A_815, %mul3A_816 : i32
      %get3A_818 = arith.index_cast %mul3A_817 : i32 to index
      %get3A_819 = tpu.vector_load %arg7[%get3A_818] {strides = array<i32>} : memref<32768xi32, #tpu.memory_space<vmem>>, vector<16xi32>,
      %xor3A_820 = vector.broadcast %scan3A_78 : i32 to vector<16xi32>
      %xor3A_821 = arith.xori %get3A_819, %xor3A_820 : vector<16xi32>
      %ge3A_822 = vector.broadcast %xor3A_77 : i32 to vector<16xi32>
      %ge3A_823 = arith.cmpi sge, %xor3A_821, %ge3A_822 : vector<16xi32>
      %lt3A_824 = arith.constant 8176 : i32
      %lt3A_825 = arith.cmpi slt, %add3A_813, %lt3A_824 : i32
      %and3A_826 = vector.broadcast %lt3A_825 : i1 to vector<16xi1>
      %and3A_827 = arith.andi %ge3A_823, %and3A_826 : vector<16xi1>
      %swap3A_828 = arith.index_cast %add3A_813 : i32 to index
      %swap3A_829 = tpu.vector_load %arg10[%swap3A_828] masked %and3A_827 {strides = array<i32>} : memref<8224xi32, #tpu.memory_space<vmem>>, vector<16xi32>, vector<16xi1>
      tpu.vector_store %arg10[%swap3A_828], %get3A_819 masked %and3A_827 {strides = array<i32>} : memref<8224xi32, #tpu.memory_space<vmem>>, vector<16xi32>, vector<16xi1>
      %all_reduce_population_count3A_830 = tpu.all_reduce %and3A_827 {dim = 0 : i64, kind = #tpu.reduction_kind<sum>} : vector<16xi1> -> vector<16xi32>
      %slice3A_831 = vector.extract_strided_slice %all_reduce_population_count3A_830 {offsets = [0], sizes = [1], strides = [1]} : vector<16xi32> to vector<1xi32>
      %squeeze3A_832 = vector.extract %slice3A_831[0] : i32 from vector<1xi32>
      %add3A_833 = arith.addi %add3A_813, %squeeze3A_832 : i32
      %scan3A_834 = arith.constant 3 : i32
      %scan3A_835 = arith.addi %scan3A_775, %scan3A_834 : i32
      %mul3A_836 = arith.constant 16 : i32
      %mul3A_837 = arith.muli %scan3A_835, %mul3A_836 : i32
      %get3A_838 = arith.index_cast %mul3A_837 : i32 to index
      %get3A_839 = tpu.vector_load %arg7[%get3A_838] {strides = array<i32>} : memref<32768xi32, #tpu.memory_space<vmem>>, vector<16xi32>,
      %xor3A_840 = vector.broadcast %scan3A_78 : i32 to vector<16xi32>
      %xor3A_841 = arith.xori %get3A_839, %xor3A_840 : vector<16xi32>
      %ge3A_842 = vector.broadcast %xor3A_77 : i32 to vector<16xi32>
      %ge3A_843 = arith.cmpi sge, %xor3A_841, %ge3A_842 : vector<16xi32>
      %lt3A_844 = arith.constant 8176 : i32
      %lt3A_845 = arith.cmpi slt, %add3A_833, %lt3A_844 : i32
      %and3A_846 = vector.broadcast %lt3A_845 : i1 to vector<16xi1>
      %and3A_847 = arith.andi %ge3A_843, %and3A_846 : vector<16xi1>
      %swap3A_848 = arith.index_cast %add3A_833 : i32 to index
      %swap3A_849 = tpu.vector_load %arg10[%swap3A_848] masked %and3A_847 {strides = array<i32>} : memref<8224xi32, #tpu.memory_space<vmem>>, vector<16xi32>, vector<16xi1>
      tpu.vector_store %arg10[%swap3A_848], %get3A_839 masked %and3A_847 {strides = array<i32>} : memref<8224xi32, #tpu.memory_space<vmem>>, vector<16xi32>, vector<16xi1>
      %all_reduce_population_count3A_850 = tpu.all_reduce %and3A_847 {dim = 0 : i64, kind = #tpu.reduction_kind<sum>} : vector<16xi1> -> vector<16xi32>
      %slice3A_851 = vector.extract_strided_slice %all_reduce_population_count3A_850 {offsets = [0], sizes = [1], strides = [1]} : vector<16xi32> to vector<1xi32>
      %squeeze3A_852 = vector.extract %slice3A_851[0] : i32 from vector<1xi32>
      %add3A_853 = arith.addi %add3A_833, %squeeze3A_852 : i32
      %scan3A_854 = arith.constant 4 : i32
      %scan3A_855 = arith.addi %scan3A_775, %scan3A_854 : i32
      %mul3A_856 = arith.constant 16 : i32
      %mul3A_857 = arith.muli %scan3A_855, %mul3A_856 : i32
      %get3A_858 = arith.index_cast %mul3A_857 : i32 to index
      %get3A_859 = tpu.vector_load %arg7[%get3A_858] {strides = array<i32>} : memref<32768xi32, #tpu.memory_space<vmem>>, vector<16xi32>,
      %xor3A_860 = vector.broadcast %scan3A_78 : i32 to vector<16xi32>
      %xor3A_861 = arith.xori %get3A_859, %xor3A_860 : vector<16xi32>
      %ge3A_862 = vector.broadcast %xor3A_77 : i32 to vector<16xi32>
      %ge3A_863 = arith.cmpi sge, %xor3A_861, %ge3A_862 : vector<16xi32>
      %lt3A_864 = arith.constant 8176 : i32
      %lt3A_865 = arith.cmpi slt, %add3A_853, %lt3A_864 : i32
      %and3A_866 = vector.broadcast %lt3A_865 : i1 to vector<16xi1>
      %and3A_867 = arith.andi %ge3A_863, %and3A_866 : vector<16xi1>
      %swap3A_868 = arith.index_cast %add3A_853 : i32 to index
      %swap3A_869 = tpu.vector_load %arg10[%swap3A_868] masked %and3A_867 {strides = array<i32>} : memref<8224xi32, #tpu.memory_space<vmem>>, vector<16xi32>, vector<16xi1>
      tpu.vector_store %arg10[%swap3A_868], %get3A_859 masked %and3A_867 {strides = array<i32>} : memref<8224xi32, #tpu.memory_space<vmem>>, vector<16xi32>, vector<16xi1>
      %all_reduce_population_count3A_870 = tpu.all_reduce %and3A_867 {dim = 0 : i64, kind = #tpu.reduction_kind<sum>} : vector<16xi1> -> vector<16xi32>
      %slice3A_871 = vector.extract_strided_slice %all_reduce_population_count3A_870 {offsets = [0], sizes = [1], strides = [1]} : vector<16xi32> to vector<1xi32>
      %squeeze3A_872 = vector.extract %slice3A_871[0] : i32 from vector<1xi32>
      %add3A_873 = arith.addi %add3A_853, %squeeze3A_872 : i32
      %scan3A_874 = arith.constant 5 : i32
      %scan3A_875 = arith.addi %scan3A_775, %scan3A_874 : i32
      %mul3A_876 = arith.constant 16 : i32
      %mul3A_877 = arith.muli %scan3A_875, %mul3A_876 : i32
      %get3A_878 = arith.index_cast %mul3A_877 : i32 to index
      %get3A_879 = tpu.vector_load %arg7[%get3A_878] {strides = array<i32>} : memref<32768xi32, #tpu.memory_space<vmem>>, vector<16xi32>,
      %xor3A_880 = vector.broadcast %scan3A_78 : i32 to vector<16xi32>
      %xor3A_881 = arith.xori %get3A_879, %xor3A_880 : vector<16xi32>
      %ge3A_882 = vector.broadcast %xor3A_77 : i32 to vector<16xi32>
      %ge3A_883 = arith.cmpi sge, %xor3A_881, %ge3A_882 : vector<16xi32>
      %lt3A_884 = arith.constant 8176 : i32
      %lt3A_885 = arith.cmpi slt, %add3A_873, %lt3A_884 : i32
      %and3A_886 = vector.broadcast %lt3A_885 : i1 to vector<16xi1>
      %and3A_887 = arith.andi %ge3A_883, %and3A_886 : vector<16xi1>
      %swap3A_888 = arith.index_cast %add3A_873 : i32 to index
      %swap3A_889 = tpu.vector_load %arg10[%swap3A_888] masked %and3A_887 {strides = array<i32>} : memref<8224xi32, #tpu.memory_space<vmem>>, vector<16xi32>, vector<16xi1>
      tpu.vector_store %arg10[%swap3A_888], %get3A_879 masked %and3A_887 {strides = array<i32>} : memref<8224xi32, #tpu.memory_space<vmem>>, vector<16xi32>, vector<16xi1>
      %all_reduce_population_count3A_890 = tpu.all_reduce %and3A_887 {dim = 0 : i64, kind = #tpu.reduction_kind<sum>} : vector<16xi1> -> vector<16xi32>
      %slice3A_891 = vector.extract_strided_slice %all_reduce_population_count3A_890 {offsets = [0], sizes = [1], strides = [1]} : vector<16xi32> to vector<1xi32>
      %squeeze3A_892 = vector.extract %slice3A_891[0] : i32 from vector<1xi32>
      %add3A_893 = arith.addi %add3A_873, %squeeze3A_892 : i32
      %scan3A_894 = arith.constant 6 : i32
      %scan3A_895 = arith.addi %scan3A_775, %scan3A_894 : i32
      %mul3A_896 = arith.constant 16 : i32
      %mul3A_897 = arith.muli %scan3A_895, %mul3A_896 : i32
      %get3A_898 = arith.index_cast %mul3A_897 : i32 to index
      %get3A_899 = tpu.vector_load %arg7[%get3A_898] {strides = array<i32>} : memref<32768xi32, #tpu.memory_space<vmem>>, vector<16xi32>,
      %xor3A_900 = vector.broadcast %scan3A_78 : i32 to vector<16xi32>
      %xor3A_901 = arith.xori %get3A_899, %xor3A_900 : vector<16xi32>
      %ge3A_902 = vector.broadcast %xor3A_77 : i32 to vector<16xi32>
      %ge3A_903 = arith.cmpi sge, %xor3A_901, %ge3A_902 : vector<16xi32>
      %lt3A_904 = arith.constant 8176 : i32
      %lt3A_905 = arith.cmpi slt, %add3A_893, %lt3A_904 : i32
      %and3A_906 = vector.broadcast %lt3A_905 : i1 to vector<16xi1>
      %and3A_907 = arith.andi %ge3A_903, %and3A_906 : vector<16xi1>
      %swap3A_908 = arith.index_cast %add3A_893 : i32 to index
      %swap3A_909 = tpu.vector_load %arg10[%swap3A_908] masked %and3A_907 {strides = array<i32>} : memref<8224xi32, #tpu.memory_space<vmem>>, vector<16xi32>, vector<16xi1>
      tpu.vector_store %arg10[%swap3A_908], %get3A_899 masked %and3A_907 {strides = array<i32>} : memref<8224xi32, #tpu.memory_space<vmem>>, vector<16xi32>, vector<16xi1>
      %all_reduce_population_count3A_910 = tpu.all_reduce %and3A_907 {dim = 0 : i64, kind = #tpu.reduction_kind<sum>} : vector<16xi1> -> vector<16xi32>
      %slice3A_911 = vector.extract_strided_slice %all_reduce_population_count3A_910 {offsets = [0], sizes = [1], strides = [1]} : vector<16xi32> to vector<1xi32>
      %squeeze3A_912 = vector.extract %slice3A_911[0] : i32 from vector<1xi32>
      %add3A_913 = arith.addi %add3A_893, %squeeze3A_912 : i32
      %scan3A_914 = arith.constant 7 : i32
      %scan3A_915 = arith.addi %scan3A_775, %scan3A_914 : i32
      %mul3A_916 = arith.constant 16 : i32
      %mul3A_917 = arith.muli %scan3A_915, %mul3A_916 : i32
      %get3A_918 = arith.index_cast %mul3A_917 : i32 to index
      %get3A_919 = tpu.vector_load %arg7[%get3A_918] {strides = array<i32>} : memref<32768xi32, #tpu.memory_space<vmem>>, vector<16xi32>,
      %xor3A_920 = vector.broadcast %scan3A_78 : i32 to vector<16xi32>
      %xor3A_921 = arith.xori %get3A_919, %xor3A_920 : vector<16xi32>
      %ge3A_922 = vector.broadcast %xor3A_77 : i32 to vector<16xi32>
      %ge3A_923 = arith.cmpi sge, %xor3A_921, %ge3A_922 : vector<16xi32>
      %lt3A_924 = arith.constant 8176 : i32
      %lt3A_925 = arith.cmpi slt, %add3A_913, %lt3A_924 : i32
      %and3A_926 = vector.broadcast %lt3A_925 : i1 to vector<16xi1>
      %and3A_927 = arith.andi %ge3A_923, %and3A_926 : vector<16xi1>
      %swap3A_928 = arith.index_cast %add3A_913 : i32 to index
      %swap3A_929 = tpu.vector_load %arg10[%swap3A_928] masked %and3A_927 {strides = array<i32>} : memref<8224xi32, #tpu.memory_space<vmem>>, vector<16xi32>, vector<16xi1>
      tpu.vector_store %arg10[%swap3A_928], %get3A_919 masked %and3A_927 {strides = array<i32>} : memref<8224xi32, #tpu.memory_space<vmem>>, vector<16xi32>, vector<16xi1>
      %all_reduce_population_count3A_930 = tpu.all_reduce %and3A_927 {dim = 0 : i64, kind = #tpu.reduction_kind<sum>} : vector<16xi1> -> vector<16xi32>
      %slice3A_931 = vector.extract_strided_slice %all_reduce_population_count3A_930 {offsets = [0], sizes = [1], strides = [1]} : vector<16xi32> to vector<1xi32>
      %squeeze3A_932 = vector.extract %slice3A_931[0] : i32 from vector<1xi32>
      %add3A_933 = arith.addi %add3A_913, %squeeze3A_932 : i32
      scf.yield %add3A_933 : i32
    }
    %scan3A_85 = arith.constant 2048 : i32
    %add3A_86 = arith.constant 15 : i32
    %add3A_87 = arith.addi %scan3A_84, %add3A_86 : i32
    %jit3A_88 = arith.constant 16 : i32
    %div3A = arith.divsi %add3A_87, %jit3A_88 : i32
    %sign3A = arith.constant 0 : i32
    %sign3A_89 = arith.cmpi sgt, %add3A_87, %sign3A : i32
    %sign3A_90 = arith.extui %sign3A_89 : i1 to i32
    %sign3A_91 = arith.constant 0 : i32
    %sign3A_92 = arith.cmpi slt, %add3A_87, %sign3A_91 : i32
    %sign3A_93 = arith.extui %sign3A_92 : i1 to i32
    %sign3A_94 = arith.subi %sign3A_90, %sign3A_93 : i32
    %sign3A_95 = arith.constant 0 : i32
    %sign3A_96 = arith.cmpi sgt, %jit3A_88, %sign3A_95 : i32
    %sign3A_97 = arith.extui %sign3A_96 : i1 to i32
    %sign3A_98 = arith.constant 0 : i32
    %sign3A_99 = arith.cmpi slt, %jit3A_88, %sign3A_98 : i32
    %sign3A_100 = arith.extui %sign3A_99 : i1 to i32
    %sign3A_101 = arith.subi %sign3A_97, %sign3A_100 : i32
    %ne3A = arith.cmpi ne, %sign3A_94, %sign3A_101 : i32
    %rem3A = arith.remsi %add3A_87, %jit3A_88 : i32
    %ne3A_102 = arith.constant 0 : i32
    %ne3A_103 = arith.cmpi ne, %rem3A, %ne3A_102 : i32
    %and3A = arith.andi %ne3A, %ne3A_103 : i1
    %sub3A_104 = arith.constant 1 : i32
    %sub3A_105 = arith.subi %div3A, %sub3A_104 : i32
    %select_n3A_106 = arith.select %and3A, %sub3A_105, %div3A : i32
    %swap3A_107 = arith.index_cast %scan3A_84 : i32 to index
    %swap3A_108 = tpu.vector_load %arg10[%swap3A_107] {strides = array<i32>} : memref<8224xi32, #tpu.memory_space<vmem>>, vector<16xi32>,
    tpu.vector_store %arg10[%swap3A_107], %broadcast_in_dim3A_1 {strides = array<i32>} : memref<8224xi32, #tpu.memory_space<vmem>>, vector<16xi32>,
    %scan3A_109 = arith.constant -2147483648 : i32
    %scan3A_110 = arith.constant 0 : i32
    %scan3A_111 = arith.constant 0 : i32
    %scan3A_112 = arith.constant 32 : i32
    %scan3A_113 = arith.addi %scan3A_111, %scan3A_112 : i32
    %scan3A_114 = arith.constant 1 : i32
    %scan3A_115 = scf.for %scan3A_775 = %scan3A_111 to %scan3A_113 step %scan3A_114 iter_args(%scan3A_776 = %scan3A_110) -> (i32)  : i32 {
      %sub3A_777 = arith.constant 31 : i32
      %sub3A_778 = arith.subi %sub3A_777, %scan3A_775 : i32
      %shift_left3A_779 = arith.constant 1 : i32
      %shift_left3A_780 = arith.shli %shift_left3A_779, %sub3A_778 : i32
      %or3A = arith.ori %scan3A_776, %shift_left3A_780 : i32
      %xor3A_781 = arith.xori %or3A, %scan3A_109 : i32
      %while3A_782 = arith.constant 0 : i32
      %while3A_783 = arith.subi %select_n3A_106, %while3A_782 : i32
      %while3A_784 = arith.addi %while3A_782, %while3A_783 : i32
      %while3A_785 = arith.constant 1 : i32
      %while3A_786 = arith.divsi %while3A_783, %while3A_785 : i32
      %while3A_787 = arith.muli %while3A_786, %while3A_785 : i32
      %while3A_788 = arith.addi %while3A_782, %while3A_787 : i32
      %while3A_789 = arith.constant 1 : i32
      %while3A_790 = scf.for %while3A_799 = %while3A_782 to %while3A_788 step %while3A_789 iter_args(%while3A_800 = %broadcast_in_dim3A_1) -> (vector<16xi32>)  : i32 {
        %mul3A_801 = arith.constant 16 : i32
        %mul3A_802 = arith.muli %while3A_799, %mul3A_801 : i32
        %get3A_803 = arith.index_cast %mul3A_802 : i32 to index
        %get3A_804 = tpu.vector_load %arg10[%get3A_803] {strides = array<i32>} : memref<8224xi32, #tpu.memory_space<vmem>>, vector<16xi32>,
        %xor3A_805 = vector.broadcast %scan3A_109 : i32 to vector<16xi32>
        %xor3A_806 = arith.xori %get3A_804, %xor3A_805 : vector<16xi32>
        %ge3A_807 = vector.broadcast %xor3A_781 : i32 to vector<16xi32>
        %ge3A_808 = arith.cmpi sge, %xor3A_806, %ge3A_807 : vector<16xi32>
        %all_reduce_population_count3A = tpu.all_reduce %ge3A_808 {dim = 0 : i64, kind = #tpu.reduction_kind<sum>} : vector<16xi1> -> vector<16xi32>
        %add3A_809 = arith.addi %while3A_800, %all_reduce_population_count3A : vector<16xi32>
        scf.yield %add3A_809 : vector<16xi32>
      }
      %while3A_791 = arith.constant 1 : i32
      %while3A_792 = scf.for %while3A_799 = %while3A_788 to %while3A_784 step %while3A_791 iter_args(%while3A_800 = %while3A_790) -> (vector<16xi32>)  : i32 {
        %mul3A_801 = arith.constant 16 : i32
        %mul3A_802 = arith.muli %while3A_799, %mul3A_801 : i32
        %get3A_803 = arith.index_cast %mul3A_802 : i32 to index
        %get3A_804 = tpu.vector_load %arg10[%get3A_803] {strides = array<i32>} : memref<8224xi32, #tpu.memory_space<vmem>>, vector<16xi32>,
        %xor3A_805 = vector.broadcast %scan3A_109 : i32 to vector<16xi32>
        %xor3A_806 = arith.xori %get3A_804, %xor3A_805 : vector<16xi32>
        %ge3A_807 = vector.broadcast %xor3A_781 : i32 to vector<16xi32>
        %ge3A_808 = arith.cmpi sge, %xor3A_806, %ge3A_807 : vector<16xi32>
        %all_reduce_population_count3A = tpu.all_reduce %ge3A_808 {dim = 0 : i64, kind = #tpu.reduction_kind<sum>} : vector<16xi1> -> vector<16xi32>
        %add3A_809 = arith.addi %while3A_800, %all_reduce_population_count3A : vector<16xi32>
        scf.yield %add3A_809 : vector<16xi32>
      }
      %slice3A_793 = vector.extract_strided_slice %while3A_792 {offsets = [0], sizes = [1], strides = [1]} : vector<16xi32> to vector<1xi32>
      %squeeze3A_794 = vector.extract %slice3A_793[0] : i32 from vector<1xi32>
      %ge3A_795 = arith.constant 64 : i32
      %ge3A_796 = arith.cmpi sge, %squeeze3A_794, %ge3A_795 : i32
      %or3A_797 = arith.ori %scan3A_776, %shift_left3A_780 : i32
      %select_n3A_798 = arith.select %ge3A_796, %or3A_797, %scan3A_776 : i32
      scf.yield %select_n3A_798 : i32
    }
    %scan3A_116 = arith.constant 32 : i32
    %xor3A_117 = arith.constant -2147483648 : i32
    %xor3A_118 = arith.xori %scan3A_115, %xor3A_117 : i32
    %broadcast_in_dim3A_119 = arith.constant -3.400000e+38 : f32
    %broadcast_in_dim3A_120 = vector.broadcast %broadcast_in_dim3A_119 : f32 to vector<16xf32>
    %while3A = arith.constant -2147483648 : i32
    %while3A_121 = arith.constant 2147483647 : i32
    %while3A_122 = arith.constant 0 : i32
    %while3A_123 = arith.subi %select_n3A_106, %while3A_122 : i32
    %while3A_124 = arith.addi %while3A_122, %while3A_123 : i32
    %while3A_125 = arith.constant 1 : i32
    %while3A_126 = arith.divsi %while3A_123, %while3A_125 : i32
    %while3A_127 = arith.muli %while3A_126, %while3A_125 : i32
    %while3A_128 = arith.addi %while3A_122, %while3A_127 : i32
    %while3A_129 = arith.constant 1 : i32
    %while3A_130 = scf.for %while3A_775 = %while3A_122 to %while3A_128 step %while3A_129 iter_args(%while3A_776 = %broadcast_in_dim3A_120) -> (vector<16xf32>)  : i32 {
      %mul3A_777 = arith.constant 16 : i32
      %mul3A_778 = arith.muli %while3A_775, %mul3A_777 : i32
      %get3A_779 = arith.index_cast %mul3A_778 : i32 to index
      %get3A_780 = tpu.vector_load %arg10[%get3A_779] {strides = array<i32>} : memref<8224xi32, #tpu.memory_space<vmem>>, vector<16xi32>,
      %eq3A_781 = arith.constant 0 : i32
      %eq3A_782 = vector.broadcast %eq3A_781 : i32 to vector<16xi32>
      %eq3A_783 = arith.cmpi eq, %get3A_780, %eq3A_782 : vector<16xi32>
      %xor3A_784 = vector.broadcast %while3A : i32 to vector<16xi32>
      %xor3A_785 = arith.xori %get3A_780, %xor3A_784 : vector<16xi32>
      %shift_right_arithmetic3A = arith.constant 31 : i32
      %shift_right_arithmetic3A_786 = vector.broadcast %shift_right_arithmetic3A : i32 to vector<16xi32>
      %shift_right_arithmetic3A_787 = arith.shrsi %xor3A_785, %shift_right_arithmetic3A_786 : vector<16xi32>
      %and3A_788 = vector.broadcast %while3A_121 : i32 to vector<16xi32>
      %and3A_789 = arith.andi %shift_right_arithmetic3A_787, %and3A_788 : vector<16xi32>
      %xor3A_790 = arith.xori %xor3A_785, %and3A_789 : vector<16xi32>
      %bitcast_convert_type3A_791 = tpu.bitcast %xor3A_790 : vector<16xi32> -> vector<16xf32>
      %jit3A_792 = arith.constant -3.400000e+38 : f32
      %broadcast_in_dim3A_793 = vector.broadcast %jit3A_792 : f32 to vector<16xf32>
      %select_n3A_794 = arith.select %eq3A_783, %broadcast_in_dim3A_793, %bitcast_convert_type3A_791 : vector<16xi1>, vector<16xf32>
      %max3A = arith.maximumf %while3A_776, %select_n3A_794 : vector<16xf32>
      scf.yield %max3A : vector<16xf32>
    }
    %while3A_131 = arith.constant 1 : i32
    %while3A_132 = scf.for %while3A_775 = %while3A_128 to %while3A_124 step %while3A_131 iter_args(%while3A_776 = %while3A_130) -> (vector<16xf32>)  : i32 {
      %mul3A_777 = arith.constant 16 : i32
      %mul3A_778 = arith.muli %while3A_775, %mul3A_777 : i32
      %get3A_779 = arith.index_cast %mul3A_778 : i32 to index
      %get3A_780 = tpu.vector_load %arg10[%get3A_779] {strides = array<i32>} : memref<8224xi32, #tpu.memory_space<vmem>>, vector<16xi32>,
      %eq3A_781 = arith.constant 0 : i32
      %eq3A_782 = vector.broadcast %eq3A_781 : i32 to vector<16xi32>
      %eq3A_783 = arith.cmpi eq, %get3A_780, %eq3A_782 : vector<16xi32>
      %xor3A_784 = vector.broadcast %while3A : i32 to vector<16xi32>
      %xor3A_785 = arith.xori %get3A_780, %xor3A_784 : vector<16xi32>
      %shift_right_arithmetic3A = arith.constant 31 : i32
      %shift_right_arithmetic3A_786 = vector.broadcast %shift_right_arithmetic3A : i32 to vector<16xi32>
      %shift_right_arithmetic3A_787 = arith.shrsi %xor3A_785, %shift_right_arithmetic3A_786 : vector<16xi32>
      %and3A_788 = vector.broadcast %while3A_121 : i32 to vector<16xi32>
      %and3A_789 = arith.andi %shift_right_arithmetic3A_787, %and3A_788 : vector<16xi32>
      %xor3A_790 = arith.xori %xor3A_785, %and3A_789 : vector<16xi32>
      %bitcast_convert_type3A_791 = tpu.bitcast %xor3A_790 : vector<16xi32> -> vector<16xf32>
      %jit3A_792 = arith.constant -3.400000e+38 : f32
      %broadcast_in_dim3A_793 = vector.broadcast %jit3A_792 : f32 to vector<16xf32>
      %select_n3A_794 = arith.select %eq3A_783, %broadcast_in_dim3A_793, %bitcast_convert_type3A_791 : vector<16xi1>, vector<16xf32>
      %max3A = arith.maximumf %while3A_776, %select_n3A_794 : vector<16xf32>
      scf.yield %max3A : vector<16xf32>
    }
    %reduce_max3A = arith.constant true
    %reduce_max3A_133 = vector.broadcast %reduce_max3A : i1 to vector<16xi1>
    %reduce_max3A_134 = tpu.scan <max>, %while3A_132 masked %reduce_max3A_133 : vector<16xf32>, vector<16xi1> -> vector<16xf32>
    %reduce_max3A_135 = vector.extract %reduce_max3A_134[15] : f32 from vector<16xf32>
    %broadcast_in_dim3A_136 = arith.constant 0.000000e+00 : f32
    %broadcast_in_dim3A_137 = vector.broadcast %broadcast_in_dim3A_136 : f32 to vector<16xf32>
    %while3A_138 = arith.constant -2147483648 : i32
    %while3A_139 = arith.constant 2147483647 : i32
    %while3A_140 = arith.constant 0 : i32
    %while3A_141 = arith.subi %select_n3A_106, %while3A_140 : i32
    %while3A_142 = arith.addi %while3A_140, %while3A_141 : i32
    %while3A_143 = arith.constant 1 : i32
    %while3A_144 = arith.divsi %while3A_141, %while3A_143 : i32
    %while3A_145 = arith.muli %while3A_144, %while3A_143 : i32
    %while3A_146 = arith.addi %while3A_140, %while3A_145 : i32
    %while3A_147 = arith.constant 1 : i32
    %while3A_148:2 = scf.for %while3A_775 = %while3A_140 to %while3A_146 step %while3A_147 iter_args(%while3A_776 = %broadcast_in_dim3A_137, %while3A_777 = %broadcast_in_dim3A_1) -> (vector<16xf32>, vector<16xi32>)  : i32 {
      %mul3A_778 = arith.constant 16 : i32
      %mul3A_779 = arith.muli %while3A_775, %mul3A_778 : i32
      %get3A_780 = arith.index_cast %mul3A_779 : i32 to index
      %get3A_781 = tpu.vector_load %arg10[%get3A_780] {strides = array<i32>} : memref<8224xi32, #tpu.memory_space<vmem>>, vector<16xi32>,
      %xor3A_782 = vector.broadcast %while3A_138 : i32 to vector<16xi32>
      %xor3A_783 = arith.xori %get3A_781, %xor3A_782 : vector<16xi32>
      %ge3A_784 = vector.broadcast %xor3A_118 : i32 to vector<16xi32>
      %ge3A_785 = arith.cmpi sge, %xor3A_783, %ge3A_784 : vector<16xi32>
      %xor3A_786 = vector.broadcast %while3A_138 : i32 to vector<16xi32>
      %xor3A_787 = arith.xori %get3A_781, %xor3A_786 : vector<16xi32>
      %shift_right_arithmetic3A = arith.constant 31 : i32
      %shift_right_arithmetic3A_788 = vector.broadcast %shift_right_arithmetic3A : i32 to vector<16xi32>
      %shift_right_arithmetic3A_789 = arith.shrsi %xor3A_787, %shift_right_arithmetic3A_788 : vector<16xi32>
      %and3A_790 = vector.broadcast %while3A_139 : i32 to vector<16xi32>
      %and3A_791 = arith.andi %shift_right_arithmetic3A_789, %and3A_790 : vector<16xi32>
      %xor3A_792 = arith.xori %xor3A_787, %and3A_791 : vector<16xi32>
      %bitcast_convert_type3A_793 = tpu.bitcast %xor3A_792 : vector<16xi32> -> vector<16xf32>
      %sub3A_794 = vector.broadcast %reduce_max3A_135 : f32 to vector<16xf32>
      %sub3A_795 = arith.subf %bitcast_convert_type3A_793, %sub3A_794 : vector<16xf32>
      %exp3A_796 = math.exp %sub3A_795 : vector<16xf32>
      %jit3A_797 = arith.constant 0.000000e+00 : f32
      %broadcast_in_dim3A_798 = vector.broadcast %jit3A_797 : f32 to vector<16xf32>
      %select_n3A_799 = arith.select %ge3A_785, %exp3A_796, %broadcast_in_dim3A_798 : vector<16xi1>, vector<16xf32>
      %add3A_800 = arith.addf %while3A_776, %select_n3A_799 : vector<16xf32>
      %all_reduce_population_count3A = tpu.all_reduce %ge3A_785 {dim = 0 : i64, kind = #tpu.reduction_kind<sum>} : vector<16xi1> -> vector<16xi32>
      %add3A_801 = arith.addi %while3A_777, %all_reduce_population_count3A : vector<16xi32>
      scf.yield %add3A_800, %add3A_801 : vector<16xf32>, vector<16xi32>
    }
    %while3A_149 = arith.constant 1 : i32
    %while3A_150:2 = scf.for %while3A_775 = %while3A_146 to %while3A_142 step %while3A_149 iter_args(%while3A_776 = %while3A_148#0, %while3A_777 = %while3A_148#1) -> (vector<16xf32>, vector<16xi32>)  : i32 {
      %mul3A_778 = arith.constant 16 : i32
      %mul3A_779 = arith.muli %while3A_775, %mul3A_778 : i32
      %get3A_780 = arith.index_cast %mul3A_779 : i32 to index
      %get3A_781 = tpu.vector_load %arg10[%get3A_780] {strides = array<i32>} : memref<8224xi32, #tpu.memory_space<vmem>>, vector<16xi32>,
      %xor3A_782 = vector.broadcast %while3A_138 : i32 to vector<16xi32>
      %xor3A_783 = arith.xori %get3A_781, %xor3A_782 : vector<16xi32>
      %ge3A_784 = vector.broadcast %xor3A_118 : i32 to vector<16xi32>
      %ge3A_785 = arith.cmpi sge, %xor3A_783, %ge3A_784 : vector<16xi32>
      %xor3A_786 = vector.broadcast %while3A_138 : i32 to vector<16xi32>
      %xor3A_787 = arith.xori %get3A_781, %xor3A_786 : vector<16xi32>
      %shift_right_arithmetic3A = arith.constant 31 : i32
      %shift_right_arithmetic3A_788 = vector.broadcast %shift_right_arithmetic3A : i32 to vector<16xi32>
      %shift_right_arithmetic3A_789 = arith.shrsi %xor3A_787, %shift_right_arithmetic3A_788 : vector<16xi32>
      %and3A_790 = vector.broadcast %while3A_139 : i32 to vector<16xi32>
      %and3A_791 = arith.andi %shift_right_arithmetic3A_789, %and3A_790 : vector<16xi32>
      %xor3A_792 = arith.xori %xor3A_787, %and3A_791 : vector<16xi32>
      %bitcast_convert_type3A_793 = tpu.bitcast %xor3A_792 : vector<16xi32> -> vector<16xf32>
      %sub3A_794 = vector.broadcast %reduce_max3A_135 : f32 to vector<16xf32>
      %sub3A_795 = arith.subf %bitcast_convert_type3A_793, %sub3A_794 : vector<16xf32>
      %exp3A_796 = math.exp %sub3A_795 : vector<16xf32>
      %jit3A_797 = arith.constant 0.000000e+00 : f32
      %broadcast_in_dim3A_798 = vector.broadcast %jit3A_797 : f32 to vector<16xf32>
      %select_n3A_799 = arith.select %ge3A_785, %exp3A_796, %broadcast_in_dim3A_798 : vector<16xi1>, vector<16xf32>
      %add3A_800 = arith.addf %while3A_776, %select_n3A_799 : vector<16xf32>
      %all_reduce_population_count3A = tpu.all_reduce %ge3A_785 {dim = 0 : i64, kind = #tpu.reduction_kind<sum>} : vector<16xi1> -> vector<16xi32>
      %add3A_801 = arith.addi %while3A_777, %all_reduce_population_count3A : vector<16xi32>
      scf.yield %add3A_800, %add3A_801 : vector<16xf32>, vector<16xi32>
    }
    %reduce_sum3A_151 = arith.constant true
    %reduce_sum3A_152 = vector.broadcast %reduce_sum3A_151 : i1 to vector<16xi1>
    %reduce_sum3A_153 = tpu.scan <sum>, %while3A_150#0 masked %reduce_sum3A_152 : vector<16xf32>, vector<16xi1> -> vector<16xf32>
    %reduce_sum3A_154 = vector.extract %reduce_sum3A_153[15] : f32 from vector<16xf32>
    %slice3A_155 = vector.extract_strided_slice %while3A_150#1 {offsets = [0], sizes = [1], strides = [1]} : vector<16xi32> to vector<1xi32>
    %squeeze3A_156 = vector.extract %slice3A_155[0] : i32 from vector<1xi32>
    %lt3A_157 = arith.constant 0 : i32
    %lt3A_158 = arith.cmpi slt, %xor3A_118, %lt3A_157 : i32
    %xor3A_159 = arith.constant 2147483647 : i32
    %xor3A_160 = arith.xori %xor3A_118, %xor3A_159 : i32
    %select_n3A_161 = arith.select %lt3A_158, %xor3A_160, %xor3A_118 : i32
    %bitcast_convert_type3A = arith.bitcast %select_n3A_161 : i32 to f32
    %sub3A_162 = arith.subf %bitcast_convert_type3A, %reduce_max3A_135 : f32
    %broadcast_in_dim3A_163 = vector.broadcast %sub3A_162 : f32 to vector<16xf32>
    %exp3A = math.exp %broadcast_in_dim3A_163 : vector<16xf32>
    %slice3A_164 = vector.extract_strided_slice %exp3A {offsets = [0], sizes = [1], strides = [1]} : vector<16xf32> to vector<1xf32>
    %squeeze3A_165 = vector.extract %slice3A_164[0] : f32 from vector<1xf32>
    %sub3A_166 = arith.constant 64 : i32
    %sub3A_167 = arith.subi %squeeze3A_156, %sub3A_166 : i32
    %convert_element_type3A = arith.sitofp %sub3A_167 : i32 to f32
    %mul3A_168 = arith.mulf %convert_element_type3A, %squeeze3A_165 : f32
    %sub3A_169 = arith.subf %reduce_sum3A_154, %mul3A_168 : f32
    %eq3A = arith.constant 0 : i32
    %eq3A_170 = vector.broadcast %eq3A : i32 to vector<16xi32>
    %eq3A_171 = arith.cmpi eq, %iota3A, %eq3A_170 : vector<16xi32>
    %broadcast_in_dim3A_172 = vector.broadcast %xor3A_118 : i32 to vector<16xi32>
    %select_n3A_173 = arith.select %eq3A_171, %broadcast_in_dim3A_172, %broadcast_in_dim3A_1 : vector<16xi1>, vector<16xi32>
    %broadcast_in_dim3A_174 = vector.broadcast %reduce_max3A_135 : f32 to vector<16xf32>
    %select_n3A_175 = arith.select %eq3A_171, %broadcast_in_dim3A_174, %broadcast_in_dim3A_5 : vector<16xi1>, vector<16xf32>
    %broadcast_in_dim3A_176 = vector.broadcast %sub3A_169 : f32 to vector<16xf32>
    %select_n3A_177 = arith.select %eq3A_171, %broadcast_in_dim3A_176, %broadcast_in_dim3A_7 : vector<16xi1>, vector<16xf32>
    %mul3A_178 = arith.constant 4 : i32
    %mul3A_179 = arith.muli %add3A, %mul3A_178 : i32
    %add3A_180 = arith.constant 1 : i32
    %add3A_181 = arith.addi %mul3A_179, %add3A_180 : i32
    "tpu.region"() ({
      %run_scoped3A = tpu.sem_alloc : memref<!tpu.dma_semaphore, #tpu.memory_space<semaphore_mem>>
      %dma_start3A = arith.constant 0 : i32
      %dma_start3A_775 = tpu.memref_slice %arg2[%add3A_181, %dma_start3A] : memref<128x32768xf32, #tpu.memory_space<hbm>> -> memref<1x32768xf32, #tpu.memory_space<hbm>>
      %dma_start3A_776 = tpu.memref_squeeze %dma_start3A_775 : memref<1x32768xf32, #tpu.memory_space<hbm>> -> memref<32768xf32, #tpu.memory_space<hbm>>
      %dma_start3A_777 = arith.constant 0 : i32
      %dma_start3A_778 = tpu.memref_slice %arg2[%add3A_181, %dma_start3A_777] : memref<128x32768xf32, #tpu.memory_space<hbm>> -> memref<1x32768xf32, #tpu.memory_space<hbm>>
      %dma_start3A_779 = tpu.memref_squeeze %dma_start3A_778 : memref<1x32768xf32, #tpu.memory_space<hbm>> -> memref<32768xf32, #tpu.memory_space<hbm>>
      tpu.enqueue_dma source(%dma_start3A_779 : memref<32768xf32, #tpu.memory_space<hbm>>) target(%arg6 : memref<32768xf32, #tpu.memory_space<vmem>>) target_semaphore(%run_scoped3A : memref<!tpu.dma_semaphore, #tpu.memory_space<semaphore_mem>>)
      %dma_wait3A = arith.constant 0 : i32
      %dma_wait3A_780 = tpu.memref_slice %arg2[%add3A_181, %dma_wait3A] : memref<128x32768xf32, #tpu.memory_space<hbm>> -> memref<1x32768xf32, #tpu.memory_space<hbm>>
      %dma_wait3A_781 = tpu.memref_squeeze %dma_wait3A_780 : memref<1x32768xf32, #tpu.memory_space<hbm>> -> memref<32768xf32, #tpu.memory_space<hbm>>
      %dma_wait3A_782 = arith.constant 0 : i32
      %dma_wait3A_783 = tpu.memref_slice %arg2[%add3A_181, %dma_wait3A_782] : memref<128x32768xf32, #tpu.memory_space<hbm>> -> memref<1x32768xf32, #tpu.memory_space<hbm>>
      %dma_wait3A_784 = tpu.memref_squeeze %dma_wait3A_783 : memref<1x32768xf32, #tpu.memory_space<hbm>> -> memref<32768xf32, #tpu.memory_space<hbm>>
      tpu.wait_dma2 semaphore(%run_scoped3A : memref<!tpu.dma_semaphore, #tpu.memory_space<semaphore_mem>>) src(%dma_wait3A_784 : memref<32768xf32, #tpu.memory_space<hbm>>) dst(%arg6 : memref<32768xf32, #tpu.memory_space<vmem>>)
      tpu.yield
    }) : () -> ()
    %scan3A_182 = arith.constant 0 : i32
    %scan3A_183 = arith.constant 0 : i32
    %scan3A_184 = arith.constant 2048 : i32
    %scan3A_185 = arith.addi %scan3A_183, %scan3A_184 : i32
    %scan3A_186 = arith.constant 8 : i32
    scf.for %scan3A_775 = %scan3A_183 to %scan3A_185 step %scan3A_186  : i32 {
      %mul3A_776 = arith.constant 16 : i32
      %mul3A_777 = arith.muli %scan3A_775, %mul3A_776 : i32
      %swap3A_778 = arith.index_cast %mul3A_777 : i32 to index
      %swap3A_779 = tpu.vector_load %arg8[%swap3A_778] {strides = array<i32>} : memref<32800xi32, #tpu.memory_space<vmem>>, vector<16xi32>,
      tpu.vector_store %arg8[%swap3A_778], %broadcast_in_dim3A_1 {strides = array<i32>} : memref<32800xi32, #tpu.memory_space<vmem>>, vector<16xi32>,
      %scan3A_780 = arith.constant 1 : i32
      %scan3A_781 = arith.addi %scan3A_775, %scan3A_780 : i32
      %mul3A_782 = arith.constant 16 : i32
      %mul3A_783 = arith.muli %scan3A_781, %mul3A_782 : i32
      %swap3A_784 = arith.index_cast %mul3A_783 : i32 to index
      %swap3A_785 = tpu.vector_load %arg8[%swap3A_784] {strides = array<i32>} : memref<32800xi32, #tpu.memory_space<vmem>>, vector<16xi32>,
      tpu.vector_store %arg8[%swap3A_784], %broadcast_in_dim3A_1 {strides = array<i32>} : memref<32800xi32, #tpu.memory_space<vmem>>, vector<16xi32>,
      %scan3A_786 = arith.constant 2 : i32
      %scan3A_787 = arith.addi %scan3A_775, %scan3A_786 : i32
      %mul3A_788 = arith.constant 16 : i32
      %mul3A_789 = arith.muli %scan3A_787, %mul3A_788 : i32
      %swap3A_790 = arith.index_cast %mul3A_789 : i32 to index
      %swap3A_791 = tpu.vector_load %arg8[%swap3A_790] {strides = array<i32>} : memref<32800xi32, #tpu.memory_space<vmem>>, vector<16xi32>,
      tpu.vector_store %arg8[%swap3A_790], %broadcast_in_dim3A_1 {strides = array<i32>} : memref<32800xi32, #tpu.memory_space<vmem>>, vector<16xi32>,
      %scan3A_792 = arith.constant 3 : i32
      %scan3A_793 = arith.addi %scan3A_775, %scan3A_792 : i32
      %mul3A_794 = arith.constant 16 : i32
      %mul3A_795 = arith.muli %scan3A_793, %mul3A_794 : i32
      %swap3A_796 = arith.index_cast %mul3A_795 : i32 to index
      %swap3A_797 = tpu.vector_load %arg8[%swap3A_796] {strides = array<i32>} : memref<32800xi32, #tpu.memory_space<vmem>>, vector<16xi32>,
      tpu.vector_store %arg8[%swap3A_796], %broadcast_in_dim3A_1 {strides = array<i32>} : memref<32800xi32, #tpu.memory_space<vmem>>, vector<16xi32>,
      %scan3A_798 = arith.constant 4 : i32
      %scan3A_799 = arith.addi %scan3A_775, %scan3A_798 : i32
      %mul3A_800 = arith.constant 16 : i32
      %mul3A_801 = arith.muli %scan3A_799, %mul3A_800 : i32
      %swap3A_802 = arith.index_cast %mul3A_801 : i32 to index
      %swap3A_803 = tpu.vector_load %arg8[%swap3A_802] {strides = array<i32>} : memref<32800xi32, #tpu.memory_space<vmem>>, vector<16xi32>,
      tpu.vector_store %arg8[%swap3A_802], %broadcast_in_dim3A_1 {strides = array<i32>} : memref<32800xi32, #tpu.memory_space<vmem>>, vector<16xi32>,
      %scan3A_804 = arith.constant 5 : i32
      %scan3A_805 = arith.addi %scan3A_775, %scan3A_804 : i32
      %mul3A_806 = arith.constant 16 : i32
      %mul3A_807 = arith.muli %scan3A_805, %mul3A_806 : i32
      %swap3A_808 = arith.index_cast %mul3A_807 : i32 to index
      %swap3A_809 = tpu.vector_load %arg8[%swap3A_808] {strides = array<i32>} : memref<32800xi32, #tpu.memory_space<vmem>>, vector<16xi32>,
      tpu.vector_store %arg8[%swap3A_808], %broadcast_in_dim3A_1 {strides = array<i32>} : memref<32800xi32, #tpu.memory_space<vmem>>, vector<16xi32>,
      %scan3A_810 = arith.constant 6 : i32
      %scan3A_811 = arith.addi %scan3A_775, %scan3A_810 : i32
      %mul3A_812 = arith.constant 16 : i32
      %mul3A_813 = arith.muli %scan3A_811, %mul3A_812 : i32
      %swap3A_814 = arith.index_cast %mul3A_813 : i32 to index
      %swap3A_815 = tpu.vector_load %arg8[%swap3A_814] {strides = array<i32>} : memref<32800xi32, #tpu.memory_space<vmem>>, vector<16xi32>,
      tpu.vector_store %arg8[%swap3A_814], %broadcast_in_dim3A_1 {strides = array<i32>} : memref<32800xi32, #tpu.memory_space<vmem>>, vector<16xi32>,
      %scan3A_816 = arith.constant 7 : i32
      %scan3A_817 = arith.addi %scan3A_775, %scan3A_816 : i32
      %mul3A_818 = arith.constant 16 : i32
      %mul3A_819 = arith.muli %scan3A_817, %mul3A_818 : i32
      %swap3A_820 = arith.index_cast %mul3A_819 : i32 to index
      %swap3A_821 = tpu.vector_load %arg8[%swap3A_820] {strides = array<i32>} : memref<32800xi32, #tpu.memory_space<vmem>>, vector<16xi32>,
      tpu.vector_store %arg8[%swap3A_820], %broadcast_in_dim3A_1 {strides = array<i32>} : memref<32800xi32, #tpu.memory_space<vmem>>, vector<16xi32>,
    }
    %scan3A_187 = arith.constant 2048 : i32
    %scan3A_188 = arith.addi %scan3A_183, %scan3A_187 : i32
    %mul3A_189 = arith.constant 16 : i32
    %mul3A_190 = arith.muli %scan3A_188, %mul3A_189 : i32
    %swap3A_191 = arith.index_cast %mul3A_190 : i32 to index
    %swap3A_192 = tpu.vector_load %arg8[%swap3A_191] {strides = array<i32>} : memref<32800xi32, #tpu.memory_space<vmem>>, vector<16xi32>,
    tpu.vector_store %arg8[%swap3A_191], %broadcast_in_dim3A_1 {strides = array<i32>} : memref<32800xi32, #tpu.memory_space<vmem>>, vector<16xi32>,
    %scan3A_193 = arith.constant 2049 : i32
    %scan3A_194 = arith.addi %scan3A_183, %scan3A_193 : i32
    %mul3A_195 = arith.constant 16 : i32
    %mul3A_196 = arith.muli %scan3A_194, %mul3A_195 : i32
    %swap3A_197 = arith.index_cast %mul3A_196 : i32 to index
    %swap3A_198 = tpu.vector_load %arg8[%swap3A_197] {strides = array<i32>} : memref<32800xi32, #tpu.memory_space<vmem>>, vector<16xi32>,
    tpu.vector_store %arg8[%swap3A_197], %broadcast_in_dim3A_1 {strides = array<i32>} : memref<32800xi32, #tpu.memory_space<vmem>>, vector<16xi32>,
    %scan3A_199 = arith.constant 2050 : i32
    %mul3A_200 = arith.constant 2049 : i32
    %mul3A_201 = vector.broadcast %mul3A_200 : i32 to vector<16xi32>
    %mul3A_202 = arith.muli %iota3A, %mul3A_201 : vector<16xi32>
    %scan3A_203 = arith.constant 0 : i32
    %scan3A_204 = arith.constant -2147483648 : i32
    %scan3A_205 = arith.constant 0 : i32
    %scan3A_206 = arith.constant 2048 : i32
    %scan3A_207 = arith.addi %scan3A_205, %scan3A_206 : i32
    %scan3A_208 = arith.constant 8 : i32
    scf.for %scan3A_775 = %scan3A_205 to %scan3A_207 step %scan3A_208  : i32 {
      %mul3A_776 = arith.constant 16 : i32
      %mul3A_777 = arith.muli %scan3A_775, %mul3A_776 : i32
      %get3A_778 = arith.index_cast %mul3A_777 : i32 to index
      %get3A_779 = tpu.vector_load %arg6[%get3A_778] {strides = array<i32>} : memref<32768xf32, #tpu.memory_space<vmem>>, vector<16xf32>,
      %bitcast_convert_type3A_780 = tpu.bitcast %get3A_779 : vector<16xf32> -> vector<16xi32>
      %shift_right_arithmetic3A = arith.constant 31 : i32
      %shift_right_arithmetic3A_781 = vector.broadcast %shift_right_arithmetic3A : i32 to vector<16xi32>
      %shift_right_arithmetic3A_782 = arith.shrsi %bitcast_convert_type3A_780, %shift_right_arithmetic3A_781 : vector<16xi32>
      %or3A = vector.broadcast %scan3A_204 : i32 to vector<16xi32>
      %or3A_783 = arith.ori %shift_right_arithmetic3A_782, %or3A : vector<16xi32>
      %xor3A_784 = arith.xori %bitcast_convert_type3A_780, %or3A_783 : vector<16xi32>
      %mul3A_785 = arith.constant 16 : i32
      %mul3A_786 = arith.muli %scan3A_775, %mul3A_785 : i32
      %swap3A_787 = arith.index_cast %mul3A_786 : i32 to index
      %swap3A_788 = tpu.vector_load %arg7[%swap3A_787] {strides = array<i32>} : memref<32768xi32, #tpu.memory_space<vmem>>, vector<16xi32>,
      tpu.vector_store %arg7[%swap3A_787], %xor3A_784 {strides = array<i32>} : memref<32768xi32, #tpu.memory_space<vmem>>, vector<16xi32>,
      %shift_right_logical3A = arith.constant 21 : i32
      %shift_right_logical3A_789 = vector.broadcast %shift_right_logical3A : i32 to vector<16xi32>
      %shift_right_logical3A_790 = arith.shrui %xor3A_784, %shift_right_logical3A_789 : vector<16xi32>
      %add3A_791 = arith.addi %mul3A_202, %shift_right_logical3A_790 : vector<16xi32>
      tpu.vector_store_idx %arg8[%add3A_791], %broadcast_in_dim3A_3 {add = true} : memref<32800xi32, #tpu.memory_space<vmem>>[vector<16xi32>], vector<16xi32>,
      %scan3A_792 = arith.constant 1 : i32
      %scan3A_793 = arith.addi %scan3A_775, %scan3A_792 : i32
      %mul3A_794 = arith.constant 16 : i32
      %mul3A_795 = arith.muli %scan3A_793, %mul3A_794 : i32
      %get3A_796 = arith.index_cast %mul3A_795 : i32 to index
      %get3A_797 = tpu.vector_load %arg6[%get3A_796] {strides = array<i32>} : memref<32768xf32, #tpu.memory_space<vmem>>, vector<16xf32>,
      %bitcast_convert_type3A_798 = tpu.bitcast %get3A_797 : vector<16xf32> -> vector<16xi32>
      %shift_right_arithmetic3A_799 = arith.constant 31 : i32
      %shift_right_arithmetic3A_800 = vector.broadcast %shift_right_arithmetic3A_799 : i32 to vector<16xi32>
      %shift_right_arithmetic3A_801 = arith.shrsi %bitcast_convert_type3A_798, %shift_right_arithmetic3A_800 : vector<16xi32>
      %or3A_802 = vector.broadcast %scan3A_204 : i32 to vector<16xi32>
      %or3A_803 = arith.ori %shift_right_arithmetic3A_801, %or3A_802 : vector<16xi32>
      %xor3A_804 = arith.xori %bitcast_convert_type3A_798, %or3A_803 : vector<16xi32>
      %mul3A_805 = arith.constant 16 : i32
      %mul3A_806 = arith.muli %scan3A_793, %mul3A_805 : i32
      %swap3A_807 = arith.index_cast %mul3A_806 : i32 to index
      %swap3A_808 = tpu.vector_load %arg7[%swap3A_807] {strides = array<i32>} : memref<32768xi32, #tpu.memory_space<vmem>>, vector<16xi32>,
      tpu.vector_store %arg7[%swap3A_807], %xor3A_804 {strides = array<i32>} : memref<32768xi32, #tpu.memory_space<vmem>>, vector<16xi32>,
      %shift_right_logical3A_809 = arith.constant 21 : i32
      %shift_right_logical3A_810 = vector.broadcast %shift_right_logical3A_809 : i32 to vector<16xi32>
      %shift_right_logical3A_811 = arith.shrui %xor3A_804, %shift_right_logical3A_810 : vector<16xi32>
      %add3A_812 = arith.addi %mul3A_202, %shift_right_logical3A_811 : vector<16xi32>
      tpu.vector_store_idx %arg8[%add3A_812], %broadcast_in_dim3A_3 {add = true} : memref<32800xi32, #tpu.memory_space<vmem>>[vector<16xi32>], vector<16xi32>,
      %scan3A_813 = arith.constant 2 : i32
      %scan3A_814 = arith.addi %scan3A_775, %scan3A_813 : i32
      %mul3A_815 = arith.constant 16 : i32
      %mul3A_816 = arith.muli %scan3A_814, %mul3A_815 : i32
      %get3A_817 = arith.index_cast %mul3A_816 : i32 to index
      %get3A_818 = tpu.vector_load %arg6[%get3A_817] {strides = array<i32>} : memref<32768xf32, #tpu.memory_space<vmem>>, vector<16xf32>,
      %bitcast_convert_type3A_819 = tpu.bitcast %get3A_818 : vector<16xf32> -> vector<16xi32>
      %shift_right_arithmetic3A_820 = arith.constant 31 : i32
      %shift_right_arithmetic3A_821 = vector.broadcast %shift_right_arithmetic3A_820 : i32 to vector<16xi32>
      %shift_right_arithmetic3A_822 = arith.shrsi %bitcast_convert_type3A_819, %shift_right_arithmetic3A_821 : vector<16xi32>
      %or3A_823 = vector.broadcast %scan3A_204 : i32 to vector<16xi32>
      %or3A_824 = arith.ori %shift_right_arithmetic3A_822, %or3A_823 : vector<16xi32>
      %xor3A_825 = arith.xori %bitcast_convert_type3A_819, %or3A_824 : vector<16xi32>
      %mul3A_826 = arith.constant 16 : i32
      %mul3A_827 = arith.muli %scan3A_814, %mul3A_826 : i32
      %swap3A_828 = arith.index_cast %mul3A_827 : i32 to index
      %swap3A_829 = tpu.vector_load %arg7[%swap3A_828] {strides = array<i32>} : memref<32768xi32, #tpu.memory_space<vmem>>, vector<16xi32>,
      tpu.vector_store %arg7[%swap3A_828], %xor3A_825 {strides = array<i32>} : memref<32768xi32, #tpu.memory_space<vmem>>, vector<16xi32>,
      %shift_right_logical3A_830 = arith.constant 21 : i32
      %shift_right_logical3A_831 = vector.broadcast %shift_right_logical3A_830 : i32 to vector<16xi32>
      %shift_right_logical3A_832 = arith.shrui %xor3A_825, %shift_right_logical3A_831 : vector<16xi32>
      %add3A_833 = arith.addi %mul3A_202, %shift_right_logical3A_832 : vector<16xi32>
      tpu.vector_store_idx %arg8[%add3A_833], %broadcast_in_dim3A_3 {add = true} : memref<32800xi32, #tpu.memory_space<vmem>>[vector<16xi32>], vector<16xi32>,
      %scan3A_834 = arith.constant 3 : i32
      %scan3A_835 = arith.addi %scan3A_775, %scan3A_834 : i32
      %mul3A_836 = arith.constant 16 : i32
      %mul3A_837 = arith.muli %scan3A_835, %mul3A_836 : i32
      %get3A_838 = arith.index_cast %mul3A_837 : i32 to index
      %get3A_839 = tpu.vector_load %arg6[%get3A_838] {strides = array<i32>} : memref<32768xf32, #tpu.memory_space<vmem>>, vector<16xf32>,
      %bitcast_convert_type3A_840 = tpu.bitcast %get3A_839 : vector<16xf32> -> vector<16xi32>
      %shift_right_arithmetic3A_841 = arith.constant 31 : i32
      %shift_right_arithmetic3A_842 = vector.broadcast %shift_right_arithmetic3A_841 : i32 to vector<16xi32>
      %shift_right_arithmetic3A_843 = arith.shrsi %bitcast_convert_type3A_840, %shift_right_arithmetic3A_842 : vector<16xi32>
      %or3A_844 = vector.broadcast %scan3A_204 : i32 to vector<16xi32>
      %or3A_845 = arith.ori %shift_right_arithmetic3A_843, %or3A_844 : vector<16xi32>
      %xor3A_846 = arith.xori %bitcast_convert_type3A_840, %or3A_845 : vector<16xi32>
      %mul3A_847 = arith.constant 16 : i32
      %mul3A_848 = arith.muli %scan3A_835, %mul3A_847 : i32
      %swap3A_849 = arith.index_cast %mul3A_848 : i32 to index
      %swap3A_850 = tpu.vector_load %arg7[%swap3A_849] {strides = array<i32>} : memref<32768xi32, #tpu.memory_space<vmem>>, vector<16xi32>,
      tpu.vector_store %arg7[%swap3A_849], %xor3A_846 {strides = array<i32>} : memref<32768xi32, #tpu.memory_space<vmem>>, vector<16xi32>,
      %shift_right_logical3A_851 = arith.constant 21 : i32
      %shift_right_logical3A_852 = vector.broadcast %shift_right_logical3A_851 : i32 to vector<16xi32>
      %shift_right_logical3A_853 = arith.shrui %xor3A_846, %shift_right_logical3A_852 : vector<16xi32>
      %add3A_854 = arith.addi %mul3A_202, %shift_right_logical3A_853 : vector<16xi32>
      tpu.vector_store_idx %arg8[%add3A_854], %broadcast_in_dim3A_3 {add = true} : memref<32800xi32, #tpu.memory_space<vmem>>[vector<16xi32>], vector<16xi32>,
      %scan3A_855 = arith.constant 4 : i32
      %scan3A_856 = arith.addi %scan3A_775, %scan3A_855 : i32
      %mul3A_857 = arith.constant 16 : i32
      %mul3A_858 = arith.muli %scan3A_856, %mul3A_857 : i32
      %get3A_859 = arith.index_cast %mul3A_858 : i32 to index
      %get3A_860 = tpu.vector_load %arg6[%get3A_859] {strides = array<i32>} : memref<32768xf32, #tpu.memory_space<vmem>>, vector<16xf32>,
      %bitcast_convert_type3A_861 = tpu.bitcast %get3A_860 : vector<16xf32> -> vector<16xi32>
      %shift_right_arithmetic3A_862 = arith.constant 31 : i32
      %shift_right_arithmetic3A_863 = vector.broadcast %shift_right_arithmetic3A_862 : i32 to vector<16xi32>
      %shift_right_arithmetic3A_864 = arith.shrsi %bitcast_convert_type3A_861, %shift_right_arithmetic3A_863 : vector<16xi32>
      %or3A_865 = vector.broadcast %scan3A_204 : i32 to vector<16xi32>
      %or3A_866 = arith.ori %shift_right_arithmetic3A_864, %or3A_865 : vector<16xi32>
      %xor3A_867 = arith.xori %bitcast_convert_type3A_861, %or3A_866 : vector<16xi32>
      %mul3A_868 = arith.constant 16 : i32
      %mul3A_869 = arith.muli %scan3A_856, %mul3A_868 : i32
      %swap3A_870 = arith.index_cast %mul3A_869 : i32 to index
      %swap3A_871 = tpu.vector_load %arg7[%swap3A_870] {strides = array<i32>} : memref<32768xi32, #tpu.memory_space<vmem>>, vector<16xi32>,
      tpu.vector_store %arg7[%swap3A_870], %xor3A_867 {strides = array<i32>} : memref<32768xi32, #tpu.memory_space<vmem>>, vector<16xi32>,
      %shift_right_logical3A_872 = arith.constant 21 : i32
      %shift_right_logical3A_873 = vector.broadcast %shift_right_logical3A_872 : i32 to vector<16xi32>
      %shift_right_logical3A_874 = arith.shrui %xor3A_867, %shift_right_logical3A_873 : vector<16xi32>
      %add3A_875 = arith.addi %mul3A_202, %shift_right_logical3A_874 : vector<16xi32>
      tpu.vector_store_idx %arg8[%add3A_875], %broadcast_in_dim3A_3 {add = true} : memref<32800xi32, #tpu.memory_space<vmem>>[vector<16xi32>], vector<16xi32>,
      %scan3A_876 = arith.constant 5 : i32
      %scan3A_877 = arith.addi %scan3A_775, %scan3A_876 : i32
      %mul3A_878 = arith.constant 16 : i32
      %mul3A_879 = arith.muli %scan3A_877, %mul3A_878 : i32
      %get3A_880 = arith.index_cast %mul3A_879 : i32 to index
      %get3A_881 = tpu.vector_load %arg6[%get3A_880] {strides = array<i32>} : memref<32768xf32, #tpu.memory_space<vmem>>, vector<16xf32>,
      %bitcast_convert_type3A_882 = tpu.bitcast %get3A_881 : vector<16xf32> -> vector<16xi32>
      %shift_right_arithmetic3A_883 = arith.constant 31 : i32
      %shift_right_arithmetic3A_884 = vector.broadcast %shift_right_arithmetic3A_883 : i32 to vector<16xi32>
      %shift_right_arithmetic3A_885 = arith.shrsi %bitcast_convert_type3A_882, %shift_right_arithmetic3A_884 : vector<16xi32>
      %or3A_886 = vector.broadcast %scan3A_204 : i32 to vector<16xi32>
      %or3A_887 = arith.ori %shift_right_arithmetic3A_885, %or3A_886 : vector<16xi32>
      %xor3A_888 = arith.xori %bitcast_convert_type3A_882, %or3A_887 : vector<16xi32>
      %mul3A_889 = arith.constant 16 : i32
      %mul3A_890 = arith.muli %scan3A_877, %mul3A_889 : i32
      %swap3A_891 = arith.index_cast %mul3A_890 : i32 to index
      %swap3A_892 = tpu.vector_load %arg7[%swap3A_891] {strides = array<i32>} : memref<32768xi32, #tpu.memory_space<vmem>>, vector<16xi32>,
      tpu.vector_store %arg7[%swap3A_891], %xor3A_888 {strides = array<i32>} : memref<32768xi32, #tpu.memory_space<vmem>>, vector<16xi32>,
      %shift_right_logical3A_893 = arith.constant 21 : i32
      %shift_right_logical3A_894 = vector.broadcast %shift_right_logical3A_893 : i32 to vector<16xi32>
      %shift_right_logical3A_895 = arith.shrui %xor3A_888, %shift_right_logical3A_894 : vector<16xi32>
      %add3A_896 = arith.addi %mul3A_202, %shift_right_logical3A_895 : vector<16xi32>
      tpu.vector_store_idx %arg8[%add3A_896], %broadcast_in_dim3A_3 {add = true} : memref<32800xi32, #tpu.memory_space<vmem>>[vector<16xi32>], vector<16xi32>,
      %scan3A_897 = arith.constant 6 : i32
      %scan3A_898 = arith.addi %scan3A_775, %scan3A_897 : i32
      %mul3A_899 = arith.constant 16 : i32
      %mul3A_900 = arith.muli %scan3A_898, %mul3A_899 : i32
      %get3A_901 = arith.index_cast %mul3A_900 : i32 to index
      %get3A_902 = tpu.vector_load %arg6[%get3A_901] {strides = array<i32>} : memref<32768xf32, #tpu.memory_space<vmem>>, vector<16xf32>,
      %bitcast_convert_type3A_903 = tpu.bitcast %get3A_902 : vector<16xf32> -> vector<16xi32>
      %shift_right_arithmetic3A_904 = arith.constant 31 : i32
      %shift_right_arithmetic3A_905 = vector.broadcast %shift_right_arithmetic3A_904 : i32 to vector<16xi32>
      %shift_right_arithmetic3A_906 = arith.shrsi %bitcast_convert_type3A_903, %shift_right_arithmetic3A_905 : vector<16xi32>
      %or3A_907 = vector.broadcast %scan3A_204 : i32 to vector<16xi32>
      %or3A_908 = arith.ori %shift_right_arithmetic3A_906, %or3A_907 : vector<16xi32>
      %xor3A_909 = arith.xori %bitcast_convert_type3A_903, %or3A_908 : vector<16xi32>
      %mul3A_910 = arith.constant 16 : i32
      %mul3A_911 = arith.muli %scan3A_898, %mul3A_910 : i32
      %swap3A_912 = arith.index_cast %mul3A_911 : i32 to index
      %swap3A_913 = tpu.vector_load %arg7[%swap3A_912] {strides = array<i32>} : memref<32768xi32, #tpu.memory_space<vmem>>, vector<16xi32>,
      tpu.vector_store %arg7[%swap3A_912], %xor3A_909 {strides = array<i32>} : memref<32768xi32, #tpu.memory_space<vmem>>, vector<16xi32>,
      %shift_right_logical3A_914 = arith.constant 21 : i32
      %shift_right_logical3A_915 = vector.broadcast %shift_right_logical3A_914 : i32 to vector<16xi32>
      %shift_right_logical3A_916 = arith.shrui %xor3A_909, %shift_right_logical3A_915 : vector<16xi32>
      %add3A_917 = arith.addi %mul3A_202, %shift_right_logical3A_916 : vector<16xi32>
      tpu.vector_store_idx %arg8[%add3A_917], %broadcast_in_dim3A_3 {add = true} : memref<32800xi32, #tpu.memory_space<vmem>>[vector<16xi32>], vector<16xi32>,
      %scan3A_918 = arith.constant 7 : i32
      %scan3A_919 = arith.addi %scan3A_775, %scan3A_918 : i32
      %mul3A_920 = arith.constant 16 : i32
      %mul3A_921 = arith.muli %scan3A_919, %mul3A_920 : i32
      %get3A_922 = arith.index_cast %mul3A_921 : i32 to index
      %get3A_923 = tpu.vector_load %arg6[%get3A_922] {strides = array<i32>} : memref<32768xf32, #tpu.memory_space<vmem>>, vector<16xf32>,
      %bitcast_convert_type3A_924 = tpu.bitcast %get3A_923 : vector<16xf32> -> vector<16xi32>
      %shift_right_arithmetic3A_925 = arith.constant 31 : i32
      %shift_right_arithmetic3A_926 = vector.broadcast %shift_right_arithmetic3A_925 : i32 to vector<16xi32>
      %shift_right_arithmetic3A_927 = arith.shrsi %bitcast_convert_type3A_924, %shift_right_arithmetic3A_926 : vector<16xi32>
      %or3A_928 = vector.broadcast %scan3A_204 : i32 to vector<16xi32>
      %or3A_929 = arith.ori %shift_right_arithmetic3A_927, %or3A_928 : vector<16xi32>
      %xor3A_930 = arith.xori %bitcast_convert_type3A_924, %or3A_929 : vector<16xi32>
      %mul3A_931 = arith.constant 16 : i32
      %mul3A_932 = arith.muli %scan3A_919, %mul3A_931 : i32
      %swap3A_933 = arith.index_cast %mul3A_932 : i32 to index
      %swap3A_934 = tpu.vector_load %arg7[%swap3A_933] {strides = array<i32>} : memref<32768xi32, #tpu.memory_space<vmem>>, vector<16xi32>,
      tpu.vector_store %arg7[%swap3A_933], %xor3A_930 {strides = array<i32>} : memref<32768xi32, #tpu.memory_space<vmem>>, vector<16xi32>,
      %shift_right_logical3A_935 = arith.constant 21 : i32
      %shift_right_logical3A_936 = vector.broadcast %shift_right_logical3A_935 : i32 to vector<16xi32>
      %shift_right_logical3A_937 = arith.shrui %xor3A_930, %shift_right_logical3A_936 : vector<16xi32>
      %add3A_938 = arith.addi %mul3A_202, %shift_right_logical3A_937 : vector<16xi32>
      tpu.vector_store_idx %arg8[%add3A_938], %broadcast_in_dim3A_3 {add = true} : memref<32800xi32, #tpu.memory_space<vmem>>[vector<16xi32>], vector<16xi32>,
    }
    %scan3A_209 = arith.constant 2048 : i32
    %scan3A_210 = arith.constant 0 : i32
    %scan3A_211 = arith.constant 0 : i32
    %scan3A_212 = arith.constant 128 : i32
    %scan3A_213 = arith.addi %scan3A_211, %scan3A_212 : i32
    %scan3A_214 = arith.constant 2 : i32
    scf.for %scan3A_775 = %scan3A_211 to %scan3A_213 step %scan3A_214  : i32 {
      %mul3A_776 = arith.constant 16 : i32
      %mul3A_777 = arith.muli %scan3A_775, %mul3A_776 : i32
      %get3A_778 = arith.index_cast %mul3A_777 : i32 to index
      %get3A_779 = tpu.vector_load %arg8[%get3A_778] {strides = array<i32>} : memref<32800xi32, #tpu.memory_space<vmem>>, vector<16xi32>,
      %mul3A_780 = arith.constant 16 : i32
      %mul3A_781 = arith.muli %scan3A_775, %mul3A_780 : i32
      %add3A_782 = arith.constant 2049 : i32
      %add3A_783 = arith.addi %add3A_782, %mul3A_781 : i32
      %get3A_784 = arith.index_cast %add3A_783 : i32 to index
      %get3A_785 = tpu.vector_load %arg8[%get3A_784] {strides = array<i32>} : memref<32800xi32, #tpu.memory_space<vmem>>, vector<16xi32>,
      %add3A_786 = arith.addi %get3A_779, %get3A_785 : vector<16xi32>
      %mul3A_787 = arith.constant 16 : i32
      %mul3A_788 = arith.muli %scan3A_775, %mul3A_787 : i32
      %add3A_789 = arith.constant 4098 : i32
      %add3A_790 = arith.addi %add3A_789, %mul3A_788 : i32
      %get3A_791 = arith.index_cast %add3A_790 : i32 to index
      %get3A_792 = tpu.vector_load %arg8[%get3A_791] {strides = array<i32>} : memref<32800xi32, #tpu.memory_space<vmem>>, vector<16xi32>,
      %add3A_793 = arith.addi %add3A_786, %get3A_792 : vector<16xi32>
      %mul3A_794 = arith.constant 16 : i32
      %mul3A_795 = arith.muli %scan3A_775, %mul3A_794 : i32
      %add3A_796 = arith.constant 6147 : i32
      %add3A_797 = arith.addi %add3A_796, %mul3A_795 : i32
      %get3A_798 = arith.index_cast %add3A_797 : i32 to index
      %get3A_799 = tpu.vector_load %arg8[%get3A_798] {strides = array<i32>} : memref<32800xi32, #tpu.memory_space<vmem>>, vector<16xi32>,
      %add3A_800 = arith.addi %add3A_793, %get3A_799 : vector<16xi32>
      %mul3A_801 = arith.constant 16 : i32
      %mul3A_802 = arith.muli %scan3A_775, %mul3A_801 : i32
      %add3A_803 = arith.constant 8196 : i32
      %add3A_804 = arith.addi %add3A_803, %mul3A_802 : i32
      %get3A_805 = arith.index_cast %add3A_804 : i32 to index
      %get3A_806 = tpu.vector_load %arg8[%get3A_805] {strides = array<i32>} : memref<32800xi32, #tpu.memory_space<vmem>>, vector<16xi32>,
      %add3A_807 = arith.addi %add3A_800, %get3A_806 : vector<16xi32>
      %mul3A_808 = arith.constant 16 : i32
      %mul3A_809 = arith.muli %scan3A_775, %mul3A_808 : i32
      %add3A_810 = arith.constant 10245 : i32
      %add3A_811 = arith.addi %add3A_810, %mul3A_809 : i32
      %get3A_812 = arith.index_cast %add3A_811 : i32 to index
      %get3A_813 = tpu.vector_load %arg8[%get3A_812] {strides = array<i32>} : memref<32800xi32, #tpu.memory_space<vmem>>, vector<16xi32>,
      %add3A_814 = arith.addi %add3A_807, %get3A_813 : vector<16xi32>
      %mul3A_815 = arith.constant 16 : i32
      %mul3A_816 = arith.muli %scan3A_775, %mul3A_815 : i32
      %add3A_817 = arith.constant 12294 : i32
      %add3A_818 = arith.addi %add3A_817, %mul3A_816 : i32
      %get3A_819 = arith.index_cast %add3A_818 : i32 to index
      %get3A_820 = tpu.vector_load %arg8[%get3A_819] {strides = array<i32>} : memref<32800xi32, #tpu.memory_space<vmem>>, vector<16xi32>,
      %add3A_821 = arith.addi %add3A_814, %get3A_820 : vector<16xi32>
      %mul3A_822 = arith.constant 16 : i32
      %mul3A_823 = arith.muli %scan3A_775, %mul3A_822 : i32
      %add3A_824 = arith.constant 14343 : i32
      %add3A_825 = arith.addi %add3A_824, %mul3A_823 : i32
      %get3A_826 = arith.index_cast %add3A_825 : i32 to index
      %get3A_827 = tpu.vector_load %arg8[%get3A_826] {strides = array<i32>} : memref<32800xi32, #tpu.memory_space<vmem>>, vector<16xi32>,
      %add3A_828 = arith.addi %add3A_821, %get3A_827 : vector<16xi32>
      %mul3A_829 = arith.constant 16 : i32
      %mul3A_830 = arith.muli %scan3A_775, %mul3A_829 : i32
      %add3A_831 = arith.constant 16392 : i32
      %add3A_832 = arith.addi %add3A_831, %mul3A_830 : i32
      %get3A_833 = arith.index_cast %add3A_832 : i32 to index
      %get3A_834 = tpu.vector_load %arg8[%get3A_833] {strides = array<i32>} : memref<32800xi32, #tpu.memory_space<vmem>>, vector<16xi32>,
      %add3A_835 = arith.addi %add3A_828, %get3A_834 : vector<16xi32>
      %mul3A_836 = arith.constant 16 : i32
      %mul3A_837 = arith.muli %scan3A_775, %mul3A_836 : i32
      %add3A_838 = arith.constant 18441 : i32
      %add3A_839 = arith.addi %add3A_838, %mul3A_837 : i32
      %get3A_840 = arith.index_cast %add3A_839 : i32 to index
      %get3A_841 = tpu.vector_load %arg8[%get3A_840] {strides = array<i32>} : memref<32800xi32, #tpu.memory_space<vmem>>, vector<16xi32>,
      %add3A_842 = arith.addi %add3A_835, %get3A_841 : vector<16xi32>
      %mul3A_843 = arith.constant 16 : i32
      %mul3A_844 = arith.muli %scan3A_775, %mul3A_843 : i32
      %add3A_845 = arith.constant 20490 : i32
      %add3A_846 = arith.addi %add3A_845, %mul3A_844 : i32
      %get3A_847 = arith.index_cast %add3A_846 : i32 to index
      %get3A_848 = tpu.vector_load %arg8[%get3A_847] {strides = array<i32>} : memref<32800xi32, #tpu.memory_space<vmem>>, vector<16xi32>,
      %add3A_849 = arith.addi %add3A_842, %get3A_848 : vector<16xi32>
      %mul3A_850 = arith.constant 16 : i32
      %mul3A_851 = arith.muli %scan3A_775, %mul3A_850 : i32
      %add3A_852 = arith.constant 22539 : i32
      %add3A_853 = arith.addi %add3A_852, %mul3A_851 : i32
      %get3A_854 = arith.index_cast %add3A_853 : i32 to index
      %get3A_855 = tpu.vector_load %arg8[%get3A_854] {strides = array<i32>} : memref<32800xi32, #tpu.memory_space<vmem>>, vector<16xi32>,
      %add3A_856 = arith.addi %add3A_849, %get3A_855 : vector<16xi32>
      %mul3A_857 = arith.constant 16 : i32
      %mul3A_858 = arith.muli %scan3A_775, %mul3A_857 : i32
      %add3A_859 = arith.constant 24588 : i32
      %add3A_860 = arith.addi %add3A_859, %mul3A_858 : i32
      %get3A_861 = arith.index_cast %add3A_860 : i32 to index
      %get3A_862 = tpu.vector_load %arg8[%get3A_861] {strides = array<i32>} : memref<32800xi32, #tpu.memory_space<vmem>>, vector<16xi32>,
      %add3A_863 = arith.addi %add3A_856, %get3A_862 : vector<16xi32>
      %mul3A_864 = arith.constant 16 : i32
      %mul3A_865 = arith.muli %scan3A_775, %mul3A_864 : i32
      %add3A_866 = arith.constant 26637 : i32
      %add3A_867 = arith.addi %add3A_866, %mul3A_865 : i32
      %get3A_868 = arith.index_cast %add3A_867 : i32 to index
      %get3A_869 = tpu.vector_load %arg8[%get3A_868] {strides = array<i32>} : memref<32800xi32, #tpu.memory_space<vmem>>, vector<16xi32>,
      %add3A_870 = arith.addi %add3A_863, %get3A_869 : vector<16xi32>
      %mul3A_871 = arith.constant 16 : i32
      %mul3A_872 = arith.muli %scan3A_775, %mul3A_871 : i32
      %add3A_873 = arith.constant 28686 : i32
      %add3A_874 = arith.addi %add3A_873, %mul3A_872 : i32
      %get3A_875 = arith.index_cast %add3A_874 : i32 to index
      %get3A_876 = tpu.vector_load %arg8[%get3A_875] {strides = array<i32>} : memref<32800xi32, #tpu.memory_space<vmem>>, vector<16xi32>,
      %add3A_877 = arith.addi %add3A_870, %get3A_876 : vector<16xi32>
      %mul3A_878 = arith.constant 16 : i32
      %mul3A_879 = arith.muli %scan3A_775, %mul3A_878 : i32
      %add3A_880 = arith.constant 30735 : i32
      %add3A_881 = arith.addi %add3A_880, %mul3A_879 : i32
      %get3A_882 = arith.index_cast %add3A_881 : i32 to index
      %get3A_883 = tpu.vector_load %arg8[%get3A_882] {strides = array<i32>} : memref<32800xi32, #tpu.memory_space<vmem>>, vector<16xi32>,
      %add3A_884 = arith.addi %add3A_877, %get3A_883 : vector<16xi32>
      %mul3A_885 = arith.constant 16 : i32
      %mul3A_886 = arith.muli %scan3A_775, %mul3A_885 : i32
      %swap3A_887 = arith.index_cast %mul3A_886 : i32 to index
      %swap3A_888 = tpu.vector_load %arg9[%swap3A_887] {strides = array<i32>} : memref<2048xi32, #tpu.memory_space<vmem>>, vector<16xi32>,
      tpu.vector_store %arg9[%swap3A_887], %add3A_884 {strides = array<i32>} : memref<2048xi32, #tpu.memory_space<vmem>>, vector<16xi32>,
      %scan3A_889 = arith.constant 1 : i32
      %scan3A_890 = arith.addi %scan3A_775, %scan3A_889 : i32
      %mul3A_891 = arith.constant 16 : i32
      %mul3A_892 = arith.muli %scan3A_890, %mul3A_891 : i32
      %get3A_893 = arith.index_cast %mul3A_892 : i32 to index
      %get3A_894 = tpu.vector_load %arg8[%get3A_893] {strides = array<i32>} : memref<32800xi32, #tpu.memory_space<vmem>>, vector<16xi32>,
      %mul3A_895 = arith.constant 16 : i32
      %mul3A_896 = arith.muli %scan3A_890, %mul3A_895 : i32
      %add3A_897 = arith.constant 2049 : i32
      %add3A_898 = arith.addi %add3A_897, %mul3A_896 : i32
      %get3A_899 = arith.index_cast %add3A_898 : i32 to index
      %get3A_900 = tpu.vector_load %arg8[%get3A_899] {strides = array<i32>} : memref<32800xi32, #tpu.memory_space<vmem>>, vector<16xi32>,
      %add3A_901 = arith.addi %get3A_894, %get3A_900 : vector<16xi32>
      %mul3A_902 = arith.constant 16 : i32
      %mul3A_903 = arith.muli %scan3A_890, %mul3A_902 : i32
      %add3A_904 = arith.constant 4098 : i32
      %add3A_905 = arith.addi %add3A_904, %mul3A_903 : i32
      %get3A_906 = arith.index_cast %add3A_905 : i32 to index
      %get3A_907 = tpu.vector_load %arg8[%get3A_906] {strides = array<i32>} : memref<32800xi32, #tpu.memory_space<vmem>>, vector<16xi32>,
      %add3A_908 = arith.addi %add3A_901, %get3A_907 : vector<16xi32>
      %mul3A_909 = arith.constant 16 : i32
      %mul3A_910 = arith.muli %scan3A_890, %mul3A_909 : i32
      %add3A_911 = arith.constant 6147 : i32
      %add3A_912 = arith.addi %add3A_911, %mul3A_910 : i32
      %get3A_913 = arith.index_cast %add3A_912 : i32 to index
      %get3A_914 = tpu.vector_load %arg8[%get3A_913] {strides = array<i32>} : memref<32800xi32, #tpu.memory_space<vmem>>, vector<16xi32>,
      %add3A_915 = arith.addi %add3A_908, %get3A_914 : vector<16xi32>
      %mul3A_916 = arith.constant 16 : i32
      %mul3A_917 = arith.muli %scan3A_890, %mul3A_916 : i32
      %add3A_918 = arith.constant 8196 : i32
      %add3A_919 = arith.addi %add3A_918, %mul3A_917 : i32
      %get3A_920 = arith.index_cast %add3A_919 : i32 to index
      %get3A_921 = tpu.vector_load %arg8[%get3A_920] {strides = array<i32>} : memref<32800xi32, #tpu.memory_space<vmem>>, vector<16xi32>,
      %add3A_922 = arith.addi %add3A_915, %get3A_921 : vector<16xi32>
      %mul3A_923 = arith.constant 16 : i32
      %mul3A_924 = arith.muli %scan3A_890, %mul3A_923 : i32
      %add3A_925 = arith.constant 10245 : i32
      %add3A_926 = arith.addi %add3A_925, %mul3A_924 : i32
      %get3A_927 = arith.index_cast %add3A_926 : i32 to index
      %get3A_928 = tpu.vector_load %arg8[%get3A_927] {strides = array<i32>} : memref<32800xi32, #tpu.memory_space<vmem>>, vector<16xi32>,
      %add3A_929 = arith.addi %add3A_922, %get3A_928 : vector<16xi32>
      %mul3A_930 = arith.constant 16 : i32
      %mul3A_931 = arith.muli %scan3A_890, %mul3A_930 : i32
      %add3A_932 = arith.constant 12294 : i32
      %add3A_933 = arith.addi %add3A_932, %mul3A_931 : i32
      %get3A_934 = arith.index_cast %add3A_933 : i32 to index
      %get3A_935 = tpu.vector_load %arg8[%get3A_934] {strides = array<i32>} : memref<32800xi32, #tpu.memory_space<vmem>>, vector<16xi32>,
      %add3A_936 = arith.addi %add3A_929, %get3A_935 : vector<16xi32>
      %mul3A_937 = arith.constant 16 : i32
      %mul3A_938 = arith.muli %scan3A_890, %mul3A_937 : i32
      %add3A_939 = arith.constant 14343 : i32
      %add3A_940 = arith.addi %add3A_939, %mul3A_938 : i32
      %get3A_941 = arith.index_cast %add3A_940 : i32 to index
      %get3A_942 = tpu.vector_load %arg8[%get3A_941] {strides = array<i32>} : memref<32800xi32, #tpu.memory_space<vmem>>, vector<16xi32>,
      %add3A_943 = arith.addi %add3A_936, %get3A_942 : vector<16xi32>
      %mul3A_944 = arith.constant 16 : i32
      %mul3A_945 = arith.muli %scan3A_890, %mul3A_944 : i32
      %add3A_946 = arith.constant 16392 : i32
      %add3A_947 = arith.addi %add3A_946, %mul3A_945 : i32
      %get3A_948 = arith.index_cast %add3A_947 : i32 to index
      %get3A_949 = tpu.vector_load %arg8[%get3A_948] {strides = array<i32>} : memref<32800xi32, #tpu.memory_space<vmem>>, vector<16xi32>,
      %add3A_950 = arith.addi %add3A_943, %get3A_949 : vector<16xi32>
      %mul3A_951 = arith.constant 16 : i32
      %mul3A_952 = arith.muli %scan3A_890, %mul3A_951 : i32
      %add3A_953 = arith.constant 18441 : i32
      %add3A_954 = arith.addi %add3A_953, %mul3A_952 : i32
      %get3A_955 = arith.index_cast %add3A_954 : i32 to index
      %get3A_956 = tpu.vector_load %arg8[%get3A_955] {strides = array<i32>} : memref<32800xi32, #tpu.memory_space<vmem>>, vector<16xi32>,
      %add3A_957 = arith.addi %add3A_950, %get3A_956 : vector<16xi32>
      %mul3A_958 = arith.constant 16 : i32
      %mul3A_959 = arith.muli %scan3A_890, %mul3A_958 : i32
      %add3A_960 = arith.constant 20490 : i32
      %add3A_961 = arith.addi %add3A_960, %mul3A_959 : i32
      %get3A_962 = arith.index_cast %add3A_961 : i32 to index
      %get3A_963 = tpu.vector_load %arg8[%get3A_962] {strides = array<i32>} : memref<32800xi32, #tpu.memory_space<vmem>>, vector<16xi32>,
      %add3A_964 = arith.addi %add3A_957, %get3A_963 : vector<16xi32>
      %mul3A_965 = arith.constant 16 : i32
      %mul3A_966 = arith.muli %scan3A_890, %mul3A_965 : i32
      %add3A_967 = arith.constant 22539 : i32
      %add3A_968 = arith.addi %add3A_967, %mul3A_966 : i32
      %get3A_969 = arith.index_cast %add3A_968 : i32 to index
      %get3A_970 = tpu.vector_load %arg8[%get3A_969] {strides = array<i32>} : memref<32800xi32, #tpu.memory_space<vmem>>, vector<16xi32>,
      %add3A_971 = arith.addi %add3A_964, %get3A_970 : vector<16xi32>
      %mul3A_972 = arith.constant 16 : i32
      %mul3A_973 = arith.muli %scan3A_890, %mul3A_972 : i32
      %add3A_974 = arith.constant 24588 : i32
      %add3A_975 = arith.addi %add3A_974, %mul3A_973 : i32
      %get3A_976 = arith.index_cast %add3A_975 : i32 to index
      %get3A_977 = tpu.vector_load %arg8[%get3A_976] {strides = array<i32>} : memref<32800xi32, #tpu.memory_space<vmem>>, vector<16xi32>,
      %add3A_978 = arith.addi %add3A_971, %get3A_977 : vector<16xi32>
      %mul3A_979 = arith.constant 16 : i32
      %mul3A_980 = arith.muli %scan3A_890, %mul3A_979 : i32
      %add3A_981 = arith.constant 26637 : i32
      %add3A_982 = arith.addi %add3A_981, %mul3A_980 : i32
      %get3A_983 = arith.index_cast %add3A_982 : i32 to index
      %get3A_984 = tpu.vector_load %arg8[%get3A_983] {strides = array<i32>} : memref<32800xi32, #tpu.memory_space<vmem>>, vector<16xi32>,
      %add3A_985 = arith.addi %add3A_978, %get3A_984 : vector<16xi32>
      %mul3A_986 = arith.constant 16 : i32
      %mul3A_987 = arith.muli %scan3A_890, %mul3A_986 : i32
      %add3A_988 = arith.constant 28686 : i32
      %add3A_989 = arith.addi %add3A_988, %mul3A_987 : i32
      %get3A_990 = arith.index_cast %add3A_989 : i32 to index
      %get3A_991 = tpu.vector_load %arg8[%get3A_990] {strides = array<i32>} : memref<32800xi32, #tpu.memory_space<vmem>>, vector<16xi32>,
      %add3A_992 = arith.addi %add3A_985, %get3A_991 : vector<16xi32>
      %mul3A_993 = arith.constant 16 : i32
      %mul3A_994 = arith.muli %scan3A_890, %mul3A_993 : i32
      %add3A_995 = arith.constant 30735 : i32
      %add3A_996 = arith.addi %add3A_995, %mul3A_994 : i32
      %get3A_997 = arith.index_cast %add3A_996 : i32 to index
      %get3A_998 = tpu.vector_load %arg8[%get3A_997] {strides = array<i32>} : memref<32800xi32, #tpu.memory_space<vmem>>, vector<16xi32>,
      %add3A_999 = arith.addi %add3A_992, %get3A_998 : vector<16xi32>
      %mul3A_1000 = arith.constant 16 : i32
      %mul3A_1001 = arith.muli %scan3A_890, %mul3A_1000 : i32
      %swap3A_1002 = arith.index_cast %mul3A_1001 : i32 to index
      %swap3A_1003 = tpu.vector_load %arg9[%swap3A_1002] {strides = array<i32>} : memref<2048xi32, #tpu.memory_space<vmem>>, vector<16xi32>,
      tpu.vector_store %arg9[%swap3A_1002], %add3A_999 {strides = array<i32>} : memref<2048xi32, #tpu.memory_space<vmem>>, vector<16xi32>,
    }
    %scan3A_215 = arith.constant 128 : i32
    %scan3A_216 = arith.constant 0 : i32
    %scan3A_217 = arith.constant 0 : i32
    %scan3A_218 = arith.constant 0 : i32
    %scan3A_219 = arith.constant 0 : i32
    %scan3A_220 = arith.constant 128 : i32
    %scan3A_221 = arith.addi %scan3A_219, %scan3A_220 : i32
    %scan3A_222 = arith.constant 1 : i32
    %scan3A_223:3 = scf.for %scan3A_775 = %scan3A_219 to %scan3A_221 step %scan3A_222 iter_args(%scan3A_776 = %scan3A_216, %scan3A_777 = %scan3A_217, %scan3A_778 = %scan3A_218) -> (i32, i32, i32)  : i32 {
      %sub3A_779 = arith.constant 127 : i32
      %sub3A_780 = arith.subi %sub3A_779, %scan3A_775 : i32
      %mul3A_781 = arith.constant 16 : i32
      %mul3A_782 = arith.muli %sub3A_780, %mul3A_781 : i32
      %get3A_783 = arith.index_cast %mul3A_782 : i32 to index
      %get3A_784 = tpu.vector_load %arg9[%get3A_783] {strides = array<i32>} : memref<2048xi32, #tpu.memory_space<vmem>>, vector<16xi32>,
      %reduce_sum3A_785 = arith.constant true
      %reduce_sum3A_786 = vector.broadcast %reduce_sum3A_785 : i1 to vector<16xi1>
      %reduce_sum3A_787 = tpu.scan <sum>, %get3A_784 masked %reduce_sum3A_786 : vector<16xi32>, vector<16xi1> -> vector<16xi32>
      %reduce_sum3A_788 = vector.extract %reduce_sum3A_787[15] : i32 from vector<16xi32>
      %lt3A_789 = arith.constant 64 : i32
      %lt3A_790 = arith.cmpi slt, %scan3A_776, %lt3A_789 : i32
      %add3A_791 = arith.addi %scan3A_776, %reduce_sum3A_788 : i32
      %ge3A_792 = arith.constant 64 : i32
      %ge3A_793 = arith.cmpi sge, %add3A_791, %ge3A_792 : i32
      %and3A_794 = arith.andi %lt3A_790, %ge3A_793 : i1
      %select_n3A_795 = arith.select %and3A_794, %sub3A_780, %scan3A_777 : i32
      %select_n3A_796 = arith.select %and3A_794, %scan3A_776, %scan3A_778 : i32
      %add3A_797 = arith.addi %scan3A_776, %reduce_sum3A_788 : i32
      scf.yield %add3A_797, %select_n3A_795, %select_n3A_796 : i32, i32, i32
    }
    %scan3A_224 = arith.constant 128 : i32
    %mul3A_225 = arith.constant 16 : i32
    %mul3A_226 = arith.muli %scan3A_223#1, %mul3A_225 : i32
    %get3A_227 = arith.index_cast %mul3A_226 : i32 to index
    %get3A_228 = tpu.vector_load %arg9[%get3A_227] {strides = array<i32>} : memref<2048xi32, #tpu.memory_space<vmem>>, vector<16xi32>,
    %rev3A_229 = arith.constant 15 : i32
    %rev3A_230 = vector.broadcast %rev3A_229 : i32 to vector<16xi32>
    %rev3A_231 = tpu.iota {dimensions = array<i32: 0>} : vector<16xi32>
    %rev3A_232 = arith.subi %rev3A_230, %rev3A_231 : vector<16xi32>
    %rev3A_233 = tpu.dynamic_gather %get3A_228[%rev3A_232] in [0] : vector<16xi32>, vector<16xi32> -> vector<16xi32>
    %broadcast_in_dim3A_234 = arith.constant true
    %broadcast_in_dim3A_235 = vector.broadcast %broadcast_in_dim3A_234 : i1 to vector<16xi1>
    %masked_cumsum3A_236 = tpu.scan <sum>, %rev3A_233 masked %broadcast_in_dim3A_235 : vector<16xi32>, vector<16xi1> -> vector<16xi32>
    %add3A_237 = vector.broadcast %scan3A_223#2 : i32 to vector<16xi32>
    %add3A_238 = arith.addi %masked_cumsum3A_236, %add3A_237 : vector<16xi32>
    %ge3A_239 = arith.constant 64 : i32
    %ge3A_240 = vector.broadcast %ge3A_239 : i32 to vector<16xi32>
    %ge3A_241 = arith.cmpi sge, %add3A_238, %ge3A_240 : vector<16xi32>
    %all_reduce_ffs3A_242 = tpu.all_reduce %ge3A_241 {dim = 0 : i64, kind = #tpu.reduction_kind<find_first_set>} : vector<16xi1> -> vector<16xi32>
    %slice3A_243 = vector.extract_strided_slice %all_reduce_ffs3A_242 {offsets = [0], sizes = [1], strides = [1]} : vector<16xi32> to vector<1xi32>
    %squeeze3A_244 = vector.extract %slice3A_243[0] : i32 from vector<1xi32>
    %sub3A_245 = arith.constant 15 : i32
    %sub3A_246 = arith.subi %sub3A_245, %squeeze3A_244 : i32
    %lt3A_247 = vector.broadcast %squeeze3A_244 : i32 to vector<16xi32>
    %lt3A_248 = arith.cmpi slt, %iota3A, %lt3A_247 : vector<16xi32>
    %jit3A_249 = arith.constant 0 : i32
    %broadcast_in_dim3A_250 = vector.broadcast %jit3A_249 : i32 to vector<16xi32>
    %select_n3A_251 = arith.select %lt3A_248, %rev3A_233, %broadcast_in_dim3A_250 : vector<16xi1>, vector<16xi32>
    %reduce_sum3A_252 = arith.constant true
    %reduce_sum3A_253 = vector.broadcast %reduce_sum3A_252 : i1 to vector<16xi1>
    %reduce_sum3A_254 = tpu.scan <sum>, %select_n3A_251 masked %reduce_sum3A_253 : vector<16xi32>, vector<16xi1> -> vector<16xi32>
    %reduce_sum3A_255 = vector.extract %reduce_sum3A_254[15] : i32 from vector<16xi32>
    %add3A_256 = arith.addi %scan3A_223#2, %reduce_sum3A_255 : i32
    %mul3A_257 = arith.constant 16 : i32
    %mul3A_258 = arith.muli %scan3A_223#1, %mul3A_257 : i32
    %add3A_259 = arith.addi %mul3A_258, %sub3A_246 : i32
    %shift_left3A_260 = arith.constant 21 : i32
    %shift_left3A_261 = arith.shli %add3A_259, %shift_left3A_260 : i32
    %xor3A_262 = arith.constant -2147483648 : i32
    %xor3A_263 = arith.xori %shift_left3A_261, %xor3A_262 : i32
    %scan3A_264 = arith.constant -2147483648 : i32
    %scan3A_265 = arith.constant 0 : i32
    %scan3A_266 = arith.constant 0 : i32
    %scan3A_267 = arith.constant 2048 : i32
    %scan3A_268 = arith.addi %scan3A_266, %scan3A_267 : i32
    %scan3A_269 = arith.constant 8 : i32
    %scan3A_270 = scf.for %scan3A_775 = %scan3A_266 to %scan3A_268 step %scan3A_269 iter_args(%scan3A_776 = %scan3A_265) -> (i32)  : i32 {
      %mul3A_777 = arith.constant 16 : i32
      %mul3A_778 = arith.muli %scan3A_775, %mul3A_777 : i32
      %get3A_779 = arith.index_cast %mul3A_778 : i32 to index
      %get3A_780 = tpu.vector_load %arg7[%get3A_779] {strides = array<i32>} : memref<32768xi32, #tpu.memory_space<vmem>>, vector<16xi32>,
      %xor3A_781 = vector.broadcast %scan3A_264 : i32 to vector<16xi32>
      %xor3A_782 = arith.xori %get3A_780, %xor3A_781 : vector<16xi32>
      %ge3A_783 = vector.broadcast %xor3A_263 : i32 to vector<16xi32>
      %ge3A_784 = arith.cmpi sge, %xor3A_782, %ge3A_783 : vector<16xi32>
      %lt3A_785 = arith.constant 8176 : i32
      %lt3A_786 = arith.cmpi slt, %scan3A_776, %lt3A_785 : i32
      %and3A_787 = vector.broadcast %lt3A_786 : i1 to vector<16xi1>
      %and3A_788 = arith.andi %ge3A_784, %and3A_787 : vector<16xi1>
      %swap3A_789 = arith.index_cast %scan3A_776 : i32 to index
      %swap3A_790 = tpu.vector_load %arg10[%swap3A_789] masked %and3A_788 {strides = array<i32>} : memref<8224xi32, #tpu.memory_space<vmem>>, vector<16xi32>, vector<16xi1>
      tpu.vector_store %arg10[%swap3A_789], %get3A_780 masked %and3A_788 {strides = array<i32>} : memref<8224xi32, #tpu.memory_space<vmem>>, vector<16xi32>, vector<16xi1>
      %all_reduce_population_count3A = tpu.all_reduce %and3A_788 {dim = 0 : i64, kind = #tpu.reduction_kind<sum>} : vector<16xi1> -> vector<16xi32>
      %slice3A_791 = vector.extract_strided_slice %all_reduce_population_count3A {offsets = [0], sizes = [1], strides = [1]} : vector<16xi32> to vector<1xi32>
      %squeeze3A_792 = vector.extract %slice3A_791[0] : i32 from vector<1xi32>
      %add3A_793 = arith.addi %scan3A_776, %squeeze3A_792 : i32
      %scan3A_794 = arith.constant 1 : i32
      %scan3A_795 = arith.addi %scan3A_775, %scan3A_794 : i32
      %mul3A_796 = arith.constant 16 : i32
      %mul3A_797 = arith.muli %scan3A_795, %mul3A_796 : i32
      %get3A_798 = arith.index_cast %mul3A_797 : i32 to index
      %get3A_799 = tpu.vector_load %arg7[%get3A_798] {strides = array<i32>} : memref<32768xi32, #tpu.memory_space<vmem>>, vector<16xi32>,
      %xor3A_800 = vector.broadcast %scan3A_264 : i32 to vector<16xi32>
      %xor3A_801 = arith.xori %get3A_799, %xor3A_800 : vector<16xi32>
      %ge3A_802 = vector.broadcast %xor3A_263 : i32 to vector<16xi32>
      %ge3A_803 = arith.cmpi sge, %xor3A_801, %ge3A_802 : vector<16xi32>
      %lt3A_804 = arith.constant 8176 : i32
      %lt3A_805 = arith.cmpi slt, %add3A_793, %lt3A_804 : i32
      %and3A_806 = vector.broadcast %lt3A_805 : i1 to vector<16xi1>
      %and3A_807 = arith.andi %ge3A_803, %and3A_806 : vector<16xi1>
      %swap3A_808 = arith.index_cast %add3A_793 : i32 to index
      %swap3A_809 = tpu.vector_load %arg10[%swap3A_808] masked %and3A_807 {strides = array<i32>} : memref<8224xi32, #tpu.memory_space<vmem>>, vector<16xi32>, vector<16xi1>
      tpu.vector_store %arg10[%swap3A_808], %get3A_799 masked %and3A_807 {strides = array<i32>} : memref<8224xi32, #tpu.memory_space<vmem>>, vector<16xi32>, vector<16xi1>
      %all_reduce_population_count3A_810 = tpu.all_reduce %and3A_807 {dim = 0 : i64, kind = #tpu.reduction_kind<sum>} : vector<16xi1> -> vector<16xi32>
      %slice3A_811 = vector.extract_strided_slice %all_reduce_population_count3A_810 {offsets = [0], sizes = [1], strides = [1]} : vector<16xi32> to vector<1xi32>
      %squeeze3A_812 = vector.extract %slice3A_811[0] : i32 from vector<1xi32>
      %add3A_813 = arith.addi %add3A_793, %squeeze3A_812 : i32
      %scan3A_814 = arith.constant 2 : i32
      %scan3A_815 = arith.addi %scan3A_775, %scan3A_814 : i32
      %mul3A_816 = arith.constant 16 : i32
      %mul3A_817 = arith.muli %scan3A_815, %mul3A_816 : i32
      %get3A_818 = arith.index_cast %mul3A_817 : i32 to index
      %get3A_819 = tpu.vector_load %arg7[%get3A_818] {strides = array<i32>} : memref<32768xi32, #tpu.memory_space<vmem>>, vector<16xi32>,
      %xor3A_820 = vector.broadcast %scan3A_264 : i32 to vector<16xi32>
      %xor3A_821 = arith.xori %get3A_819, %xor3A_820 : vector<16xi32>
      %ge3A_822 = vector.broadcast %xor3A_263 : i32 to vector<16xi32>
      %ge3A_823 = arith.cmpi sge, %xor3A_821, %ge3A_822 : vector<16xi32>
      %lt3A_824 = arith.constant 8176 : i32
      %lt3A_825 = arith.cmpi slt, %add3A_813, %lt3A_824 : i32
      %and3A_826 = vector.broadcast %lt3A_825 : i1 to vector<16xi1>
      %and3A_827 = arith.andi %ge3A_823, %and3A_826 : vector<16xi1>
      %swap3A_828 = arith.index_cast %add3A_813 : i32 to index
      %swap3A_829 = tpu.vector_load %arg10[%swap3A_828] masked %and3A_827 {strides = array<i32>} : memref<8224xi32, #tpu.memory_space<vmem>>, vector<16xi32>, vector<16xi1>
      tpu.vector_store %arg10[%swap3A_828], %get3A_819 masked %and3A_827 {strides = array<i32>} : memref<8224xi32, #tpu.memory_space<vmem>>, vector<16xi32>, vector<16xi1>
      %all_reduce_population_count3A_830 = tpu.all_reduce %and3A_827 {dim = 0 : i64, kind = #tpu.reduction_kind<sum>} : vector<16xi1> -> vector<16xi32>
      %slice3A_831 = vector.extract_strided_slice %all_reduce_population_count3A_830 {offsets = [0], sizes = [1], strides = [1]} : vector<16xi32> to vector<1xi32>
      %squeeze3A_832 = vector.extract %slice3A_831[0] : i32 from vector<1xi32>
      %add3A_833 = arith.addi %add3A_813, %squeeze3A_832 : i32
      %scan3A_834 = arith.constant 3 : i32
      %scan3A_835 = arith.addi %scan3A_775, %scan3A_834 : i32
      %mul3A_836 = arith.constant 16 : i32
      %mul3A_837 = arith.muli %scan3A_835, %mul3A_836 : i32
      %get3A_838 = arith.index_cast %mul3A_837 : i32 to index
      %get3A_839 = tpu.vector_load %arg7[%get3A_838] {strides = array<i32>} : memref<32768xi32, #tpu.memory_space<vmem>>, vector<16xi32>,
      %xor3A_840 = vector.broadcast %scan3A_264 : i32 to vector<16xi32>
      %xor3A_841 = arith.xori %get3A_839, %xor3A_840 : vector<16xi32>
      %ge3A_842 = vector.broadcast %xor3A_263 : i32 to vector<16xi32>
      %ge3A_843 = arith.cmpi sge, %xor3A_841, %ge3A_842 : vector<16xi32>
      %lt3A_844 = arith.constant 8176 : i32
      %lt3A_845 = arith.cmpi slt, %add3A_833, %lt3A_844 : i32
      %and3A_846 = vector.broadcast %lt3A_845 : i1 to vector<16xi1>
      %and3A_847 = arith.andi %ge3A_843, %and3A_846 : vector<16xi1>
      %swap3A_848 = arith.index_cast %add3A_833 : i32 to index
      %swap3A_849 = tpu.vector_load %arg10[%swap3A_848] masked %and3A_847 {strides = array<i32>} : memref<8224xi32, #tpu.memory_space<vmem>>, vector<16xi32>, vector<16xi1>
      tpu.vector_store %arg10[%swap3A_848], %get3A_839 masked %and3A_847 {strides = array<i32>} : memref<8224xi32, #tpu.memory_space<vmem>>, vector<16xi32>, vector<16xi1>
      %all_reduce_population_count3A_850 = tpu.all_reduce %and3A_847 {dim = 0 : i64, kind = #tpu.reduction_kind<sum>} : vector<16xi1> -> vector<16xi32>
      %slice3A_851 = vector.extract_strided_slice %all_reduce_population_count3A_850 {offsets = [0], sizes = [1], strides = [1]} : vector<16xi32> to vector<1xi32>
      %squeeze3A_852 = vector.extract %slice3A_851[0] : i32 from vector<1xi32>
      %add3A_853 = arith.addi %add3A_833, %squeeze3A_852 : i32
      %scan3A_854 = arith.constant 4 : i32
      %scan3A_855 = arith.addi %scan3A_775, %scan3A_854 : i32
      %mul3A_856 = arith.constant 16 : i32
      %mul3A_857 = arith.muli %scan3A_855, %mul3A_856 : i32
      %get3A_858 = arith.index_cast %mul3A_857 : i32 to index
      %get3A_859 = tpu.vector_load %arg7[%get3A_858] {strides = array<i32>} : memref<32768xi32, #tpu.memory_space<vmem>>, vector<16xi32>,
      %xor3A_860 = vector.broadcast %scan3A_264 : i32 to vector<16xi32>
      %xor3A_861 = arith.xori %get3A_859, %xor3A_860 : vector<16xi32>
      %ge3A_862 = vector.broadcast %xor3A_263 : i32 to vector<16xi32>
      %ge3A_863 = arith.cmpi sge, %xor3A_861, %ge3A_862 : vector<16xi32>
      %lt3A_864 = arith.constant 8176 : i32
      %lt3A_865 = arith.cmpi slt, %add3A_853, %lt3A_864 : i32
      %and3A_866 = vector.broadcast %lt3A_865 : i1 to vector<16xi1>
      %and3A_867 = arith.andi %ge3A_863, %and3A_866 : vector<16xi1>
      %swap3A_868 = arith.index_cast %add3A_853 : i32 to index
      %swap3A_869 = tpu.vector_load %arg10[%swap3A_868] masked %and3A_867 {strides = array<i32>} : memref<8224xi32, #tpu.memory_space<vmem>>, vector<16xi32>, vector<16xi1>
      tpu.vector_store %arg10[%swap3A_868], %get3A_859 masked %and3A_867 {strides = array<i32>} : memref<8224xi32, #tpu.memory_space<vmem>>, vector<16xi32>, vector<16xi1>
      %all_reduce_population_count3A_870 = tpu.all_reduce %and3A_867 {dim = 0 : i64, kind = #tpu.reduction_kind<sum>} : vector<16xi1> -> vector<16xi32>
      %slice3A_871 = vector.extract_strided_slice %all_reduce_population_count3A_870 {offsets = [0], sizes = [1], strides = [1]} : vector<16xi32> to vector<1xi32>
      %squeeze3A_872 = vector.extract %slice3A_871[0] : i32 from vector<1xi32>
      %add3A_873 = arith.addi %add3A_853, %squeeze3A_872 : i32
      %scan3A_874 = arith.constant 5 : i32
      %scan3A_875 = arith.addi %scan3A_775, %scan3A_874 : i32
      %mul3A_876 = arith.constant 16 : i32
      %mul3A_877 = arith.muli %scan3A_875, %mul3A_876 : i32
      %get3A_878 = arith.index_cast %mul3A_877 : i32 to index
      %get3A_879 = tpu.vector_load %arg7[%get3A_878] {strides = array<i32>} : memref<32768xi32, #tpu.memory_space<vmem>>, vector<16xi32>,
      %xor3A_880 = vector.broadcast %scan3A_264 : i32 to vector<16xi32>
      %xor3A_881 = arith.xori %get3A_879, %xor3A_880 : vector<16xi32>
      %ge3A_882 = vector.broadcast %xor3A_263 : i32 to vector<16xi32>
      %ge3A_883 = arith.cmpi sge, %xor3A_881, %ge3A_882 : vector<16xi32>
      %lt3A_884 = arith.constant 8176 : i32
      %lt3A_885 = arith.cmpi slt, %add3A_873, %lt3A_884 : i32
      %and3A_886 = vector.broadcast %lt3A_885 : i1 to vector<16xi1>
      %and3A_887 = arith.andi %ge3A_883, %and3A_886 : vector<16xi1>
      %swap3A_888 = arith.index_cast %add3A_873 : i32 to index
      %swap3A_889 = tpu.vector_load %arg10[%swap3A_888] masked %and3A_887 {strides = array<i32>} : memref<8224xi32, #tpu.memory_space<vmem>>, vector<16xi32>, vector<16xi1>
      tpu.vector_store %arg10[%swap3A_888], %get3A_879 masked %and3A_887 {strides = array<i32>} : memref<8224xi32, #tpu.memory_space<vmem>>, vector<16xi32>, vector<16xi1>
      %all_reduce_population_count3A_890 = tpu.all_reduce %and3A_887 {dim = 0 : i64, kind = #tpu.reduction_kind<sum>} : vector<16xi1> -> vector<16xi32>
      %slice3A_891 = vector.extract_strided_slice %all_reduce_population_count3A_890 {offsets = [0], sizes = [1], strides = [1]} : vector<16xi32> to vector<1xi32>
      %squeeze3A_892 = vector.extract %slice3A_891[0] : i32 from vector<1xi32>
      %add3A_893 = arith.addi %add3A_873, %squeeze3A_892 : i32
      %scan3A_894 = arith.constant 6 : i32
      %scan3A_895 = arith.addi %scan3A_775, %scan3A_894 : i32
      %mul3A_896 = arith.constant 16 : i32
      %mul3A_897 = arith.muli %scan3A_895, %mul3A_896 : i32
      %get3A_898 = arith.index_cast %mul3A_897 : i32 to index
      %get3A_899 = tpu.vector_load %arg7[%get3A_898] {strides = array<i32>} : memref<32768xi32, #tpu.memory_space<vmem>>, vector<16xi32>,
      %xor3A_900 = vector.broadcast %scan3A_264 : i32 to vector<16xi32>
      %xor3A_901 = arith.xori %get3A_899, %xor3A_900 : vector<16xi32>
      %ge3A_902 = vector.broadcast %xor3A_263 : i32 to vector<16xi32>
      %ge3A_903 = arith.cmpi sge, %xor3A_901, %ge3A_902 : vector<16xi32>
      %lt3A_904 = arith.constant 8176 : i32
      %lt3A_905 = arith.cmpi slt, %add3A_893, %lt3A_904 : i32
      %and3A_906 = vector.broadcast %lt3A_905 : i1 to vector<16xi1>
      %and3A_907 = arith.andi %ge3A_903, %and3A_906 : vector<16xi1>
      %swap3A_908 = arith.index_cast %add3A_893 : i32 to index
      %swap3A_909 = tpu.vector_load %arg10[%swap3A_908] masked %and3A_907 {strides = array<i32>} : memref<8224xi32, #tpu.memory_space<vmem>>, vector<16xi32>, vector<16xi1>
      tpu.vector_store %arg10[%swap3A_908], %get3A_899 masked %and3A_907 {strides = array<i32>} : memref<8224xi32, #tpu.memory_space<vmem>>, vector<16xi32>, vector<16xi1>
      %all_reduce_population_count3A_910 = tpu.all_reduce %and3A_907 {dim = 0 : i64, kind = #tpu.reduction_kind<sum>} : vector<16xi1> -> vector<16xi32>
      %slice3A_911 = vector.extract_strided_slice %all_reduce_population_count3A_910 {offsets = [0], sizes = [1], strides = [1]} : vector<16xi32> to vector<1xi32>
      %squeeze3A_912 = vector.extract %slice3A_911[0] : i32 from vector<1xi32>
      %add3A_913 = arith.addi %add3A_893, %squeeze3A_912 : i32
      %scan3A_914 = arith.constant 7 : i32
      %scan3A_915 = arith.addi %scan3A_775, %scan3A_914 : i32
      %mul3A_916 = arith.constant 16 : i32
      %mul3A_917 = arith.muli %scan3A_915, %mul3A_916 : i32
      %get3A_918 = arith.index_cast %mul3A_917 : i32 to index
      %get3A_919 = tpu.vector_load %arg7[%get3A_918] {strides = array<i32>} : memref<32768xi32, #tpu.memory_space<vmem>>, vector<16xi32>,
      %xor3A_920 = vector.broadcast %scan3A_264 : i32 to vector<16xi32>
      %xor3A_921 = arith.xori %get3A_919, %xor3A_920 : vector<16xi32>
      %ge3A_922 = vector.broadcast %xor3A_263 : i32 to vector<16xi32>
      %ge3A_923 = arith.cmpi sge, %xor3A_921, %ge3A_922 : vector<16xi32>
      %lt3A_924 = arith.constant 8176 : i32
      %lt3A_925 = arith.cmpi slt, %add3A_913, %lt3A_924 : i32
      %and3A_926 = vector.broadcast %lt3A_925 : i1 to vector<16xi1>
      %and3A_927 = arith.andi %ge3A_923, %and3A_926 : vector<16xi1>
      %swap3A_928 = arith.index_cast %add3A_913 : i32 to index
      %swap3A_929 = tpu.vector_load %arg10[%swap3A_928] masked %and3A_927 {strides = array<i32>} : memref<8224xi32, #tpu.memory_space<vmem>>, vector<16xi32>, vector<16xi1>
      tpu.vector_store %arg10[%swap3A_928], %get3A_919 masked %and3A_927 {strides = array<i32>} : memref<8224xi32, #tpu.memory_space<vmem>>, vector<16xi32>, vector<16xi1>
      %all_reduce_population_count3A_930 = tpu.all_reduce %and3A_927 {dim = 0 : i64, kind = #tpu.reduction_kind<sum>} : vector<16xi1> -> vector<16xi32>
      %slice3A_931 = vector.extract_strided_slice %all_reduce_population_count3A_930 {offsets = [0], sizes = [1], strides = [1]} : vector<16xi32> to vector<1xi32>
      %squeeze3A_932 = vector.extract %slice3A_931[0] : i32 from vector<1xi32>
      %add3A_933 = arith.addi %add3A_913, %squeeze3A_932 : i32
      scf.yield %add3A_933 : i32
    }
    %scan3A_271 = arith.constant 2048 : i32
    %add3A_272 = arith.constant 15 : i32
    %add3A_273 = arith.addi %scan3A_270, %add3A_272 : i32
    %jit3A_274 = arith.constant 16 : i32
    %div3A_275 = arith.divsi %add3A_273, %jit3A_274 : i32
    %sign3A_276 = arith.constant 0 : i32
    %sign3A_277 = arith.cmpi sgt, %add3A_273, %sign3A_276 : i32
    %sign3A_278 = arith.extui %sign3A_277 : i1 to i32
    %sign3A_279 = arith.constant 0 : i32
    %sign3A_280 = arith.cmpi slt, %add3A_273, %sign3A_279 : i32
    %sign3A_281 = arith.extui %sign3A_280 : i1 to i32
    %sign3A_282 = arith.subi %sign3A_278, %sign3A_281 : i32
    %sign3A_283 = arith.constant 0 : i32
    %sign3A_284 = arith.cmpi sgt, %jit3A_274, %sign3A_283 : i32
    %sign3A_285 = arith.extui %sign3A_284 : i1 to i32
    %sign3A_286 = arith.constant 0 : i32
    %sign3A_287 = arith.cmpi slt, %jit3A_274, %sign3A_286 : i32
    %sign3A_288 = arith.extui %sign3A_287 : i1 to i32
    %sign3A_289 = arith.subi %sign3A_285, %sign3A_288 : i32
    %ne3A_290 = arith.cmpi ne, %sign3A_282, %sign3A_289 : i32
    %rem3A_291 = arith.remsi %add3A_273, %jit3A_274 : i32
    %ne3A_292 = arith.constant 0 : i32
    %ne3A_293 = arith.cmpi ne, %rem3A_291, %ne3A_292 : i32
    %and3A_294 = arith.andi %ne3A_290, %ne3A_293 : i1
    %sub3A_295 = arith.constant 1 : i32
    %sub3A_296 = arith.subi %div3A_275, %sub3A_295 : i32
    %select_n3A_297 = arith.select %and3A_294, %sub3A_296, %div3A_275 : i32
    %swap3A_298 = arith.index_cast %scan3A_270 : i32 to index
    %swap3A_299 = tpu.vector_load %arg10[%swap3A_298] {strides = array<i32>} : memref<8224xi32, #tpu.memory_space<vmem>>, vector<16xi32>,
    tpu.vector_store %arg10[%swap3A_298], %broadcast_in_dim3A_1 {strides = array<i32>} : memref<8224xi32, #tpu.memory_space<vmem>>, vector<16xi32>,
    %scan3A_300 = arith.constant -2147483648 : i32
    %scan3A_301 = arith.constant 0 : i32
    %scan3A_302 = arith.constant 0 : i32
    %scan3A_303 = arith.constant 32 : i32
    %scan3A_304 = arith.addi %scan3A_302, %scan3A_303 : i32
    %scan3A_305 = arith.constant 1 : i32
    %scan3A_306 = scf.for %scan3A_775 = %scan3A_302 to %scan3A_304 step %scan3A_305 iter_args(%scan3A_776 = %scan3A_301) -> (i32)  : i32 {
      %sub3A_777 = arith.constant 31 : i32
      %sub3A_778 = arith.subi %sub3A_777, %scan3A_775 : i32
      %shift_left3A_779 = arith.constant 1 : i32
      %shift_left3A_780 = arith.shli %shift_left3A_779, %sub3A_778 : i32
      %or3A = arith.ori %scan3A_776, %shift_left3A_780 : i32
      %xor3A_781 = arith.xori %or3A, %scan3A_300 : i32
      %while3A_782 = arith.constant 0 : i32
      %while3A_783 = arith.subi %select_n3A_297, %while3A_782 : i32
      %while3A_784 = arith.addi %while3A_782, %while3A_783 : i32
      %while3A_785 = arith.constant 1 : i32
      %while3A_786 = arith.divsi %while3A_783, %while3A_785 : i32
      %while3A_787 = arith.muli %while3A_786, %while3A_785 : i32
      %while3A_788 = arith.addi %while3A_782, %while3A_787 : i32
      %while3A_789 = arith.constant 1 : i32
      %while3A_790 = scf.for %while3A_799 = %while3A_782 to %while3A_788 step %while3A_789 iter_args(%while3A_800 = %broadcast_in_dim3A_1) -> (vector<16xi32>)  : i32 {
        %mul3A_801 = arith.constant 16 : i32
        %mul3A_802 = arith.muli %while3A_799, %mul3A_801 : i32
        %get3A_803 = arith.index_cast %mul3A_802 : i32 to index
        %get3A_804 = tpu.vector_load %arg10[%get3A_803] {strides = array<i32>} : memref<8224xi32, #tpu.memory_space<vmem>>, vector<16xi32>,
        %xor3A_805 = vector.broadcast %scan3A_300 : i32 to vector<16xi32>
        %xor3A_806 = arith.xori %get3A_804, %xor3A_805 : vector<16xi32>
        %ge3A_807 = vector.broadcast %xor3A_781 : i32 to vector<16xi32>
        %ge3A_808 = arith.cmpi sge, %xor3A_806, %ge3A_807 : vector<16xi32>
        %all_reduce_population_count3A = tpu.all_reduce %ge3A_808 {dim = 0 : i64, kind = #tpu.reduction_kind<sum>} : vector<16xi1> -> vector<16xi32>
        %add3A_809 = arith.addi %while3A_800, %all_reduce_population_count3A : vector<16xi32>
        scf.yield %add3A_809 : vector<16xi32>
      }
      %while3A_791 = arith.constant 1 : i32
      %while3A_792 = scf.for %while3A_799 = %while3A_788 to %while3A_784 step %while3A_791 iter_args(%while3A_800 = %while3A_790) -> (vector<16xi32>)  : i32 {
        %mul3A_801 = arith.constant 16 : i32
        %mul3A_802 = arith.muli %while3A_799, %mul3A_801 : i32
        %get3A_803 = arith.index_cast %mul3A_802 : i32 to index
        %get3A_804 = tpu.vector_load %arg10[%get3A_803] {strides = array<i32>} : memref<8224xi32, #tpu.memory_space<vmem>>, vector<16xi32>,
        %xor3A_805 = vector.broadcast %scan3A_300 : i32 to vector<16xi32>
        %xor3A_806 = arith.xori %get3A_804, %xor3A_805 : vector<16xi32>
        %ge3A_807 = vector.broadcast %xor3A_781 : i32 to vector<16xi32>
        %ge3A_808 = arith.cmpi sge, %xor3A_806, %ge3A_807 : vector<16xi32>
        %all_reduce_population_count3A = tpu.all_reduce %ge3A_808 {dim = 0 : i64, kind = #tpu.reduction_kind<sum>} : vector<16xi1> -> vector<16xi32>
        %add3A_809 = arith.addi %while3A_800, %all_reduce_population_count3A : vector<16xi32>
        scf.yield %add3A_809 : vector<16xi32>
      }
      %slice3A_793 = vector.extract_strided_slice %while3A_792 {offsets = [0], sizes = [1], strides = [1]} : vector<16xi32> to vector<1xi32>
      %squeeze3A_794 = vector.extract %slice3A_793[0] : i32 from vector<1xi32>
      %ge3A_795 = arith.constant 64 : i32
      %ge3A_796 = arith.cmpi sge, %squeeze3A_794, %ge3A_795 : i32
      %or3A_797 = arith.ori %scan3A_776, %shift_left3A_780 : i32
      %select_n3A_798 = arith.select %ge3A_796, %or3A_797, %scan3A_776 : i32
      scf.yield %select_n3A_798 : i32
    }
    %scan3A_307 = arith.constant 32 : i32
    %xor3A_308 = arith.constant -2147483648 : i32
    %xor3A_309 = arith.xori %scan3A_306, %xor3A_308 : i32
    %broadcast_in_dim3A_310 = arith.constant -3.400000e+38 : f32
    %broadcast_in_dim3A_311 = vector.broadcast %broadcast_in_dim3A_310 : f32 to vector<16xf32>
    %while3A_312 = arith.constant -2147483648 : i32
    %while3A_313 = arith.constant 2147483647 : i32
    %while3A_314 = arith.constant 0 : i32
    %while3A_315 = arith.subi %select_n3A_297, %while3A_314 : i32
    %while3A_316 = arith.addi %while3A_314, %while3A_315 : i32
    %while3A_317 = arith.constant 1 : i32
    %while3A_318 = arith.divsi %while3A_315, %while3A_317 : i32
    %while3A_319 = arith.muli %while3A_318, %while3A_317 : i32
    %while3A_320 = arith.addi %while3A_314, %while3A_319 : i32
    %while3A_321 = arith.constant 1 : i32
    %while3A_322 = scf.for %while3A_775 = %while3A_314 to %while3A_320 step %while3A_321 iter_args(%while3A_776 = %broadcast_in_dim3A_311) -> (vector<16xf32>)  : i32 {
      %mul3A_777 = arith.constant 16 : i32
      %mul3A_778 = arith.muli %while3A_775, %mul3A_777 : i32
      %get3A_779 = arith.index_cast %mul3A_778 : i32 to index
      %get3A_780 = tpu.vector_load %arg10[%get3A_779] {strides = array<i32>} : memref<8224xi32, #tpu.memory_space<vmem>>, vector<16xi32>,
      %eq3A_781 = arith.constant 0 : i32
      %eq3A_782 = vector.broadcast %eq3A_781 : i32 to vector<16xi32>
      %eq3A_783 = arith.cmpi eq, %get3A_780, %eq3A_782 : vector<16xi32>
      %xor3A_784 = vector.broadcast %while3A_312 : i32 to vector<16xi32>
      %xor3A_785 = arith.xori %get3A_780, %xor3A_784 : vector<16xi32>
      %shift_right_arithmetic3A = arith.constant 31 : i32
      %shift_right_arithmetic3A_786 = vector.broadcast %shift_right_arithmetic3A : i32 to vector<16xi32>
      %shift_right_arithmetic3A_787 = arith.shrsi %xor3A_785, %shift_right_arithmetic3A_786 : vector<16xi32>
      %and3A_788 = vector.broadcast %while3A_313 : i32 to vector<16xi32>
      %and3A_789 = arith.andi %shift_right_arithmetic3A_787, %and3A_788 : vector<16xi32>
      %xor3A_790 = arith.xori %xor3A_785, %and3A_789 : vector<16xi32>
      %bitcast_convert_type3A_791 = tpu.bitcast %xor3A_790 : vector<16xi32> -> vector<16xf32>
      %jit3A_792 = arith.constant -3.400000e+38 : f32
      %broadcast_in_dim3A_793 = vector.broadcast %jit3A_792 : f32 to vector<16xf32>
      %select_n3A_794 = arith.select %eq3A_783, %broadcast_in_dim3A_793, %bitcast_convert_type3A_791 : vector<16xi1>, vector<16xf32>
      %max3A = arith.maximumf %while3A_776, %select_n3A_794 : vector<16xf32>
      scf.yield %max3A : vector<16xf32>
    }
    %while3A_323 = arith.constant 1 : i32
    %while3A_324 = scf.for %while3A_775 = %while3A_320 to %while3A_316 step %while3A_323 iter_args(%while3A_776 = %while3A_322) -> (vector<16xf32>)  : i32 {
      %mul3A_777 = arith.constant 16 : i32
      %mul3A_778 = arith.muli %while3A_775, %mul3A_777 : i32
      %get3A_779 = arith.index_cast %mul3A_778 : i32 to index
      %get3A_780 = tpu.vector_load %arg10[%get3A_779] {strides = array<i32>} : memref<8224xi32, #tpu.memory_space<vmem>>, vector<16xi32>,
      %eq3A_781 = arith.constant 0 : i32
      %eq3A_782 = vector.broadcast %eq3A_781 : i32 to vector<16xi32>
      %eq3A_783 = arith.cmpi eq, %get3A_780, %eq3A_782 : vector<16xi32>
      %xor3A_784 = vector.broadcast %while3A_312 : i32 to vector<16xi32>
      %xor3A_785 = arith.xori %get3A_780, %xor3A_784 : vector<16xi32>
      %shift_right_arithmetic3A = arith.constant 31 : i32
      %shift_right_arithmetic3A_786 = vector.broadcast %shift_right_arithmetic3A : i32 to vector<16xi32>
      %shift_right_arithmetic3A_787 = arith.shrsi %xor3A_785, %shift_right_arithmetic3A_786 : vector<16xi32>
      %and3A_788 = vector.broadcast %while3A_313 : i32 to vector<16xi32>
      %and3A_789 = arith.andi %shift_right_arithmetic3A_787, %and3A_788 : vector<16xi32>
      %xor3A_790 = arith.xori %xor3A_785, %and3A_789 : vector<16xi32>
      %bitcast_convert_type3A_791 = tpu.bitcast %xor3A_790 : vector<16xi32> -> vector<16xf32>
      %jit3A_792 = arith.constant -3.400000e+38 : f32
      %broadcast_in_dim3A_793 = vector.broadcast %jit3A_792 : f32 to vector<16xf32>
      %select_n3A_794 = arith.select %eq3A_783, %broadcast_in_dim3A_793, %bitcast_convert_type3A_791 : vector<16xi1>, vector<16xf32>
      %max3A = arith.maximumf %while3A_776, %select_n3A_794 : vector<16xf32>
      scf.yield %max3A : vector<16xf32>
    }
    %reduce_max3A_325 = arith.constant true
    %reduce_max3A_326 = vector.broadcast %reduce_max3A_325 : i1 to vector<16xi1>
    %reduce_max3A_327 = tpu.scan <max>, %while3A_324 masked %reduce_max3A_326 : vector<16xf32>, vector<16xi1> -> vector<16xf32>
    %reduce_max3A_328 = vector.extract %reduce_max3A_327[15] : f32 from vector<16xf32>
    %broadcast_in_dim3A_329 = arith.constant 0.000000e+00 : f32
    %broadcast_in_dim3A_330 = vector.broadcast %broadcast_in_dim3A_329 : f32 to vector<16xf32>
    %while3A_331 = arith.constant -2147483648 : i32
    %while3A_332 = arith.constant 2147483647 : i32
    %while3A_333 = arith.constant 0 : i32
    %while3A_334 = arith.subi %select_n3A_297, %while3A_333 : i32
    %while3A_335 = arith.addi %while3A_333, %while3A_334 : i32
    %while3A_336 = arith.constant 1 : i32
    %while3A_337 = arith.divsi %while3A_334, %while3A_336 : i32
    %while3A_338 = arith.muli %while3A_337, %while3A_336 : i32
    %while3A_339 = arith.addi %while3A_333, %while3A_338 : i32
    %while3A_340 = arith.constant 1 : i32
    %while3A_341:2 = scf.for %while3A_775 = %while3A_333 to %while3A_339 step %while3A_340 iter_args(%while3A_776 = %broadcast_in_dim3A_330, %while3A_777 = %broadcast_in_dim3A_1) -> (vector<16xf32>, vector<16xi32>)  : i32 {
      %mul3A_778 = arith.constant 16 : i32
      %mul3A_779 = arith.muli %while3A_775, %mul3A_778 : i32
      %get3A_780 = arith.index_cast %mul3A_779 : i32 to index
      %get3A_781 = tpu.vector_load %arg10[%get3A_780] {strides = array<i32>} : memref<8224xi32, #tpu.memory_space<vmem>>, vector<16xi32>,
      %xor3A_782 = vector.broadcast %while3A_331 : i32 to vector<16xi32>
      %xor3A_783 = arith.xori %get3A_781, %xor3A_782 : vector<16xi32>
      %ge3A_784 = vector.broadcast %xor3A_309 : i32 to vector<16xi32>
      %ge3A_785 = arith.cmpi sge, %xor3A_783, %ge3A_784 : vector<16xi32>
      %xor3A_786 = vector.broadcast %while3A_331 : i32 to vector<16xi32>
      %xor3A_787 = arith.xori %get3A_781, %xor3A_786 : vector<16xi32>
      %shift_right_arithmetic3A = arith.constant 31 : i32
      %shift_right_arithmetic3A_788 = vector.broadcast %shift_right_arithmetic3A : i32 to vector<16xi32>
      %shift_right_arithmetic3A_789 = arith.shrsi %xor3A_787, %shift_right_arithmetic3A_788 : vector<16xi32>
      %and3A_790 = vector.broadcast %while3A_332 : i32 to vector<16xi32>
      %and3A_791 = arith.andi %shift_right_arithmetic3A_789, %and3A_790 : vector<16xi32>
      %xor3A_792 = arith.xori %xor3A_787, %and3A_791 : vector<16xi32>
      %bitcast_convert_type3A_793 = tpu.bitcast %xor3A_792 : vector<16xi32> -> vector<16xf32>
      %sub3A_794 = vector.broadcast %reduce_max3A_328 : f32 to vector<16xf32>
      %sub3A_795 = arith.subf %bitcast_convert_type3A_793, %sub3A_794 : vector<16xf32>
      %exp3A_796 = math.exp %sub3A_795 : vector<16xf32>
      %jit3A_797 = arith.constant 0.000000e+00 : f32
      %broadcast_in_dim3A_798 = vector.broadcast %jit3A_797 : f32 to vector<16xf32>
      %select_n3A_799 = arith.select %ge3A_785, %exp3A_796, %broadcast_in_dim3A_798 : vector<16xi1>, vector<16xf32>
      %add3A_800 = arith.addf %while3A_776, %select_n3A_799 : vector<16xf32>
      %all_reduce_population_count3A = tpu.all_reduce %ge3A_785 {dim = 0 : i64, kind = #tpu.reduction_kind<sum>} : vector<16xi1> -> vector<16xi32>
      %add3A_801 = arith.addi %while3A_777, %all_reduce_population_count3A : vector<16xi32>
      scf.yield %add3A_800, %add3A_801 : vector<16xf32>, vector<16xi32>
    }
    %while3A_342 = arith.constant 1 : i32
    %while3A_343:2 = scf.for %while3A_775 = %while3A_339 to %while3A_335 step %while3A_342 iter_args(%while3A_776 = %while3A_341#0, %while3A_777 = %while3A_341#1) -> (vector<16xf32>, vector<16xi32>)  : i32 {
      %mul3A_778 = arith.constant 16 : i32
      %mul3A_779 = arith.muli %while3A_775, %mul3A_778 : i32
      %get3A_780 = arith.index_cast %mul3A_779 : i32 to index
      %get3A_781 = tpu.vector_load %arg10[%get3A_780] {strides = array<i32>} : memref<8224xi32, #tpu.memory_space<vmem>>, vector<16xi32>,
      %xor3A_782 = vector.broadcast %while3A_331 : i32 to vector<16xi32>
      %xor3A_783 = arith.xori %get3A_781, %xor3A_782 : vector<16xi32>
      %ge3A_784 = vector.broadcast %xor3A_309 : i32 to vector<16xi32>
      %ge3A_785 = arith.cmpi sge, %xor3A_783, %ge3A_784 : vector<16xi32>
      %xor3A_786 = vector.broadcast %while3A_331 : i32 to vector<16xi32>
      %xor3A_787 = arith.xori %get3A_781, %xor3A_786 : vector<16xi32>
      %shift_right_arithmetic3A = arith.constant 31 : i32
      %shift_right_arithmetic3A_788 = vector.broadcast %shift_right_arithmetic3A : i32 to vector<16xi32>
      %shift_right_arithmetic3A_789 = arith.shrsi %xor3A_787, %shift_right_arithmetic3A_788 : vector<16xi32>
      %and3A_790 = vector.broadcast %while3A_332 : i32 to vector<16xi32>
      %and3A_791 = arith.andi %shift_right_arithmetic3A_789, %and3A_790 : vector<16xi32>
      %xor3A_792 = arith.xori %xor3A_787, %and3A_791 : vector<16xi32>
      %bitcast_convert_type3A_793 = tpu.bitcast %xor3A_792 : vector<16xi32> -> vector<16xf32>
      %sub3A_794 = vector.broadcast %reduce_max3A_328 : f32 to vector<16xf32>
      %sub3A_795 = arith.subf %bitcast_convert_type3A_793, %sub3A_794 : vector<16xf32>
      %exp3A_796 = math.exp %sub3A_795 : vector<16xf32>
      %jit3A_797 = arith.constant 0.000000e+00 : f32
      %broadcast_in_dim3A_798 = vector.broadcast %jit3A_797 : f32 to vector<16xf32>
      %select_n3A_799 = arith.select %ge3A_785, %exp3A_796, %broadcast_in_dim3A_798 : vector<16xi1>, vector<16xf32>
      %add3A_800 = arith.addf %while3A_776, %select_n3A_799 : vector<16xf32>
      %all_reduce_population_count3A = tpu.all_reduce %ge3A_785 {dim = 0 : i64, kind = #tpu.reduction_kind<sum>} : vector<16xi1> -> vector<16xi32>
      %add3A_801 = arith.addi %while3A_777, %all_reduce_population_count3A : vector<16xi32>
      scf.yield %add3A_800, %add3A_801 : vector<16xf32>, vector<16xi32>
    }
    %reduce_sum3A_344 = arith.constant true
    %reduce_sum3A_345 = vector.broadcast %reduce_sum3A_344 : i1 to vector<16xi1>
    %reduce_sum3A_346 = tpu.scan <sum>, %while3A_343#0 masked %reduce_sum3A_345 : vector<16xf32>, vector<16xi1> -> vector<16xf32>
    %reduce_sum3A_347 = vector.extract %reduce_sum3A_346[15] : f32 from vector<16xf32>
    %slice3A_348 = vector.extract_strided_slice %while3A_343#1 {offsets = [0], sizes = [1], strides = [1]} : vector<16xi32> to vector<1xi32>
    %squeeze3A_349 = vector.extract %slice3A_348[0] : i32 from vector<1xi32>
    %lt3A_350 = arith.constant 0 : i32
    %lt3A_351 = arith.cmpi slt, %xor3A_309, %lt3A_350 : i32
    %xor3A_352 = arith.constant 2147483647 : i32
    %xor3A_353 = arith.xori %xor3A_309, %xor3A_352 : i32
    %select_n3A_354 = arith.select %lt3A_351, %xor3A_353, %xor3A_309 : i32
    %bitcast_convert_type3A_355 = arith.bitcast %select_n3A_354 : i32 to f32
    %sub3A_356 = arith.subf %bitcast_convert_type3A_355, %reduce_max3A_328 : f32
    %broadcast_in_dim3A_357 = vector.broadcast %sub3A_356 : f32 to vector<16xf32>
    %exp3A_358 = math.exp %broadcast_in_dim3A_357 : vector<16xf32>
    %slice3A_359 = vector.extract_strided_slice %exp3A_358 {offsets = [0], sizes = [1], strides = [1]} : vector<16xf32> to vector<1xf32>
    %squeeze3A_360 = vector.extract %slice3A_359[0] : f32 from vector<1xf32>
    %sub3A_361 = arith.constant 64 : i32
    %sub3A_362 = arith.subi %squeeze3A_349, %sub3A_361 : i32
    %convert_element_type3A_363 = arith.sitofp %sub3A_362 : i32 to f32
    %mul3A_364 = arith.mulf %convert_element_type3A_363, %squeeze3A_360 : f32
    %sub3A_365 = arith.subf %reduce_sum3A_347, %mul3A_364 : f32
    %eq3A_366 = arith.constant 1 : i32
    %eq3A_367 = vector.broadcast %eq3A_366 : i32 to vector<16xi32>
    %eq3A_368 = arith.cmpi eq, %iota3A, %eq3A_367 : vector<16xi32>
    %broadcast_in_dim3A_369 = vector.broadcast %xor3A_309 : i32 to vector<16xi32>
    %select_n3A_370 = arith.select %eq3A_368, %broadcast_in_dim3A_369, %select_n3A_173 : vector<16xi1>, vector<16xi32>
    %broadcast_in_dim3A_371 = vector.broadcast %reduce_max3A_328 : f32 to vector<16xf32>
    %select_n3A_372 = arith.select %eq3A_368, %broadcast_in_dim3A_371, %select_n3A_175 : vector<16xi1>, vector<16xf32>
    %broadcast_in_dim3A_373 = vector.broadcast %sub3A_365 : f32 to vector<16xf32>
    %select_n3A_374 = arith.select %eq3A_368, %broadcast_in_dim3A_373, %select_n3A_177 : vector<16xi1>, vector<16xf32>
    %mul3A_375 = arith.constant 4 : i32
    %mul3A_376 = arith.muli %add3A, %mul3A_375 : i32
    %add3A_377 = arith.constant 2 : i32
    %add3A_378 = arith.addi %mul3A_376, %add3A_377 : i32
    "tpu.region"() ({
      %run_scoped3A = tpu.sem_alloc : memref<!tpu.dma_semaphore, #tpu.memory_space<semaphore_mem>>
      %dma_start3A = arith.constant 0 : i32
      %dma_start3A_775 = tpu.memref_slice %arg2[%add3A_378, %dma_start3A] : memref<128x32768xf32, #tpu.memory_space<hbm>> -> memref<1x32768xf32, #tpu.memory_space<hbm>>
      %dma_start3A_776 = tpu.memref_squeeze %dma_start3A_775 : memref<1x32768xf32, #tpu.memory_space<hbm>> -> memref<32768xf32, #tpu.memory_space<hbm>>
      %dma_start3A_777 = arith.constant 0 : i32
      %dma_start3A_778 = tpu.memref_slice %arg2[%add3A_378, %dma_start3A_777] : memref<128x32768xf32, #tpu.memory_space<hbm>> -> memref<1x32768xf32, #tpu.memory_space<hbm>>
      %dma_start3A_779 = tpu.memref_squeeze %dma_start3A_778 : memref<1x32768xf32, #tpu.memory_space<hbm>> -> memref<32768xf32, #tpu.memory_space<hbm>>
      tpu.enqueue_dma source(%dma_start3A_779 : memref<32768xf32, #tpu.memory_space<hbm>>) target(%arg6 : memref<32768xf32, #tpu.memory_space<vmem>>) target_semaphore(%run_scoped3A : memref<!tpu.dma_semaphore, #tpu.memory_space<semaphore_mem>>)
      %dma_wait3A = arith.constant 0 : i32
      %dma_wait3A_780 = tpu.memref_slice %arg2[%add3A_378, %dma_wait3A] : memref<128x32768xf32, #tpu.memory_space<hbm>> -> memref<1x32768xf32, #tpu.memory_space<hbm>>
      %dma_wait3A_781 = tpu.memref_squeeze %dma_wait3A_780 : memref<1x32768xf32, #tpu.memory_space<hbm>> -> memref<32768xf32, #tpu.memory_space<hbm>>
      %dma_wait3A_782 = arith.constant 0 : i32
      %dma_wait3A_783 = tpu.memref_slice %arg2[%add3A_378, %dma_wait3A_782] : memref<128x32768xf32, #tpu.memory_space<hbm>> -> memref<1x32768xf32, #tpu.memory_space<hbm>>
      %dma_wait3A_784 = tpu.memref_squeeze %dma_wait3A_783 : memref<1x32768xf32, #tpu.memory_space<hbm>> -> memref<32768xf32, #tpu.memory_space<hbm>>
      tpu.wait_dma2 semaphore(%run_scoped3A : memref<!tpu.dma_semaphore, #tpu.memory_space<semaphore_mem>>) src(%dma_wait3A_784 : memref<32768xf32, #tpu.memory_space<hbm>>) dst(%arg6 : memref<32768xf32, #tpu.memory_space<vmem>>)
      tpu.yield
    }) : () -> ()
    %scan3A_379 = arith.constant 0 : i32
    %scan3A_380 = arith.constant 0 : i32
    %scan3A_381 = arith.constant 2048 : i32
    %scan3A_382 = arith.addi %scan3A_380, %scan3A_381 : i32
    %scan3A_383 = arith.constant 8 : i32
    scf.for %scan3A_775 = %scan3A_380 to %scan3A_382 step %scan3A_383  : i32 {
      %mul3A_776 = arith.constant 16 : i32
      %mul3A_777 = arith.muli %scan3A_775, %mul3A_776 : i32
      %swap3A_778 = arith.index_cast %mul3A_777 : i32 to index
      %swap3A_779 = tpu.vector_load %arg8[%swap3A_778] {strides = array<i32>} : memref<32800xi32, #tpu.memory_space<vmem>>, vector<16xi32>,
      tpu.vector_store %arg8[%swap3A_778], %broadcast_in_dim3A_1 {strides = array<i32>} : memref<32800xi32, #tpu.memory_space<vmem>>, vector<16xi32>,
      %scan3A_780 = arith.constant 1 : i32
      %scan3A_781 = arith.addi %scan3A_775, %scan3A_780 : i32
      %mul3A_782 = arith.constant 16 : i32
      %mul3A_783 = arith.muli %scan3A_781, %mul3A_782 : i32
      %swap3A_784 = arith.index_cast %mul3A_783 : i32 to index
      %swap3A_785 = tpu.vector_load %arg8[%swap3A_784] {strides = array<i32>} : memref<32800xi32, #tpu.memory_space<vmem>>, vector<16xi32>,
      tpu.vector_store %arg8[%swap3A_784], %broadcast_in_dim3A_1 {strides = array<i32>} : memref<32800xi32, #tpu.memory_space<vmem>>, vector<16xi32>,
      %scan3A_786 = arith.constant 2 : i32
      %scan3A_787 = arith.addi %scan3A_775, %scan3A_786 : i32
      %mul3A_788 = arith.constant 16 : i32
      %mul3A_789 = arith.muli %scan3A_787, %mul3A_788 : i32
      %swap3A_790 = arith.index_cast %mul3A_789 : i32 to index
      %swap3A_791 = tpu.vector_load %arg8[%swap3A_790] {strides = array<i32>} : memref<32800xi32, #tpu.memory_space<vmem>>, vector<16xi32>,
      tpu.vector_store %arg8[%swap3A_790], %broadcast_in_dim3A_1 {strides = array<i32>} : memref<32800xi32, #tpu.memory_space<vmem>>, vector<16xi32>,
      %scan3A_792 = arith.constant 3 : i32
      %scan3A_793 = arith.addi %scan3A_775, %scan3A_792 : i32
      %mul3A_794 = arith.constant 16 : i32
      %mul3A_795 = arith.muli %scan3A_793, %mul3A_794 : i32
      %swap3A_796 = arith.index_cast %mul3A_795 : i32 to index
      %swap3A_797 = tpu.vector_load %arg8[%swap3A_796] {strides = array<i32>} : memref<32800xi32, #tpu.memory_space<vmem>>, vector<16xi32>,
      tpu.vector_store %arg8[%swap3A_796], %broadcast_in_dim3A_1 {strides = array<i32>} : memref<32800xi32, #tpu.memory_space<vmem>>, vector<16xi32>,
      %scan3A_798 = arith.constant 4 : i32
      %scan3A_799 = arith.addi %scan3A_775, %scan3A_798 : i32
      %mul3A_800 = arith.constant 16 : i32
      %mul3A_801 = arith.muli %scan3A_799, %mul3A_800 : i32
      %swap3A_802 = arith.index_cast %mul3A_801 : i32 to index
      %swap3A_803 = tpu.vector_load %arg8[%swap3A_802] {strides = array<i32>} : memref<32800xi32, #tpu.memory_space<vmem>>, vector<16xi32>,
      tpu.vector_store %arg8[%swap3A_802], %broadcast_in_dim3A_1 {strides = array<i32>} : memref<32800xi32, #tpu.memory_space<vmem>>, vector<16xi32>,
      %scan3A_804 = arith.constant 5 : i32
      %scan3A_805 = arith.addi %scan3A_775, %scan3A_804 : i32
      %mul3A_806 = arith.constant 16 : i32
      %mul3A_807 = arith.muli %scan3A_805, %mul3A_806 : i32
      %swap3A_808 = arith.index_cast %mul3A_807 : i32 to index
      %swap3A_809 = tpu.vector_load %arg8[%swap3A_808] {strides = array<i32>} : memref<32800xi32, #tpu.memory_space<vmem>>, vector<16xi32>,
      tpu.vector_store %arg8[%swap3A_808], %broadcast_in_dim3A_1 {strides = array<i32>} : memref<32800xi32, #tpu.memory_space<vmem>>, vector<16xi32>,
      %scan3A_810 = arith.constant 6 : i32
      %scan3A_811 = arith.addi %scan3A_775, %scan3A_810 : i32
      %mul3A_812 = arith.constant 16 : i32
      %mul3A_813 = arith.muli %scan3A_811, %mul3A_812 : i32
      %swap3A_814 = arith.index_cast %mul3A_813 : i32 to index
      %swap3A_815 = tpu.vector_load %arg8[%swap3A_814] {strides = array<i32>} : memref<32800xi32, #tpu.memory_space<vmem>>, vector<16xi32>,
      tpu.vector_store %arg8[%swap3A_814], %broadcast_in_dim3A_1 {strides = array<i32>} : memref<32800xi32, #tpu.memory_space<vmem>>, vector<16xi32>,
      %scan3A_816 = arith.constant 7 : i32
      %scan3A_817 = arith.addi %scan3A_775, %scan3A_816 : i32
      %mul3A_818 = arith.constant 16 : i32
      %mul3A_819 = arith.muli %scan3A_817, %mul3A_818 : i32
      %swap3A_820 = arith.index_cast %mul3A_819 : i32 to index
      %swap3A_821 = tpu.vector_load %arg8[%swap3A_820] {strides = array<i32>} : memref<32800xi32, #tpu.memory_space<vmem>>, vector<16xi32>,
      tpu.vector_store %arg8[%swap3A_820], %broadcast_in_dim3A_1 {strides = array<i32>} : memref<32800xi32, #tpu.memory_space<vmem>>, vector<16xi32>,
    }
    %scan3A_384 = arith.constant 2048 : i32
    %scan3A_385 = arith.addi %scan3A_380, %scan3A_384 : i32
    %mul3A_386 = arith.constant 16 : i32
    %mul3A_387 = arith.muli %scan3A_385, %mul3A_386 : i32
    %swap3A_388 = arith.index_cast %mul3A_387 : i32 to index
    %swap3A_389 = tpu.vector_load %arg8[%swap3A_388] {strides = array<i32>} : memref<32800xi32, #tpu.memory_space<vmem>>, vector<16xi32>,
    tpu.vector_store %arg8[%swap3A_388], %broadcast_in_dim3A_1 {strides = array<i32>} : memref<32800xi32, #tpu.memory_space<vmem>>, vector<16xi32>,
    %scan3A_390 = arith.constant 2049 : i32
    %scan3A_391 = arith.addi %scan3A_380, %scan3A_390 : i32
    %mul3A_392 = arith.constant 16 : i32
    %mul3A_393 = arith.muli %scan3A_391, %mul3A_392 : i32
    %swap3A_394 = arith.index_cast %mul3A_393 : i32 to index
    %swap3A_395 = tpu.vector_load %arg8[%swap3A_394] {strides = array<i32>} : memref<32800xi32, #tpu.memory_space<vmem>>, vector<16xi32>,
    tpu.vector_store %arg8[%swap3A_394], %broadcast_in_dim3A_1 {strides = array<i32>} : memref<32800xi32, #tpu.memory_space<vmem>>, vector<16xi32>,
    %scan3A_396 = arith.constant 2050 : i32
    %mul3A_397 = arith.constant 2049 : i32
    %mul3A_398 = vector.broadcast %mul3A_397 : i32 to vector<16xi32>
    %mul3A_399 = arith.muli %iota3A, %mul3A_398 : vector<16xi32>
    %scan3A_400 = arith.constant 0 : i32
    %scan3A_401 = arith.constant -2147483648 : i32
    %scan3A_402 = arith.constant 0 : i32
    %scan3A_403 = arith.constant 2048 : i32
    %scan3A_404 = arith.addi %scan3A_402, %scan3A_403 : i32
    %scan3A_405 = arith.constant 8 : i32
    scf.for %scan3A_775 = %scan3A_402 to %scan3A_404 step %scan3A_405  : i32 {
      %mul3A_776 = arith.constant 16 : i32
      %mul3A_777 = arith.muli %scan3A_775, %mul3A_776 : i32
      %get3A_778 = arith.index_cast %mul3A_777 : i32 to index
      %get3A_779 = tpu.vector_load %arg6[%get3A_778] {strides = array<i32>} : memref<32768xf32, #tpu.memory_space<vmem>>, vector<16xf32>,
      %bitcast_convert_type3A_780 = tpu.bitcast %get3A_779 : vector<16xf32> -> vector<16xi32>
      %shift_right_arithmetic3A = arith.constant 31 : i32
      %shift_right_arithmetic3A_781 = vector.broadcast %shift_right_arithmetic3A : i32 to vector<16xi32>
      %shift_right_arithmetic3A_782 = arith.shrsi %bitcast_convert_type3A_780, %shift_right_arithmetic3A_781 : vector<16xi32>
      %or3A = vector.broadcast %scan3A_401 : i32 to vector<16xi32>
      %or3A_783 = arith.ori %shift_right_arithmetic3A_782, %or3A : vector<16xi32>
      %xor3A_784 = arith.xori %bitcast_convert_type3A_780, %or3A_783 : vector<16xi32>
      %mul3A_785 = arith.constant 16 : i32
      %mul3A_786 = arith.muli %scan3A_775, %mul3A_785 : i32
      %swap3A_787 = arith.index_cast %mul3A_786 : i32 to index
      %swap3A_788 = tpu.vector_load %arg7[%swap3A_787] {strides = array<i32>} : memref<32768xi32, #tpu.memory_space<vmem>>, vector<16xi32>,
      tpu.vector_store %arg7[%swap3A_787], %xor3A_784 {strides = array<i32>} : memref<32768xi32, #tpu.memory_space<vmem>>, vector<16xi32>,
      %shift_right_logical3A = arith.constant 21 : i32
      %shift_right_logical3A_789 = vector.broadcast %shift_right_logical3A : i32 to vector<16xi32>
      %shift_right_logical3A_790 = arith.shrui %xor3A_784, %shift_right_logical3A_789 : vector<16xi32>
      %add3A_791 = arith.addi %mul3A_399, %shift_right_logical3A_790 : vector<16xi32>
      tpu.vector_store_idx %arg8[%add3A_791], %broadcast_in_dim3A_3 {add = true} : memref<32800xi32, #tpu.memory_space<vmem>>[vector<16xi32>], vector<16xi32>,
      %scan3A_792 = arith.constant 1 : i32
      %scan3A_793 = arith.addi %scan3A_775, %scan3A_792 : i32
      %mul3A_794 = arith.constant 16 : i32
      %mul3A_795 = arith.muli %scan3A_793, %mul3A_794 : i32
      %get3A_796 = arith.index_cast %mul3A_795 : i32 to index
      %get3A_797 = tpu.vector_load %arg6[%get3A_796] {strides = array<i32>} : memref<32768xf32, #tpu.memory_space<vmem>>, vector<16xf32>,
      %bitcast_convert_type3A_798 = tpu.bitcast %get3A_797 : vector<16xf32> -> vector<16xi32>
      %shift_right_arithmetic3A_799 = arith.constant 31 : i32
      %shift_right_arithmetic3A_800 = vector.broadcast %shift_right_arithmetic3A_799 : i32 to vector<16xi32>
      %shift_right_arithmetic3A_801 = arith.shrsi %bitcast_convert_type3A_798, %shift_right_arithmetic3A_800 : vector<16xi32>
      %or3A_802 = vector.broadcast %scan3A_401 : i32 to vector<16xi32>
      %or3A_803 = arith.ori %shift_right_arithmetic3A_801, %or3A_802 : vector<16xi32>
      %xor3A_804 = arith.xori %bitcast_convert_type3A_798, %or3A_803 : vector<16xi32>
      %mul3A_805 = arith.constant 16 : i32
      %mul3A_806 = arith.muli %scan3A_793, %mul3A_805 : i32
      %swap3A_807 = arith.index_cast %mul3A_806 : i32 to index
      %swap3A_808 = tpu.vector_load %arg7[%swap3A_807] {strides = array<i32>} : memref<32768xi32, #tpu.memory_space<vmem>>, vector<16xi32>,
      tpu.vector_store %arg7[%swap3A_807], %xor3A_804 {strides = array<i32>} : memref<32768xi32, #tpu.memory_space<vmem>>, vector<16xi32>,
      %shift_right_logical3A_809 = arith.constant 21 : i32
      %shift_right_logical3A_810 = vector.broadcast %shift_right_logical3A_809 : i32 to vector<16xi32>
      %shift_right_logical3A_811 = arith.shrui %xor3A_804, %shift_right_logical3A_810 : vector<16xi32>
      %add3A_812 = arith.addi %mul3A_399, %shift_right_logical3A_811 : vector<16xi32>
      tpu.vector_store_idx %arg8[%add3A_812], %broadcast_in_dim3A_3 {add = true} : memref<32800xi32, #tpu.memory_space<vmem>>[vector<16xi32>], vector<16xi32>,
      %scan3A_813 = arith.constant 2 : i32
      %scan3A_814 = arith.addi %scan3A_775, %scan3A_813 : i32
      %mul3A_815 = arith.constant 16 : i32
      %mul3A_816 = arith.muli %scan3A_814, %mul3A_815 : i32
      %get3A_817 = arith.index_cast %mul3A_816 : i32 to index
      %get3A_818 = tpu.vector_load %arg6[%get3A_817] {strides = array<i32>} : memref<32768xf32, #tpu.memory_space<vmem>>, vector<16xf32>,
      %bitcast_convert_type3A_819 = tpu.bitcast %get3A_818 : vector<16xf32> -> vector<16xi32>
      %shift_right_arithmetic3A_820 = arith.constant 31 : i32
      %shift_right_arithmetic3A_821 = vector.broadcast %shift_right_arithmetic3A_820 : i32 to vector<16xi32>
      %shift_right_arithmetic3A_822 = arith.shrsi %bitcast_convert_type3A_819, %shift_right_arithmetic3A_821 : vector<16xi32>
      %or3A_823 = vector.broadcast %scan3A_401 : i32 to vector<16xi32>
      %or3A_824 = arith.ori %shift_right_arithmetic3A_822, %or3A_823 : vector<16xi32>
      %xor3A_825 = arith.xori %bitcast_convert_type3A_819, %or3A_824 : vector<16xi32>
      %mul3A_826 = arith.constant 16 : i32
      %mul3A_827 = arith.muli %scan3A_814, %mul3A_826 : i32
      %swap3A_828 = arith.index_cast %mul3A_827 : i32 to index
      %swap3A_829 = tpu.vector_load %arg7[%swap3A_828] {strides = array<i32>} : memref<32768xi32, #tpu.memory_space<vmem>>, vector<16xi32>,
      tpu.vector_store %arg7[%swap3A_828], %xor3A_825 {strides = array<i32>} : memref<32768xi32, #tpu.memory_space<vmem>>, vector<16xi32>,
      %shift_right_logical3A_830 = arith.constant 21 : i32
      %shift_right_logical3A_831 = vector.broadcast %shift_right_logical3A_830 : i32 to vector<16xi32>
      %shift_right_logical3A_832 = arith.shrui %xor3A_825, %shift_right_logical3A_831 : vector<16xi32>
      %add3A_833 = arith.addi %mul3A_399, %shift_right_logical3A_832 : vector<16xi32>
      tpu.vector_store_idx %arg8[%add3A_833], %broadcast_in_dim3A_3 {add = true} : memref<32800xi32, #tpu.memory_space<vmem>>[vector<16xi32>], vector<16xi32>,
      %scan3A_834 = arith.constant 3 : i32
      %scan3A_835 = arith.addi %scan3A_775, %scan3A_834 : i32
      %mul3A_836 = arith.constant 16 : i32
      %mul3A_837 = arith.muli %scan3A_835, %mul3A_836 : i32
      %get3A_838 = arith.index_cast %mul3A_837 : i32 to index
      %get3A_839 = tpu.vector_load %arg6[%get3A_838] {strides = array<i32>} : memref<32768xf32, #tpu.memory_space<vmem>>, vector<16xf32>,
      %bitcast_convert_type3A_840 = tpu.bitcast %get3A_839 : vector<16xf32> -> vector<16xi32>
      %shift_right_arithmetic3A_841 = arith.constant 31 : i32
      %shift_right_arithmetic3A_842 = vector.broadcast %shift_right_arithmetic3A_841 : i32 to vector<16xi32>
      %shift_right_arithmetic3A_843 = arith.shrsi %bitcast_convert_type3A_840, %shift_right_arithmetic3A_842 : vector<16xi32>
      %or3A_844 = vector.broadcast %scan3A_401 : i32 to vector<16xi32>
      %or3A_845 = arith.ori %shift_right_arithmetic3A_843, %or3A_844 : vector<16xi32>
      %xor3A_846 = arith.xori %bitcast_convert_type3A_840, %or3A_845 : vector<16xi32>
      %mul3A_847 = arith.constant 16 : i32
      %mul3A_848 = arith.muli %scan3A_835, %mul3A_847 : i32
      %swap3A_849 = arith.index_cast %mul3A_848 : i32 to index
      %swap3A_850 = tpu.vector_load %arg7[%swap3A_849] {strides = array<i32>} : memref<32768xi32, #tpu.memory_space<vmem>>, vector<16xi32>,
      tpu.vector_store %arg7[%swap3A_849], %xor3A_846 {strides = array<i32>} : memref<32768xi32, #tpu.memory_space<vmem>>, vector<16xi32>,
      %shift_right_logical3A_851 = arith.constant 21 : i32
      %shift_right_logical3A_852 = vector.broadcast %shift_right_logical3A_851 : i32 to vector<16xi32>
      %shift_right_logical3A_853 = arith.shrui %xor3A_846, %shift_right_logical3A_852 : vector<16xi32>
      %add3A_854 = arith.addi %mul3A_399, %shift_right_logical3A_853 : vector<16xi32>
      tpu.vector_store_idx %arg8[%add3A_854], %broadcast_in_dim3A_3 {add = true} : memref<32800xi32, #tpu.memory_space<vmem>>[vector<16xi32>], vector<16xi32>,
      %scan3A_855 = arith.constant 4 : i32
      %scan3A_856 = arith.addi %scan3A_775, %scan3A_855 : i32
      %mul3A_857 = arith.constant 16 : i32
      %mul3A_858 = arith.muli %scan3A_856, %mul3A_857 : i32
      %get3A_859 = arith.index_cast %mul3A_858 : i32 to index
      %get3A_860 = tpu.vector_load %arg6[%get3A_859] {strides = array<i32>} : memref<32768xf32, #tpu.memory_space<vmem>>, vector<16xf32>,
      %bitcast_convert_type3A_861 = tpu.bitcast %get3A_860 : vector<16xf32> -> vector<16xi32>
      %shift_right_arithmetic3A_862 = arith.constant 31 : i32
      %shift_right_arithmetic3A_863 = vector.broadcast %shift_right_arithmetic3A_862 : i32 to vector<16xi32>
      %shift_right_arithmetic3A_864 = arith.shrsi %bitcast_convert_type3A_861, %shift_right_arithmetic3A_863 : vector<16xi32>
      %or3A_865 = vector.broadcast %scan3A_401 : i32 to vector<16xi32>
      %or3A_866 = arith.ori %shift_right_arithmetic3A_864, %or3A_865 : vector<16xi32>
      %xor3A_867 = arith.xori %bitcast_convert_type3A_861, %or3A_866 : vector<16xi32>
      %mul3A_868 = arith.constant 16 : i32
      %mul3A_869 = arith.muli %scan3A_856, %mul3A_868 : i32
      %swap3A_870 = arith.index_cast %mul3A_869 : i32 to index
      %swap3A_871 = tpu.vector_load %arg7[%swap3A_870] {strides = array<i32>} : memref<32768xi32, #tpu.memory_space<vmem>>, vector<16xi32>,
      tpu.vector_store %arg7[%swap3A_870], %xor3A_867 {strides = array<i32>} : memref<32768xi32, #tpu.memory_space<vmem>>, vector<16xi32>,
      %shift_right_logical3A_872 = arith.constant 21 : i32
      %shift_right_logical3A_873 = vector.broadcast %shift_right_logical3A_872 : i32 to vector<16xi32>
      %shift_right_logical3A_874 = arith.shrui %xor3A_867, %shift_right_logical3A_873 : vector<16xi32>
      %add3A_875 = arith.addi %mul3A_399, %shift_right_logical3A_874 : vector<16xi32>
      tpu.vector_store_idx %arg8[%add3A_875], %broadcast_in_dim3A_3 {add = true} : memref<32800xi32, #tpu.memory_space<vmem>>[vector<16xi32>], vector<16xi32>,
      %scan3A_876 = arith.constant 5 : i32
      %scan3A_877 = arith.addi %scan3A_775, %scan3A_876 : i32
      %mul3A_878 = arith.constant 16 : i32
      %mul3A_879 = arith.muli %scan3A_877, %mul3A_878 : i32
      %get3A_880 = arith.index_cast %mul3A_879 : i32 to index
      %get3A_881 = tpu.vector_load %arg6[%get3A_880] {strides = array<i32>} : memref<32768xf32, #tpu.memory_space<vmem>>, vector<16xf32>,
      %bitcast_convert_type3A_882 = tpu.bitcast %get3A_881 : vector<16xf32> -> vector<16xi32>
      %shift_right_arithmetic3A_883 = arith.constant 31 : i32
      %shift_right_arithmetic3A_884 = vector.broadcast %shift_right_arithmetic3A_883 : i32 to vector<16xi32>
      %shift_right_arithmetic3A_885 = arith.shrsi %bitcast_convert_type3A_882, %shift_right_arithmetic3A_884 : vector<16xi32>
      %or3A_886 = vector.broadcast %scan3A_401 : i32 to vector<16xi32>
      %or3A_887 = arith.ori %shift_right_arithmetic3A_885, %or3A_886 : vector<16xi32>
      %xor3A_888 = arith.xori %bitcast_convert_type3A_882, %or3A_887 : vector<16xi32>
      %mul3A_889 = arith.constant 16 : i32
      %mul3A_890 = arith.muli %scan3A_877, %mul3A_889 : i32
      %swap3A_891 = arith.index_cast %mul3A_890 : i32 to index
      %swap3A_892 = tpu.vector_load %arg7[%swap3A_891] {strides = array<i32>} : memref<32768xi32, #tpu.memory_space<vmem>>, vector<16xi32>,
      tpu.vector_store %arg7[%swap3A_891], %xor3A_888 {strides = array<i32>} : memref<32768xi32, #tpu.memory_space<vmem>>, vector<16xi32>,
      %shift_right_logical3A_893 = arith.constant 21 : i32
      %shift_right_logical3A_894 = vector.broadcast %shift_right_logical3A_893 : i32 to vector<16xi32>
      %shift_right_logical3A_895 = arith.shrui %xor3A_888, %shift_right_logical3A_894 : vector<16xi32>
      %add3A_896 = arith.addi %mul3A_399, %shift_right_logical3A_895 : vector<16xi32>
      tpu.vector_store_idx %arg8[%add3A_896], %broadcast_in_dim3A_3 {add = true} : memref<32800xi32, #tpu.memory_space<vmem>>[vector<16xi32>], vector<16xi32>,
      %scan3A_897 = arith.constant 6 : i32
      %scan3A_898 = arith.addi %scan3A_775, %scan3A_897 : i32
      %mul3A_899 = arith.constant 16 : i32
      %mul3A_900 = arith.muli %scan3A_898, %mul3A_899 : i32
      %get3A_901 = arith.index_cast %mul3A_900 : i32 to index
      %get3A_902 = tpu.vector_load %arg6[%get3A_901] {strides = array<i32>} : memref<32768xf32, #tpu.memory_space<vmem>>, vector<16xf32>,
      %bitcast_convert_type3A_903 = tpu.bitcast %get3A_902 : vector<16xf32> -> vector<16xi32>
      %shift_right_arithmetic3A_904 = arith.constant 31 : i32
      %shift_right_arithmetic3A_905 = vector.broadcast %shift_right_arithmetic3A_904 : i32 to vector<16xi32>
      %shift_right_arithmetic3A_906 = arith.shrsi %bitcast_convert_type3A_903, %shift_right_arithmetic3A_905 : vector<16xi32>
      %or3A_907 = vector.broadcast %scan3A_401 : i32 to vector<16xi32>
      %or3A_908 = arith.ori %shift_right_arithmetic3A_906, %or3A_907 : vector<16xi32>
      %xor3A_909 = arith.xori %bitcast_convert_type3A_903, %or3A_908 : vector<16xi32>
      %mul3A_910 = arith.constant 16 : i32
      %mul3A_911 = arith.muli %scan3A_898, %mul3A_910 : i32
      %swap3A_912 = arith.index_cast %mul3A_911 : i32 to index
      %swap3A_913 = tpu.vector_load %arg7[%swap3A_912] {strides = array<i32>} : memref<32768xi32, #tpu.memory_space<vmem>>, vector<16xi32>,
      tpu.vector_store %arg7[%swap3A_912], %xor3A_909 {strides = array<i32>} : memref<32768xi32, #tpu.memory_space<vmem>>, vector<16xi32>,
      %shift_right_logical3A_914 = arith.constant 21 : i32
      %shift_right_logical3A_915 = vector.broadcast %shift_right_logical3A_914 : i32 to vector<16xi32>
      %shift_right_logical3A_916 = arith.shrui %xor3A_909, %shift_right_logical3A_915 : vector<16xi32>
      %add3A_917 = arith.addi %mul3A_399, %shift_right_logical3A_916 : vector<16xi32>
      tpu.vector_store_idx %arg8[%add3A_917], %broadcast_in_dim3A_3 {add = true} : memref<32800xi32, #tpu.memory_space<vmem>>[vector<16xi32>], vector<16xi32>,
      %scan3A_918 = arith.constant 7 : i32
      %scan3A_919 = arith.addi %scan3A_775, %scan3A_918 : i32
      %mul3A_920 = arith.constant 16 : i32
      %mul3A_921 = arith.muli %scan3A_919, %mul3A_920 : i32
      %get3A_922 = arith.index_cast %mul3A_921 : i32 to index
      %get3A_923 = tpu.vector_load %arg6[%get3A_922] {strides = array<i32>} : memref<32768xf32, #tpu.memory_space<vmem>>, vector<16xf32>,
      %bitcast_convert_type3A_924 = tpu.bitcast %get3A_923 : vector<16xf32> -> vector<16xi32>
      %shift_right_arithmetic3A_925 = arith.constant 31 : i32
      %shift_right_arithmetic3A_926 = vector.broadcast %shift_right_arithmetic3A_925 : i32 to vector<16xi32>
      %shift_right_arithmetic3A_927 = arith.shrsi %bitcast_convert_type3A_924, %shift_right_arithmetic3A_926 : vector<16xi32>
      %or3A_928 = vector.broadcast %scan3A_401 : i32 to vector<16xi32>
      %or3A_929 = arith.ori %shift_right_arithmetic3A_927, %or3A_928 : vector<16xi32>
      %xor3A_930 = arith.xori %bitcast_convert_type3A_924, %or3A_929 : vector<16xi32>
      %mul3A_931 = arith.constant 16 : i32
      %mul3A_932 = arith.muli %scan3A_919, %mul3A_931 : i32
      %swap3A_933 = arith.index_cast %mul3A_932 : i32 to index
      %swap3A_934 = tpu.vector_load %arg7[%swap3A_933] {strides = array<i32>} : memref<32768xi32, #tpu.memory_space<vmem>>, vector<16xi32>,
      tpu.vector_store %arg7[%swap3A_933], %xor3A_930 {strides = array<i32>} : memref<32768xi32, #tpu.memory_space<vmem>>, vector<16xi32>,
      %shift_right_logical3A_935 = arith.constant 21 : i32
      %shift_right_logical3A_936 = vector.broadcast %shift_right_logical3A_935 : i32 to vector<16xi32>
      %shift_right_logical3A_937 = arith.shrui %xor3A_930, %shift_right_logical3A_936 : vector<16xi32>
      %add3A_938 = arith.addi %mul3A_399, %shift_right_logical3A_937 : vector<16xi32>
      tpu.vector_store_idx %arg8[%add3A_938], %broadcast_in_dim3A_3 {add = true} : memref<32800xi32, #tpu.memory_space<vmem>>[vector<16xi32>], vector<16xi32>,
    }
    %scan3A_406 = arith.constant 2048 : i32
    %scan3A_407 = arith.constant 0 : i32
    %scan3A_408 = arith.constant 0 : i32
    %scan3A_409 = arith.constant 128 : i32
    %scan3A_410 = arith.addi %scan3A_408, %scan3A_409 : i32
    %scan3A_411 = arith.constant 2 : i32
    scf.for %scan3A_775 = %scan3A_408 to %scan3A_410 step %scan3A_411  : i32 {
      %mul3A_776 = arith.constant 16 : i32
      %mul3A_777 = arith.muli %scan3A_775, %mul3A_776 : i32
      %get3A_778 = arith.index_cast %mul3A_777 : i32 to index
      %get3A_779 = tpu.vector_load %arg8[%get3A_778] {strides = array<i32>} : memref<32800xi32, #tpu.memory_space<vmem>>, vector<16xi32>,
      %mul3A_780 = arith.constant 16 : i32
      %mul3A_781 = arith.muli %scan3A_775, %mul3A_780 : i32
      %add3A_782 = arith.constant 2049 : i32
      %add3A_783 = arith.addi %add3A_782, %mul3A_781 : i32
      %get3A_784 = arith.index_cast %add3A_783 : i32 to index
      %get3A_785 = tpu.vector_load %arg8[%get3A_784] {strides = array<i32>} : memref<32800xi32, #tpu.memory_space<vmem>>, vector<16xi32>,
      %add3A_786 = arith.addi %get3A_779, %get3A_785 : vector<16xi32>
      %mul3A_787 = arith.constant 16 : i32
      %mul3A_788 = arith.muli %scan3A_775, %mul3A_787 : i32
      %add3A_789 = arith.constant 4098 : i32
      %add3A_790 = arith.addi %add3A_789, %mul3A_788 : i32
      %get3A_791 = arith.index_cast %add3A_790 : i32 to index
      %get3A_792 = tpu.vector_load %arg8[%get3A_791] {strides = array<i32>} : memref<32800xi32, #tpu.memory_space<vmem>>, vector<16xi32>,
      %add3A_793 = arith.addi %add3A_786, %get3A_792 : vector<16xi32>
      %mul3A_794 = arith.constant 16 : i32
      %mul3A_795 = arith.muli %scan3A_775, %mul3A_794 : i32
      %add3A_796 = arith.constant 6147 : i32
      %add3A_797 = arith.addi %add3A_796, %mul3A_795 : i32
      %get3A_798 = arith.index_cast %add3A_797 : i32 to index
      %get3A_799 = tpu.vector_load %arg8[%get3A_798] {strides = array<i32>} : memref<32800xi32, #tpu.memory_space<vmem>>, vector<16xi32>,
      %add3A_800 = arith.addi %add3A_793, %get3A_799 : vector<16xi32>
      %mul3A_801 = arith.constant 16 : i32
      %mul3A_802 = arith.muli %scan3A_775, %mul3A_801 : i32
      %add3A_803 = arith.constant 8196 : i32
      %add3A_804 = arith.addi %add3A_803, %mul3A_802 : i32
      %get3A_805 = arith.index_cast %add3A_804 : i32 to index
      %get3A_806 = tpu.vector_load %arg8[%get3A_805] {strides = array<i32>} : memref<32800xi32, #tpu.memory_space<vmem>>, vector<16xi32>,
      %add3A_807 = arith.addi %add3A_800, %get3A_806 : vector<16xi32>
      %mul3A_808 = arith.constant 16 : i32
      %mul3A_809 = arith.muli %scan3A_775, %mul3A_808 : i32
      %add3A_810 = arith.constant 10245 : i32
      %add3A_811 = arith.addi %add3A_810, %mul3A_809 : i32
      %get3A_812 = arith.index_cast %add3A_811 : i32 to index
      %get3A_813 = tpu.vector_load %arg8[%get3A_812] {strides = array<i32>} : memref<32800xi32, #tpu.memory_space<vmem>>, vector<16xi32>,
      %add3A_814 = arith.addi %add3A_807, %get3A_813 : vector<16xi32>
      %mul3A_815 = arith.constant 16 : i32
      %mul3A_816 = arith.muli %scan3A_775, %mul3A_815 : i32
      %add3A_817 = arith.constant 12294 : i32
      %add3A_818 = arith.addi %add3A_817, %mul3A_816 : i32
      %get3A_819 = arith.index_cast %add3A_818 : i32 to index
      %get3A_820 = tpu.vector_load %arg8[%get3A_819] {strides = array<i32>} : memref<32800xi32, #tpu.memory_space<vmem>>, vector<16xi32>,
      %add3A_821 = arith.addi %add3A_814, %get3A_820 : vector<16xi32>
      %mul3A_822 = arith.constant 16 : i32
      %mul3A_823 = arith.muli %scan3A_775, %mul3A_822 : i32
      %add3A_824 = arith.constant 14343 : i32
      %add3A_825 = arith.addi %add3A_824, %mul3A_823 : i32
      %get3A_826 = arith.index_cast %add3A_825 : i32 to index
      %get3A_827 = tpu.vector_load %arg8[%get3A_826] {strides = array<i32>} : memref<32800xi32, #tpu.memory_space<vmem>>, vector<16xi32>,
      %add3A_828 = arith.addi %add3A_821, %get3A_827 : vector<16xi32>
      %mul3A_829 = arith.constant 16 : i32
      %mul3A_830 = arith.muli %scan3A_775, %mul3A_829 : i32
      %add3A_831 = arith.constant 16392 : i32
      %add3A_832 = arith.addi %add3A_831, %mul3A_830 : i32
      %get3A_833 = arith.index_cast %add3A_832 : i32 to index
      %get3A_834 = tpu.vector_load %arg8[%get3A_833] {strides = array<i32>} : memref<32800xi32, #tpu.memory_space<vmem>>, vector<16xi32>,
      %add3A_835 = arith.addi %add3A_828, %get3A_834 : vector<16xi32>
      %mul3A_836 = arith.constant 16 : i32
      %mul3A_837 = arith.muli %scan3A_775, %mul3A_836 : i32
      %add3A_838 = arith.constant 18441 : i32
      %add3A_839 = arith.addi %add3A_838, %mul3A_837 : i32
      %get3A_840 = arith.index_cast %add3A_839 : i32 to index
      %get3A_841 = tpu.vector_load %arg8[%get3A_840] {strides = array<i32>} : memref<32800xi32, #tpu.memory_space<vmem>>, vector<16xi32>,
      %add3A_842 = arith.addi %add3A_835, %get3A_841 : vector<16xi32>
      %mul3A_843 = arith.constant 16 : i32
      %mul3A_844 = arith.muli %scan3A_775, %mul3A_843 : i32
      %add3A_845 = arith.constant 20490 : i32
      %add3A_846 = arith.addi %add3A_845, %mul3A_844 : i32
      %get3A_847 = arith.index_cast %add3A_846 : i32 to index
      %get3A_848 = tpu.vector_load %arg8[%get3A_847] {strides = array<i32>} : memref<32800xi32, #tpu.memory_space<vmem>>, vector<16xi32>,
      %add3A_849 = arith.addi %add3A_842, %get3A_848 : vector<16xi32>
      %mul3A_850 = arith.constant 16 : i32
      %mul3A_851 = arith.muli %scan3A_775, %mul3A_850 : i32
      %add3A_852 = arith.constant 22539 : i32
      %add3A_853 = arith.addi %add3A_852, %mul3A_851 : i32
      %get3A_854 = arith.index_cast %add3A_853 : i32 to index
      %get3A_855 = tpu.vector_load %arg8[%get3A_854] {strides = array<i32>} : memref<32800xi32, #tpu.memory_space<vmem>>, vector<16xi32>,
      %add3A_856 = arith.addi %add3A_849, %get3A_855 : vector<16xi32>
      %mul3A_857 = arith.constant 16 : i32
      %mul3A_858 = arith.muli %scan3A_775, %mul3A_857 : i32
      %add3A_859 = arith.constant 24588 : i32
      %add3A_860 = arith.addi %add3A_859, %mul3A_858 : i32
      %get3A_861 = arith.index_cast %add3A_860 : i32 to index
      %get3A_862 = tpu.vector_load %arg8[%get3A_861] {strides = array<i32>} : memref<32800xi32, #tpu.memory_space<vmem>>, vector<16xi32>,
      %add3A_863 = arith.addi %add3A_856, %get3A_862 : vector<16xi32>
      %mul3A_864 = arith.constant 16 : i32
      %mul3A_865 = arith.muli %scan3A_775, %mul3A_864 : i32
      %add3A_866 = arith.constant 26637 : i32
      %add3A_867 = arith.addi %add3A_866, %mul3A_865 : i32
      %get3A_868 = arith.index_cast %add3A_867 : i32 to index
      %get3A_869 = tpu.vector_load %arg8[%get3A_868] {strides = array<i32>} : memref<32800xi32, #tpu.memory_space<vmem>>, vector<16xi32>,
      %add3A_870 = arith.addi %add3A_863, %get3A_869 : vector<16xi32>
      %mul3A_871 = arith.constant 16 : i32
      %mul3A_872 = arith.muli %scan3A_775, %mul3A_871 : i32
      %add3A_873 = arith.constant 28686 : i32
      %add3A_874 = arith.addi %add3A_873, %mul3A_872 : i32
      %get3A_875 = arith.index_cast %add3A_874 : i32 to index
      %get3A_876 = tpu.vector_load %arg8[%get3A_875] {strides = array<i32>} : memref<32800xi32, #tpu.memory_space<vmem>>, vector<16xi32>,
      %add3A_877 = arith.addi %add3A_870, %get3A_876 : vector<16xi32>
      %mul3A_878 = arith.constant 16 : i32
      %mul3A_879 = arith.muli %scan3A_775, %mul3A_878 : i32
      %add3A_880 = arith.constant 30735 : i32
      %add3A_881 = arith.addi %add3A_880, %mul3A_879 : i32
      %get3A_882 = arith.index_cast %add3A_881 : i32 to index
      %get3A_883 = tpu.vector_load %arg8[%get3A_882] {strides = array<i32>} : memref<32800xi32, #tpu.memory_space<vmem>>, vector<16xi32>,
      %add3A_884 = arith.addi %add3A_877, %get3A_883 : vector<16xi32>
      %mul3A_885 = arith.constant 16 : i32
      %mul3A_886 = arith.muli %scan3A_775, %mul3A_885 : i32
      %swap3A_887 = arith.index_cast %mul3A_886 : i32 to index
      %swap3A_888 = tpu.vector_load %arg9[%swap3A_887] {strides = array<i32>} : memref<2048xi32, #tpu.memory_space<vmem>>, vector<16xi32>,
      tpu.vector_store %arg9[%swap3A_887], %add3A_884 {strides = array<i32>} : memref<2048xi32, #tpu.memory_space<vmem>>, vector<16xi32>,
      %scan3A_889 = arith.constant 1 : i32
      %scan3A_890 = arith.addi %scan3A_775, %scan3A_889 : i32
      %mul3A_891 = arith.constant 16 : i32
      %mul3A_892 = arith.muli %scan3A_890, %mul3A_891 : i32
      %get3A_893 = arith.index_cast %mul3A_892 : i32 to index
      %get3A_894 = tpu.vector_load %arg8[%get3A_893] {strides = array<i32>} : memref<32800xi32, #tpu.memory_space<vmem>>, vector<16xi32>,
      %mul3A_895 = arith.constant 16 : i32
      %mul3A_896 = arith.muli %scan3A_890, %mul3A_895 : i32
      %add3A_897 = arith.constant 2049 : i32
      %add3A_898 = arith.addi %add3A_897, %mul3A_896 : i32
      %get3A_899 = arith.index_cast %add3A_898 : i32 to index
      %get3A_900 = tpu.vector_load %arg8[%get3A_899] {strides = array<i32>} : memref<32800xi32, #tpu.memory_space<vmem>>, vector<16xi32>,
      %add3A_901 = arith.addi %get3A_894, %get3A_900 : vector<16xi32>
      %mul3A_902 = arith.constant 16 : i32
      %mul3A_903 = arith.muli %scan3A_890, %mul3A_902 : i32
      %add3A_904 = arith.constant 4098 : i32
      %add3A_905 = arith.addi %add3A_904, %mul3A_903 : i32
      %get3A_906 = arith.index_cast %add3A_905 : i32 to index
      %get3A_907 = tpu.vector_load %arg8[%get3A_906] {strides = array<i32>} : memref<32800xi32, #tpu.memory_space<vmem>>, vector<16xi32>,
      %add3A_908 = arith.addi %add3A_901, %get3A_907 : vector<16xi32>
      %mul3A_909 = arith.constant 16 : i32
      %mul3A_910 = arith.muli %scan3A_890, %mul3A_909 : i32
      %add3A_911 = arith.constant 6147 : i32
      %add3A_912 = arith.addi %add3A_911, %mul3A_910 : i32
      %get3A_913 = arith.index_cast %add3A_912 : i32 to index
      %get3A_914 = tpu.vector_load %arg8[%get3A_913] {strides = array<i32>} : memref<32800xi32, #tpu.memory_space<vmem>>, vector<16xi32>,
      %add3A_915 = arith.addi %add3A_908, %get3A_914 : vector<16xi32>
      %mul3A_916 = arith.constant 16 : i32
      %mul3A_917 = arith.muli %scan3A_890, %mul3A_916 : i32
      %add3A_918 = arith.constant 8196 : i32
      %add3A_919 = arith.addi %add3A_918, %mul3A_917 : i32
      %get3A_920 = arith.index_cast %add3A_919 : i32 to index
      %get3A_921 = tpu.vector_load %arg8[%get3A_920] {strides = array<i32>} : memref<32800xi32, #tpu.memory_space<vmem>>, vector<16xi32>,
      %add3A_922 = arith.addi %add3A_915, %get3A_921 : vector<16xi32>
      %mul3A_923 = arith.constant 16 : i32
      %mul3A_924 = arith.muli %scan3A_890, %mul3A_923 : i32
      %add3A_925 = arith.constant 10245 : i32
      %add3A_926 = arith.addi %add3A_925, %mul3A_924 : i32
      %get3A_927 = arith.index_cast %add3A_926 : i32 to index
      %get3A_928 = tpu.vector_load %arg8[%get3A_927] {strides = array<i32>} : memref<32800xi32, #tpu.memory_space<vmem>>, vector<16xi32>,
      %add3A_929 = arith.addi %add3A_922, %get3A_928 : vector<16xi32>
      %mul3A_930 = arith.constant 16 : i32
      %mul3A_931 = arith.muli %scan3A_890, %mul3A_930 : i32
      %add3A_932 = arith.constant 12294 : i32
      %add3A_933 = arith.addi %add3A_932, %mul3A_931 : i32
      %get3A_934 = arith.index_cast %add3A_933 : i32 to index
      %get3A_935 = tpu.vector_load %arg8[%get3A_934] {strides = array<i32>} : memref<32800xi32, #tpu.memory_space<vmem>>, vector<16xi32>,
      %add3A_936 = arith.addi %add3A_929, %get3A_935 : vector<16xi32>
      %mul3A_937 = arith.constant 16 : i32
      %mul3A_938 = arith.muli %scan3A_890, %mul3A_937 : i32
      %add3A_939 = arith.constant 14343 : i32
      %add3A_940 = arith.addi %add3A_939, %mul3A_938 : i32
      %get3A_941 = arith.index_cast %add3A_940 : i32 to index
      %get3A_942 = tpu.vector_load %arg8[%get3A_941] {strides = array<i32>} : memref<32800xi32, #tpu.memory_space<vmem>>, vector<16xi32>,
      %add3A_943 = arith.addi %add3A_936, %get3A_942 : vector<16xi32>
      %mul3A_944 = arith.constant 16 : i32
      %mul3A_945 = arith.muli %scan3A_890, %mul3A_944 : i32
      %add3A_946 = arith.constant 16392 : i32
      %add3A_947 = arith.addi %add3A_946, %mul3A_945 : i32
      %get3A_948 = arith.index_cast %add3A_947 : i32 to index
      %get3A_949 = tpu.vector_load %arg8[%get3A_948] {strides = array<i32>} : memref<32800xi32, #tpu.memory_space<vmem>>, vector<16xi32>,
      %add3A_950 = arith.addi %add3A_943, %get3A_949 : vector<16xi32>
      %mul3A_951 = arith.constant 16 : i32
      %mul3A_952 = arith.muli %scan3A_890, %mul3A_951 : i32
      %add3A_953 = arith.constant 18441 : i32
      %add3A_954 = arith.addi %add3A_953, %mul3A_952 : i32
      %get3A_955 = arith.index_cast %add3A_954 : i32 to index
      %get3A_956 = tpu.vector_load %arg8[%get3A_955] {strides = array<i32>} : memref<32800xi32, #tpu.memory_space<vmem>>, vector<16xi32>,
      %add3A_957 = arith.addi %add3A_950, %get3A_956 : vector<16xi32>
      %mul3A_958 = arith.constant 16 : i32
      %mul3A_959 = arith.muli %scan3A_890, %mul3A_958 : i32
      %add3A_960 = arith.constant 20490 : i32
      %add3A_961 = arith.addi %add3A_960, %mul3A_959 : i32
      %get3A_962 = arith.index_cast %add3A_961 : i32 to index
      %get3A_963 = tpu.vector_load %arg8[%get3A_962] {strides = array<i32>} : memref<32800xi32, #tpu.memory_space<vmem>>, vector<16xi32>,
      %add3A_964 = arith.addi %add3A_957, %get3A_963 : vector<16xi32>
      %mul3A_965 = arith.constant 16 : i32
      %mul3A_966 = arith.muli %scan3A_890, %mul3A_965 : i32
      %add3A_967 = arith.constant 22539 : i32
      %add3A_968 = arith.addi %add3A_967, %mul3A_966 : i32
      %get3A_969 = arith.index_cast %add3A_968 : i32 to index
      %get3A_970 = tpu.vector_load %arg8[%get3A_969] {strides = array<i32>} : memref<32800xi32, #tpu.memory_space<vmem>>, vector<16xi32>,
      %add3A_971 = arith.addi %add3A_964, %get3A_970 : vector<16xi32>
      %mul3A_972 = arith.constant 16 : i32
      %mul3A_973 = arith.muli %scan3A_890, %mul3A_972 : i32
      %add3A_974 = arith.constant 24588 : i32
      %add3A_975 = arith.addi %add3A_974, %mul3A_973 : i32
      %get3A_976 = arith.index_cast %add3A_975 : i32 to index
      %get3A_977 = tpu.vector_load %arg8[%get3A_976] {strides = array<i32>} : memref<32800xi32, #tpu.memory_space<vmem>>, vector<16xi32>,
      %add3A_978 = arith.addi %add3A_971, %get3A_977 : vector<16xi32>
      %mul3A_979 = arith.constant 16 : i32
      %mul3A_980 = arith.muli %scan3A_890, %mul3A_979 : i32
      %add3A_981 = arith.constant 26637 : i32
      %add3A_982 = arith.addi %add3A_981, %mul3A_980 : i32
      %get3A_983 = arith.index_cast %add3A_982 : i32 to index
      %get3A_984 = tpu.vector_load %arg8[%get3A_983] {strides = array<i32>} : memref<32800xi32, #tpu.memory_space<vmem>>, vector<16xi32>,
      %add3A_985 = arith.addi %add3A_978, %get3A_984 : vector<16xi32>
      %mul3A_986 = arith.constant 16 : i32
      %mul3A_987 = arith.muli %scan3A_890, %mul3A_986 : i32
      %add3A_988 = arith.constant 28686 : i32
      %add3A_989 = arith.addi %add3A_988, %mul3A_987 : i32
      %get3A_990 = arith.index_cast %add3A_989 : i32 to index
      %get3A_991 = tpu.vector_load %arg8[%get3A_990] {strides = array<i32>} : memref<32800xi32, #tpu.memory_space<vmem>>, vector<16xi32>,
      %add3A_992 = arith.addi %add3A_985, %get3A_991 : vector<16xi32>
      %mul3A_993 = arith.constant 16 : i32
      %mul3A_994 = arith.muli %scan3A_890, %mul3A_993 : i32
      %add3A_995 = arith.constant 30735 : i32
      %add3A_996 = arith.addi %add3A_995, %mul3A_994 : i32
      %get3A_997 = arith.index_cast %add3A_996 : i32 to index
      %get3A_998 = tpu.vector_load %arg8[%get3A_997] {strides = array<i32>} : memref<32800xi32, #tpu.memory_space<vmem>>, vector<16xi32>,
      %add3A_999 = arith.addi %add3A_992, %get3A_998 : vector<16xi32>
      %mul3A_1000 = arith.constant 16 : i32
      %mul3A_1001 = arith.muli %scan3A_890, %mul3A_1000 : i32
      %swap3A_1002 = arith.index_cast %mul3A_1001 : i32 to index
      %swap3A_1003 = tpu.vector_load %arg9[%swap3A_1002] {strides = array<i32>} : memref<2048xi32, #tpu.memory_space<vmem>>, vector<16xi32>,
      tpu.vector_store %arg9[%swap3A_1002], %add3A_999 {strides = array<i32>} : memref<2048xi32, #tpu.memory_space<vmem>>, vector<16xi32>,
    }
    %scan3A_412 = arith.constant 128 : i32
    %scan3A_413 = arith.constant 0 : i32
    %scan3A_414 = arith.constant 0 : i32
    %scan3A_415 = arith.constant 0 : i32
    %scan3A_416 = arith.constant 0 : i32
    %scan3A_417 = arith.constant 128 : i32
    %scan3A_418 = arith.addi %scan3A_416, %scan3A_417 : i32
    %scan3A_419 = arith.constant 1 : i32
    %scan3A_420:3 = scf.for %scan3A_775 = %scan3A_416 to %scan3A_418 step %scan3A_419 iter_args(%scan3A_776 = %scan3A_413, %scan3A_777 = %scan3A_414, %scan3A_778 = %scan3A_415) -> (i32, i32, i32)  : i32 {
      %sub3A_779 = arith.constant 127 : i32
      %sub3A_780 = arith.subi %sub3A_779, %scan3A_775 : i32
      %mul3A_781 = arith.constant 16 : i32
      %mul3A_782 = arith.muli %sub3A_780, %mul3A_781 : i32
      %get3A_783 = arith.index_cast %mul3A_782 : i32 to index
      %get3A_784 = tpu.vector_load %arg9[%get3A_783] {strides = array<i32>} : memref<2048xi32, #tpu.memory_space<vmem>>, vector<16xi32>,
      %reduce_sum3A_785 = arith.constant true
      %reduce_sum3A_786 = vector.broadcast %reduce_sum3A_785 : i1 to vector<16xi1>
      %reduce_sum3A_787 = tpu.scan <sum>, %get3A_784 masked %reduce_sum3A_786 : vector<16xi32>, vector<16xi1> -> vector<16xi32>
      %reduce_sum3A_788 = vector.extract %reduce_sum3A_787[15] : i32 from vector<16xi32>
      %lt3A_789 = arith.constant 64 : i32
      %lt3A_790 = arith.cmpi slt, %scan3A_776, %lt3A_789 : i32
      %add3A_791 = arith.addi %scan3A_776, %reduce_sum3A_788 : i32
      %ge3A_792 = arith.constant 64 : i32
      %ge3A_793 = arith.cmpi sge, %add3A_791, %ge3A_792 : i32
      %and3A_794 = arith.andi %lt3A_790, %ge3A_793 : i1
      %select_n3A_795 = arith.select %and3A_794, %sub3A_780, %scan3A_777 : i32
      %select_n3A_796 = arith.select %and3A_794, %scan3A_776, %scan3A_778 : i32
      %add3A_797 = arith.addi %scan3A_776, %reduce_sum3A_788 : i32
      scf.yield %add3A_797, %select_n3A_795, %select_n3A_796 : i32, i32, i32
    }
    %scan3A_421 = arith.constant 128 : i32
    %mul3A_422 = arith.constant 16 : i32
    %mul3A_423 = arith.muli %scan3A_420#1, %mul3A_422 : i32
    %get3A_424 = arith.index_cast %mul3A_423 : i32 to index
    %get3A_425 = tpu.vector_load %arg9[%get3A_424] {strides = array<i32>} : memref<2048xi32, #tpu.memory_space<vmem>>, vector<16xi32>,
    %rev3A_426 = arith.constant 15 : i32
    %rev3A_427 = vector.broadcast %rev3A_426 : i32 to vector<16xi32>
    %rev3A_428 = tpu.iota {dimensions = array<i32: 0>} : vector<16xi32>
    %rev3A_429 = arith.subi %rev3A_427, %rev3A_428 : vector<16xi32>
    %rev3A_430 = tpu.dynamic_gather %get3A_425[%rev3A_429] in [0] : vector<16xi32>, vector<16xi32> -> vector<16xi32>
    %broadcast_in_dim3A_431 = arith.constant true
    %broadcast_in_dim3A_432 = vector.broadcast %broadcast_in_dim3A_431 : i1 to vector<16xi1>
    %masked_cumsum3A_433 = tpu.scan <sum>, %rev3A_430 masked %broadcast_in_dim3A_432 : vector<16xi32>, vector<16xi1> -> vector<16xi32>
    %add3A_434 = vector.broadcast %scan3A_420#2 : i32 to vector<16xi32>
    %add3A_435 = arith.addi %masked_cumsum3A_433, %add3A_434 : vector<16xi32>
    %ge3A_436 = arith.constant 64 : i32
    %ge3A_437 = vector.broadcast %ge3A_436 : i32 to vector<16xi32>
    %ge3A_438 = arith.cmpi sge, %add3A_435, %ge3A_437 : vector<16xi32>
    %all_reduce_ffs3A_439 = tpu.all_reduce %ge3A_438 {dim = 0 : i64, kind = #tpu.reduction_kind<find_first_set>} : vector<16xi1> -> vector<16xi32>
    %slice3A_440 = vector.extract_strided_slice %all_reduce_ffs3A_439 {offsets = [0], sizes = [1], strides = [1]} : vector<16xi32> to vector<1xi32>
    %squeeze3A_441 = vector.extract %slice3A_440[0] : i32 from vector<1xi32>
    %sub3A_442 = arith.constant 15 : i32
    %sub3A_443 = arith.subi %sub3A_442, %squeeze3A_441 : i32
    %lt3A_444 = vector.broadcast %squeeze3A_441 : i32 to vector<16xi32>
    %lt3A_445 = arith.cmpi slt, %iota3A, %lt3A_444 : vector<16xi32>
    %jit3A_446 = arith.constant 0 : i32
    %broadcast_in_dim3A_447 = vector.broadcast %jit3A_446 : i32 to vector<16xi32>
    %select_n3A_448 = arith.select %lt3A_445, %rev3A_430, %broadcast_in_dim3A_447 : vector<16xi1>, vector<16xi32>
    %reduce_sum3A_449 = arith.constant true
    %reduce_sum3A_450 = vector.broadcast %reduce_sum3A_449 : i1 to vector<16xi1>
    %reduce_sum3A_451 = tpu.scan <sum>, %select_n3A_448 masked %reduce_sum3A_450 : vector<16xi32>, vector<16xi1> -> vector<16xi32>
    %reduce_sum3A_452 = vector.extract %reduce_sum3A_451[15] : i32 from vector<16xi32>
    %add3A_453 = arith.addi %scan3A_420#2, %reduce_sum3A_452 : i32
    %mul3A_454 = arith.constant 16 : i32
    %mul3A_455 = arith.muli %scan3A_420#1, %mul3A_454 : i32
    %add3A_456 = arith.addi %mul3A_455, %sub3A_443 : i32
    %shift_left3A_457 = arith.constant 21 : i32
    %shift_left3A_458 = arith.shli %add3A_456, %shift_left3A_457 : i32
    %xor3A_459 = arith.constant -2147483648 : i32
    %xor3A_460 = arith.xori %shift_left3A_458, %xor3A_459 : i32
    %scan3A_461 = arith.constant -2147483648 : i32
    %scan3A_462 = arith.constant 0 : i32
    %scan3A_463 = arith.constant 0 : i32
    %scan3A_464 = arith.constant 2048 : i32
    %scan3A_465 = arith.addi %scan3A_463, %scan3A_464 : i32
    %scan3A_466 = arith.constant 8 : i32
    %scan3A_467 = scf.for %scan3A_775 = %scan3A_463 to %scan3A_465 step %scan3A_466 iter_args(%scan3A_776 = %scan3A_462) -> (i32)  : i32 {
      %mul3A_777 = arith.constant 16 : i32
      %mul3A_778 = arith.muli %scan3A_775, %mul3A_777 : i32
      %get3A_779 = arith.index_cast %mul3A_778 : i32 to index
      %get3A_780 = tpu.vector_load %arg7[%get3A_779] {strides = array<i32>} : memref<32768xi32, #tpu.memory_space<vmem>>, vector<16xi32>,
      %xor3A_781 = vector.broadcast %scan3A_461 : i32 to vector<16xi32>
      %xor3A_782 = arith.xori %get3A_780, %xor3A_781 : vector<16xi32>
      %ge3A_783 = vector.broadcast %xor3A_460 : i32 to vector<16xi32>
      %ge3A_784 = arith.cmpi sge, %xor3A_782, %ge3A_783 : vector<16xi32>
      %lt3A_785 = arith.constant 8176 : i32
      %lt3A_786 = arith.cmpi slt, %scan3A_776, %lt3A_785 : i32
      %and3A_787 = vector.broadcast %lt3A_786 : i1 to vector<16xi1>
      %and3A_788 = arith.andi %ge3A_784, %and3A_787 : vector<16xi1>
      %swap3A_789 = arith.index_cast %scan3A_776 : i32 to index
      %swap3A_790 = tpu.vector_load %arg10[%swap3A_789] masked %and3A_788 {strides = array<i32>} : memref<8224xi32, #tpu.memory_space<vmem>>, vector<16xi32>, vector<16xi1>
      tpu.vector_store %arg10[%swap3A_789], %get3A_780 masked %and3A_788 {strides = array<i32>} : memref<8224xi32, #tpu.memory_space<vmem>>, vector<16xi32>, vector<16xi1>
      %all_reduce_population_count3A = tpu.all_reduce %and3A_788 {dim = 0 : i64, kind = #tpu.reduction_kind<sum>} : vector<16xi1> -> vector<16xi32>
      %slice3A_791 = vector.extract_strided_slice %all_reduce_population_count3A {offsets = [0], sizes = [1], strides = [1]} : vector<16xi32> to vector<1xi32>
      %squeeze3A_792 = vector.extract %slice3A_791[0] : i32 from vector<1xi32>
      %add3A_793 = arith.addi %scan3A_776, %squeeze3A_792 : i32
      %scan3A_794 = arith.constant 1 : i32
      %scan3A_795 = arith.addi %scan3A_775, %scan3A_794 : i32
      %mul3A_796 = arith.constant 16 : i32
      %mul3A_797 = arith.muli %scan3A_795, %mul3A_796 : i32
      %get3A_798 = arith.index_cast %mul3A_797 : i32 to index
      %get3A_799 = tpu.vector_load %arg7[%get3A_798] {strides = array<i32>} : memref<32768xi32, #tpu.memory_space<vmem>>, vector<16xi32>,
      %xor3A_800 = vector.broadcast %scan3A_461 : i32 to vector<16xi32>
      %xor3A_801 = arith.xori %get3A_799, %xor3A_800 : vector<16xi32>
      %ge3A_802 = vector.broadcast %xor3A_460 : i32 to vector<16xi32>
      %ge3A_803 = arith.cmpi sge, %xor3A_801, %ge3A_802 : vector<16xi32>
      %lt3A_804 = arith.constant 8176 : i32
      %lt3A_805 = arith.cmpi slt, %add3A_793, %lt3A_804 : i32
      %and3A_806 = vector.broadcast %lt3A_805 : i1 to vector<16xi1>
      %and3A_807 = arith.andi %ge3A_803, %and3A_806 : vector<16xi1>
      %swap3A_808 = arith.index_cast %add3A_793 : i32 to index
      %swap3A_809 = tpu.vector_load %arg10[%swap3A_808] masked %and3A_807 {strides = array<i32>} : memref<8224xi32, #tpu.memory_space<vmem>>, vector<16xi32>, vector<16xi1>
      tpu.vector_store %arg10[%swap3A_808], %get3A_799 masked %and3A_807 {strides = array<i32>} : memref<8224xi32, #tpu.memory_space<vmem>>, vector<16xi32>, vector<16xi1>
      %all_reduce_population_count3A_810 = tpu.all_reduce %and3A_807 {dim = 0 : i64, kind = #tpu.reduction_kind<sum>} : vector<16xi1> -> vector<16xi32>
      %slice3A_811 = vector.extract_strided_slice %all_reduce_population_count3A_810 {offsets = [0], sizes = [1], strides = [1]} : vector<16xi32> to vector<1xi32>
      %squeeze3A_812 = vector.extract %slice3A_811[0] : i32 from vector<1xi32>
      %add3A_813 = arith.addi %add3A_793, %squeeze3A_812 : i32
      %scan3A_814 = arith.constant 2 : i32
      %scan3A_815 = arith.addi %scan3A_775, %scan3A_814 : i32
      %mul3A_816 = arith.constant 16 : i32
      %mul3A_817 = arith.muli %scan3A_815, %mul3A_816 : i32
      %get3A_818 = arith.index_cast %mul3A_817 : i32 to index
      %get3A_819 = tpu.vector_load %arg7[%get3A_818] {strides = array<i32>} : memref<32768xi32, #tpu.memory_space<vmem>>, vector<16xi32>,
      %xor3A_820 = vector.broadcast %scan3A_461 : i32 to vector<16xi32>
      %xor3A_821 = arith.xori %get3A_819, %xor3A_820 : vector<16xi32>
      %ge3A_822 = vector.broadcast %xor3A_460 : i32 to vector<16xi32>
      %ge3A_823 = arith.cmpi sge, %xor3A_821, %ge3A_822 : vector<16xi32>
      %lt3A_824 = arith.constant 8176 : i32
      %lt3A_825 = arith.cmpi slt, %add3A_813, %lt3A_824 : i32
      %and3A_826 = vector.broadcast %lt3A_825 : i1 to vector<16xi1>
      %and3A_827 = arith.andi %ge3A_823, %and3A_826 : vector<16xi1>
      %swap3A_828 = arith.index_cast %add3A_813 : i32 to index
      %swap3A_829 = tpu.vector_load %arg10[%swap3A_828] masked %and3A_827 {strides = array<i32>} : memref<8224xi32, #tpu.memory_space<vmem>>, vector<16xi32>, vector<16xi1>
      tpu.vector_store %arg10[%swap3A_828], %get3A_819 masked %and3A_827 {strides = array<i32>} : memref<8224xi32, #tpu.memory_space<vmem>>, vector<16xi32>, vector<16xi1>
      %all_reduce_population_count3A_830 = tpu.all_reduce %and3A_827 {dim = 0 : i64, kind = #tpu.reduction_kind<sum>} : vector<16xi1> -> vector<16xi32>
      %slice3A_831 = vector.extract_strided_slice %all_reduce_population_count3A_830 {offsets = [0], sizes = [1], strides = [1]} : vector<16xi32> to vector<1xi32>
      %squeeze3A_832 = vector.extract %slice3A_831[0] : i32 from vector<1xi32>
      %add3A_833 = arith.addi %add3A_813, %squeeze3A_832 : i32
      %scan3A_834 = arith.constant 3 : i32
      %scan3A_835 = arith.addi %scan3A_775, %scan3A_834 : i32
      %mul3A_836 = arith.constant 16 : i32
      %mul3A_837 = arith.muli %scan3A_835, %mul3A_836 : i32
      %get3A_838 = arith.index_cast %mul3A_837 : i32 to index
      %get3A_839 = tpu.vector_load %arg7[%get3A_838] {strides = array<i32>} : memref<32768xi32, #tpu.memory_space<vmem>>, vector<16xi32>,
      %xor3A_840 = vector.broadcast %scan3A_461 : i32 to vector<16xi32>
      %xor3A_841 = arith.xori %get3A_839, %xor3A_840 : vector<16xi32>
      %ge3A_842 = vector.broadcast %xor3A_460 : i32 to vector<16xi32>
      %ge3A_843 = arith.cmpi sge, %xor3A_841, %ge3A_842 : vector<16xi32>
      %lt3A_844 = arith.constant 8176 : i32
      %lt3A_845 = arith.cmpi slt, %add3A_833, %lt3A_844 : i32
      %and3A_846 = vector.broadcast %lt3A_845 : i1 to vector<16xi1>
      %and3A_847 = arith.andi %ge3A_843, %and3A_846 : vector<16xi1>
      %swap3A_848 = arith.index_cast %add3A_833 : i32 to index
      %swap3A_849 = tpu.vector_load %arg10[%swap3A_848] masked %and3A_847 {strides = array<i32>} : memref<8224xi32, #tpu.memory_space<vmem>>, vector<16xi32>, vector<16xi1>
      tpu.vector_store %arg10[%swap3A_848], %get3A_839 masked %and3A_847 {strides = array<i32>} : memref<8224xi32, #tpu.memory_space<vmem>>, vector<16xi32>, vector<16xi1>
      %all_reduce_population_count3A_850 = tpu.all_reduce %and3A_847 {dim = 0 : i64, kind = #tpu.reduction_kind<sum>} : vector<16xi1> -> vector<16xi32>
      %slice3A_851 = vector.extract_strided_slice %all_reduce_population_count3A_850 {offsets = [0], sizes = [1], strides = [1]} : vector<16xi32> to vector<1xi32>
      %squeeze3A_852 = vector.extract %slice3A_851[0] : i32 from vector<1xi32>
      %add3A_853 = arith.addi %add3A_833, %squeeze3A_852 : i32
      %scan3A_854 = arith.constant 4 : i32
      %scan3A_855 = arith.addi %scan3A_775, %scan3A_854 : i32
      %mul3A_856 = arith.constant 16 : i32
      %mul3A_857 = arith.muli %scan3A_855, %mul3A_856 : i32
      %get3A_858 = arith.index_cast %mul3A_857 : i32 to index
      %get3A_859 = tpu.vector_load %arg7[%get3A_858] {strides = array<i32>} : memref<32768xi32, #tpu.memory_space<vmem>>, vector<16xi32>,
      %xor3A_860 = vector.broadcast %scan3A_461 : i32 to vector<16xi32>
      %xor3A_861 = arith.xori %get3A_859, %xor3A_860 : vector<16xi32>
      %ge3A_862 = vector.broadcast %xor3A_460 : i32 to vector<16xi32>
      %ge3A_863 = arith.cmpi sge, %xor3A_861, %ge3A_862 : vector<16xi32>
      %lt3A_864 = arith.constant 8176 : i32
      %lt3A_865 = arith.cmpi slt, %add3A_853, %lt3A_864 : i32
      %and3A_866 = vector.broadcast %lt3A_865 : i1 to vector<16xi1>
      %and3A_867 = arith.andi %ge3A_863, %and3A_866 : vector<16xi1>
      %swap3A_868 = arith.index_cast %add3A_853 : i32 to index
      %swap3A_869 = tpu.vector_load %arg10[%swap3A_868] masked %and3A_867 {strides = array<i32>} : memref<8224xi32, #tpu.memory_space<vmem>>, vector<16xi32>, vector<16xi1>
      tpu.vector_store %arg10[%swap3A_868], %get3A_859 masked %and3A_867 {strides = array<i32>} : memref<8224xi32, #tpu.memory_space<vmem>>, vector<16xi32>, vector<16xi1>
      %all_reduce_population_count3A_870 = tpu.all_reduce %and3A_867 {dim = 0 : i64, kind = #tpu.reduction_kind<sum>} : vector<16xi1> -> vector<16xi32>
      %slice3A_871 = vector.extract_strided_slice %all_reduce_population_count3A_870 {offsets = [0], sizes = [1], strides = [1]} : vector<16xi32> to vector<1xi32>
      %squeeze3A_872 = vector.extract %slice3A_871[0] : i32 from vector<1xi32>
      %add3A_873 = arith.addi %add3A_853, %squeeze3A_872 : i32
      %scan3A_874 = arith.constant 5 : i32
      %scan3A_875 = arith.addi %scan3A_775, %scan3A_874 : i32
      %mul3A_876 = arith.constant 16 : i32
      %mul3A_877 = arith.muli %scan3A_875, %mul3A_876 : i32
      %get3A_878 = arith.index_cast %mul3A_877 : i32 to index
      %get3A_879 = tpu.vector_load %arg7[%get3A_878] {strides = array<i32>} : memref<32768xi32, #tpu.memory_space<vmem>>, vector<16xi32>,
      %xor3A_880 = vector.broadcast %scan3A_461 : i32 to vector<16xi32>
      %xor3A_881 = arith.xori %get3A_879, %xor3A_880 : vector<16xi32>
      %ge3A_882 = vector.broadcast %xor3A_460 : i32 to vector<16xi32>
      %ge3A_883 = arith.cmpi sge, %xor3A_881, %ge3A_882 : vector<16xi32>
      %lt3A_884 = arith.constant 8176 : i32
      %lt3A_885 = arith.cmpi slt, %add3A_873, %lt3A_884 : i32
      %and3A_886 = vector.broadcast %lt3A_885 : i1 to vector<16xi1>
      %and3A_887 = arith.andi %ge3A_883, %and3A_886 : vector<16xi1>
      %swap3A_888 = arith.index_cast %add3A_873 : i32 to index
      %swap3A_889 = tpu.vector_load %arg10[%swap3A_888] masked %and3A_887 {strides = array<i32>} : memref<8224xi32, #tpu.memory_space<vmem>>, vector<16xi32>, vector<16xi1>
      tpu.vector_store %arg10[%swap3A_888], %get3A_879 masked %and3A_887 {strides = array<i32>} : memref<8224xi32, #tpu.memory_space<vmem>>, vector<16xi32>, vector<16xi1>
      %all_reduce_population_count3A_890 = tpu.all_reduce %and3A_887 {dim = 0 : i64, kind = #tpu.reduction_kind<sum>} : vector<16xi1> -> vector<16xi32>
      %slice3A_891 = vector.extract_strided_slice %all_reduce_population_count3A_890 {offsets = [0], sizes = [1], strides = [1]} : vector<16xi32> to vector<1xi32>
      %squeeze3A_892 = vector.extract %slice3A_891[0] : i32 from vector<1xi32>
      %add3A_893 = arith.addi %add3A_873, %squeeze3A_892 : i32
      %scan3A_894 = arith.constant 6 : i32
      %scan3A_895 = arith.addi %scan3A_775, %scan3A_894 : i32
      %mul3A_896 = arith.constant 16 : i32
      %mul3A_897 = arith.muli %scan3A_895, %mul3A_896 : i32
      %get3A_898 = arith.index_cast %mul3A_897 : i32 to index
      %get3A_899 = tpu.vector_load %arg7[%get3A_898] {strides = array<i32>} : memref<32768xi32, #tpu.memory_space<vmem>>, vector<16xi32>,
      %xor3A_900 = vector.broadcast %scan3A_461 : i32 to vector<16xi32>
      %xor3A_901 = arith.xori %get3A_899, %xor3A_900 : vector<16xi32>
      %ge3A_902 = vector.broadcast %xor3A_460 : i32 to vector<16xi32>
      %ge3A_903 = arith.cmpi sge, %xor3A_901, %ge3A_902 : vector<16xi32>
      %lt3A_904 = arith.constant 8176 : i32
      %lt3A_905 = arith.cmpi slt, %add3A_893, %lt3A_904 : i32
      %and3A_906 = vector.broadcast %lt3A_905 : i1 to vector<16xi1>
      %and3A_907 = arith.andi %ge3A_903, %and3A_906 : vector<16xi1>
      %swap3A_908 = arith.index_cast %add3A_893 : i32 to index
      %swap3A_909 = tpu.vector_load %arg10[%swap3A_908] masked %and3A_907 {strides = array<i32>} : memref<8224xi32, #tpu.memory_space<vmem>>, vector<16xi32>, vector<16xi1>
      tpu.vector_store %arg10[%swap3A_908], %get3A_899 masked %and3A_907 {strides = array<i32>} : memref<8224xi32, #tpu.memory_space<vmem>>, vector<16xi32>, vector<16xi1>
      %all_reduce_population_count3A_910 = tpu.all_reduce %and3A_907 {dim = 0 : i64, kind = #tpu.reduction_kind<sum>} : vector<16xi1> -> vector<16xi32>
      %slice3A_911 = vector.extract_strided_slice %all_reduce_population_count3A_910 {offsets = [0], sizes = [1], strides = [1]} : vector<16xi32> to vector<1xi32>
      %squeeze3A_912 = vector.extract %slice3A_911[0] : i32 from vector<1xi32>
      %add3A_913 = arith.addi %add3A_893, %squeeze3A_912 : i32
      %scan3A_914 = arith.constant 7 : i32
      %scan3A_915 = arith.addi %scan3A_775, %scan3A_914 : i32
      %mul3A_916 = arith.constant 16 : i32
      %mul3A_917 = arith.muli %scan3A_915, %mul3A_916 : i32
      %get3A_918 = arith.index_cast %mul3A_917 : i32 to index
      %get3A_919 = tpu.vector_load %arg7[%get3A_918] {strides = array<i32>} : memref<32768xi32, #tpu.memory_space<vmem>>, vector<16xi32>,
      %xor3A_920 = vector.broadcast %scan3A_461 : i32 to vector<16xi32>
      %xor3A_921 = arith.xori %get3A_919, %xor3A_920 : vector<16xi32>
      %ge3A_922 = vector.broadcast %xor3A_460 : i32 to vector<16xi32>
      %ge3A_923 = arith.cmpi sge, %xor3A_921, %ge3A_922 : vector<16xi32>
      %lt3A_924 = arith.constant 8176 : i32
      %lt3A_925 = arith.cmpi slt, %add3A_913, %lt3A_924 : i32
      %and3A_926 = vector.broadcast %lt3A_925 : i1 to vector<16xi1>
      %and3A_927 = arith.andi %ge3A_923, %and3A_926 : vector<16xi1>
      %swap3A_928 = arith.index_cast %add3A_913 : i32 to index
      %swap3A_929 = tpu.vector_load %arg10[%swap3A_928] masked %and3A_927 {strides = array<i32>} : memref<8224xi32, #tpu.memory_space<vmem>>, vector<16xi32>, vector<16xi1>
      tpu.vector_store %arg10[%swap3A_928], %get3A_919 masked %and3A_927 {strides = array<i32>} : memref<8224xi32, #tpu.memory_space<vmem>>, vector<16xi32>, vector<16xi1>
      %all_reduce_population_count3A_930 = tpu.all_reduce %and3A_927 {dim = 0 : i64, kind = #tpu.reduction_kind<sum>} : vector<16xi1> -> vector<16xi32>
      %slice3A_931 = vector.extract_strided_slice %all_reduce_population_count3A_930 {offsets = [0], sizes = [1], strides = [1]} : vector<16xi32> to vector<1xi32>
      %squeeze3A_932 = vector.extract %slice3A_931[0] : i32 from vector<1xi32>
      %add3A_933 = arith.addi %add3A_913, %squeeze3A_932 : i32
      scf.yield %add3A_933 : i32
    }
    %scan3A_468 = arith.constant 2048 : i32
    %add3A_469 = arith.constant 15 : i32
    %add3A_470 = arith.addi %scan3A_467, %add3A_469 : i32
    %jit3A_471 = arith.constant 16 : i32
    %div3A_472 = arith.divsi %add3A_470, %jit3A_471 : i32
    %sign3A_473 = arith.constant 0 : i32
    %sign3A_474 = arith.cmpi sgt, %add3A_470, %sign3A_473 : i32
    %sign3A_475 = arith.extui %sign3A_474 : i1 to i32
    %sign3A_476 = arith.constant 0 : i32
    %sign3A_477 = arith.cmpi slt, %add3A_470, %sign3A_476 : i32
    %sign3A_478 = arith.extui %sign3A_477 : i1 to i32
    %sign3A_479 = arith.subi %sign3A_475, %sign3A_478 : i32
    %sign3A_480 = arith.constant 0 : i32
    %sign3A_481 = arith.cmpi sgt, %jit3A_471, %sign3A_480 : i32
    %sign3A_482 = arith.extui %sign3A_481 : i1 to i32
    %sign3A_483 = arith.constant 0 : i32
    %sign3A_484 = arith.cmpi slt, %jit3A_471, %sign3A_483 : i32
    %sign3A_485 = arith.extui %sign3A_484 : i1 to i32
    %sign3A_486 = arith.subi %sign3A_482, %sign3A_485 : i32
    %ne3A_487 = arith.cmpi ne, %sign3A_479, %sign3A_486 : i32
    %rem3A_488 = arith.remsi %add3A_470, %jit3A_471 : i32
    %ne3A_489 = arith.constant 0 : i32
    %ne3A_490 = arith.cmpi ne, %rem3A_488, %ne3A_489 : i32
    %and3A_491 = arith.andi %ne3A_487, %ne3A_490 : i1
    %sub3A_492 = arith.constant 1 : i32
    %sub3A_493 = arith.subi %div3A_472, %sub3A_492 : i32
    %select_n3A_494 = arith.select %and3A_491, %sub3A_493, %div3A_472 : i32
    %swap3A_495 = arith.index_cast %scan3A_467 : i32 to index
    %swap3A_496 = tpu.vector_load %arg10[%swap3A_495] {strides = array<i32>} : memref<8224xi32, #tpu.memory_space<vmem>>, vector<16xi32>,
    tpu.vector_store %arg10[%swap3A_495], %broadcast_in_dim3A_1 {strides = array<i32>} : memref<8224xi32, #tpu.memory_space<vmem>>, vector<16xi32>,
    %scan3A_497 = arith.constant -2147483648 : i32
    %scan3A_498 = arith.constant 0 : i32
    %scan3A_499 = arith.constant 0 : i32
    %scan3A_500 = arith.constant 32 : i32
    %scan3A_501 = arith.addi %scan3A_499, %scan3A_500 : i32
    %scan3A_502 = arith.constant 1 : i32
    %scan3A_503 = scf.for %scan3A_775 = %scan3A_499 to %scan3A_501 step %scan3A_502 iter_args(%scan3A_776 = %scan3A_498) -> (i32)  : i32 {
      %sub3A_777 = arith.constant 31 : i32
      %sub3A_778 = arith.subi %sub3A_777, %scan3A_775 : i32
      %shift_left3A_779 = arith.constant 1 : i32
      %shift_left3A_780 = arith.shli %shift_left3A_779, %sub3A_778 : i32
      %or3A = arith.ori %scan3A_776, %shift_left3A_780 : i32
      %xor3A_781 = arith.xori %or3A, %scan3A_497 : i32
      %while3A_782 = arith.constant 0 : i32
      %while3A_783 = arith.subi %select_n3A_494, %while3A_782 : i32
      %while3A_784 = arith.addi %while3A_782, %while3A_783 : i32
      %while3A_785 = arith.constant 1 : i32
      %while3A_786 = arith.divsi %while3A_783, %while3A_785 : i32
      %while3A_787 = arith.muli %while3A_786, %while3A_785 : i32
      %while3A_788 = arith.addi %while3A_782, %while3A_787 : i32
      %while3A_789 = arith.constant 1 : i32
      %while3A_790 = scf.for %while3A_799 = %while3A_782 to %while3A_788 step %while3A_789 iter_args(%while3A_800 = %broadcast_in_dim3A_1) -> (vector<16xi32>)  : i32 {
        %mul3A_801 = arith.constant 16 : i32
        %mul3A_802 = arith.muli %while3A_799, %mul3A_801 : i32
        %get3A_803 = arith.index_cast %mul3A_802 : i32 to index
        %get3A_804 = tpu.vector_load %arg10[%get3A_803] {strides = array<i32>} : memref<8224xi32, #tpu.memory_space<vmem>>, vector<16xi32>,
        %xor3A_805 = vector.broadcast %scan3A_497 : i32 to vector<16xi32>
        %xor3A_806 = arith.xori %get3A_804, %xor3A_805 : vector<16xi32>
        %ge3A_807 = vector.broadcast %xor3A_781 : i32 to vector<16xi32>
        %ge3A_808 = arith.cmpi sge, %xor3A_806, %ge3A_807 : vector<16xi32>
        %all_reduce_population_count3A = tpu.all_reduce %ge3A_808 {dim = 0 : i64, kind = #tpu.reduction_kind<sum>} : vector<16xi1> -> vector<16xi32>
        %add3A_809 = arith.addi %while3A_800, %all_reduce_population_count3A : vector<16xi32>
        scf.yield %add3A_809 : vector<16xi32>
      }
      %while3A_791 = arith.constant 1 : i32
      %while3A_792 = scf.for %while3A_799 = %while3A_788 to %while3A_784 step %while3A_791 iter_args(%while3A_800 = %while3A_790) -> (vector<16xi32>)  : i32 {
        %mul3A_801 = arith.constant 16 : i32
        %mul3A_802 = arith.muli %while3A_799, %mul3A_801 : i32
        %get3A_803 = arith.index_cast %mul3A_802 : i32 to index
        %get3A_804 = tpu.vector_load %arg10[%get3A_803] {strides = array<i32>} : memref<8224xi32, #tpu.memory_space<vmem>>, vector<16xi32>,
        %xor3A_805 = vector.broadcast %scan3A_497 : i32 to vector<16xi32>
        %xor3A_806 = arith.xori %get3A_804, %xor3A_805 : vector<16xi32>
        %ge3A_807 = vector.broadcast %xor3A_781 : i32 to vector<16xi32>
        %ge3A_808 = arith.cmpi sge, %xor3A_806, %ge3A_807 : vector<16xi32>
        %all_reduce_population_count3A = tpu.all_reduce %ge3A_808 {dim = 0 : i64, kind = #tpu.reduction_kind<sum>} : vector<16xi1> -> vector<16xi32>
        %add3A_809 = arith.addi %while3A_800, %all_reduce_population_count3A : vector<16xi32>
        scf.yield %add3A_809 : vector<16xi32>
      }
      %slice3A_793 = vector.extract_strided_slice %while3A_792 {offsets = [0], sizes = [1], strides = [1]} : vector<16xi32> to vector<1xi32>
      %squeeze3A_794 = vector.extract %slice3A_793[0] : i32 from vector<1xi32>
      %ge3A_795 = arith.constant 64 : i32
      %ge3A_796 = arith.cmpi sge, %squeeze3A_794, %ge3A_795 : i32
      %or3A_797 = arith.ori %scan3A_776, %shift_left3A_780 : i32
      %select_n3A_798 = arith.select %ge3A_796, %or3A_797, %scan3A_776 : i32
      scf.yield %select_n3A_798 : i32
    }
    %scan3A_504 = arith.constant 32 : i32
    %xor3A_505 = arith.constant -2147483648 : i32
    %xor3A_506 = arith.xori %scan3A_503, %xor3A_505 : i32
    %broadcast_in_dim3A_507 = arith.constant -3.400000e+38 : f32
    %broadcast_in_dim3A_508 = vector.broadcast %broadcast_in_dim3A_507 : f32 to vector<16xf32>
    %while3A_509 = arith.constant -2147483648 : i32
    %while3A_510 = arith.constant 2147483647 : i32
    %while3A_511 = arith.constant 0 : i32
    %while3A_512 = arith.subi %select_n3A_494, %while3A_511 : i32
    %while3A_513 = arith.addi %while3A_511, %while3A_512 : i32
    %while3A_514 = arith.constant 1 : i32
    %while3A_515 = arith.divsi %while3A_512, %while3A_514 : i32
    %while3A_516 = arith.muli %while3A_515, %while3A_514 : i32
    %while3A_517 = arith.addi %while3A_511, %while3A_516 : i32
    %while3A_518 = arith.constant 1 : i32
    %while3A_519 = scf.for %while3A_775 = %while3A_511 to %while3A_517 step %while3A_518 iter_args(%while3A_776 = %broadcast_in_dim3A_508) -> (vector<16xf32>)  : i32 {
      %mul3A_777 = arith.constant 16 : i32
      %mul3A_778 = arith.muli %while3A_775, %mul3A_777 : i32
      %get3A_779 = arith.index_cast %mul3A_778 : i32 to index
      %get3A_780 = tpu.vector_load %arg10[%get3A_779] {strides = array<i32>} : memref<8224xi32, #tpu.memory_space<vmem>>, vector<16xi32>,
      %eq3A_781 = arith.constant 0 : i32
      %eq3A_782 = vector.broadcast %eq3A_781 : i32 to vector<16xi32>
      %eq3A_783 = arith.cmpi eq, %get3A_780, %eq3A_782 : vector<16xi32>
      %xor3A_784 = vector.broadcast %while3A_509 : i32 to vector<16xi32>
      %xor3A_785 = arith.xori %get3A_780, %xor3A_784 : vector<16xi32>
      %shift_right_arithmetic3A = arith.constant 31 : i32
      %shift_right_arithmetic3A_786 = vector.broadcast %shift_right_arithmetic3A : i32 to vector<16xi32>
      %shift_right_arithmetic3A_787 = arith.shrsi %xor3A_785, %shift_right_arithmetic3A_786 : vector<16xi32>
      %and3A_788 = vector.broadcast %while3A_510 : i32 to vector<16xi32>
      %and3A_789 = arith.andi %shift_right_arithmetic3A_787, %and3A_788 : vector<16xi32>
      %xor3A_790 = arith.xori %xor3A_785, %and3A_789 : vector<16xi32>
      %bitcast_convert_type3A_791 = tpu.bitcast %xor3A_790 : vector<16xi32> -> vector<16xf32>
      %jit3A_792 = arith.constant -3.400000e+38 : f32
      %broadcast_in_dim3A_793 = vector.broadcast %jit3A_792 : f32 to vector<16xf32>
      %select_n3A_794 = arith.select %eq3A_783, %broadcast_in_dim3A_793, %bitcast_convert_type3A_791 : vector<16xi1>, vector<16xf32>
      %max3A = arith.maximumf %while3A_776, %select_n3A_794 : vector<16xf32>
      scf.yield %max3A : vector<16xf32>
    }
    %while3A_520 = arith.constant 1 : i32
    %while3A_521 = scf.for %while3A_775 = %while3A_517 to %while3A_513 step %while3A_520 iter_args(%while3A_776 = %while3A_519) -> (vector<16xf32>)  : i32 {
      %mul3A_777 = arith.constant 16 : i32
      %mul3A_778 = arith.muli %while3A_775, %mul3A_777 : i32
      %get3A_779 = arith.index_cast %mul3A_778 : i32 to index
      %get3A_780 = tpu.vector_load %arg10[%get3A_779] {strides = array<i32>} : memref<8224xi32, #tpu.memory_space<vmem>>, vector<16xi32>,
      %eq3A_781 = arith.constant 0 : i32
      %eq3A_782 = vector.broadcast %eq3A_781 : i32 to vector<16xi32>
      %eq3A_783 = arith.cmpi eq, %get3A_780, %eq3A_782 : vector<16xi32>
      %xor3A_784 = vector.broadcast %while3A_509 : i32 to vector<16xi32>
      %xor3A_785 = arith.xori %get3A_780, %xor3A_784 : vector<16xi32>
      %shift_right_arithmetic3A = arith.constant 31 : i32
      %shift_right_arithmetic3A_786 = vector.broadcast %shift_right_arithmetic3A : i32 to vector<16xi32>
      %shift_right_arithmetic3A_787 = arith.shrsi %xor3A_785, %shift_right_arithmetic3A_786 : vector<16xi32>
      %and3A_788 = vector.broadcast %while3A_510 : i32 to vector<16xi32>
      %and3A_789 = arith.andi %shift_right_arithmetic3A_787, %and3A_788 : vector<16xi32>
      %xor3A_790 = arith.xori %xor3A_785, %and3A_789 : vector<16xi32>
      %bitcast_convert_type3A_791 = tpu.bitcast %xor3A_790 : vector<16xi32> -> vector<16xf32>
      %jit3A_792 = arith.constant -3.400000e+38 : f32
      %broadcast_in_dim3A_793 = vector.broadcast %jit3A_792 : f32 to vector<16xf32>
      %select_n3A_794 = arith.select %eq3A_783, %broadcast_in_dim3A_793, %bitcast_convert_type3A_791 : vector<16xi1>, vector<16xf32>
      %max3A = arith.maximumf %while3A_776, %select_n3A_794 : vector<16xf32>
      scf.yield %max3A : vector<16xf32>
    }
    %reduce_max3A_522 = arith.constant true
    %reduce_max3A_523 = vector.broadcast %reduce_max3A_522 : i1 to vector<16xi1>
    %reduce_max3A_524 = tpu.scan <max>, %while3A_521 masked %reduce_max3A_523 : vector<16xf32>, vector<16xi1> -> vector<16xf32>
    %reduce_max3A_525 = vector.extract %reduce_max3A_524[15] : f32 from vector<16xf32>
    %broadcast_in_dim3A_526 = arith.constant 0.000000e+00 : f32
    %broadcast_in_dim3A_527 = vector.broadcast %broadcast_in_dim3A_526 : f32 to vector<16xf32>
    %while3A_528 = arith.constant -2147483648 : i32
    %while3A_529 = arith.constant 2147483647 : i32
    %while3A_530 = arith.constant 0 : i32
    %while3A_531 = arith.subi %select_n3A_494, %while3A_530 : i32
    %while3A_532 = arith.addi %while3A_530, %while3A_531 : i32
    %while3A_533 = arith.constant 1 : i32
    %while3A_534 = arith.divsi %while3A_531, %while3A_533 : i32
    %while3A_535 = arith.muli %while3A_534, %while3A_533 : i32
    %while3A_536 = arith.addi %while3A_530, %while3A_535 : i32
    %while3A_537 = arith.constant 1 : i32
    %while3A_538:2 = scf.for %while3A_775 = %while3A_530 to %while3A_536 step %while3A_537 iter_args(%while3A_776 = %broadcast_in_dim3A_527, %while3A_777 = %broadcast_in_dim3A_1) -> (vector<16xf32>, vector<16xi32>)  : i32 {
      %mul3A_778 = arith.constant 16 : i32
      %mul3A_779 = arith.muli %while3A_775, %mul3A_778 : i32
      %get3A_780 = arith.index_cast %mul3A_779 : i32 to index
      %get3A_781 = tpu.vector_load %arg10[%get3A_780] {strides = array<i32>} : memref<8224xi32, #tpu.memory_space<vmem>>, vector<16xi32>,
      %xor3A_782 = vector.broadcast %while3A_528 : i32 to vector<16xi32>
      %xor3A_783 = arith.xori %get3A_781, %xor3A_782 : vector<16xi32>
      %ge3A_784 = vector.broadcast %xor3A_506 : i32 to vector<16xi32>
      %ge3A_785 = arith.cmpi sge, %xor3A_783, %ge3A_784 : vector<16xi32>
      %xor3A_786 = vector.broadcast %while3A_528 : i32 to vector<16xi32>
      %xor3A_787 = arith.xori %get3A_781, %xor3A_786 : vector<16xi32>
      %shift_right_arithmetic3A = arith.constant 31 : i32
      %shift_right_arithmetic3A_788 = vector.broadcast %shift_right_arithmetic3A : i32 to vector<16xi32>
      %shift_right_arithmetic3A_789 = arith.shrsi %xor3A_787, %shift_right_arithmetic3A_788 : vector<16xi32>
      %and3A_790 = vector.broadcast %while3A_529 : i32 to vector<16xi32>
      %and3A_791 = arith.andi %shift_right_arithmetic3A_789, %and3A_790 : vector<16xi32>
      %xor3A_792 = arith.xori %xor3A_787, %and3A_791 : vector<16xi32>
      %bitcast_convert_type3A_793 = tpu.bitcast %xor3A_792 : vector<16xi32> -> vector<16xf32>
      %sub3A_794 = vector.broadcast %reduce_max3A_525 : f32 to vector<16xf32>
      %sub3A_795 = arith.subf %bitcast_convert_type3A_793, %sub3A_794 : vector<16xf32>
      %exp3A_796 = math.exp %sub3A_795 : vector<16xf32>
      %jit3A_797 = arith.constant 0.000000e+00 : f32
      %broadcast_in_dim3A_798 = vector.broadcast %jit3A_797 : f32 to vector<16xf32>
      %select_n3A_799 = arith.select %ge3A_785, %exp3A_796, %broadcast_in_dim3A_798 : vector<16xi1>, vector<16xf32>
      %add3A_800 = arith.addf %while3A_776, %select_n3A_799 : vector<16xf32>
      %all_reduce_population_count3A = tpu.all_reduce %ge3A_785 {dim = 0 : i64, kind = #tpu.reduction_kind<sum>} : vector<16xi1> -> vector<16xi32>
      %add3A_801 = arith.addi %while3A_777, %all_reduce_population_count3A : vector<16xi32>
      scf.yield %add3A_800, %add3A_801 : vector<16xf32>, vector<16xi32>
    }
    %while3A_539 = arith.constant 1 : i32
    %while3A_540:2 = scf.for %while3A_775 = %while3A_536 to %while3A_532 step %while3A_539 iter_args(%while3A_776 = %while3A_538#0, %while3A_777 = %while3A_538#1) -> (vector<16xf32>, vector<16xi32>)  : i32 {
      %mul3A_778 = arith.constant 16 : i32
      %mul3A_779 = arith.muli %while3A_775, %mul3A_778 : i32
      %get3A_780 = arith.index_cast %mul3A_779 : i32 to index
      %get3A_781 = tpu.vector_load %arg10[%get3A_780] {strides = array<i32>} : memref<8224xi32, #tpu.memory_space<vmem>>, vector<16xi32>,
      %xor3A_782 = vector.broadcast %while3A_528 : i32 to vector<16xi32>
      %xor3A_783 = arith.xori %get3A_781, %xor3A_782 : vector<16xi32>
      %ge3A_784 = vector.broadcast %xor3A_506 : i32 to vector<16xi32>
      %ge3A_785 = arith.cmpi sge, %xor3A_783, %ge3A_784 : vector<16xi32>
      %xor3A_786 = vector.broadcast %while3A_528 : i32 to vector<16xi32>
      %xor3A_787 = arith.xori %get3A_781, %xor3A_786 : vector<16xi32>
      %shift_right_arithmetic3A = arith.constant 31 : i32
      %shift_right_arithmetic3A_788 = vector.broadcast %shift_right_arithmetic3A : i32 to vector<16xi32>
      %shift_right_arithmetic3A_789 = arith.shrsi %xor3A_787, %shift_right_arithmetic3A_788 : vector<16xi32>
      %and3A_790 = vector.broadcast %while3A_529 : i32 to vector<16xi32>
      %and3A_791 = arith.andi %shift_right_arithmetic3A_789, %and3A_790 : vector<16xi32>
      %xor3A_792 = arith.xori %xor3A_787, %and3A_791 : vector<16xi32>
      %bitcast_convert_type3A_793 = tpu.bitcast %xor3A_792 : vector<16xi32> -> vector<16xf32>
      %sub3A_794 = vector.broadcast %reduce_max3A_525 : f32 to vector<16xf32>
      %sub3A_795 = arith.subf %bitcast_convert_type3A_793, %sub3A_794 : vector<16xf32>
      %exp3A_796 = math.exp %sub3A_795 : vector<16xf32>
      %jit3A_797 = arith.constant 0.000000e+00 : f32
      %broadcast_in_dim3A_798 = vector.broadcast %jit3A_797 : f32 to vector<16xf32>
      %select_n3A_799 = arith.select %ge3A_785, %exp3A_796, %broadcast_in_dim3A_798 : vector<16xi1>, vector<16xf32>
      %add3A_800 = arith.addf %while3A_776, %select_n3A_799 : vector<16xf32>
      %all_reduce_population_count3A = tpu.all_reduce %ge3A_785 {dim = 0 : i64, kind = #tpu.reduction_kind<sum>} : vector<16xi1> -> vector<16xi32>
      %add3A_801 = arith.addi %while3A_777, %all_reduce_population_count3A : vector<16xi32>
      scf.yield %add3A_800, %add3A_801 : vector<16xf32>, vector<16xi32>
    }
    %reduce_sum3A_541 = arith.constant true
    %reduce_sum3A_542 = vector.broadcast %reduce_sum3A_541 : i1 to vector<16xi1>
    %reduce_sum3A_543 = tpu.scan <sum>, %while3A_540#0 masked %reduce_sum3A_542 : vector<16xf32>, vector<16xi1> -> vector<16xf32>
    %reduce_sum3A_544 = vector.extract %reduce_sum3A_543[15] : f32 from vector<16xf32>
    %slice3A_545 = vector.extract_strided_slice %while3A_540#1 {offsets = [0], sizes = [1], strides = [1]} : vector<16xi32> to vector<1xi32>
    %squeeze3A_546 = vector.extract %slice3A_545[0] : i32 from vector<1xi32>
    %lt3A_547 = arith.constant 0 : i32
    %lt3A_548 = arith.cmpi slt, %xor3A_506, %lt3A_547 : i32
    %xor3A_549 = arith.constant 2147483647 : i32
    %xor3A_550 = arith.xori %xor3A_506, %xor3A_549 : i32
    %select_n3A_551 = arith.select %lt3A_548, %xor3A_550, %xor3A_506 : i32
    %bitcast_convert_type3A_552 = arith.bitcast %select_n3A_551 : i32 to f32
    %sub3A_553 = arith.subf %bitcast_convert_type3A_552, %reduce_max3A_525 : f32
    %broadcast_in_dim3A_554 = vector.broadcast %sub3A_553 : f32 to vector<16xf32>
    %exp3A_555 = math.exp %broadcast_in_dim3A_554 : vector<16xf32>
    %slice3A_556 = vector.extract_strided_slice %exp3A_555 {offsets = [0], sizes = [1], strides = [1]} : vector<16xf32> to vector<1xf32>
    %squeeze3A_557 = vector.extract %slice3A_556[0] : f32 from vector<1xf32>
    %sub3A_558 = arith.constant 64 : i32
    %sub3A_559 = arith.subi %squeeze3A_546, %sub3A_558 : i32
    %convert_element_type3A_560 = arith.sitofp %sub3A_559 : i32 to f32
    %mul3A_561 = arith.mulf %convert_element_type3A_560, %squeeze3A_557 : f32
    %sub3A_562 = arith.subf %reduce_sum3A_544, %mul3A_561 : f32
    %eq3A_563 = arith.constant 2 : i32
    %eq3A_564 = vector.broadcast %eq3A_563 : i32 to vector<16xi32>
    %eq3A_565 = arith.cmpi eq, %iota3A, %eq3A_564 : vector<16xi32>
    %broadcast_in_dim3A_566 = vector.broadcast %xor3A_506 : i32 to vector<16xi32>
    %select_n3A_567 = arith.select %eq3A_565, %broadcast_in_dim3A_566, %select_n3A_370 : vector<16xi1>, vector<16xi32>
    %broadcast_in_dim3A_568 = vector.broadcast %reduce_max3A_525 : f32 to vector<16xf32>
    %select_n3A_569 = arith.select %eq3A_565, %broadcast_in_dim3A_568, %select_n3A_372 : vector<16xi1>, vector<16xf32>
    %broadcast_in_dim3A_570 = vector.broadcast %sub3A_562 : f32 to vector<16xf32>
    %select_n3A_571 = arith.select %eq3A_565, %broadcast_in_dim3A_570, %select_n3A_374 : vector<16xi1>, vector<16xf32>
    %mul3A_572 = arith.constant 4 : i32
    %mul3A_573 = arith.muli %add3A, %mul3A_572 : i32
    %add3A_574 = arith.constant 3 : i32
    %add3A_575 = arith.addi %mul3A_573, %add3A_574 : i32
    "tpu.region"() ({
      %run_scoped3A = tpu.sem_alloc : memref<!tpu.dma_semaphore, #tpu.memory_space<semaphore_mem>>
      %dma_start3A = arith.constant 0 : i32
      %dma_start3A_775 = tpu.memref_slice %arg2[%add3A_575, %dma_start3A] : memref<128x32768xf32, #tpu.memory_space<hbm>> -> memref<1x32768xf32, #tpu.memory_space<hbm>>
      %dma_start3A_776 = tpu.memref_squeeze %dma_start3A_775 : memref<1x32768xf32, #tpu.memory_space<hbm>> -> memref<32768xf32, #tpu.memory_space<hbm>>
      %dma_start3A_777 = arith.constant 0 : i32
      %dma_start3A_778 = tpu.memref_slice %arg2[%add3A_575, %dma_start3A_777] : memref<128x32768xf32, #tpu.memory_space<hbm>> -> memref<1x32768xf32, #tpu.memory_space<hbm>>
      %dma_start3A_779 = tpu.memref_squeeze %dma_start3A_778 : memref<1x32768xf32, #tpu.memory_space<hbm>> -> memref<32768xf32, #tpu.memory_space<hbm>>
      tpu.enqueue_dma source(%dma_start3A_779 : memref<32768xf32, #tpu.memory_space<hbm>>) target(%arg6 : memref<32768xf32, #tpu.memory_space<vmem>>) target_semaphore(%run_scoped3A : memref<!tpu.dma_semaphore, #tpu.memory_space<semaphore_mem>>)
      %dma_wait3A = arith.constant 0 : i32
      %dma_wait3A_780 = tpu.memref_slice %arg2[%add3A_575, %dma_wait3A] : memref<128x32768xf32, #tpu.memory_space<hbm>> -> memref<1x32768xf32, #tpu.memory_space<hbm>>
      %dma_wait3A_781 = tpu.memref_squeeze %dma_wait3A_780 : memref<1x32768xf32, #tpu.memory_space<hbm>> -> memref<32768xf32, #tpu.memory_space<hbm>>
      %dma_wait3A_782 = arith.constant 0 : i32
      %dma_wait3A_783 = tpu.memref_slice %arg2[%add3A_575, %dma_wait3A_782] : memref<128x32768xf32, #tpu.memory_space<hbm>> -> memref<1x32768xf32, #tpu.memory_space<hbm>>
      %dma_wait3A_784 = tpu.memref_squeeze %dma_wait3A_783 : memref<1x32768xf32, #tpu.memory_space<hbm>> -> memref<32768xf32, #tpu.memory_space<hbm>>
      tpu.wait_dma2 semaphore(%run_scoped3A : memref<!tpu.dma_semaphore, #tpu.memory_space<semaphore_mem>>) src(%dma_wait3A_784 : memref<32768xf32, #tpu.memory_space<hbm>>) dst(%arg6 : memref<32768xf32, #tpu.memory_space<vmem>>)
      tpu.yield
    }) : () -> ()
    %scan3A_576 = arith.constant 0 : i32
    %scan3A_577 = arith.constant 0 : i32
    %scan3A_578 = arith.constant 2048 : i32
    %scan3A_579 = arith.addi %scan3A_577, %scan3A_578 : i32
    %scan3A_580 = arith.constant 8 : i32
    scf.for %scan3A_775 = %scan3A_577 to %scan3A_579 step %scan3A_580  : i32 {
      %mul3A_776 = arith.constant 16 : i32
      %mul3A_777 = arith.muli %scan3A_775, %mul3A_776 : i32
      %swap3A_778 = arith.index_cast %mul3A_777 : i32 to index
      %swap3A_779 = tpu.vector_load %arg8[%swap3A_778] {strides = array<i32>} : memref<32800xi32, #tpu.memory_space<vmem>>, vector<16xi32>,
      tpu.vector_store %arg8[%swap3A_778], %broadcast_in_dim3A_1 {strides = array<i32>} : memref<32800xi32, #tpu.memory_space<vmem>>, vector<16xi32>,
      %scan3A_780 = arith.constant 1 : i32
      %scan3A_781 = arith.addi %scan3A_775, %scan3A_780 : i32
      %mul3A_782 = arith.constant 16 : i32
      %mul3A_783 = arith.muli %scan3A_781, %mul3A_782 : i32
      %swap3A_784 = arith.index_cast %mul3A_783 : i32 to index
      %swap3A_785 = tpu.vector_load %arg8[%swap3A_784] {strides = array<i32>} : memref<32800xi32, #tpu.memory_space<vmem>>, vector<16xi32>,
      tpu.vector_store %arg8[%swap3A_784], %broadcast_in_dim3A_1 {strides = array<i32>} : memref<32800xi32, #tpu.memory_space<vmem>>, vector<16xi32>,
      %scan3A_786 = arith.constant 2 : i32
      %scan3A_787 = arith.addi %scan3A_775, %scan3A_786 : i32
      %mul3A_788 = arith.constant 16 : i32
      %mul3A_789 = arith.muli %scan3A_787, %mul3A_788 : i32
      %swap3A_790 = arith.index_cast %mul3A_789 : i32 to index
      %swap3A_791 = tpu.vector_load %arg8[%swap3A_790] {strides = array<i32>} : memref<32800xi32, #tpu.memory_space<vmem>>, vector<16xi32>,
      tpu.vector_store %arg8[%swap3A_790], %broadcast_in_dim3A_1 {strides = array<i32>} : memref<32800xi32, #tpu.memory_space<vmem>>, vector<16xi32>,
      %scan3A_792 = arith.constant 3 : i32
      %scan3A_793 = arith.addi %scan3A_775, %scan3A_792 : i32
      %mul3A_794 = arith.constant 16 : i32
      %mul3A_795 = arith.muli %scan3A_793, %mul3A_794 : i32
      %swap3A_796 = arith.index_cast %mul3A_795 : i32 to index
      %swap3A_797 = tpu.vector_load %arg8[%swap3A_796] {strides = array<i32>} : memref<32800xi32, #tpu.memory_space<vmem>>, vector<16xi32>,
      tpu.vector_store %arg8[%swap3A_796], %broadcast_in_dim3A_1 {strides = array<i32>} : memref<32800xi32, #tpu.memory_space<vmem>>, vector<16xi32>,
      %scan3A_798 = arith.constant 4 : i32
      %scan3A_799 = arith.addi %scan3A_775, %scan3A_798 : i32
      %mul3A_800 = arith.constant 16 : i32
      %mul3A_801 = arith.muli %scan3A_799, %mul3A_800 : i32
      %swap3A_802 = arith.index_cast %mul3A_801 : i32 to index
      %swap3A_803 = tpu.vector_load %arg8[%swap3A_802] {strides = array<i32>} : memref<32800xi32, #tpu.memory_space<vmem>>, vector<16xi32>,
      tpu.vector_store %arg8[%swap3A_802], %broadcast_in_dim3A_1 {strides = array<i32>} : memref<32800xi32, #tpu.memory_space<vmem>>, vector<16xi32>,
      %scan3A_804 = arith.constant 5 : i32
      %scan3A_805 = arith.addi %scan3A_775, %scan3A_804 : i32
      %mul3A_806 = arith.constant 16 : i32
      %mul3A_807 = arith.muli %scan3A_805, %mul3A_806 : i32
      %swap3A_808 = arith.index_cast %mul3A_807 : i32 to index
      %swap3A_809 = tpu.vector_load %arg8[%swap3A_808] {strides = array<i32>} : memref<32800xi32, #tpu.memory_space<vmem>>, vector<16xi32>,
      tpu.vector_store %arg8[%swap3A_808], %broadcast_in_dim3A_1 {strides = array<i32>} : memref<32800xi32, #tpu.memory_space<vmem>>, vector<16xi32>,
      %scan3A_810 = arith.constant 6 : i32
      %scan3A_811 = arith.addi %scan3A_775, %scan3A_810 : i32
      %mul3A_812 = arith.constant 16 : i32
      %mul3A_813 = arith.muli %scan3A_811, %mul3A_812 : i32
      %swap3A_814 = arith.index_cast %mul3A_813 : i32 to index
      %swap3A_815 = tpu.vector_load %arg8[%swap3A_814] {strides = array<i32>} : memref<32800xi32, #tpu.memory_space<vmem>>, vector<16xi32>,
      tpu.vector_store %arg8[%swap3A_814], %broadcast_in_dim3A_1 {strides = array<i32>} : memref<32800xi32, #tpu.memory_space<vmem>>, vector<16xi32>,
      %scan3A_816 = arith.constant 7 : i32
      %scan3A_817 = arith.addi %scan3A_775, %scan3A_816 : i32
      %mul3A_818 = arith.constant 16 : i32
      %mul3A_819 = arith.muli %scan3A_817, %mul3A_818 : i32
      %swap3A_820 = arith.index_cast %mul3A_819 : i32 to index
      %swap3A_821 = tpu.vector_load %arg8[%swap3A_820] {strides = array<i32>} : memref<32800xi32, #tpu.memory_space<vmem>>, vector<16xi32>,
      tpu.vector_store %arg8[%swap3A_820], %broadcast_in_dim3A_1 {strides = array<i32>} : memref<32800xi32, #tpu.memory_space<vmem>>, vector<16xi32>,
    }
    %scan3A_581 = arith.constant 2048 : i32
    %scan3A_582 = arith.addi %scan3A_577, %scan3A_581 : i32
    %mul3A_583 = arith.constant 16 : i32
    %mul3A_584 = arith.muli %scan3A_582, %mul3A_583 : i32
    %swap3A_585 = arith.index_cast %mul3A_584 : i32 to index
    %swap3A_586 = tpu.vector_load %arg8[%swap3A_585] {strides = array<i32>} : memref<32800xi32, #tpu.memory_space<vmem>>, vector<16xi32>,
    tpu.vector_store %arg8[%swap3A_585], %broadcast_in_dim3A_1 {strides = array<i32>} : memref<32800xi32, #tpu.memory_space<vmem>>, vector<16xi32>,
    %scan3A_587 = arith.constant 2049 : i32
    %scan3A_588 = arith.addi %scan3A_577, %scan3A_587 : i32
    %mul3A_589 = arith.constant 16 : i32
    %mul3A_590 = arith.muli %scan3A_588, %mul3A_589 : i32
    %swap3A_591 = arith.index_cast %mul3A_590 : i32 to index
    %swap3A_592 = tpu.vector_load %arg8[%swap3A_591] {strides = array<i32>} : memref<32800xi32, #tpu.memory_space<vmem>>, vector<16xi32>,
    tpu.vector_store %arg8[%swap3A_591], %broadcast_in_dim3A_1 {strides = array<i32>} : memref<32800xi32, #tpu.memory_space<vmem>>, vector<16xi32>,
    %scan3A_593 = arith.constant 2050 : i32
    %mul3A_594 = arith.constant 2049 : i32
    %mul3A_595 = vector.broadcast %mul3A_594 : i32 to vector<16xi32>
    %mul3A_596 = arith.muli %iota3A, %mul3A_595 : vector<16xi32>
    %scan3A_597 = arith.constant 0 : i32
    %scan3A_598 = arith.constant -2147483648 : i32
    %scan3A_599 = arith.constant 0 : i32
    %scan3A_600 = arith.constant 2048 : i32
    %scan3A_601 = arith.addi %scan3A_599, %scan3A_600 : i32
    %scan3A_602 = arith.constant 8 : i32
    scf.for %scan3A_775 = %scan3A_599 to %scan3A_601 step %scan3A_602  : i32 {
      %mul3A_776 = arith.constant 16 : i32
      %mul3A_777 = arith.muli %scan3A_775, %mul3A_776 : i32
      %get3A_778 = arith.index_cast %mul3A_777 : i32 to index
      %get3A_779 = tpu.vector_load %arg6[%get3A_778] {strides = array<i32>} : memref<32768xf32, #tpu.memory_space<vmem>>, vector<16xf32>,
      %bitcast_convert_type3A_780 = tpu.bitcast %get3A_779 : vector<16xf32> -> vector<16xi32>
      %shift_right_arithmetic3A = arith.constant 31 : i32
      %shift_right_arithmetic3A_781 = vector.broadcast %shift_right_arithmetic3A : i32 to vector<16xi32>
      %shift_right_arithmetic3A_782 = arith.shrsi %bitcast_convert_type3A_780, %shift_right_arithmetic3A_781 : vector<16xi32>
      %or3A = vector.broadcast %scan3A_598 : i32 to vector<16xi32>
      %or3A_783 = arith.ori %shift_right_arithmetic3A_782, %or3A : vector<16xi32>
      %xor3A_784 = arith.xori %bitcast_convert_type3A_780, %or3A_783 : vector<16xi32>
      %mul3A_785 = arith.constant 16 : i32
      %mul3A_786 = arith.muli %scan3A_775, %mul3A_785 : i32
      %swap3A_787 = arith.index_cast %mul3A_786 : i32 to index
      %swap3A_788 = tpu.vector_load %arg7[%swap3A_787] {strides = array<i32>} : memref<32768xi32, #tpu.memory_space<vmem>>, vector<16xi32>,
      tpu.vector_store %arg7[%swap3A_787], %xor3A_784 {strides = array<i32>} : memref<32768xi32, #tpu.memory_space<vmem>>, vector<16xi32>,
      %shift_right_logical3A = arith.constant 21 : i32
      %shift_right_logical3A_789 = vector.broadcast %shift_right_logical3A : i32 to vector<16xi32>
      %shift_right_logical3A_790 = arith.shrui %xor3A_784, %shift_right_logical3A_789 : vector<16xi32>
      %add3A_791 = arith.addi %mul3A_596, %shift_right_logical3A_790 : vector<16xi32>
      tpu.vector_store_idx %arg8[%add3A_791], %broadcast_in_dim3A_3 {add = true} : memref<32800xi32, #tpu.memory_space<vmem>>[vector<16xi32>], vector<16xi32>,
      %scan3A_792 = arith.constant 1 : i32
      %scan3A_793 = arith.addi %scan3A_775, %scan3A_792 : i32
      %mul3A_794 = arith.constant 16 : i32
      %mul3A_795 = arith.muli %scan3A_793, %mul3A_794 : i32
      %get3A_796 = arith.index_cast %mul3A_795 : i32 to index
      %get3A_797 = tpu.vector_load %arg6[%get3A_796] {strides = array<i32>} : memref<32768xf32, #tpu.memory_space<vmem>>, vector<16xf32>,
      %bitcast_convert_type3A_798 = tpu.bitcast %get3A_797 : vector<16xf32> -> vector<16xi32>
      %shift_right_arithmetic3A_799 = arith.constant 31 : i32
      %shift_right_arithmetic3A_800 = vector.broadcast %shift_right_arithmetic3A_799 : i32 to vector<16xi32>
      %shift_right_arithmetic3A_801 = arith.shrsi %bitcast_convert_type3A_798, %shift_right_arithmetic3A_800 : vector<16xi32>
      %or3A_802 = vector.broadcast %scan3A_598 : i32 to vector<16xi32>
      %or3A_803 = arith.ori %shift_right_arithmetic3A_801, %or3A_802 : vector<16xi32>
      %xor3A_804 = arith.xori %bitcast_convert_type3A_798, %or3A_803 : vector<16xi32>
      %mul3A_805 = arith.constant 16 : i32
      %mul3A_806 = arith.muli %scan3A_793, %mul3A_805 : i32
      %swap3A_807 = arith.index_cast %mul3A_806 : i32 to index
      %swap3A_808 = tpu.vector_load %arg7[%swap3A_807] {strides = array<i32>} : memref<32768xi32, #tpu.memory_space<vmem>>, vector<16xi32>,
      tpu.vector_store %arg7[%swap3A_807], %xor3A_804 {strides = array<i32>} : memref<32768xi32, #tpu.memory_space<vmem>>, vector<16xi32>,
      %shift_right_logical3A_809 = arith.constant 21 : i32
      %shift_right_logical3A_810 = vector.broadcast %shift_right_logical3A_809 : i32 to vector<16xi32>
      %shift_right_logical3A_811 = arith.shrui %xor3A_804, %shift_right_logical3A_810 : vector<16xi32>
      %add3A_812 = arith.addi %mul3A_596, %shift_right_logical3A_811 : vector<16xi32>
      tpu.vector_store_idx %arg8[%add3A_812], %broadcast_in_dim3A_3 {add = true} : memref<32800xi32, #tpu.memory_space<vmem>>[vector<16xi32>], vector<16xi32>,
      %scan3A_813 = arith.constant 2 : i32
      %scan3A_814 = arith.addi %scan3A_775, %scan3A_813 : i32
      %mul3A_815 = arith.constant 16 : i32
      %mul3A_816 = arith.muli %scan3A_814, %mul3A_815 : i32
      %get3A_817 = arith.index_cast %mul3A_816 : i32 to index
      %get3A_818 = tpu.vector_load %arg6[%get3A_817] {strides = array<i32>} : memref<32768xf32, #tpu.memory_space<vmem>>, vector<16xf32>,
      %bitcast_convert_type3A_819 = tpu.bitcast %get3A_818 : vector<16xf32> -> vector<16xi32>
      %shift_right_arithmetic3A_820 = arith.constant 31 : i32
      %shift_right_arithmetic3A_821 = vector.broadcast %shift_right_arithmetic3A_820 : i32 to vector<16xi32>
      %shift_right_arithmetic3A_822 = arith.shrsi %bitcast_convert_type3A_819, %shift_right_arithmetic3A_821 : vector<16xi32>
      %or3A_823 = vector.broadcast %scan3A_598 : i32 to vector<16xi32>
      %or3A_824 = arith.ori %shift_right_arithmetic3A_822, %or3A_823 : vector<16xi32>
      %xor3A_825 = arith.xori %bitcast_convert_type3A_819, %or3A_824 : vector<16xi32>
      %mul3A_826 = arith.constant 16 : i32
      %mul3A_827 = arith.muli %scan3A_814, %mul3A_826 : i32
      %swap3A_828 = arith.index_cast %mul3A_827 : i32 to index
      %swap3A_829 = tpu.vector_load %arg7[%swap3A_828] {strides = array<i32>} : memref<32768xi32, #tpu.memory_space<vmem>>, vector<16xi32>,
      tpu.vector_store %arg7[%swap3A_828], %xor3A_825 {strides = array<i32>} : memref<32768xi32, #tpu.memory_space<vmem>>, vector<16xi32>,
      %shift_right_logical3A_830 = arith.constant 21 : i32
      %shift_right_logical3A_831 = vector.broadcast %shift_right_logical3A_830 : i32 to vector<16xi32>
      %shift_right_logical3A_832 = arith.shrui %xor3A_825, %shift_right_logical3A_831 : vector<16xi32>
      %add3A_833 = arith.addi %mul3A_596, %shift_right_logical3A_832 : vector<16xi32>
      tpu.vector_store_idx %arg8[%add3A_833], %broadcast_in_dim3A_3 {add = true} : memref<32800xi32, #tpu.memory_space<vmem>>[vector<16xi32>], vector<16xi32>,
      %scan3A_834 = arith.constant 3 : i32
      %scan3A_835 = arith.addi %scan3A_775, %scan3A_834 : i32
      %mul3A_836 = arith.constant 16 : i32
      %mul3A_837 = arith.muli %scan3A_835, %mul3A_836 : i32
      %get3A_838 = arith.index_cast %mul3A_837 : i32 to index
      %get3A_839 = tpu.vector_load %arg6[%get3A_838] {strides = array<i32>} : memref<32768xf32, #tpu.memory_space<vmem>>, vector<16xf32>,
      %bitcast_convert_type3A_840 = tpu.bitcast %get3A_839 : vector<16xf32> -> vector<16xi32>
      %shift_right_arithmetic3A_841 = arith.constant 31 : i32
      %shift_right_arithmetic3A_842 = vector.broadcast %shift_right_arithmetic3A_841 : i32 to vector<16xi32>
      %shift_right_arithmetic3A_843 = arith.shrsi %bitcast_convert_type3A_840, %shift_right_arithmetic3A_842 : vector<16xi32>
      %or3A_844 = vector.broadcast %scan3A_598 : i32 to vector<16xi32>
      %or3A_845 = arith.ori %shift_right_arithmetic3A_843, %or3A_844 : vector<16xi32>
      %xor3A_846 = arith.xori %bitcast_convert_type3A_840, %or3A_845 : vector<16xi32>
      %mul3A_847 = arith.constant 16 : i32
      %mul3A_848 = arith.muli %scan3A_835, %mul3A_847 : i32
      %swap3A_849 = arith.index_cast %mul3A_848 : i32 to index
      %swap3A_850 = tpu.vector_load %arg7[%swap3A_849] {strides = array<i32>} : memref<32768xi32, #tpu.memory_space<vmem>>, vector<16xi32>,
      tpu.vector_store %arg7[%swap3A_849], %xor3A_846 {strides = array<i32>} : memref<32768xi32, #tpu.memory_space<vmem>>, vector<16xi32>,
      %shift_right_logical3A_851 = arith.constant 21 : i32
      %shift_right_logical3A_852 = vector.broadcast %shift_right_logical3A_851 : i32 to vector<16xi32>
      %shift_right_logical3A_853 = arith.shrui %xor3A_846, %shift_right_logical3A_852 : vector<16xi32>
      %add3A_854 = arith.addi %mul3A_596, %shift_right_logical3A_853 : vector<16xi32>
      tpu.vector_store_idx %arg8[%add3A_854], %broadcast_in_dim3A_3 {add = true} : memref<32800xi32, #tpu.memory_space<vmem>>[vector<16xi32>], vector<16xi32>,
      %scan3A_855 = arith.constant 4 : i32
      %scan3A_856 = arith.addi %scan3A_775, %scan3A_855 : i32
      %mul3A_857 = arith.constant 16 : i32
      %mul3A_858 = arith.muli %scan3A_856, %mul3A_857 : i32
      %get3A_859 = arith.index_cast %mul3A_858 : i32 to index
      %get3A_860 = tpu.vector_load %arg6[%get3A_859] {strides = array<i32>} : memref<32768xf32, #tpu.memory_space<vmem>>, vector<16xf32>,
      %bitcast_convert_type3A_861 = tpu.bitcast %get3A_860 : vector<16xf32> -> vector<16xi32>
      %shift_right_arithmetic3A_862 = arith.constant 31 : i32
      %shift_right_arithmetic3A_863 = vector.broadcast %shift_right_arithmetic3A_862 : i32 to vector<16xi32>
      %shift_right_arithmetic3A_864 = arith.shrsi %bitcast_convert_type3A_861, %shift_right_arithmetic3A_863 : vector<16xi32>
      %or3A_865 = vector.broadcast %scan3A_598 : i32 to vector<16xi32>
      %or3A_866 = arith.ori %shift_right_arithmetic3A_864, %or3A_865 : vector<16xi32>
      %xor3A_867 = arith.xori %bitcast_convert_type3A_861, %or3A_866 : vector<16xi32>
      %mul3A_868 = arith.constant 16 : i32
      %mul3A_869 = arith.muli %scan3A_856, %mul3A_868 : i32
      %swap3A_870 = arith.index_cast %mul3A_869 : i32 to index
      %swap3A_871 = tpu.vector_load %arg7[%swap3A_870] {strides = array<i32>} : memref<32768xi32, #tpu.memory_space<vmem>>, vector<16xi32>,
      tpu.vector_store %arg7[%swap3A_870], %xor3A_867 {strides = array<i32>} : memref<32768xi32, #tpu.memory_space<vmem>>, vector<16xi32>,
      %shift_right_logical3A_872 = arith.constant 21 : i32
      %shift_right_logical3A_873 = vector.broadcast %shift_right_logical3A_872 : i32 to vector<16xi32>
      %shift_right_logical3A_874 = arith.shrui %xor3A_867, %shift_right_logical3A_873 : vector<16xi32>
      %add3A_875 = arith.addi %mul3A_596, %shift_right_logical3A_874 : vector<16xi32>
      tpu.vector_store_idx %arg8[%add3A_875], %broadcast_in_dim3A_3 {add = true} : memref<32800xi32, #tpu.memory_space<vmem>>[vector<16xi32>], vector<16xi32>,
      %scan3A_876 = arith.constant 5 : i32
      %scan3A_877 = arith.addi %scan3A_775, %scan3A_876 : i32
      %mul3A_878 = arith.constant 16 : i32
      %mul3A_879 = arith.muli %scan3A_877, %mul3A_878 : i32
      %get3A_880 = arith.index_cast %mul3A_879 : i32 to index
      %get3A_881 = tpu.vector_load %arg6[%get3A_880] {strides = array<i32>} : memref<32768xf32, #tpu.memory_space<vmem>>, vector<16xf32>,
      %bitcast_convert_type3A_882 = tpu.bitcast %get3A_881 : vector<16xf32> -> vector<16xi32>
      %shift_right_arithmetic3A_883 = arith.constant 31 : i32
      %shift_right_arithmetic3A_884 = vector.broadcast %shift_right_arithmetic3A_883 : i32 to vector<16xi32>
      %shift_right_arithmetic3A_885 = arith.shrsi %bitcast_convert_type3A_882, %shift_right_arithmetic3A_884 : vector<16xi32>
      %or3A_886 = vector.broadcast %scan3A_598 : i32 to vector<16xi32>
      %or3A_887 = arith.ori %shift_right_arithmetic3A_885, %or3A_886 : vector<16xi32>
      %xor3A_888 = arith.xori %bitcast_convert_type3A_882, %or3A_887 : vector<16xi32>
      %mul3A_889 = arith.constant 16 : i32
      %mul3A_890 = arith.muli %scan3A_877, %mul3A_889 : i32
      %swap3A_891 = arith.index_cast %mul3A_890 : i32 to index
      %swap3A_892 = tpu.vector_load %arg7[%swap3A_891] {strides = array<i32>} : memref<32768xi32, #tpu.memory_space<vmem>>, vector<16xi32>,
      tpu.vector_store %arg7[%swap3A_891], %xor3A_888 {strides = array<i32>} : memref<32768xi32, #tpu.memory_space<vmem>>, vector<16xi32>,
      %shift_right_logical3A_893 = arith.constant 21 : i32
      %shift_right_logical3A_894 = vector.broadcast %shift_right_logical3A_893 : i32 to vector<16xi32>
      %shift_right_logical3A_895 = arith.shrui %xor3A_888, %shift_right_logical3A_894 : vector<16xi32>
      %add3A_896 = arith.addi %mul3A_596, %shift_right_logical3A_895 : vector<16xi32>
      tpu.vector_store_idx %arg8[%add3A_896], %broadcast_in_dim3A_3 {add = true} : memref<32800xi32, #tpu.memory_space<vmem>>[vector<16xi32>], vector<16xi32>,
      %scan3A_897 = arith.constant 6 : i32
      %scan3A_898 = arith.addi %scan3A_775, %scan3A_897 : i32
      %mul3A_899 = arith.constant 16 : i32
      %mul3A_900 = arith.muli %scan3A_898, %mul3A_899 : i32
      %get3A_901 = arith.index_cast %mul3A_900 : i32 to index
      %get3A_902 = tpu.vector_load %arg6[%get3A_901] {strides = array<i32>} : memref<32768xf32, #tpu.memory_space<vmem>>, vector<16xf32>,
      %bitcast_convert_type3A_903 = tpu.bitcast %get3A_902 : vector<16xf32> -> vector<16xi32>
      %shift_right_arithmetic3A_904 = arith.constant 31 : i32
      %shift_right_arithmetic3A_905 = vector.broadcast %shift_right_arithmetic3A_904 : i32 to vector<16xi32>
      %shift_right_arithmetic3A_906 = arith.shrsi %bitcast_convert_type3A_903, %shift_right_arithmetic3A_905 : vector<16xi32>
      %or3A_907 = vector.broadcast %scan3A_598 : i32 to vector<16xi32>
      %or3A_908 = arith.ori %shift_right_arithmetic3A_906, %or3A_907 : vector<16xi32>
      %xor3A_909 = arith.xori %bitcast_convert_type3A_903, %or3A_908 : vector<16xi32>
      %mul3A_910 = arith.constant 16 : i32
      %mul3A_911 = arith.muli %scan3A_898, %mul3A_910 : i32
      %swap3A_912 = arith.index_cast %mul3A_911 : i32 to index
      %swap3A_913 = tpu.vector_load %arg7[%swap3A_912] {strides = array<i32>} : memref<32768xi32, #tpu.memory_space<vmem>>, vector<16xi32>,
      tpu.vector_store %arg7[%swap3A_912], %xor3A_909 {strides = array<i32>} : memref<32768xi32, #tpu.memory_space<vmem>>, vector<16xi32>,
      %shift_right_logical3A_914 = arith.constant 21 : i32
      %shift_right_logical3A_915 = vector.broadcast %shift_right_logical3A_914 : i32 to vector<16xi32>
      %shift_right_logical3A_916 = arith.shrui %xor3A_909, %shift_right_logical3A_915 : vector<16xi32>
      %add3A_917 = arith.addi %mul3A_596, %shift_right_logical3A_916 : vector<16xi32>
      tpu.vector_store_idx %arg8[%add3A_917], %broadcast_in_dim3A_3 {add = true} : memref<32800xi32, #tpu.memory_space<vmem>>[vector<16xi32>], vector<16xi32>,
      %scan3A_918 = arith.constant 7 : i32
      %scan3A_919 = arith.addi %scan3A_775, %scan3A_918 : i32
      %mul3A_920 = arith.constant 16 : i32
      %mul3A_921 = arith.muli %scan3A_919, %mul3A_920 : i32
      %get3A_922 = arith.index_cast %mul3A_921 : i32 to index
      %get3A_923 = tpu.vector_load %arg6[%get3A_922] {strides = array<i32>} : memref<32768xf32, #tpu.memory_space<vmem>>, vector<16xf32>,
      %bitcast_convert_type3A_924 = tpu.bitcast %get3A_923 : vector<16xf32> -> vector<16xi32>
      %shift_right_arithmetic3A_925 = arith.constant 31 : i32
      %shift_right_arithmetic3A_926 = vector.broadcast %shift_right_arithmetic3A_925 : i32 to vector<16xi32>
      %shift_right_arithmetic3A_927 = arith.shrsi %bitcast_convert_type3A_924, %shift_right_arithmetic3A_926 : vector<16xi32>
      %or3A_928 = vector.broadcast %scan3A_598 : i32 to vector<16xi32>
      %or3A_929 = arith.ori %shift_right_arithmetic3A_927, %or3A_928 : vector<16xi32>
      %xor3A_930 = arith.xori %bitcast_convert_type3A_924, %or3A_929 : vector<16xi32>
      %mul3A_931 = arith.constant 16 : i32
      %mul3A_932 = arith.muli %scan3A_919, %mul3A_931 : i32
      %swap3A_933 = arith.index_cast %mul3A_932 : i32 to index
      %swap3A_934 = tpu.vector_load %arg7[%swap3A_933] {strides = array<i32>} : memref<32768xi32, #tpu.memory_space<vmem>>, vector<16xi32>,
      tpu.vector_store %arg7[%swap3A_933], %xor3A_930 {strides = array<i32>} : memref<32768xi32, #tpu.memory_space<vmem>>, vector<16xi32>,
      %shift_right_logical3A_935 = arith.constant 21 : i32
      %shift_right_logical3A_936 = vector.broadcast %shift_right_logical3A_935 : i32 to vector<16xi32>
      %shift_right_logical3A_937 = arith.shrui %xor3A_930, %shift_right_logical3A_936 : vector<16xi32>
      %add3A_938 = arith.addi %mul3A_596, %shift_right_logical3A_937 : vector<16xi32>
      tpu.vector_store_idx %arg8[%add3A_938], %broadcast_in_dim3A_3 {add = true} : memref<32800xi32, #tpu.memory_space<vmem>>[vector<16xi32>], vector<16xi32>,
    }
    %scan3A_603 = arith.constant 2048 : i32
    %scan3A_604 = arith.constant 0 : i32
    %scan3A_605 = arith.constant 0 : i32
    %scan3A_606 = arith.constant 128 : i32
    %scan3A_607 = arith.addi %scan3A_605, %scan3A_606 : i32
    %scan3A_608 = arith.constant 2 : i32
    scf.for %scan3A_775 = %scan3A_605 to %scan3A_607 step %scan3A_608  : i32 {
      %mul3A_776 = arith.constant 16 : i32
      %mul3A_777 = arith.muli %scan3A_775, %mul3A_776 : i32
      %get3A_778 = arith.index_cast %mul3A_777 : i32 to index
      %get3A_779 = tpu.vector_load %arg8[%get3A_778] {strides = array<i32>} : memref<32800xi32, #tpu.memory_space<vmem>>, vector<16xi32>,
      %mul3A_780 = arith.constant 16 : i32
      %mul3A_781 = arith.muli %scan3A_775, %mul3A_780 : i32
      %add3A_782 = arith.constant 2049 : i32
      %add3A_783 = arith.addi %add3A_782, %mul3A_781 : i32
      %get3A_784 = arith.index_cast %add3A_783 : i32 to index
      %get3A_785 = tpu.vector_load %arg8[%get3A_784] {strides = array<i32>} : memref<32800xi32, #tpu.memory_space<vmem>>, vector<16xi32>,
      %add3A_786 = arith.addi %get3A_779, %get3A_785 : vector<16xi32>
      %mul3A_787 = arith.constant 16 : i32
      %mul3A_788 = arith.muli %scan3A_775, %mul3A_787 : i32
      %add3A_789 = arith.constant 4098 : i32
      %add3A_790 = arith.addi %add3A_789, %mul3A_788 : i32
      %get3A_791 = arith.index_cast %add3A_790 : i32 to index
      %get3A_792 = tpu.vector_load %arg8[%get3A_791] {strides = array<i32>} : memref<32800xi32, #tpu.memory_space<vmem>>, vector<16xi32>,
      %add3A_793 = arith.addi %add3A_786, %get3A_792 : vector<16xi32>
      %mul3A_794 = arith.constant 16 : i32
      %mul3A_795 = arith.muli %scan3A_775, %mul3A_794 : i32
      %add3A_796 = arith.constant 6147 : i32
      %add3A_797 = arith.addi %add3A_796, %mul3A_795 : i32
      %get3A_798 = arith.index_cast %add3A_797 : i32 to index
      %get3A_799 = tpu.vector_load %arg8[%get3A_798] {strides = array<i32>} : memref<32800xi32, #tpu.memory_space<vmem>>, vector<16xi32>,
      %add3A_800 = arith.addi %add3A_793, %get3A_799 : vector<16xi32>
      %mul3A_801 = arith.constant 16 : i32
      %mul3A_802 = arith.muli %scan3A_775, %mul3A_801 : i32
      %add3A_803 = arith.constant 8196 : i32
      %add3A_804 = arith.addi %add3A_803, %mul3A_802 : i32
      %get3A_805 = arith.index_cast %add3A_804 : i32 to index
      %get3A_806 = tpu.vector_load %arg8[%get3A_805] {strides = array<i32>} : memref<32800xi32, #tpu.memory_space<vmem>>, vector<16xi32>,
      %add3A_807 = arith.addi %add3A_800, %get3A_806 : vector<16xi32>
      %mul3A_808 = arith.constant 16 : i32
      %mul3A_809 = arith.muli %scan3A_775, %mul3A_808 : i32
      %add3A_810 = arith.constant 10245 : i32
      %add3A_811 = arith.addi %add3A_810, %mul3A_809 : i32
      %get3A_812 = arith.index_cast %add3A_811 : i32 to index
      %get3A_813 = tpu.vector_load %arg8[%get3A_812] {strides = array<i32>} : memref<32800xi32, #tpu.memory_space<vmem>>, vector<16xi32>,
      %add3A_814 = arith.addi %add3A_807, %get3A_813 : vector<16xi32>
      %mul3A_815 = arith.constant 16 : i32
      %mul3A_816 = arith.muli %scan3A_775, %mul3A_815 : i32
      %add3A_817 = arith.constant 12294 : i32
      %add3A_818 = arith.addi %add3A_817, %mul3A_816 : i32
      %get3A_819 = arith.index_cast %add3A_818 : i32 to index
      %get3A_820 = tpu.vector_load %arg8[%get3A_819] {strides = array<i32>} : memref<32800xi32, #tpu.memory_space<vmem>>, vector<16xi32>,
      %add3A_821 = arith.addi %add3A_814, %get3A_820 : vector<16xi32>
      %mul3A_822 = arith.constant 16 : i32
      %mul3A_823 = arith.muli %scan3A_775, %mul3A_822 : i32
      %add3A_824 = arith.constant 14343 : i32
      %add3A_825 = arith.addi %add3A_824, %mul3A_823 : i32
      %get3A_826 = arith.index_cast %add3A_825 : i32 to index
      %get3A_827 = tpu.vector_load %arg8[%get3A_826] {strides = array<i32>} : memref<32800xi32, #tpu.memory_space<vmem>>, vector<16xi32>,
      %add3A_828 = arith.addi %add3A_821, %get3A_827 : vector<16xi32>
      %mul3A_829 = arith.constant 16 : i32
      %mul3A_830 = arith.muli %scan3A_775, %mul3A_829 : i32
      %add3A_831 = arith.constant 16392 : i32
      %add3A_832 = arith.addi %add3A_831, %mul3A_830 : i32
      %get3A_833 = arith.index_cast %add3A_832 : i32 to index
      %get3A_834 = tpu.vector_load %arg8[%get3A_833] {strides = array<i32>} : memref<32800xi32, #tpu.memory_space<vmem>>, vector<16xi32>,
      %add3A_835 = arith.addi %add3A_828, %get3A_834 : vector<16xi32>
      %mul3A_836 = arith.constant 16 : i32
      %mul3A_837 = arith.muli %scan3A_775, %mul3A_836 : i32
      %add3A_838 = arith.constant 18441 : i32
      %add3A_839 = arith.addi %add3A_838, %mul3A_837 : i32
      %get3A_840 = arith.index_cast %add3A_839 : i32 to index
      %get3A_841 = tpu.vector_load %arg8[%get3A_840] {strides = array<i32>} : memref<32800xi32, #tpu.memory_space<vmem>>, vector<16xi32>,
      %add3A_842 = arith.addi %add3A_835, %get3A_841 : vector<16xi32>
      %mul3A_843 = arith.constant 16 : i32
      %mul3A_844 = arith.muli %scan3A_775, %mul3A_843 : i32
      %add3A_845 = arith.constant 20490 : i32
      %add3A_846 = arith.addi %add3A_845, %mul3A_844 : i32
      %get3A_847 = arith.index_cast %add3A_846 : i32 to index
      %get3A_848 = tpu.vector_load %arg8[%get3A_847] {strides = array<i32>} : memref<32800xi32, #tpu.memory_space<vmem>>, vector<16xi32>,
      %add3A_849 = arith.addi %add3A_842, %get3A_848 : vector<16xi32>
      %mul3A_850 = arith.constant 16 : i32
      %mul3A_851 = arith.muli %scan3A_775, %mul3A_850 : i32
      %add3A_852 = arith.constant 22539 : i32
      %add3A_853 = arith.addi %add3A_852, %mul3A_851 : i32
      %get3A_854 = arith.index_cast %add3A_853 : i32 to index
      %get3A_855 = tpu.vector_load %arg8[%get3A_854] {strides = array<i32>} : memref<32800xi32, #tpu.memory_space<vmem>>, vector<16xi32>,
      %add3A_856 = arith.addi %add3A_849, %get3A_855 : vector<16xi32>
      %mul3A_857 = arith.constant 16 : i32
      %mul3A_858 = arith.muli %scan3A_775, %mul3A_857 : i32
      %add3A_859 = arith.constant 24588 : i32
      %add3A_860 = arith.addi %add3A_859, %mul3A_858 : i32
      %get3A_861 = arith.index_cast %add3A_860 : i32 to index
      %get3A_862 = tpu.vector_load %arg8[%get3A_861] {strides = array<i32>} : memref<32800xi32, #tpu.memory_space<vmem>>, vector<16xi32>,
      %add3A_863 = arith.addi %add3A_856, %get3A_862 : vector<16xi32>
      %mul3A_864 = arith.constant 16 : i32
      %mul3A_865 = arith.muli %scan3A_775, %mul3A_864 : i32
      %add3A_866 = arith.constant 26637 : i32
      %add3A_867 = arith.addi %add3A_866, %mul3A_865 : i32
      %get3A_868 = arith.index_cast %add3A_867 : i32 to index
      %get3A_869 = tpu.vector_load %arg8[%get3A_868] {strides = array<i32>} : memref<32800xi32, #tpu.memory_space<vmem>>, vector<16xi32>,
      %add3A_870 = arith.addi %add3A_863, %get3A_869 : vector<16xi32>
      %mul3A_871 = arith.constant 16 : i32
      %mul3A_872 = arith.muli %scan3A_775, %mul3A_871 : i32
      %add3A_873 = arith.constant 28686 : i32
      %add3A_874 = arith.addi %add3A_873, %mul3A_872 : i32
      %get3A_875 = arith.index_cast %add3A_874 : i32 to index
      %get3A_876 = tpu.vector_load %arg8[%get3A_875] {strides = array<i32>} : memref<32800xi32, #tpu.memory_space<vmem>>, vector<16xi32>,
      %add3A_877 = arith.addi %add3A_870, %get3A_876 : vector<16xi32>
      %mul3A_878 = arith.constant 16 : i32
      %mul3A_879 = arith.muli %scan3A_775, %mul3A_878 : i32
      %add3A_880 = arith.constant 30735 : i32
      %add3A_881 = arith.addi %add3A_880, %mul3A_879 : i32
      %get3A_882 = arith.index_cast %add3A_881 : i32 to index
      %get3A_883 = tpu.vector_load %arg8[%get3A_882] {strides = array<i32>} : memref<32800xi32, #tpu.memory_space<vmem>>, vector<16xi32>,
      %add3A_884 = arith.addi %add3A_877, %get3A_883 : vector<16xi32>
      %mul3A_885 = arith.constant 16 : i32
      %mul3A_886 = arith.muli %scan3A_775, %mul3A_885 : i32
      %swap3A_887 = arith.index_cast %mul3A_886 : i32 to index
      %swap3A_888 = tpu.vector_load %arg9[%swap3A_887] {strides = array<i32>} : memref<2048xi32, #tpu.memory_space<vmem>>, vector<16xi32>,
      tpu.vector_store %arg9[%swap3A_887], %add3A_884 {strides = array<i32>} : memref<2048xi32, #tpu.memory_space<vmem>>, vector<16xi32>,
      %scan3A_889 = arith.constant 1 : i32
      %scan3A_890 = arith.addi %scan3A_775, %scan3A_889 : i32
      %mul3A_891 = arith.constant 16 : i32
      %mul3A_892 = arith.muli %scan3A_890, %mul3A_891 : i32
      %get3A_893 = arith.index_cast %mul3A_892 : i32 to index
      %get3A_894 = tpu.vector_load %arg8[%get3A_893] {strides = array<i32>} : memref<32800xi32, #tpu.memory_space<vmem>>, vector<16xi32>,
      %mul3A_895 = arith.constant 16 : i32
      %mul3A_896 = arith.muli %scan3A_890, %mul3A_895 : i32
      %add3A_897 = arith.constant 2049 : i32
      %add3A_898 = arith.addi %add3A_897, %mul3A_896 : i32
      %get3A_899 = arith.index_cast %add3A_898 : i32 to index
      %get3A_900 = tpu.vector_load %arg8[%get3A_899] {strides = array<i32>} : memref<32800xi32, #tpu.memory_space<vmem>>, vector<16xi32>,
      %add3A_901 = arith.addi %get3A_894, %get3A_900 : vector<16xi32>
      %mul3A_902 = arith.constant 16 : i32
      %mul3A_903 = arith.muli %scan3A_890, %mul3A_902 : i32
      %add3A_904 = arith.constant 4098 : i32
      %add3A_905 = arith.addi %add3A_904, %mul3A_903 : i32
      %get3A_906 = arith.index_cast %add3A_905 : i32 to index
      %get3A_907 = tpu.vector_load %arg8[%get3A_906] {strides = array<i32>} : memref<32800xi32, #tpu.memory_space<vmem>>, vector<16xi32>,
      %add3A_908 = arith.addi %add3A_901, %get3A_907 : vector<16xi32>
      %mul3A_909 = arith.constant 16 : i32
      %mul3A_910 = arith.muli %scan3A_890, %mul3A_909 : i32
      %add3A_911 = arith.constant 6147 : i32
      %add3A_912 = arith.addi %add3A_911, %mul3A_910 : i32
      %get3A_913 = arith.index_cast %add3A_912 : i32 to index
      %get3A_914 = tpu.vector_load %arg8[%get3A_913] {strides = array<i32>} : memref<32800xi32, #tpu.memory_space<vmem>>, vector<16xi32>,
      %add3A_915 = arith.addi %add3A_908, %get3A_914 : vector<16xi32>
      %mul3A_916 = arith.constant 16 : i32
      %mul3A_917 = arith.muli %scan3A_890, %mul3A_916 : i32
      %add3A_918 = arith.constant 8196 : i32
      %add3A_919 = arith.addi %add3A_918, %mul3A_917 : i32
      %get3A_920 = arith.index_cast %add3A_919 : i32 to index
      %get3A_921 = tpu.vector_load %arg8[%get3A_920] {strides = array<i32>} : memref<32800xi32, #tpu.memory_space<vmem>>, vector<16xi32>,
      %add3A_922 = arith.addi %add3A_915, %get3A_921 : vector<16xi32>
      %mul3A_923 = arith.constant 16 : i32
      %mul3A_924 = arith.muli %scan3A_890, %mul3A_923 : i32
      %add3A_925 = arith.constant 10245 : i32
      %add3A_926 = arith.addi %add3A_925, %mul3A_924 : i32
      %get3A_927 = arith.index_cast %add3A_926 : i32 to index
      %get3A_928 = tpu.vector_load %arg8[%get3A_927] {strides = array<i32>} : memref<32800xi32, #tpu.memory_space<vmem>>, vector<16xi32>,
      %add3A_929 = arith.addi %add3A_922, %get3A_928 : vector<16xi32>
      %mul3A_930 = arith.constant 16 : i32
      %mul3A_931 = arith.muli %scan3A_890, %mul3A_930 : i32
      %add3A_932 = arith.constant 12294 : i32
      %add3A_933 = arith.addi %add3A_932, %mul3A_931 : i32
      %get3A_934 = arith.index_cast %add3A_933 : i32 to index
      %get3A_935 = tpu.vector_load %arg8[%get3A_934] {strides = array<i32>} : memref<32800xi32, #tpu.memory_space<vmem>>, vector<16xi32>,
      %add3A_936 = arith.addi %add3A_929, %get3A_935 : vector<16xi32>
      %mul3A_937 = arith.constant 16 : i32
      %mul3A_938 = arith.muli %scan3A_890, %mul3A_937 : i32
      %add3A_939 = arith.constant 14343 : i32
      %add3A_940 = arith.addi %add3A_939, %mul3A_938 : i32
      %get3A_941 = arith.index_cast %add3A_940 : i32 to index
      %get3A_942 = tpu.vector_load %arg8[%get3A_941] {strides = array<i32>} : memref<32800xi32, #tpu.memory_space<vmem>>, vector<16xi32>,
      %add3A_943 = arith.addi %add3A_936, %get3A_942 : vector<16xi32>
      %mul3A_944 = arith.constant 16 : i32
      %mul3A_945 = arith.muli %scan3A_890, %mul3A_944 : i32
      %add3A_946 = arith.constant 16392 : i32
      %add3A_947 = arith.addi %add3A_946, %mul3A_945 : i32
      %get3A_948 = arith.index_cast %add3A_947 : i32 to index
      %get3A_949 = tpu.vector_load %arg8[%get3A_948] {strides = array<i32>} : memref<32800xi32, #tpu.memory_space<vmem>>, vector<16xi32>,
      %add3A_950 = arith.addi %add3A_943, %get3A_949 : vector<16xi32>
      %mul3A_951 = arith.constant 16 : i32
      %mul3A_952 = arith.muli %scan3A_890, %mul3A_951 : i32
      %add3A_953 = arith.constant 18441 : i32
      %add3A_954 = arith.addi %add3A_953, %mul3A_952 : i32
      %get3A_955 = arith.index_cast %add3A_954 : i32 to index
      %get3A_956 = tpu.vector_load %arg8[%get3A_955] {strides = array<i32>} : memref<32800xi32, #tpu.memory_space<vmem>>, vector<16xi32>,
      %add3A_957 = arith.addi %add3A_950, %get3A_956 : vector<16xi32>
      %mul3A_958 = arith.constant 16 : i32
      %mul3A_959 = arith.muli %scan3A_890, %mul3A_958 : i32
      %add3A_960 = arith.constant 20490 : i32
      %add3A_961 = arith.addi %add3A_960, %mul3A_959 : i32
      %get3A_962 = arith.index_cast %add3A_961 : i32 to index
      %get3A_963 = tpu.vector_load %arg8[%get3A_962] {strides = array<i32>} : memref<32800xi32, #tpu.memory_space<vmem>>, vector<16xi32>,
      %add3A_964 = arith.addi %add3A_957, %get3A_963 : vector<16xi32>
      %mul3A_965 = arith.constant 16 : i32
      %mul3A_966 = arith.muli %scan3A_890, %mul3A_965 : i32
      %add3A_967 = arith.constant 22539 : i32
      %add3A_968 = arith.addi %add3A_967, %mul3A_966 : i32
      %get3A_969 = arith.index_cast %add3A_968 : i32 to index
      %get3A_970 = tpu.vector_load %arg8[%get3A_969] {strides = array<i32>} : memref<32800xi32, #tpu.memory_space<vmem>>, vector<16xi32>,
      %add3A_971 = arith.addi %add3A_964, %get3A_970 : vector<16xi32>
      %mul3A_972 = arith.constant 16 : i32
      %mul3A_973 = arith.muli %scan3A_890, %mul3A_972 : i32
      %add3A_974 = arith.constant 24588 : i32
      %add3A_975 = arith.addi %add3A_974, %mul3A_973 : i32
      %get3A_976 = arith.index_cast %add3A_975 : i32 to index
      %get3A_977 = tpu.vector_load %arg8[%get3A_976] {strides = array<i32>} : memref<32800xi32, #tpu.memory_space<vmem>>, vector<16xi32>,
      %add3A_978 = arith.addi %add3A_971, %get3A_977 : vector<16xi32>
      %mul3A_979 = arith.constant 16 : i32
      %mul3A_980 = arith.muli %scan3A_890, %mul3A_979 : i32
      %add3A_981 = arith.constant 26637 : i32
      %add3A_982 = arith.addi %add3A_981, %mul3A_980 : i32
      %get3A_983 = arith.index_cast %add3A_982 : i32 to index
      %get3A_984 = tpu.vector_load %arg8[%get3A_983] {strides = array<i32>} : memref<32800xi32, #tpu.memory_space<vmem>>, vector<16xi32>,
      %add3A_985 = arith.addi %add3A_978, %get3A_984 : vector<16xi32>
      %mul3A_986 = arith.constant 16 : i32
      %mul3A_987 = arith.muli %scan3A_890, %mul3A_986 : i32
      %add3A_988 = arith.constant 28686 : i32
      %add3A_989 = arith.addi %add3A_988, %mul3A_987 : i32
      %get3A_990 = arith.index_cast %add3A_989 : i32 to index
      %get3A_991 = tpu.vector_load %arg8[%get3A_990] {strides = array<i32>} : memref<32800xi32, #tpu.memory_space<vmem>>, vector<16xi32>,
      %add3A_992 = arith.addi %add3A_985, %get3A_991 : vector<16xi32>
      %mul3A_993 = arith.constant 16 : i32
      %mul3A_994 = arith.muli %scan3A_890, %mul3A_993 : i32
      %add3A_995 = arith.constant 30735 : i32
      %add3A_996 = arith.addi %add3A_995, %mul3A_994 : i32
      %get3A_997 = arith.index_cast %add3A_996 : i32 to index
      %get3A_998 = tpu.vector_load %arg8[%get3A_997] {strides = array<i32>} : memref<32800xi32, #tpu.memory_space<vmem>>, vector<16xi32>,
      %add3A_999 = arith.addi %add3A_992, %get3A_998 : vector<16xi32>
      %mul3A_1000 = arith.constant 16 : i32
      %mul3A_1001 = arith.muli %scan3A_890, %mul3A_1000 : i32
      %swap3A_1002 = arith.index_cast %mul3A_1001 : i32 to index
      %swap3A_1003 = tpu.vector_load %arg9[%swap3A_1002] {strides = array<i32>} : memref<2048xi32, #tpu.memory_space<vmem>>, vector<16xi32>,
      tpu.vector_store %arg9[%swap3A_1002], %add3A_999 {strides = array<i32>} : memref<2048xi32, #tpu.memory_space<vmem>>, vector<16xi32>,
    }
    %scan3A_609 = arith.constant 128 : i32
    %scan3A_610 = arith.constant 0 : i32
    %scan3A_611 = arith.constant 0 : i32
    %scan3A_612 = arith.constant 0 : i32
    %scan3A_613 = arith.constant 0 : i32
    %scan3A_614 = arith.constant 128 : i32
    %scan3A_615 = arith.addi %scan3A_613, %scan3A_614 : i32
    %scan3A_616 = arith.constant 1 : i32
    %scan3A_617:3 = scf.for %scan3A_775 = %scan3A_613 to %scan3A_615 step %scan3A_616 iter_args(%scan3A_776 = %scan3A_610, %scan3A_777 = %scan3A_611, %scan3A_778 = %scan3A_612) -> (i32, i32, i32)  : i32 {
      %sub3A_779 = arith.constant 127 : i32
      %sub3A_780 = arith.subi %sub3A_779, %scan3A_775 : i32
      %mul3A_781 = arith.constant 16 : i32
      %mul3A_782 = arith.muli %sub3A_780, %mul3A_781 : i32
      %get3A_783 = arith.index_cast %mul3A_782 : i32 to index
      %get3A_784 = tpu.vector_load %arg9[%get3A_783] {strides = array<i32>} : memref<2048xi32, #tpu.memory_space<vmem>>, vector<16xi32>,
      %reduce_sum3A_785 = arith.constant true
      %reduce_sum3A_786 = vector.broadcast %reduce_sum3A_785 : i1 to vector<16xi1>
      %reduce_sum3A_787 = tpu.scan <sum>, %get3A_784 masked %reduce_sum3A_786 : vector<16xi32>, vector<16xi1> -> vector<16xi32>
      %reduce_sum3A_788 = vector.extract %reduce_sum3A_787[15] : i32 from vector<16xi32>
      %lt3A_789 = arith.constant 64 : i32
      %lt3A_790 = arith.cmpi slt, %scan3A_776, %lt3A_789 : i32
      %add3A_791 = arith.addi %scan3A_776, %reduce_sum3A_788 : i32
      %ge3A_792 = arith.constant 64 : i32
      %ge3A_793 = arith.cmpi sge, %add3A_791, %ge3A_792 : i32
      %and3A_794 = arith.andi %lt3A_790, %ge3A_793 : i1
      %select_n3A_795 = arith.select %and3A_794, %sub3A_780, %scan3A_777 : i32
      %select_n3A_796 = arith.select %and3A_794, %scan3A_776, %scan3A_778 : i32
      %add3A_797 = arith.addi %scan3A_776, %reduce_sum3A_788 : i32
      scf.yield %add3A_797, %select_n3A_795, %select_n3A_796 : i32, i32, i32
    }
    %scan3A_618 = arith.constant 128 : i32
    %mul3A_619 = arith.constant 16 : i32
    %mul3A_620 = arith.muli %scan3A_617#1, %mul3A_619 : i32
    %get3A_621 = arith.index_cast %mul3A_620 : i32 to index
    %get3A_622 = tpu.vector_load %arg9[%get3A_621] {strides = array<i32>} : memref<2048xi32, #tpu.memory_space<vmem>>, vector<16xi32>,
    %rev3A_623 = arith.constant 15 : i32
    %rev3A_624 = vector.broadcast %rev3A_623 : i32 to vector<16xi32>
    %rev3A_625 = tpu.iota {dimensions = array<i32: 0>} : vector<16xi32>
    %rev3A_626 = arith.subi %rev3A_624, %rev3A_625 : vector<16xi32>
    %rev3A_627 = tpu.dynamic_gather %get3A_622[%rev3A_626] in [0] : vector<16xi32>, vector<16xi32> -> vector<16xi32>
    %broadcast_in_dim3A_628 = arith.constant true
    %broadcast_in_dim3A_629 = vector.broadcast %broadcast_in_dim3A_628 : i1 to vector<16xi1>
    %masked_cumsum3A_630 = tpu.scan <sum>, %rev3A_627 masked %broadcast_in_dim3A_629 : vector<16xi32>, vector<16xi1> -> vector<16xi32>
    %add3A_631 = vector.broadcast %scan3A_617#2 : i32 to vector<16xi32>
    %add3A_632 = arith.addi %masked_cumsum3A_630, %add3A_631 : vector<16xi32>
    %ge3A_633 = arith.constant 64 : i32
    %ge3A_634 = vector.broadcast %ge3A_633 : i32 to vector<16xi32>
    %ge3A_635 = arith.cmpi sge, %add3A_632, %ge3A_634 : vector<16xi32>
    %all_reduce_ffs3A_636 = tpu.all_reduce %ge3A_635 {dim = 0 : i64, kind = #tpu.reduction_kind<find_first_set>} : vector<16xi1> -> vector<16xi32>
    %slice3A_637 = vector.extract_strided_slice %all_reduce_ffs3A_636 {offsets = [0], sizes = [1], strides = [1]} : vector<16xi32> to vector<1xi32>
    %squeeze3A_638 = vector.extract %slice3A_637[0] : i32 from vector<1xi32>
    %sub3A_639 = arith.constant 15 : i32
    %sub3A_640 = arith.subi %sub3A_639, %squeeze3A_638 : i32
    %lt3A_641 = vector.broadcast %squeeze3A_638 : i32 to vector<16xi32>
    %lt3A_642 = arith.cmpi slt, %iota3A, %lt3A_641 : vector<16xi32>
    %jit3A_643 = arith.constant 0 : i32
    %broadcast_in_dim3A_644 = vector.broadcast %jit3A_643 : i32 to vector<16xi32>
    %select_n3A_645 = arith.select %lt3A_642, %rev3A_627, %broadcast_in_dim3A_644 : vector<16xi1>, vector<16xi32>
    %reduce_sum3A_646 = arith.constant true
    %reduce_sum3A_647 = vector.broadcast %reduce_sum3A_646 : i1 to vector<16xi1>
    %reduce_sum3A_648 = tpu.scan <sum>, %select_n3A_645 masked %reduce_sum3A_647 : vector<16xi32>, vector<16xi1> -> vector<16xi32>
    %reduce_sum3A_649 = vector.extract %reduce_sum3A_648[15] : i32 from vector<16xi32>
    %add3A_650 = arith.addi %scan3A_617#2, %reduce_sum3A_649 : i32
    %mul3A_651 = arith.constant 16 : i32
    %mul3A_652 = arith.muli %scan3A_617#1, %mul3A_651 : i32
    %add3A_653 = arith.addi %mul3A_652, %sub3A_640 : i32
    %shift_left3A_654 = arith.constant 21 : i32
    %shift_left3A_655 = arith.shli %add3A_653, %shift_left3A_654 : i32
    %xor3A_656 = arith.constant -2147483648 : i32
    %xor3A_657 = arith.xori %shift_left3A_655, %xor3A_656 : i32
    %scan3A_658 = arith.constant -2147483648 : i32
    %scan3A_659 = arith.constant 0 : i32
    %scan3A_660 = arith.constant 0 : i32
    %scan3A_661 = arith.constant 2048 : i32
    %scan3A_662 = arith.addi %scan3A_660, %scan3A_661 : i32
    %scan3A_663 = arith.constant 8 : i32
    %scan3A_664 = scf.for %scan3A_775 = %scan3A_660 to %scan3A_662 step %scan3A_663 iter_args(%scan3A_776 = %scan3A_659) -> (i32)  : i32 {
      %mul3A_777 = arith.constant 16 : i32
      %mul3A_778 = arith.muli %scan3A_775, %mul3A_777 : i32
      %get3A_779 = arith.index_cast %mul3A_778 : i32 to index
      %get3A_780 = tpu.vector_load %arg7[%get3A_779] {strides = array<i32>} : memref<32768xi32, #tpu.memory_space<vmem>>, vector<16xi32>,
      %xor3A_781 = vector.broadcast %scan3A_658 : i32 to vector<16xi32>
      %xor3A_782 = arith.xori %get3A_780, %xor3A_781 : vector<16xi32>
      %ge3A_783 = vector.broadcast %xor3A_657 : i32 to vector<16xi32>
      %ge3A_784 = arith.cmpi sge, %xor3A_782, %ge3A_783 : vector<16xi32>
      %lt3A_785 = arith.constant 8176 : i32
      %lt3A_786 = arith.cmpi slt, %scan3A_776, %lt3A_785 : i32
      %and3A_787 = vector.broadcast %lt3A_786 : i1 to vector<16xi1>
      %and3A_788 = arith.andi %ge3A_784, %and3A_787 : vector<16xi1>
      %swap3A_789 = arith.index_cast %scan3A_776 : i32 to index
      %swap3A_790 = tpu.vector_load %arg10[%swap3A_789] masked %and3A_788 {strides = array<i32>} : memref<8224xi32, #tpu.memory_space<vmem>>, vector<16xi32>, vector<16xi1>
      tpu.vector_store %arg10[%swap3A_789], %get3A_780 masked %and3A_788 {strides = array<i32>} : memref<8224xi32, #tpu.memory_space<vmem>>, vector<16xi32>, vector<16xi1>
      %all_reduce_population_count3A = tpu.all_reduce %and3A_788 {dim = 0 : i64, kind = #tpu.reduction_kind<sum>} : vector<16xi1> -> vector<16xi32>
      %slice3A_791 = vector.extract_strided_slice %all_reduce_population_count3A {offsets = [0], sizes = [1], strides = [1]} : vector<16xi32> to vector<1xi32>
      %squeeze3A_792 = vector.extract %slice3A_791[0] : i32 from vector<1xi32>
      %add3A_793 = arith.addi %scan3A_776, %squeeze3A_792 : i32
      %scan3A_794 = arith.constant 1 : i32
      %scan3A_795 = arith.addi %scan3A_775, %scan3A_794 : i32
      %mul3A_796 = arith.constant 16 : i32
      %mul3A_797 = arith.muli %scan3A_795, %mul3A_796 : i32
      %get3A_798 = arith.index_cast %mul3A_797 : i32 to index
      %get3A_799 = tpu.vector_load %arg7[%get3A_798] {strides = array<i32>} : memref<32768xi32, #tpu.memory_space<vmem>>, vector<16xi32>,
      %xor3A_800 = vector.broadcast %scan3A_658 : i32 to vector<16xi32>
      %xor3A_801 = arith.xori %get3A_799, %xor3A_800 : vector<16xi32>
      %ge3A_802 = vector.broadcast %xor3A_657 : i32 to vector<16xi32>
      %ge3A_803 = arith.cmpi sge, %xor3A_801, %ge3A_802 : vector<16xi32>
      %lt3A_804 = arith.constant 8176 : i32
      %lt3A_805 = arith.cmpi slt, %add3A_793, %lt3A_804 : i32
      %and3A_806 = vector.broadcast %lt3A_805 : i1 to vector<16xi1>
      %and3A_807 = arith.andi %ge3A_803, %and3A_806 : vector<16xi1>
      %swap3A_808 = arith.index_cast %add3A_793 : i32 to index
      %swap3A_809 = tpu.vector_load %arg10[%swap3A_808] masked %and3A_807 {strides = array<i32>} : memref<8224xi32, #tpu.memory_space<vmem>>, vector<16xi32>, vector<16xi1>
      tpu.vector_store %arg10[%swap3A_808], %get3A_799 masked %and3A_807 {strides = array<i32>} : memref<8224xi32, #tpu.memory_space<vmem>>, vector<16xi32>, vector<16xi1>
      %all_reduce_population_count3A_810 = tpu.all_reduce %and3A_807 {dim = 0 : i64, kind = #tpu.reduction_kind<sum>} : vector<16xi1> -> vector<16xi32>
      %slice3A_811 = vector.extract_strided_slice %all_reduce_population_count3A_810 {offsets = [0], sizes = [1], strides = [1]} : vector<16xi32> to vector<1xi32>
      %squeeze3A_812 = vector.extract %slice3A_811[0] : i32 from vector<1xi32>
      %add3A_813 = arith.addi %add3A_793, %squeeze3A_812 : i32
      %scan3A_814 = arith.constant 2 : i32
      %scan3A_815 = arith.addi %scan3A_775, %scan3A_814 : i32
      %mul3A_816 = arith.constant 16 : i32
      %mul3A_817 = arith.muli %scan3A_815, %mul3A_816 : i32
      %get3A_818 = arith.index_cast %mul3A_817 : i32 to index
      %get3A_819 = tpu.vector_load %arg7[%get3A_818] {strides = array<i32>} : memref<32768xi32, #tpu.memory_space<vmem>>, vector<16xi32>,
      %xor3A_820 = vector.broadcast %scan3A_658 : i32 to vector<16xi32>
      %xor3A_821 = arith.xori %get3A_819, %xor3A_820 : vector<16xi32>
      %ge3A_822 = vector.broadcast %xor3A_657 : i32 to vector<16xi32>
      %ge3A_823 = arith.cmpi sge, %xor3A_821, %ge3A_822 : vector<16xi32>
      %lt3A_824 = arith.constant 8176 : i32
      %lt3A_825 = arith.cmpi slt, %add3A_813, %lt3A_824 : i32
      %and3A_826 = vector.broadcast %lt3A_825 : i1 to vector<16xi1>
      %and3A_827 = arith.andi %ge3A_823, %and3A_826 : vector<16xi1>
      %swap3A_828 = arith.index_cast %add3A_813 : i32 to index
      %swap3A_829 = tpu.vector_load %arg10[%swap3A_828] masked %and3A_827 {strides = array<i32>} : memref<8224xi32, #tpu.memory_space<vmem>>, vector<16xi32>, vector<16xi1>
      tpu.vector_store %arg10[%swap3A_828], %get3A_819 masked %and3A_827 {strides = array<i32>} : memref<8224xi32, #tpu.memory_space<vmem>>, vector<16xi32>, vector<16xi1>
      %all_reduce_population_count3A_830 = tpu.all_reduce %and3A_827 {dim = 0 : i64, kind = #tpu.reduction_kind<sum>} : vector<16xi1> -> vector<16xi32>
      %slice3A_831 = vector.extract_strided_slice %all_reduce_population_count3A_830 {offsets = [0], sizes = [1], strides = [1]} : vector<16xi32> to vector<1xi32>
      %squeeze3A_832 = vector.extract %slice3A_831[0] : i32 from vector<1xi32>
      %add3A_833 = arith.addi %add3A_813, %squeeze3A_832 : i32
      %scan3A_834 = arith.constant 3 : i32
      %scan3A_835 = arith.addi %scan3A_775, %scan3A_834 : i32
      %mul3A_836 = arith.constant 16 : i32
      %mul3A_837 = arith.muli %scan3A_835, %mul3A_836 : i32
      %get3A_838 = arith.index_cast %mul3A_837 : i32 to index
      %get3A_839 = tpu.vector_load %arg7[%get3A_838] {strides = array<i32>} : memref<32768xi32, #tpu.memory_space<vmem>>, vector<16xi32>,
      %xor3A_840 = vector.broadcast %scan3A_658 : i32 to vector<16xi32>
      %xor3A_841 = arith.xori %get3A_839, %xor3A_840 : vector<16xi32>
      %ge3A_842 = vector.broadcast %xor3A_657 : i32 to vector<16xi32>
      %ge3A_843 = arith.cmpi sge, %xor3A_841, %ge3A_842 : vector<16xi32>
      %lt3A_844 = arith.constant 8176 : i32
      %lt3A_845 = arith.cmpi slt, %add3A_833, %lt3A_844 : i32
      %and3A_846 = vector.broadcast %lt3A_845 : i1 to vector<16xi1>
      %and3A_847 = arith.andi %ge3A_843, %and3A_846 : vector<16xi1>
      %swap3A_848 = arith.index_cast %add3A_833 : i32 to index
      %swap3A_849 = tpu.vector_load %arg10[%swap3A_848] masked %and3A_847 {strides = array<i32>} : memref<8224xi32, #tpu.memory_space<vmem>>, vector<16xi32>, vector<16xi1>
      tpu.vector_store %arg10[%swap3A_848], %get3A_839 masked %and3A_847 {strides = array<i32>} : memref<8224xi32, #tpu.memory_space<vmem>>, vector<16xi32>, vector<16xi1>
      %all_reduce_population_count3A_850 = tpu.all_reduce %and3A_847 {dim = 0 : i64, kind = #tpu.reduction_kind<sum>} : vector<16xi1> -> vector<16xi32>
      %slice3A_851 = vector.extract_strided_slice %all_reduce_population_count3A_850 {offsets = [0], sizes = [1], strides = [1]} : vector<16xi32> to vector<1xi32>
      %squeeze3A_852 = vector.extract %slice3A_851[0] : i32 from vector<1xi32>
      %add3A_853 = arith.addi %add3A_833, %squeeze3A_852 : i32
      %scan3A_854 = arith.constant 4 : i32
      %scan3A_855 = arith.addi %scan3A_775, %scan3A_854 : i32
      %mul3A_856 = arith.constant 16 : i32
      %mul3A_857 = arith.muli %scan3A_855, %mul3A_856 : i32
      %get3A_858 = arith.index_cast %mul3A_857 : i32 to index
      %get3A_859 = tpu.vector_load %arg7[%get3A_858] {strides = array<i32>} : memref<32768xi32, #tpu.memory_space<vmem>>, vector<16xi32>,
      %xor3A_860 = vector.broadcast %scan3A_658 : i32 to vector<16xi32>
      %xor3A_861 = arith.xori %get3A_859, %xor3A_860 : vector<16xi32>
      %ge3A_862 = vector.broadcast %xor3A_657 : i32 to vector<16xi32>
      %ge3A_863 = arith.cmpi sge, %xor3A_861, %ge3A_862 : vector<16xi32>
      %lt3A_864 = arith.constant 8176 : i32
      %lt3A_865 = arith.cmpi slt, %add3A_853, %lt3A_864 : i32
      %and3A_866 = vector.broadcast %lt3A_865 : i1 to vector<16xi1>
      %and3A_867 = arith.andi %ge3A_863, %and3A_866 : vector<16xi1>
      %swap3A_868 = arith.index_cast %add3A_853 : i32 to index
      %swap3A_869 = tpu.vector_load %arg10[%swap3A_868] masked %and3A_867 {strides = array<i32>} : memref<8224xi32, #tpu.memory_space<vmem>>, vector<16xi32>, vector<16xi1>
      tpu.vector_store %arg10[%swap3A_868], %get3A_859 masked %and3A_867 {strides = array<i32>} : memref<8224xi32, #tpu.memory_space<vmem>>, vector<16xi32>, vector<16xi1>
      %all_reduce_population_count3A_870 = tpu.all_reduce %and3A_867 {dim = 0 : i64, kind = #tpu.reduction_kind<sum>} : vector<16xi1> -> vector<16xi32>
      %slice3A_871 = vector.extract_strided_slice %all_reduce_population_count3A_870 {offsets = [0], sizes = [1], strides = [1]} : vector<16xi32> to vector<1xi32>
      %squeeze3A_872 = vector.extract %slice3A_871[0] : i32 from vector<1xi32>
      %add3A_873 = arith.addi %add3A_853, %squeeze3A_872 : i32
      %scan3A_874 = arith.constant 5 : i32
      %scan3A_875 = arith.addi %scan3A_775, %scan3A_874 : i32
      %mul3A_876 = arith.constant 16 : i32
      %mul3A_877 = arith.muli %scan3A_875, %mul3A_876 : i32
      %get3A_878 = arith.index_cast %mul3A_877 : i32 to index
      %get3A_879 = tpu.vector_load %arg7[%get3A_878] {strides = array<i32>} : memref<32768xi32, #tpu.memory_space<vmem>>, vector<16xi32>,
      %xor3A_880 = vector.broadcast %scan3A_658 : i32 to vector<16xi32>
      %xor3A_881 = arith.xori %get3A_879, %xor3A_880 : vector<16xi32>
      %ge3A_882 = vector.broadcast %xor3A_657 : i32 to vector<16xi32>
      %ge3A_883 = arith.cmpi sge, %xor3A_881, %ge3A_882 : vector<16xi32>
      %lt3A_884 = arith.constant 8176 : i32
      %lt3A_885 = arith.cmpi slt, %add3A_873, %lt3A_884 : i32
      %and3A_886 = vector.broadcast %lt3A_885 : i1 to vector<16xi1>
      %and3A_887 = arith.andi %ge3A_883, %and3A_886 : vector<16xi1>
      %swap3A_888 = arith.index_cast %add3A_873 : i32 to index
      %swap3A_889 = tpu.vector_load %arg10[%swap3A_888] masked %and3A_887 {strides = array<i32>} : memref<8224xi32, #tpu.memory_space<vmem>>, vector<16xi32>, vector<16xi1>
      tpu.vector_store %arg10[%swap3A_888], %get3A_879 masked %and3A_887 {strides = array<i32>} : memref<8224xi32, #tpu.memory_space<vmem>>, vector<16xi32>, vector<16xi1>
      %all_reduce_population_count3A_890 = tpu.all_reduce %and3A_887 {dim = 0 : i64, kind = #tpu.reduction_kind<sum>} : vector<16xi1> -> vector<16xi32>
      %slice3A_891 = vector.extract_strided_slice %all_reduce_population_count3A_890 {offsets = [0], sizes = [1], strides = [1]} : vector<16xi32> to vector<1xi32>
      %squeeze3A_892 = vector.extract %slice3A_891[0] : i32 from vector<1xi32>
      %add3A_893 = arith.addi %add3A_873, %squeeze3A_892 : i32
      %scan3A_894 = arith.constant 6 : i32
      %scan3A_895 = arith.addi %scan3A_775, %scan3A_894 : i32
      %mul3A_896 = arith.constant 16 : i32
      %mul3A_897 = arith.muli %scan3A_895, %mul3A_896 : i32
      %get3A_898 = arith.index_cast %mul3A_897 : i32 to index
      %get3A_899 = tpu.vector_load %arg7[%get3A_898] {strides = array<i32>} : memref<32768xi32, #tpu.memory_space<vmem>>, vector<16xi32>,
      %xor3A_900 = vector.broadcast %scan3A_658 : i32 to vector<16xi32>
      %xor3A_901 = arith.xori %get3A_899, %xor3A_900 : vector<16xi32>
      %ge3A_902 = vector.broadcast %xor3A_657 : i32 to vector<16xi32>
      %ge3A_903 = arith.cmpi sge, %xor3A_901, %ge3A_902 : vector<16xi32>
      %lt3A_904 = arith.constant 8176 : i32
      %lt3A_905 = arith.cmpi slt, %add3A_893, %lt3A_904 : i32
      %and3A_906 = vector.broadcast %lt3A_905 : i1 to vector<16xi1>
      %and3A_907 = arith.andi %ge3A_903, %and3A_906 : vector<16xi1>
      %swap3A_908 = arith.index_cast %add3A_893 : i32 to index
      %swap3A_909 = tpu.vector_load %arg10[%swap3A_908] masked %and3A_907 {strides = array<i32>} : memref<8224xi32, #tpu.memory_space<vmem>>, vector<16xi32>, vector<16xi1>
      tpu.vector_store %arg10[%swap3A_908], %get3A_899 masked %and3A_907 {strides = array<i32>} : memref<8224xi32, #tpu.memory_space<vmem>>, vector<16xi32>, vector<16xi1>
      %all_reduce_population_count3A_910 = tpu.all_reduce %and3A_907 {dim = 0 : i64, kind = #tpu.reduction_kind<sum>} : vector<16xi1> -> vector<16xi32>
      %slice3A_911 = vector.extract_strided_slice %all_reduce_population_count3A_910 {offsets = [0], sizes = [1], strides = [1]} : vector<16xi32> to vector<1xi32>
      %squeeze3A_912 = vector.extract %slice3A_911[0] : i32 from vector<1xi32>
      %add3A_913 = arith.addi %add3A_893, %squeeze3A_912 : i32
      %scan3A_914 = arith.constant 7 : i32
      %scan3A_915 = arith.addi %scan3A_775, %scan3A_914 : i32
      %mul3A_916 = arith.constant 16 : i32
      %mul3A_917 = arith.muli %scan3A_915, %mul3A_916 : i32
      %get3A_918 = arith.index_cast %mul3A_917 : i32 to index
      %get3A_919 = tpu.vector_load %arg7[%get3A_918] {strides = array<i32>} : memref<32768xi32, #tpu.memory_space<vmem>>, vector<16xi32>,
      %xor3A_920 = vector.broadcast %scan3A_658 : i32 to vector<16xi32>
      %xor3A_921 = arith.xori %get3A_919, %xor3A_920 : vector<16xi32>
      %ge3A_922 = vector.broadcast %xor3A_657 : i32 to vector<16xi32>
      %ge3A_923 = arith.cmpi sge, %xor3A_921, %ge3A_922 : vector<16xi32>
      %lt3A_924 = arith.constant 8176 : i32
      %lt3A_925 = arith.cmpi slt, %add3A_913, %lt3A_924 : i32
      %and3A_926 = vector.broadcast %lt3A_925 : i1 to vector<16xi1>
      %and3A_927 = arith.andi %ge3A_923, %and3A_926 : vector<16xi1>
      %swap3A_928 = arith.index_cast %add3A_913 : i32 to index
      %swap3A_929 = tpu.vector_load %arg10[%swap3A_928] masked %and3A_927 {strides = array<i32>} : memref<8224xi32, #tpu.memory_space<vmem>>, vector<16xi32>, vector<16xi1>
      tpu.vector_store %arg10[%swap3A_928], %get3A_919 masked %and3A_927 {strides = array<i32>} : memref<8224xi32, #tpu.memory_space<vmem>>, vector<16xi32>, vector<16xi1>
      %all_reduce_population_count3A_930 = tpu.all_reduce %and3A_927 {dim = 0 : i64, kind = #tpu.reduction_kind<sum>} : vector<16xi1> -> vector<16xi32>
      %slice3A_931 = vector.extract_strided_slice %all_reduce_population_count3A_930 {offsets = [0], sizes = [1], strides = [1]} : vector<16xi32> to vector<1xi32>
      %squeeze3A_932 = vector.extract %slice3A_931[0] : i32 from vector<1xi32>
      %add3A_933 = arith.addi %add3A_913, %squeeze3A_932 : i32
      scf.yield %add3A_933 : i32
    }
    %scan3A_665 = arith.constant 2048 : i32
    %add3A_666 = arith.constant 15 : i32
    %add3A_667 = arith.addi %scan3A_664, %add3A_666 : i32
    %jit3A_668 = arith.constant 16 : i32
    %div3A_669 = arith.divsi %add3A_667, %jit3A_668 : i32
    %sign3A_670 = arith.constant 0 : i32
    %sign3A_671 = arith.cmpi sgt, %add3A_667, %sign3A_670 : i32
    %sign3A_672 = arith.extui %sign3A_671 : i1 to i32
    %sign3A_673 = arith.constant 0 : i32
    %sign3A_674 = arith.cmpi slt, %add3A_667, %sign3A_673 : i32
    %sign3A_675 = arith.extui %sign3A_674 : i1 to i32
    %sign3A_676 = arith.subi %sign3A_672, %sign3A_675 : i32
    %sign3A_677 = arith.constant 0 : i32
    %sign3A_678 = arith.cmpi sgt, %jit3A_668, %sign3A_677 : i32
    %sign3A_679 = arith.extui %sign3A_678 : i1 to i32
    %sign3A_680 = arith.constant 0 : i32
    %sign3A_681 = arith.cmpi slt, %jit3A_668, %sign3A_680 : i32
    %sign3A_682 = arith.extui %sign3A_681 : i1 to i32
    %sign3A_683 = arith.subi %sign3A_679, %sign3A_682 : i32
    %ne3A_684 = arith.cmpi ne, %sign3A_676, %sign3A_683 : i32
    %rem3A_685 = arith.remsi %add3A_667, %jit3A_668 : i32
    %ne3A_686 = arith.constant 0 : i32
    %ne3A_687 = arith.cmpi ne, %rem3A_685, %ne3A_686 : i32
    %and3A_688 = arith.andi %ne3A_684, %ne3A_687 : i1
    %sub3A_689 = arith.constant 1 : i32
    %sub3A_690 = arith.subi %div3A_669, %sub3A_689 : i32
    %select_n3A_691 = arith.select %and3A_688, %sub3A_690, %div3A_669 : i32
    %swap3A_692 = arith.index_cast %scan3A_664 : i32 to index
    %swap3A_693 = tpu.vector_load %arg10[%swap3A_692] {strides = array<i32>} : memref<8224xi32, #tpu.memory_space<vmem>>, vector<16xi32>,
    tpu.vector_store %arg10[%swap3A_692], %broadcast_in_dim3A_1 {strides = array<i32>} : memref<8224xi32, #tpu.memory_space<vmem>>, vector<16xi32>,
    %scan3A_694 = arith.constant -2147483648 : i32
    %scan3A_695 = arith.constant 0 : i32
    %scan3A_696 = arith.constant 0 : i32
    %scan3A_697 = arith.constant 32 : i32
    %scan3A_698 = arith.addi %scan3A_696, %scan3A_697 : i32
    %scan3A_699 = arith.constant 1 : i32
    %scan3A_700 = scf.for %scan3A_775 = %scan3A_696 to %scan3A_698 step %scan3A_699 iter_args(%scan3A_776 = %scan3A_695) -> (i32)  : i32 {
      %sub3A_777 = arith.constant 31 : i32
      %sub3A_778 = arith.subi %sub3A_777, %scan3A_775 : i32
      %shift_left3A_779 = arith.constant 1 : i32
      %shift_left3A_780 = arith.shli %shift_left3A_779, %sub3A_778 : i32
      %or3A = arith.ori %scan3A_776, %shift_left3A_780 : i32
      %xor3A_781 = arith.xori %or3A, %scan3A_694 : i32
      %while3A_782 = arith.constant 0 : i32
      %while3A_783 = arith.subi %select_n3A_691, %while3A_782 : i32
      %while3A_784 = arith.addi %while3A_782, %while3A_783 : i32
      %while3A_785 = arith.constant 1 : i32
      %while3A_786 = arith.divsi %while3A_783, %while3A_785 : i32
      %while3A_787 = arith.muli %while3A_786, %while3A_785 : i32
      %while3A_788 = arith.addi %while3A_782, %while3A_787 : i32
      %while3A_789 = arith.constant 1 : i32
      %while3A_790 = scf.for %while3A_799 = %while3A_782 to %while3A_788 step %while3A_789 iter_args(%while3A_800 = %broadcast_in_dim3A_1) -> (vector<16xi32>)  : i32 {
        %mul3A_801 = arith.constant 16 : i32
        %mul3A_802 = arith.muli %while3A_799, %mul3A_801 : i32
        %get3A_803 = arith.index_cast %mul3A_802 : i32 to index
        %get3A_804 = tpu.vector_load %arg10[%get3A_803] {strides = array<i32>} : memref<8224xi32, #tpu.memory_space<vmem>>, vector<16xi32>,
        %xor3A_805 = vector.broadcast %scan3A_694 : i32 to vector<16xi32>
        %xor3A_806 = arith.xori %get3A_804, %xor3A_805 : vector<16xi32>
        %ge3A_807 = vector.broadcast %xor3A_781 : i32 to vector<16xi32>
        %ge3A_808 = arith.cmpi sge, %xor3A_806, %ge3A_807 : vector<16xi32>
        %all_reduce_population_count3A = tpu.all_reduce %ge3A_808 {dim = 0 : i64, kind = #tpu.reduction_kind<sum>} : vector<16xi1> -> vector<16xi32>
        %add3A_809 = arith.addi %while3A_800, %all_reduce_population_count3A : vector<16xi32>
        scf.yield %add3A_809 : vector<16xi32>
      }
      %while3A_791 = arith.constant 1 : i32
      %while3A_792 = scf.for %while3A_799 = %while3A_788 to %while3A_784 step %while3A_791 iter_args(%while3A_800 = %while3A_790) -> (vector<16xi32>)  : i32 {
        %mul3A_801 = arith.constant 16 : i32
        %mul3A_802 = arith.muli %while3A_799, %mul3A_801 : i32
        %get3A_803 = arith.index_cast %mul3A_802 : i32 to index
        %get3A_804 = tpu.vector_load %arg10[%get3A_803] {strides = array<i32>} : memref<8224xi32, #tpu.memory_space<vmem>>, vector<16xi32>,
        %xor3A_805 = vector.broadcast %scan3A_694 : i32 to vector<16xi32>
        %xor3A_806 = arith.xori %get3A_804, %xor3A_805 : vector<16xi32>
        %ge3A_807 = vector.broadcast %xor3A_781 : i32 to vector<16xi32>
        %ge3A_808 = arith.cmpi sge, %xor3A_806, %ge3A_807 : vector<16xi32>
        %all_reduce_population_count3A = tpu.all_reduce %ge3A_808 {dim = 0 : i64, kind = #tpu.reduction_kind<sum>} : vector<16xi1> -> vector<16xi32>
        %add3A_809 = arith.addi %while3A_800, %all_reduce_population_count3A : vector<16xi32>
        scf.yield %add3A_809 : vector<16xi32>
      }
      %slice3A_793 = vector.extract_strided_slice %while3A_792 {offsets = [0], sizes = [1], strides = [1]} : vector<16xi32> to vector<1xi32>
      %squeeze3A_794 = vector.extract %slice3A_793[0] : i32 from vector<1xi32>
      %ge3A_795 = arith.constant 64 : i32
      %ge3A_796 = arith.cmpi sge, %squeeze3A_794, %ge3A_795 : i32
      %or3A_797 = arith.ori %scan3A_776, %shift_left3A_780 : i32
      %select_n3A_798 = arith.select %ge3A_796, %or3A_797, %scan3A_776 : i32
      scf.yield %select_n3A_798 : i32
    }
    %scan3A_701 = arith.constant 32 : i32
    %xor3A_702 = arith.constant -2147483648 : i32
    %xor3A_703 = arith.xori %scan3A_700, %xor3A_702 : i32
    %broadcast_in_dim3A_704 = arith.constant -3.400000e+38 : f32
    %broadcast_in_dim3A_705 = vector.broadcast %broadcast_in_dim3A_704 : f32 to vector<16xf32>
    %while3A_706 = arith.constant -2147483648 : i32
    %while3A_707 = arith.constant 2147483647 : i32
    %while3A_708 = arith.constant 0 : i32
    %while3A_709 = arith.subi %select_n3A_691, %while3A_708 : i32
    %while3A_710 = arith.addi %while3A_708, %while3A_709 : i32
    %while3A_711 = arith.constant 1 : i32
    %while3A_712 = arith.divsi %while3A_709, %while3A_711 : i32
    %while3A_713 = arith.muli %while3A_712, %while3A_711 : i32
    %while3A_714 = arith.addi %while3A_708, %while3A_713 : i32
    %while3A_715 = arith.constant 1 : i32
    %while3A_716 = scf.for %while3A_775 = %while3A_708 to %while3A_714 step %while3A_715 iter_args(%while3A_776 = %broadcast_in_dim3A_705) -> (vector<16xf32>)  : i32 {
      %mul3A_777 = arith.constant 16 : i32
      %mul3A_778 = arith.muli %while3A_775, %mul3A_777 : i32
      %get3A_779 = arith.index_cast %mul3A_778 : i32 to index
      %get3A_780 = tpu.vector_load %arg10[%get3A_779] {strides = array<i32>} : memref<8224xi32, #tpu.memory_space<vmem>>, vector<16xi32>,
      %eq3A_781 = arith.constant 0 : i32
      %eq3A_782 = vector.broadcast %eq3A_781 : i32 to vector<16xi32>
      %eq3A_783 = arith.cmpi eq, %get3A_780, %eq3A_782 : vector<16xi32>
      %xor3A_784 = vector.broadcast %while3A_706 : i32 to vector<16xi32>
      %xor3A_785 = arith.xori %get3A_780, %xor3A_784 : vector<16xi32>
      %shift_right_arithmetic3A = arith.constant 31 : i32
      %shift_right_arithmetic3A_786 = vector.broadcast %shift_right_arithmetic3A : i32 to vector<16xi32>
      %shift_right_arithmetic3A_787 = arith.shrsi %xor3A_785, %shift_right_arithmetic3A_786 : vector<16xi32>
      %and3A_788 = vector.broadcast %while3A_707 : i32 to vector<16xi32>
      %and3A_789 = arith.andi %shift_right_arithmetic3A_787, %and3A_788 : vector<16xi32>
      %xor3A_790 = arith.xori %xor3A_785, %and3A_789 : vector<16xi32>
      %bitcast_convert_type3A_791 = tpu.bitcast %xor3A_790 : vector<16xi32> -> vector<16xf32>
      %jit3A_792 = arith.constant -3.400000e+38 : f32
      %broadcast_in_dim3A_793 = vector.broadcast %jit3A_792 : f32 to vector<16xf32>
      %select_n3A_794 = arith.select %eq3A_783, %broadcast_in_dim3A_793, %bitcast_convert_type3A_791 : vector<16xi1>, vector<16xf32>
      %max3A = arith.maximumf %while3A_776, %select_n3A_794 : vector<16xf32>
      scf.yield %max3A : vector<16xf32>
    }
    %while3A_717 = arith.constant 1 : i32
    %while3A_718 = scf.for %while3A_775 = %while3A_714 to %while3A_710 step %while3A_717 iter_args(%while3A_776 = %while3A_716) -> (vector<16xf32>)  : i32 {
      %mul3A_777 = arith.constant 16 : i32
      %mul3A_778 = arith.muli %while3A_775, %mul3A_777 : i32
      %get3A_779 = arith.index_cast %mul3A_778 : i32 to index
      %get3A_780 = tpu.vector_load %arg10[%get3A_779] {strides = array<i32>} : memref<8224xi32, #tpu.memory_space<vmem>>, vector<16xi32>,
      %eq3A_781 = arith.constant 0 : i32
      %eq3A_782 = vector.broadcast %eq3A_781 : i32 to vector<16xi32>
      %eq3A_783 = arith.cmpi eq, %get3A_780, %eq3A_782 : vector<16xi32>
      %xor3A_784 = vector.broadcast %while3A_706 : i32 to vector<16xi32>
      %xor3A_785 = arith.xori %get3A_780, %xor3A_784 : vector<16xi32>
      %shift_right_arithmetic3A = arith.constant 31 : i32
      %shift_right_arithmetic3A_786 = vector.broadcast %shift_right_arithmetic3A : i32 to vector<16xi32>
      %shift_right_arithmetic3A_787 = arith.shrsi %xor3A_785, %shift_right_arithmetic3A_786 : vector<16xi32>
      %and3A_788 = vector.broadcast %while3A_707 : i32 to vector<16xi32>
      %and3A_789 = arith.andi %shift_right_arithmetic3A_787, %and3A_788 : vector<16xi32>
      %xor3A_790 = arith.xori %xor3A_785, %and3A_789 : vector<16xi32>
      %bitcast_convert_type3A_791 = tpu.bitcast %xor3A_790 : vector<16xi32> -> vector<16xf32>
      %jit3A_792 = arith.constant -3.400000e+38 : f32
      %broadcast_in_dim3A_793 = vector.broadcast %jit3A_792 : f32 to vector<16xf32>
      %select_n3A_794 = arith.select %eq3A_783, %broadcast_in_dim3A_793, %bitcast_convert_type3A_791 : vector<16xi1>, vector<16xf32>
      %max3A = arith.maximumf %while3A_776, %select_n3A_794 : vector<16xf32>
      scf.yield %max3A : vector<16xf32>
    }
    %reduce_max3A_719 = arith.constant true
    %reduce_max3A_720 = vector.broadcast %reduce_max3A_719 : i1 to vector<16xi1>
    %reduce_max3A_721 = tpu.scan <max>, %while3A_718 masked %reduce_max3A_720 : vector<16xf32>, vector<16xi1> -> vector<16xf32>
    %reduce_max3A_722 = vector.extract %reduce_max3A_721[15] : f32 from vector<16xf32>
    %broadcast_in_dim3A_723 = arith.constant 0.000000e+00 : f32
    %broadcast_in_dim3A_724 = vector.broadcast %broadcast_in_dim3A_723 : f32 to vector<16xf32>
    %while3A_725 = arith.constant -2147483648 : i32
    %while3A_726 = arith.constant 2147483647 : i32
    %while3A_727 = arith.constant 0 : i32
    %while3A_728 = arith.subi %select_n3A_691, %while3A_727 : i32
    %while3A_729 = arith.addi %while3A_727, %while3A_728 : i32
    %while3A_730 = arith.constant 1 : i32
    %while3A_731 = arith.divsi %while3A_728, %while3A_730 : i32
    %while3A_732 = arith.muli %while3A_731, %while3A_730 : i32
    %while3A_733 = arith.addi %while3A_727, %while3A_732 : i32
    %while3A_734 = arith.constant 1 : i32
    %while3A_735:2 = scf.for %while3A_775 = %while3A_727 to %while3A_733 step %while3A_734 iter_args(%while3A_776 = %broadcast_in_dim3A_724, %while3A_777 = %broadcast_in_dim3A_1) -> (vector<16xf32>, vector<16xi32>)  : i32 {
      %mul3A_778 = arith.constant 16 : i32
      %mul3A_779 = arith.muli %while3A_775, %mul3A_778 : i32
      %get3A_780 = arith.index_cast %mul3A_779 : i32 to index
      %get3A_781 = tpu.vector_load %arg10[%get3A_780] {strides = array<i32>} : memref<8224xi32, #tpu.memory_space<vmem>>, vector<16xi32>,
      %xor3A_782 = vector.broadcast %while3A_725 : i32 to vector<16xi32>
      %xor3A_783 = arith.xori %get3A_781, %xor3A_782 : vector<16xi32>
      %ge3A_784 = vector.broadcast %xor3A_703 : i32 to vector<16xi32>
      %ge3A_785 = arith.cmpi sge, %xor3A_783, %ge3A_784 : vector<16xi32>
      %xor3A_786 = vector.broadcast %while3A_725 : i32 to vector<16xi32>
      %xor3A_787 = arith.xori %get3A_781, %xor3A_786 : vector<16xi32>
      %shift_right_arithmetic3A = arith.constant 31 : i32
      %shift_right_arithmetic3A_788 = vector.broadcast %shift_right_arithmetic3A : i32 to vector<16xi32>
      %shift_right_arithmetic3A_789 = arith.shrsi %xor3A_787, %shift_right_arithmetic3A_788 : vector<16xi32>
      %and3A_790 = vector.broadcast %while3A_726 : i32 to vector<16xi32>
      %and3A_791 = arith.andi %shift_right_arithmetic3A_789, %and3A_790 : vector<16xi32>
      %xor3A_792 = arith.xori %xor3A_787, %and3A_791 : vector<16xi32>
      %bitcast_convert_type3A_793 = tpu.bitcast %xor3A_792 : vector<16xi32> -> vector<16xf32>
      %sub3A_794 = vector.broadcast %reduce_max3A_722 : f32 to vector<16xf32>
      %sub3A_795 = arith.subf %bitcast_convert_type3A_793, %sub3A_794 : vector<16xf32>
      %exp3A_796 = math.exp %sub3A_795 : vector<16xf32>
      %jit3A_797 = arith.constant 0.000000e+00 : f32
      %broadcast_in_dim3A_798 = vector.broadcast %jit3A_797 : f32 to vector<16xf32>
      %select_n3A_799 = arith.select %ge3A_785, %exp3A_796, %broadcast_in_dim3A_798 : vector<16xi1>, vector<16xf32>
      %add3A_800 = arith.addf %while3A_776, %select_n3A_799 : vector<16xf32>
      %all_reduce_population_count3A = tpu.all_reduce %ge3A_785 {dim = 0 : i64, kind = #tpu.reduction_kind<sum>} : vector<16xi1> -> vector<16xi32>
      %add3A_801 = arith.addi %while3A_777, %all_reduce_population_count3A : vector<16xi32>
      scf.yield %add3A_800, %add3A_801 : vector<16xf32>, vector<16xi32>
    }
    %while3A_736 = arith.constant 1 : i32
    %while3A_737:2 = scf.for %while3A_775 = %while3A_733 to %while3A_729 step %while3A_736 iter_args(%while3A_776 = %while3A_735#0, %while3A_777 = %while3A_735#1) -> (vector<16xf32>, vector<16xi32>)  : i32 {
      %mul3A_778 = arith.constant 16 : i32
      %mul3A_779 = arith.muli %while3A_775, %mul3A_778 : i32
      %get3A_780 = arith.index_cast %mul3A_779 : i32 to index
      %get3A_781 = tpu.vector_load %arg10[%get3A_780] {strides = array<i32>} : memref<8224xi32, #tpu.memory_space<vmem>>, vector<16xi32>,
      %xor3A_782 = vector.broadcast %while3A_725 : i32 to vector<16xi32>
      %xor3A_783 = arith.xori %get3A_781, %xor3A_782 : vector<16xi32>
      %ge3A_784 = vector.broadcast %xor3A_703 : i32 to vector<16xi32>
      %ge3A_785 = arith.cmpi sge, %xor3A_783, %ge3A_784 : vector<16xi32>
      %xor3A_786 = vector.broadcast %while3A_725 : i32 to vector<16xi32>
      %xor3A_787 = arith.xori %get3A_781, %xor3A_786 : vector<16xi32>
      %shift_right_arithmetic3A = arith.constant 31 : i32
      %shift_right_arithmetic3A_788 = vector.broadcast %shift_right_arithmetic3A : i32 to vector<16xi32>
      %shift_right_arithmetic3A_789 = arith.shrsi %xor3A_787, %shift_right_arithmetic3A_788 : vector<16xi32>
      %and3A_790 = vector.broadcast %while3A_726 : i32 to vector<16xi32>
      %and3A_791 = arith.andi %shift_right_arithmetic3A_789, %and3A_790 : vector<16xi32>
      %xor3A_792 = arith.xori %xor3A_787, %and3A_791 : vector<16xi32>
      %bitcast_convert_type3A_793 = tpu.bitcast %xor3A_792 : vector<16xi32> -> vector<16xf32>
      %sub3A_794 = vector.broadcast %reduce_max3A_722 : f32 to vector<16xf32>
      %sub3A_795 = arith.subf %bitcast_convert_type3A_793, %sub3A_794 : vector<16xf32>
      %exp3A_796 = math.exp %sub3A_795 : vector<16xf32>
      %jit3A_797 = arith.constant 0.000000e+00 : f32
      %broadcast_in_dim3A_798 = vector.broadcast %jit3A_797 : f32 to vector<16xf32>
      %select_n3A_799 = arith.select %ge3A_785, %exp3A_796, %broadcast_in_dim3A_798 : vector<16xi1>, vector<16xf32>
      %add3A_800 = arith.addf %while3A_776, %select_n3A_799 : vector<16xf32>
      %all_reduce_population_count3A = tpu.all_reduce %ge3A_785 {dim = 0 : i64, kind = #tpu.reduction_kind<sum>} : vector<16xi1> -> vector<16xi32>
      %add3A_801 = arith.addi %while3A_777, %all_reduce_population_count3A : vector<16xi32>
      scf.yield %add3A_800, %add3A_801 : vector<16xf32>, vector<16xi32>
    }
    %reduce_sum3A_738 = arith.constant true
    %reduce_sum3A_739 = vector.broadcast %reduce_sum3A_738 : i1 to vector<16xi1>
    %reduce_sum3A_740 = tpu.scan <sum>, %while3A_737#0 masked %reduce_sum3A_739 : vector<16xf32>, vector<16xi1> -> vector<16xf32>
    %reduce_sum3A_741 = vector.extract %reduce_sum3A_740[15] : f32 from vector<16xf32>
    %slice3A_742 = vector.extract_strided_slice %while3A_737#1 {offsets = [0], sizes = [1], strides = [1]} : vector<16xi32> to vector<1xi32>
    %squeeze3A_743 = vector.extract %slice3A_742[0] : i32 from vector<1xi32>
    %lt3A_744 = arith.constant 0 : i32
    %lt3A_745 = arith.cmpi slt, %xor3A_703, %lt3A_744 : i32
    %xor3A_746 = arith.constant 2147483647 : i32
    %xor3A_747 = arith.xori %xor3A_703, %xor3A_746 : i32
    %select_n3A_748 = arith.select %lt3A_745, %xor3A_747, %xor3A_703 : i32
    %bitcast_convert_type3A_749 = arith.bitcast %select_n3A_748 : i32 to f32
    %sub3A_750 = arith.subf %bitcast_convert_type3A_749, %reduce_max3A_722 : f32
    %broadcast_in_dim3A_751 = vector.broadcast %sub3A_750 : f32 to vector<16xf32>
    %exp3A_752 = math.exp %broadcast_in_dim3A_751 : vector<16xf32>
    %slice3A_753 = vector.extract_strided_slice %exp3A_752 {offsets = [0], sizes = [1], strides = [1]} : vector<16xf32> to vector<1xf32>
    %squeeze3A_754 = vector.extract %slice3A_753[0] : f32 from vector<1xf32>
    %sub3A_755 = arith.constant 64 : i32
    %sub3A_756 = arith.subi %squeeze3A_743, %sub3A_755 : i32
    %convert_element_type3A_757 = arith.sitofp %sub3A_756 : i32 to f32
    %mul3A_758 = arith.mulf %convert_element_type3A_757, %squeeze3A_754 : f32
    %sub3A_759 = arith.subf %reduce_sum3A_741, %mul3A_758 : f32
    %eq3A_760 = arith.constant 3 : i32
    %eq3A_761 = vector.broadcast %eq3A_760 : i32 to vector<16xi32>
    %eq3A_762 = arith.cmpi eq, %iota3A, %eq3A_761 : vector<16xi32>
    %broadcast_in_dim3A_763 = vector.broadcast %xor3A_703 : i32 to vector<16xi32>
    %select_n3A_764 = arith.select %eq3A_762, %broadcast_in_dim3A_763, %select_n3A_567 : vector<16xi1>, vector<16xi32>
    %broadcast_in_dim3A_765 = vector.broadcast %reduce_max3A_722 : f32 to vector<16xf32>
    %select_n3A_766 = arith.select %eq3A_762, %broadcast_in_dim3A_765, %select_n3A_569 : vector<16xi1>, vector<16xf32>
    %broadcast_in_dim3A_767 = vector.broadcast %sub3A_759 : f32 to vector<16xf32>
    %select_n3A_768 = arith.select %eq3A_762, %broadcast_in_dim3A_767, %select_n3A_571 : vector<16xi1>, vector<16xf32>
    %swap3A_769 = arith.constant 0 : index
    %swap3A_770 = tpu.vector_load %arg11[%swap3A_769] {strides = array<i32>} : memref<16xi32, #tpu.memory_space<vmem>>, vector<16xi32>,
    tpu.vector_store %arg11[%swap3A_769], %select_n3A_764 {strides = array<i32>} : memref<16xi32, #tpu.memory_space<vmem>>, vector<16xi32>,
    %swap3A_771 = arith.constant 0 : index
    %swap3A_772 = tpu.vector_load %arg12[%swap3A_771] {strides = array<i32>} : memref<16xf32, #tpu.memory_space<vmem>>, vector<16xf32>,
    tpu.vector_store %arg12[%swap3A_771], %select_n3A_766 {strides = array<i32>} : memref<16xf32, #tpu.memory_space<vmem>>, vector<16xf32>,
    %swap3A_773 = arith.constant 0 : index
    %swap3A_774 = tpu.vector_load %arg13[%swap3A_773] {strides = array<i32>} : memref<16xf32, #tpu.memory_space<vmem>>, vector<16xf32>,
    tpu.vector_store %arg13[%swap3A_773], %select_n3A_768 {strides = array<i32>} : memref<16xf32, #tpu.memory_space<vmem>>, vector<16xf32>,
    "tpu.region"() ({
      %run_scoped3A = tpu.sem_alloc : memref<!tpu.dma_semaphore, #tpu.memory_space<semaphore_mem>>
      %dma_start3A = arith.constant 0 : i32
      %dma_start3A_775 = tpu.memref_slice %arg3[%add3A, %dma_start3A] : memref<32x16xi32, #tpu.memory_space<hbm>> -> memref<1x16xi32, #tpu.memory_space<hbm>>
      %dma_start3A_776 = tpu.memref_squeeze %dma_start3A_775 : memref<1x16xi32, #tpu.memory_space<hbm>> -> memref<16xi32, #tpu.memory_space<hbm>>
      %dma_start3A_777 = arith.constant 0 : i32
      %dma_start3A_778 = tpu.memref_slice %arg3[%add3A, %dma_start3A_777] : memref<32x16xi32, #tpu.memory_space<hbm>> -> memref<1x16xi32, #tpu.memory_space<hbm>>
      %dma_start3A_779 = tpu.memref_squeeze %dma_start3A_778 : memref<1x16xi32, #tpu.memory_space<hbm>> -> memref<16xi32, #tpu.memory_space<hbm>>
      tpu.enqueue_dma source(%arg11 : memref<16xi32, #tpu.memory_space<vmem>>) target(%dma_start3A_779 : memref<16xi32, #tpu.memory_space<hbm>>) target_semaphore(%run_scoped3A : memref<!tpu.dma_semaphore, #tpu.memory_space<semaphore_mem>>)
      %dma_wait3A = arith.constant 0 : i32
      %dma_wait3A_780 = tpu.memref_slice %arg3[%add3A, %dma_wait3A] : memref<32x16xi32, #tpu.memory_space<hbm>> -> memref<1x16xi32, #tpu.memory_space<hbm>>
      %dma_wait3A_781 = tpu.memref_squeeze %dma_wait3A_780 : memref<1x16xi32, #tpu.memory_space<hbm>> -> memref<16xi32, #tpu.memory_space<hbm>>
      %dma_wait3A_782 = arith.constant 0 : i32
      %dma_wait3A_783 = tpu.memref_slice %arg3[%add3A, %dma_wait3A_782] : memref<32x16xi32, #tpu.memory_space<hbm>> -> memref<1x16xi32, #tpu.memory_space<hbm>>
      %dma_wait3A_784 = tpu.memref_squeeze %dma_wait3A_783 : memref<1x16xi32, #tpu.memory_space<hbm>> -> memref<16xi32, #tpu.memory_space<hbm>>
      tpu.wait_dma2 semaphore(%run_scoped3A : memref<!tpu.dma_semaphore, #tpu.memory_space<semaphore_mem>>) src(%arg11 : memref<16xi32, #tpu.memory_space<vmem>>) dst(%dma_wait3A_784 : memref<16xi32, #tpu.memory_space<hbm>>)
      tpu.yield
    }) : () -> ()
    "tpu.region"() ({
      %run_scoped3A = tpu.sem_alloc : memref<!tpu.dma_semaphore, #tpu.memory_space<semaphore_mem>>
      %dma_start3A = arith.constant 0 : i32
      %dma_start3A_775 = tpu.memref_slice %arg4[%add3A, %dma_start3A] : memref<32x16xf32, #tpu.memory_space<hbm>> -> memref<1x16xf32, #tpu.memory_space<hbm>>
      %dma_start3A_776 = tpu.memref_squeeze %dma_start3A_775 : memref<1x16xf32, #tpu.memory_space<hbm>> -> memref<16xf32, #tpu.memory_space<hbm>>
      %dma_start3A_777 = arith.constant 0 : i32
      %dma_start3A_778 = tpu.memref_slice %arg4[%add3A, %dma_start3A_777] : memref<32x16xf32, #tpu.memory_space<hbm>> -> memref<1x16xf32, #tpu.memory_space<hbm>>
      %dma_start3A_779 = tpu.memref_squeeze %dma_start3A_778 : memref<1x16xf32, #tpu.memory_space<hbm>> -> memref<16xf32, #tpu.memory_space<hbm>>
      tpu.enqueue_dma source(%arg12 : memref<16xf32, #tpu.memory_space<vmem>>) target(%dma_start3A_779 : memref<16xf32, #tpu.memory_space<hbm>>) target_semaphore(%run_scoped3A : memref<!tpu.dma_semaphore, #tpu.memory_space<semaphore_mem>>)
      %dma_wait3A = arith.constant 0 : i32
      %dma_wait3A_780 = tpu.memref_slice %arg4[%add3A, %dma_wait3A] : memref<32x16xf32, #tpu.memory_space<hbm>> -> memref<1x16xf32, #tpu.memory_space<hbm>>
      %dma_wait3A_781 = tpu.memref_squeeze %dma_wait3A_780 : memref<1x16xf32, #tpu.memory_space<hbm>> -> memref<16xf32, #tpu.memory_space<hbm>>
      %dma_wait3A_782 = arith.constant 0 : i32
      %dma_wait3A_783 = tpu.memref_slice %arg4[%add3A, %dma_wait3A_782] : memref<32x16xf32, #tpu.memory_space<hbm>> -> memref<1x16xf32, #tpu.memory_space<hbm>>
      %dma_wait3A_784 = tpu.memref_squeeze %dma_wait3A_783 : memref<1x16xf32, #tpu.memory_space<hbm>> -> memref<16xf32, #tpu.memory_space<hbm>>
      tpu.wait_dma2 semaphore(%run_scoped3A : memref<!tpu.dma_semaphore, #tpu.memory_space<semaphore_mem>>) src(%arg12 : memref<16xf32, #tpu.memory_space<vmem>>) dst(%dma_wait3A_784 : memref<16xf32, #tpu.memory_space<hbm>>)
      tpu.yield
    }) : () -> ()
    "tpu.region"() ({
      %run_scoped3A = tpu.sem_alloc : memref<!tpu.dma_semaphore, #tpu.memory_space<semaphore_mem>>
      %dma_start3A = arith.constant 0 : i32
      %dma_start3A_775 = tpu.memref_slice %arg5[%add3A, %dma_start3A] : memref<32x16xf32, #tpu.memory_space<hbm>> -> memref<1x16xf32, #tpu.memory_space<hbm>>
      %dma_start3A_776 = tpu.memref_squeeze %dma_start3A_775 : memref<1x16xf32, #tpu.memory_space<hbm>> -> memref<16xf32, #tpu.memory_space<hbm>>
      %dma_start3A_777 = arith.constant 0 : i32
      %dma_start3A_778 = tpu.memref_slice %arg5[%add3A, %dma_start3A_777] : memref<32x16xf32, #tpu.memory_space<hbm>> -> memref<1x16xf32, #tpu.memory_space<hbm>>
      %dma_start3A_779 = tpu.memref_squeeze %dma_start3A_778 : memref<1x16xf32, #tpu.memory_space<hbm>> -> memref<16xf32, #tpu.memory_space<hbm>>
      tpu.enqueue_dma source(%arg13 : memref<16xf32, #tpu.memory_space<vmem>>) target(%dma_start3A_779 : memref<16xf32, #tpu.memory_space<hbm>>) target_semaphore(%run_scoped3A : memref<!tpu.dma_semaphore, #tpu.memory_space<semaphore_mem>>)
      %dma_wait3A = arith.constant 0 : i32
      %dma_wait3A_780 = tpu.memref_slice %arg5[%add3A, %dma_wait3A] : memref<32x16xf32, #tpu.memory_space<hbm>> -> memref<1x16xf32, #tpu.memory_space<hbm>>
      %dma_wait3A_781 = tpu.memref_squeeze %dma_wait3A_780 : memref<1x16xf32, #tpu.memory_space<hbm>> -> memref<16xf32, #tpu.memory_space<hbm>>
      %dma_wait3A_782 = arith.constant 0 : i32
      %dma_wait3A_783 = tpu.memref_slice %arg5[%add3A, %dma_wait3A_782] : memref<32x16xf32, #tpu.memory_space<hbm>> -> memref<1x16xf32, #tpu.memory_space<hbm>>
      %dma_wait3A_784 = tpu.memref_squeeze %dma_wait3A_783 : memref<1x16xf32, #tpu.memory_space<hbm>> -> memref<16xf32, #tpu.memory_space<hbm>>
      tpu.wait_dma2 semaphore(%run_scoped3A : memref<!tpu.dma_semaphore, #tpu.memory_space<semaphore_mem>>) src(%arg13 : memref<16xf32, #tpu.memory_space<vmem>>) dst(%dma_wait3A_784 : memref<16xf32, #tpu.memory_space<hbm>>)
      tpu.yield
    }) : () -> ()
    return
  }
}

module attributes {stable_mosaic.version = 14 : i64} {
  func.func @_tc_body(%arg0: i32, %arg1: memref<32x32768xf32, #tpu.memory_space<vmem>>, %arg2: memref<32x1xi32, #tpu.memory_space<vmem>>, %arg3: memref<32x1xf32, #tpu.memory_space<vmem>>, %arg4: memref<32x1xf32, #tpu.memory_space<vmem>>, %arg5: memref<32x32768xf32, #tpu.memory_space<vmem>>) attributes {dimension_semantics = [#tpu.dimension_semantics<arbitrary>], iteration_bounds = array<i64: 4>, scalar_prefetch = 0 : i64, scratch_operands = 0 : i64, tpu.core_type = #tpu.core_type<tc>, window_params = [{transform_indices = @transform_0, window_bounds = array<i64: 32, 32768>}, {transform_indices = @transform_1, window_bounds = array<i64: 32, 1>}, {transform_indices = @transform_2, window_bounds = array<i64: 32, 1>}, {transform_indices = @transform_3, window_bounds = array<i64: 32, 1>}, {transform_indices = @transform_4, window_bounds = array<i64: 32, 32768>}]} {
    %get3A = arith.constant 0 : index
    %get3A_0 = arith.constant 0 : index
    %get3A_1 = vector.load %arg1[%get3A, %get3A_0] : memref<32x32768xf32, #tpu.memory_space<vmem>>, vector<32x32768xf32>
    %bitcast_convert_type3A = tpu.bitcast %get3A_1 : vector<32x32768xf32> -> vector<32x32768xi32>
    %lt3A = arith.constant 0 : i32
    %lt3A_2 = vector.broadcast %lt3A : i32 to vector<32x32768xi32>
    %lt3A_3 = arith.cmpi slt, %bitcast_convert_type3A, %lt3A_2 : vector<32x32768xi32>
    %xor3A = arith.constant 2147483647 : i32
    %xor3A_4 = vector.broadcast %xor3A : i32 to vector<32x32768xi32>
    %xor3A_5 = arith.xori %bitcast_convert_type3A, %xor3A_4 : vector<32x32768xi32>
    %select_n3A = arith.select %lt3A_3, %xor3A_5, %bitcast_convert_type3A : vector<32x32768xi1>, vector<32x32768xi32>
    %get3A_6 = arith.constant 0 : index
    %get3A_7 = arith.constant 0 : index
    %get3A_8 = vector.load %arg2[%get3A_6, %get3A_7] : memref<32x1xi32, #tpu.memory_space<vmem>>, vector<32x1xi32>
    %get3A_9 = arith.constant 0 : index
    %get3A_10 = arith.constant 0 : index
    %get3A_11 = vector.load %arg3[%get3A_9, %get3A_10] : memref<32x1xf32, #tpu.memory_space<vmem>>, vector<32x1xf32>
    %sub3A = vector.broadcast %get3A_11 : vector<32x1xf32> to vector<32x32768xf32>
    %sub3A_12 = arith.subf %get3A_1, %sub3A : vector<32x32768xf32>
    %exp3A = math.exp %sub3A_12 : vector<32x32768xf32>
    %ge3A = vector.broadcast %get3A_8 : vector<32x1xi32> to vector<32x32768xi32>
    %ge3A_13 = arith.cmpi sge, %select_n3A, %ge3A : vector<32x32768xi32>
    %get3A_14 = arith.constant 0 : index
    %get3A_15 = arith.constant 0 : index
    %get3A_16 = vector.load %arg4[%get3A_14, %get3A_15] : memref<32x1xf32, #tpu.memory_space<vmem>>, vector<32x1xf32>
    %div3A = vector.broadcast %get3A_16 : vector<32x1xf32> to vector<32x32768xf32>
    %div3A_17 = arith.divf %exp3A, %div3A : vector<32x32768xf32>
    %jit3A = arith.constant 0.000000e+00 : f32
    %broadcast_in_dim3A = vector.broadcast %jit3A : f32 to vector<32x32768xf32>
    %select_n3A_18 = arith.select %ge3A_13, %div3A_17, %broadcast_in_dim3A : vector<32x32768xi1>, vector<32x32768xf32>
    %swap3A = arith.constant 0 : index
    %swap3A_19 = arith.constant 0 : index
    %swap3A_20 = vector.load %arg5[%swap3A, %swap3A_19] : memref<32x32768xf32, #tpu.memory_space<vmem>>, vector<32x32768xf32>
    tpu.vector_store %arg5[%swap3A, %swap3A_19], %select_n3A_18 {strides = array<i32>} : memref<32x32768xf32, #tpu.memory_space<vmem>>, vector<32x32768xf32>,
    return
  }
  func.func @transform_0(%arg0: i32) -> (i32, i32) {
    %c0_i32 = arith.constant 0 : i32
    %c0_i32_0 = arith.constant 0 : i32
    return %arg0, %c0_i32 : i32, i32
  }
  func.func @transform_1(%arg0: i32) -> (i32, i32) {
    %c0_i32 = arith.constant 0 : i32
    %c0_i32_0 = arith.constant 0 : i32
    return %arg0, %c0_i32 : i32, i32
  }
  func.func @transform_2(%arg0: i32) -> (i32, i32) {
    %c0_i32 = arith.constant 0 : i32
    %c0_i32_0 = arith.constant 0 : i32
    return %arg0, %c0_i32 : i32, i32
  }
  func.func @transform_3(%arg0: i32) -> (i32, i32) {
    %c0_i32 = arith.constant 0 : i32
    %c0_i32_0 = arith.constant 0 : i32
    return %arg0, %c0_i32 : i32, i32
  }
  func.func @transform_4(%arg0: i32) -> (i32, i32) {
    %c0_i32 = arith.constant 0 : i32
    %c0_i32_0 = arith.constant 0 : i32
    return %arg0, %c0_i32 : i32, i32
  }
}

</mosaic_0001>

<sc_bundles>
// kernel: kernel.4.cloned.1.call-start
scs
__scs_entry_jumppad:
0x0: {  	(pc) =	sbr.rel $0x88, $3  }
0x1: {  	(tag) =	ssettag $0x0;
	lr =	simm.s32 $0x1  }
0x2: {  	[smem:$0x3FA0] =	sst lr;
	_ =	strace $0xD0000000  }
0x3: {  	_ = 	snop  }
0x4: {  	_ = 	snop  }
0x5: {  	_ = 	snop  }
0x6: {  	_ = 	snop  }
0x7: {  	_ = 	snop  }
__scs_overlays_trampoline_lowered:
0x8: {  	[smem:$0x3FAF] =	sst s0  }
0x9: {  	[smem:$0x3FB0] =	sst s1  }
0xa: {  	[smem:$0x3FB1] =	sst s2  }
0xb: {  	[smem:$0x3FB2] =	sst s3  }
0xc: {  	[smem:$0x3FB3] =	sst s4  }
0xd: {  	[smem:$0x3FB4] =	sst s5  }
0xe: {  	[smem:$0x3FB5] =	sst s6  }
0xf: {  	[smem:$0x3FB6] =	sst s7  }
0x10: {  	[smem:$0x3FB7] =	sst s8  }
0x11: {  	[smem:$0x3FB8] =	sst s9;
	s0 =	simm.s32 @!p0 $0x0  }
0x12: {  	s1 =	sld [smem:$0x3F9E];
	s0 =	simm.s32 @p0 $0x1  }
0x13: {  	[smem:$0x3FB9] =	sst s0;
	s0 =	simm.s32 @!p1 $0x0  }
0x14: {  	s2 =	sld [smem:$0x3F9D];
	s0 =	simm.s32 @p1 $0x1  }
0x15: {  	[smem:$0x3FBA] =	sst s0;
	s0 =	simm.s32 @!p2 $0x0  }
0x16: {  	s3 =	sld [smem:$0x3FDB];
	s0 =	simm.s32 @p2 $0x1  }
0x17: {  	s4 =	simm.s32 $0x1BF5;
	[smem:$0x3FBC] =	sst s0  }
0x18: {  	s0 =	sld [smem:$0x3F9F];
	_ =	swait.ge [sflag:s4], $0x0  }
0x19: {  	s7 =	sld [smem:$0x3FA0]  }
0x1a: {  	s8 =	sadd.s32 $0xFFFFE003, lr  }
0x1b: {  	s9 =	sadd.s32 $0xFFFFFEF7, lr;
	s5 =	simm.s32 $0xFFFFFFFF;
	p2 =	slt.u32 s8, $0xFFFFF086  }
0x1c: {  	p1 =	slt.u32 s9, $0xF7A;
	s5 =	simm.s32 @!p2 $0x0  }
0x1d: {  	s5 =	simm.s32 @p1 $0x1;
	p0 =	seq.s32 s7, s2  }
0x1e: {  	s7 =	smul.u32 @!p0 $0xF7A, s2;
	p2 =	seq.s32 @!p0 s5, $0x0  }
0x1f: {  	s9 =	smul.u32 $0xF7A, s1;
	s8 =	simm.s32 @!p0 $0x1BF5;
	p2 =	por !p2, p0  }
0x20: {  	[sflag:s8] =	ssyncset.s32 @!p0 $0xFFFFF086;
	s6 =	sadd.s32 @!p0 s3, s7;
	s7 =	simm.s32 @!p0 $0x108  }
0x21: {  	s3 =	sadd.s32 s3, s9;
	s6 =	sadd.s32 @!p0 $0x88, s6;
	s7 =	simm.s32 @p2 $0x1082  }
0x22: {  	[simem:s7], [sflag:s8] =	dma.local @!p0 [hbm:s6], $0xF7A  }
0x23: {  	s9 =	sor.u32 $0xD0000000, s2;
	s6 =	simm.s32 $0x108;
	_ =	swait.ge @!p0 [sflag:s8], $0x0  }
0x24: {  	s3 =	sadd.s32 $0x88, s3;
	s6 =	simm.s32 @!p1 $0x1082;
	[sflag:s4] =	ssyncset.s32 $0xFFFFF086  }
0x25: {  	[simem:s6], [sflag:s4] =	dma.local [hbm:s3], $0xF7A  }
0x26: {  	[smem:$0x3FA0] =	sst s1;
	(tag) =	ssettag s2;
	_ =	strace s9  }
0x27: {  	s1 =	sld [smem:$0x3FB0]  }
0x28: {  	s2 =	sld [smem:$0x3FB1]  }
0x29: {  	s4 =	sld [smem:$0x3FB3]  }
0x2a: {  	p0 =	seq.s32 s5, $0x0;
	s5 =	sld [smem:$0x3FB4]  }
0x2b: {  	s6 =	sld [smem:$0x3FB5]  }
0x2c: {  	s7 =	sld [smem:$0x3FB6]  }
0x2d: {  	s3 =	simm.s32 $0x108;
	s8 =	sld [smem:$0x3FB7]  }
0x2e: {  	s3 =	simm.s32 @!p0 $0x1082;
	s9 =	sld [smem:$0x3FB8]  }
0x2f: {  	lr =	sadd.s32 s0, s3;
	s0 =	sld [smem:$0x3FAF]  }
0x30: {  	s3 =	sld [smem:$0x3FB2]  }
0x31: {  	[smem:$0x3FBB] =	sst s10  }
0x32: {  	s10 =	sld [smem:$0x3FB9];
	_ =	sdelay $0x3  }
0x33: {  	p0 =	seq.s32 s10, $0x1;
	s10 =	sld [smem:$0x3FBB];
	_ =	sdelay $0x3  }
0x34: {  	[smem:$0x3FBB] =	sst s10  }
0x35: {  	s10 =	sld [smem:$0x3FBA];
	_ =	sdelay $0x3  }
0x36: {  	p1 =	seq.s32 s10, $0x1;
	s10 =	sld [smem:$0x3FBB];
	_ =	sdelay $0x3  }
0x37: {  	[smem:$0x3FBB] =	sst s10  }
0x38: {  	s10 =	sld [smem:$0x3FBC]  }
0x39: {  	_ = 	snop;
	(pc) =	sbr.ind lr, $3  }
0x3a: {  	_ = 	snop  }
0x3b: {  	_ = 	snop  }
0x3c: {  	p2 =	seq.s32 s10, $0x1;
	s10 =	sld [smem:$0x3FBB]  }
0x3d: {  	_ =	shalt  }
0x3e: {  	_ =	shalt  }
0x3f: {  	_ =	shalt  }
0x40: {  	_ =	shalt  }
0x41: {  	_ =	shalt  }
0x42: {  	_ =	shalt  }
0x43: {  	_ =	shalt  }
0x44: {  	_ =	shalt  }
0x45: {  	_ =	shalt  }
0x46: {  	_ =	shalt  }
0x47: {  	_ =	shalt  }
0x48: {  	_ =	shalt  }
0x49: {  	_ =	shalt  }
0x4a: {  	_ =	shalt  }
0x4b: {  	_ =	shalt  }
0x4c: {  	_ =	shalt  }
0x4d: {  	_ =	shalt  }
0x4e: {  	_ =	shalt  }
0x4f: {  	_ =	shalt  }
0x50: {  	_ =	shalt  }
0x51: {  	_ =	shalt  }
0x52: {  	_ =	shalt  }
0x53: {  	_ =	shalt  }
0x54: {  	_ =	shalt  }
0x55: {  	_ =	shalt  }
0x56: {  	_ =	shalt  }
0x57: {  	_ =	shalt  }
0x58: {  	_ =	shalt  }
0x59: {  	_ =	shalt  }
0x5a: {  	_ =	shalt  }
0x5b: {  	_ =	shalt  }
0x5c: {  	_ =	shalt  }
0x5d: {  	_ =	shalt  }
0x5e: {  	_ =	shalt  }
0x5f: {  	_ =	shalt  }
0x60: {  	_ =	shalt  }
0x61: {  	_ =	shalt  }
0x62: {  	_ =	shalt  }
0x63: {  	_ =	shalt  }
0x64: {  	_ =	shalt  }
0x65: {  	_ =	shalt  }
0x66: {  	_ =	shalt  }
0x67: {  	_ =	shalt  }
0x68: {  	_ =	shalt  }
0x69: {  	_ =	shalt  }
0x6a: {  	_ =	shalt  }
0x6b: {  	_ =	shalt  }
0x6c: {  	_ =	shalt  }
0x6d: {  	_ =	shalt  }
0x6e: {  	_ =	shalt  }
0x6f: {  	_ =	shalt  }
0x70: {  	_ =	shalt  }
0x71: {  	_ =	shalt  }
0x72: {  	_ =	shalt  }
0x73: {  	_ =	shalt  }
0x74: {  	_ =	shalt  }
0x75: {  	_ =	shalt  }
0x76: {  	_ =	shalt  }
0x77: {  	_ =	shalt  }
0x78: {  	_ =	shalt  }
0x79: {  	_ =	shalt  }
0x7a: {  	_ =	shalt  }
0x7b: {  	_ =	shalt  }
0x7c: {  	_ =	shalt  }
0x7d: {  	_ =	shalt  }
0x7e: {  	_ =	shalt  }
0x7f: {  	_ =	shalt  }
0x80: {  	_ =	shalt  }
0x81: {  	_ =	shalt  }
0x82: {  	_ =	shalt  }
0x83: {  	_ =	shalt  }
0x84: {  	_ =	shalt  }
0x85: {  	_ =	shalt  }
0x86: {  	_ =	shalt  }
0x87: {  	_ =	shalt  }
.Lfunc_end0:
.L_simem_size_0:
called_computation_lowered:
.L_overlay_start_0:
0x88: {  	s2 =	sld [smem:$0x3FD9]  }
0x89: {  	s3 =	sld [smem:$0x3FFE];
	_ =	sdelay $0x1  }
0x8a: {  	s1 =	srdreg.scid  }
0x8b: {  	s0 =	sand.u32 $0x1, s1  }
0x8c: {  	s17 =	sshll.u32 s0, $0xA;
	s2 =	sadd.s32 s3, s2  }
0x8d: {  	s2 =	sadd.s32 s2, s17  }
0x8e: {  	[smem:$0x3FC7] =	sst s2  }
0x8f: {  	_ = 	snop  }
0x90: {  	s2 =	sld [smem:$0x3FC9]  }
0x91: {  	s18 =	sld [smem:$0x3FD0];
	(tm) =	ssettm $0x1  }
0x92: {  	s4 =	sld [smem:$0x3FFB];
	_ =	sdelay $0x3  }
0x93: {  	_ =	strace s4  }
0x94: {  	s4 =	sld [smem:$0x3FFC];
	_ =	sdelay $0x3  }
0x95: {  	_ =	strace s4  }
0x96: {  	s4 =	sld [smem:$0x3FFD];
	_ =	sdelay $0x3  }
0x97: {  	_ =	strace s4  }
0x98: {  	_ =	strace $0x8FFFFFFF  }
0x99: {  	s19 =	sld [smem:$0x3FDB];
	_ =	sdelay $0x1  }
0x9a: {  	s5 =	simm.s32 $_scs_section_size  }
0x9b: {  	s6 =	simm.s32 $_size__tile_overlayer_lowered;
	s7 =	simm.s32 $_tile_overlayer_lowered  }
0x9c: {  	s22 =	simm.s32 $0x1BFF;
	s21 =	sshll.u32 s7, $0x1;
	s4 =	sadd.s32 s5, s19  }
0x9d: {  	s8 =	simm.s32 $0x0;
	s20 =	sshll.u32 s6, $0x1;
	s6 =	sadd.s32 s21, s4  }
0x9e: {  	[timem:s8], [sflag:s22] =	dma.local [hbm:s6], s20  }
0x9f: {  	_ =	swait.ge [sflag:s22], s20  }
0xa0: {  	s5 =	ssub.s32 $0x0, s20;
	[sflag:s22] =	ssyncset.done $0x0  }
0xa1: {  	[sflag:s22] =	ssyncadd.s32 s5;
	_ =	sdelay $0x1  }
0xa2: {  	s23 =	simm.s32 $0x1B8B  }
0xa3: {  	_ =	swait.ge [sflag:s23], $0x1  }
0xa4: {  	[sflag:s23] =	ssyncset.done $0x0  }
0xa5: {  	s25 =	simm.s32 $0x1B8E;
	s24 =	sld [smem:$0x3FFE];
	[sflag:s23] =	ssyncadd.s32 $0xFFFFFFFF  }
0xa6: {  	s26 =	simm.s32 $execute0_lowered;
	[smem:$0x3FD2] =	sst s25  }
0xa7: {  	s6 =	sshll.u32 s26, $0x1;
	_ =	strace $0x80000046;
	[dreg:$0x1] =	wrdreg $0xFFFFFFFF  }
0xa8: {  	s28 =	simm.s32 $_size_execute0_lowered;
	s4 =	sadd.s32 s4, s6;
	[dreg:$0x0] =	wrdreg $0x0  }
0xa9: {  	s6 =	sshll.u32 s28, $0x1;
	[dreg:$0x2] =	wrdreg s4  }
0xaa: {  	[dreg:$0x3] =	wrdreg s6  }
0xab: {  	[dreg:$0x4] =	wrdreg $0xC0  }
0xac: {  	_ =	task [dreg:s8], $0x5FFFF  }
0xad: {  	[dreg:$0x1] =	wrdreg $0xFFFFFFFF  }
0xae: {  	[dreg:$0x0] =	wrdreg $0x60  }
0xaf: {  	[dreg:$0x2] =	wrdreg s2  }
0xb0: {  	[dreg:$0x3] =	wrdreg s18  }
0xb1: {  	[dreg:$0x4] =	wrdreg s24  }
0xb2: {  	[dreg:$0x5] =	wrdreg $0x9  }
0xb3: {  	_ =	task.clear_ibuf [dreg:s8], $0x6FFFF;
	_ =	strace $0x90000046  }
0xb4: {  	s29 =	simm.s32 $0x9;
	_ =	strace $0x80000048  }
0xb5: {  	_ =	swait.ge [sflag:s29], $0x1  }
0xb6: {  	[sflag:s29] =	ssyncadd.s32 $0xFFFFFFFF  }
0xb7: {  	_ =	strace $0x90000048  }
0xb8: {  	_ =	sfence  }
0xb9: {  	s30 =	sld [smem:$0x0];
	_ =	sdelay $0x2  }
0xba: {  	s31 =	sshll.u32 s1, $0xD;
	s1 =	sshrl.u32 s1, $0x2  }
0xbb: {  	s3 =	sand.u32 $0x4000, s31;
	s1 =	sadd.s32 s1, s30  }
0xbc: {  	s0 =	sor.u32 s3, s0;
	s1 =	sshll.u32 s1, $0x11  }
0xbd: {  	s0 =	sor.u32 s1, s0  }
0xbe: {  	s0 =	sadd.s32 $0x8F2B, s0  }
0xbf: {  	[sflag:s0] =	ssyncadd.remote.s32 $0x1  }
0xc0: {  	_ =	sfence.sel $0xFFFF  }
0xc1: {  	[dreg:$0x0] =	wrdreg $0xFFFFFFFF;
	(pc) =	sbr.abs _section_cstart, $3  }
0xc2: {  	[dreg:$0x1] =	wrdreg $0xFFFFFFFF  }
0xc3: {  	_ =	task.clear_ibuf [dreg:s8], $0x2FFFF;
	_ =	strace $0x9FFFFFFF  }
0xc4: {  	(tm) =	ssettm $0x7FFFFFFF  }
0xc5: {  	_ =	shalt  }
tec
execute0_lowered:
.L_overlay_start_1:
0x0: {  	(tag) =	ssettag $0x1  }
0x1: {  	s0 =	rddreg [dreg:$0x0]  }
0x2: {  	s2 =	rddreg [dreg:$0x1];
	s1 =	simm.s32 $0x0  }
0x3: {  	[smem:$0x7FF] =	sst s1  }
0x4: {  	s3 =	rddreg [dreg:$0x2];
	v0 =	vimm.f32 $-3.399999950e+38;
	_ =	strace $0x80000047  }
0x5: {  	(xrf0) =	vmax.scan.msk.f32 $0xffff, v0;
	_ =	sdelay $0x5  }
0x6: {  	v0, _, _ =	vpop (xrf0)  }
0x7: {  	(v2sf) =	vpush v0, $0xF;
	_ =	sdelay $0x5  }
0x8: {  	s4 =	srdreg.scid;
	s8 =	stileid.u32;
	s12 =	simm.s32 $0x80  }
0x9: {  	s13 =	simm.s32 $0x400;
	s14 =	simm.s32 $0x10000;
	s15 =	simm.s32 $0x1  }
0xa: {  	s16 =	simm.s32 $0x80000000;
	s20 =	simm.s32 $0x0;
	s4 =	sand.u32 $0x1, s4  }
0xb: {  	s5 =	sshll.u32 s8, $0x5;
	s8 =	sshll.u32 s8, $0xF;
	s6 =	sshll.u32 s4, $0x4  }
0xc: {  	s7 =	sshll.u32 s4, $0x6;
	s4 =	ssub.s32 $0x2, s4;
	s9 =	sor.u32 s6, s5  }
.Ltmp0:
0xd: {  	s28 =	sor.u32 s7, s8;
	s29 =	sshrl.u32 s4, $0x1;
	(pc) =	sbr.rel .LBB2_1-.Ltmp0, $4  }
0xe: {  	v1 =	vlaneseq.u32;
	v2 =	vimm.s32 $0x0;
	v4 =	vimm.s32 $0x1;
	s10 =	sadd.s32 s9, s3;
	s3 =	sadd.s32 s0, s28;
	s30 =	ssub.s32 s4, s29  }
0xf: {  	vm0 =	vmxor vm0, vm0;
	v6 =	vimm.s32 $0x7FFFFFFF;
	v5 =	vmul.u32 $0xFFFFFFFF, v1;
	s7 =	sadd.s32 s2, s9;
	s31 =	sadd.s32 $0x10, s3;
	s5 =	sadd.s32 $0x20, s3  }
0x10: {  	vm1 =	vcmask $0x300;
	vm2 =	vcmask $0x704;
	vm3 =	vcmask $0xB08;
	s6 =	sadd.s32 $0x30, s3;
	s8 =	sadd.s32 $0xA00, s10;
	s9 =	sadd.s32 $0xC00, s10  }
0x11: {  	vm4 =	vcmask $0xF0C;
	v3 =	vmul.u32 $0x801, v1;
	v5 =	vadd.s32 $0xF, v5;
	s10 =	smax.u32 s30, $0x1;
	[dreg:$0x4] =	wrdreg s31;
	s11 =	spop (v2sf)  }
.LBB2_113:
0x12: {  	v12 =	vimm.s32 $0x0;
	v13 =	vimm.f32 $0.0e+00;
	s28 =	smov.u32 s11;
	v11 =	vmov v0  }
.LBB2_127:
0x13: {  	p0 =	slt.s32 s22, $0x0;
	s0 =	sxor.u32 $0xFFFFFFFF, s22  }
0x14: {  	s0 =	smov.u32 @p0 s23  }
0x15: {  	s0 =	ssub.f32 s0, s28;
	_ =	sdelay $0x1  }
0x16: {  	(xrf2) =	vadd.scan.msk.f32 $0xffff, v13;
	v60 =	vmov s0  }
0x17: {  	v13 =	vmul.f32 $1.442695020e+00, v60;
	_ =	sdelay $0x1  }
0x18: {  	v13 =	vbroadcast v13, $0x0;
	_ =	sdelay $0x1  }
0x19: {  	(erf) = vpow2.f32 v13;
	_ =	sdelay $0x4  }
0x1a: {  	v61, _, _ =	vpop (xrf2)  }
0x1b: {  	(v2sf) =	vpush v61, $0xF  }
0x1c: {  	(v2sf) =	vpush v12, $0x0;
	_ =	sdelay $0x1  }
0x1d: {  	v62 =	vpop (erf)  }
0x1e: {  	(v2sf) =	vpush v62, $0x0;
	_ =	sdelay $0xa  }
0x1f: {  	s28 =	spop (v2sf)  }
0x20: {  	s4 =	sadd.s32 $0xFFFFFFC0, s26;
	s2 =	spop (v2sf)  }
0x21: {  	s4 =	scvt.s32.f32 s4;
	s2 =	sadd.s32 $0xFFFFFFC0, s2  }
0x22: {  	s2 =	scvt.s32.f32 s2  }
0x23: {  	s4 =	smul.f32 s4, s25;
	s17 =	spop (v2sf)  }
0x24: {  	vm5 =	veq.s32 v1, $0x2;
	v7 =	vbroadcast v7, $0xF;
	s2 =	smul.f32 s2, s17  }
0x25: {  	vm6 =	veq.s32 v1, $0x3;
	v11 =	vbroadcast v11, $0xF;
	v10 =	vsel vm5, s21, v10;
	s4 =	ssub.f32 s24, s4  }
0x26: {  	v7 =	vsel vm3, v7, v9;
	v63 =	vsel vm6, s23, v10;
	s0 =	ssub.f32 s28, s2  }
0x27: {  	v7 =	vsel vm4, v11, v7;
	[tilespmem:$0x1A900] =	vst v63;
	v8 =	vsel vm5, s4, v8  }
0x28: {  	[tilespmem:$0x1A980] =	vst v7;
	v8 =	vsel vm6, s0, v8  }
0x29: {  	s29 =	simm.s32 $0x1A900;
	[tilespmem:$0x1AA00] =	vst v8  }
0x2a: {  	[hbm4b:s7+s1] =	stream.linear.scatter [tilespmem:s29], [sflag:$0x1], $0x80, $0x38;
	[tilespmem:$0x1AA80] =	vst v63  }
0x2b: {  	_ =	swait.ge [sflag:s15], $0x80  }
0x2c: {  	[sflag:s15] =	ssyncset.done $0x0  }
0x2d: {  	s30 =	simm.s32 $0x1A980;
	[sflag:s15] =	ssyncadd.s32 $0xFFFFFF80  }
0x2e: {  	[hbm4b:s8+s1] =	stream.linear.scatter [tilespmem:s30], [sflag:$0x1], $0x80, $0x38;
	[tilespmem:$0x1AA80] =	vst v63  }
0x2f: {  	s20 =	sadd.s32 $0x1, s20;
	_ =	swait.ge [sflag:s15], $0x80  }
0x30: {  	p0 =	sne.s32 s20, s10;
	[sflag:s15] =	ssyncset.done $0x0  }
.Ltmp1:
0x31: {  	s31 =	simm.s32 $0x1AA00;
	[sflag:s15] =	ssyncadd.s32 $0xFFFFFF80;
	(pc) =	sbr.rel @!p0 .LBB2_128-.Ltmp1, $4  }
0x32: {  	[hbm4b:s9+s1] =	stream.linear.scatter [tilespmem:s31], [sflag:$0x1], $0x80, $0x38;
	[tilespmem:$0x1AA80] =	vst v63  }
0x33: {  	_ =	swait.ge [sflag:s15], $0x80  }
0x34: {  	[sflag:s15] =	ssyncset.done $0x0  }
0x35: {  	[sflag:s15] =	ssyncadd.s32 $0xFFFFFF80  }
.LBB2_1:
0x36: {  	[tilespmem:s1], [sflag:$0x1] =	stream.strided.gather [hbm4b:s3+s12], $0x8000, s13, s12, $0x38;
	[tilespmem:$0x1AA80] =	vst v63  }
0x37: {  	_ =	swait.ge [sflag:s15], $0x8000  }
0x38: {  	[sflag:s15] =	ssyncset.done $0x0  }
0x39: {  	s0 =	simm.s32 $0x10040;
	[sflag:s15] =	ssyncadd.s32 $0xFFFF8000  }
0x3a: {  	[tilespmem:s0+$0xFFFFFFC0] =	vst v2  }
0x3b: {  	[tilespmem:s0+$0x30] =	vst v2  }
0x3c: {  	[tilespmem:s0+$0x20] =	vst v2  }
0x3d: {  	[tilespmem:s0+$0x10] =	vst v2  }
0x3e: {  	[tilespmem:s0+$0x0] =	vst v2  }
0x3f: {  	[tilespmem:s0+$0xFFFFFFF0] =	vst v2  }
0x40: {  	s2 =	simm.s32 $0x0;
	[tilespmem:s0+$0xFFFFFFE0] =	vst v2  }
.LBB2_2:
0x41: {  	s2 =	sadd.s32 $0x8, s2;
	[tilespmem:s0+$0xFFFFFFD0] =	vst v2;
	s0 =	sadd.s32 $0x80, s0  }
0x42: {  	[tilespmem:s0+$0xFFFFFFC0] =	vst v2;
	p0 =	slt.u32 s2, $0x7F8  }
0x43: {  	[tilespmem:s0+$0x30] =	vst v2  }
.Ltmp2:
0x44: {  	[tilespmem:s0+$0x20] =	vst v2;
	(pc) =	sbr.rel @p0 .LBB2_2-.Ltmp2, $4  }
0x45: {  	[tilespmem:s0+$0x10] =	vst v2  }
0x46: {  	[tilespmem:s0+$0x0] =	vst v2  }
0x47: {  	[tilespmem:s0+$0xFFFFFFF0] =	vst v2  }
0x48: {  	[tilespmem:s0+$0xFFFFFFE0] =	vst v2  }
0x49: {  	[tilespmem:s0+$0xFFFFFFD0] =	vst v2  }
0x4a: {  	[tilespmem:$0x18000] =	vst v2  }
0x4b: {  	s0 =	simm.s32 $0xFFFFFFF8;
	s22 =	simm.s32 $0x40;
	s23 =	simm.s32 $0x8040;
	[tilespmem:$0x18010] =	vst v2  }
.LBB2_4:
0x4c: {  	v7 =	vld [tilespmem:s22+$0xFFFFFFC0];
	_ =	sdelay $0x4  }
0x4d: {  	v8 =	vshra.s32 v7, $0x1F  }
0x4e: {  	v8 =	vor.u32 $0x80000000, v8  }
0x4f: {  	v7 =	vxor.u32 v7, v8  }
0x50: {  	v8 =	vshrl.u32 v7, $0x15  }
0x51: {  	v8 =	vadd.s32 v3, v8;
	_ =	sdelay $0x3  }
0x52: {  	[tilespmem:s23+$0xFFFFFFC0] =	vst v7  }
0x53: {  	[tilespmem:v8+s14+$0x0] =	vst.idx.add.s32.msk $0xffff, v4  }
0x54: {  	v7 =	vld [tilespmem:s22+$0xFFFFFFD0];
	_ =	sdelay $0x4  }
0x55: {  	v8 =	vshra.s32 v7, $0x1F  }
0x56: {  	v8 =	vor.u32 $0x80000000, v8  }
0x57: {  	v7 =	vxor.u32 v7, v8  }
0x58: {  	v8 =	vshrl.u32 v7, $0x15  }
0x59: {  	v8 =	vadd.s32 v3, v8;
	_ =	sdelay $0x3  }
0x5a: {  	[tilespmem:s23+$0xFFFFFFD0] =	vst v7  }
0x5b: {  	[tilespmem:v8+s14+$0x0] =	vst.idx.add.s32.msk $0xffff, v4  }
0x5c: {  	v7 =	vld [tilespmem:s22+$0xFFFFFFE0];
	_ =	sdelay $0x4  }
0x5d: {  	v8 =	vshra.s32 v7, $0x1F  }
0x5e: {  	v8 =	vor.u32 $0x80000000, v8  }
0x5f: {  	v7 =	vxor.u32 v7, v8  }
0x60: {  	v8 =	vshrl.u32 v7, $0x15  }
0x61: {  	v8 =	vadd.s32 v3, v8;
	_ =	sdelay $0x3  }
0x62: {  	[tilespmem:s23+$0xFFFFFFE0] =	vst v7  }
0x63: {  	[tilespmem:v8+s14+$0x0] =	vst.idx.add.s32.msk $0xffff, v4  }
0x64: {  	v7 =	vld [tilespmem:s22+$0xFFFFFFF0];
	_ =	sdelay $0x4  }
0x65: {  	v8 =	vshra.s32 v7, $0x1F  }
0x66: {  	v8 =	vor.u32 $0x80000000, v8  }
0x67: {  	v7 =	vxor.u32 v7, v8  }
0x68: {  	v8 =	vshrl.u32 v7, $0x15  }
0x69: {  	v8 =	vadd.s32 v3, v8;
	_ =	sdelay $0x3  }
0x6a: {  	[tilespmem:s23+$0xFFFFFFF0] =	vst v7  }
0x6b: {  	[tilespmem:v8+s14+$0x0] =	vst.idx.add.s32.msk $0xffff, v4  }
0x6c: {  	v7 =	vld [tilespmem:s22+$0x0];
	_ =	sdelay $0x4  }
0x6d: {  	v8 =	vshra.s32 v7, $0x1F  }
0x6e: {  	v8 =	vor.u32 $0x80000000, v8  }
0x6f: {  	v7 =	vxor.u32 v7, v8  }
0x70: {  	v8 =	vshrl.u32 v7, $0x15  }
0x71: {  	v8 =	vadd.s32 v3, v8;
	_ =	sdelay $0x3  }
0x72: {  	[tilespmem:s23+$0x0] =	vst v7  }
0x73: {  	[tilespmem:v8+s14+$0x0] =	vst.idx.add.s32.msk $0xffff, v4  }
0x74: {  	v7 =	vld [tilespmem:s22+$0x10];
	_ =	sdelay $0x4  }
0x75: {  	v8 =	vshra.s32 v7, $0x1F  }
0x76: {  	v8 =	vor.u32 $0x80000000, v8  }
0x77: {  	v7 =	vxor.u32 v7, v8  }
0x78: {  	v8 =	vshrl.u32 v7, $0x15  }
0x79: {  	v8 =	vadd.s32 v3, v8;
	_ =	sdelay $0x3  }
0x7a: {  	[tilespmem:s23+$0x10] =	vst v7  }
0x7b: {  	[tilespmem:v8+s14+$0x0] =	vst.idx.add.s32.msk $0xffff, v4  }
0x7c: {  	v7 =	vld [tilespmem:s22+$0x20];
	_ =	sdelay $0x4  }
0x7d: {  	v8 =	vshra.s32 v7, $0x1F  }
0x7e: {  	v8 =	vor.u32 $0x80000000, v8  }
0x7f: {  	v7 =	vxor.u32 v7, v8  }
0x80: {  	v8 =	vshrl.u32 v7, $0x15  }
0x81: {  	v8 =	vadd.s32 v3, v8;
	_ =	sdelay $0x3  }
0x82: {  	[tilespmem:s23+$0x20] =	vst v7  }
0x83: {  	[tilespmem:v8+s14+$0x0] =	vst.idx.add.s32.msk $0xffff, v4  }
0x84: {  	v7 =	vld [tilespmem:s22+$0x30];
	_ =	sdelay $0x4  }
0x85: {  	v8 =	vshra.s32 v7, $0x1F  }
0x86: {  	v8 =	vor.u32 $0x80000000, v8  }
0x87: {  	v7 =	vxor.u32 v7, v8  }
0x88: {  	s0 =	sadd.s32 $0x8, s0;
	v8 =	vshrl.u32 v7, $0x15  }
0x89: {  	p0 =	slt.u32 s0, $0x7F8;
	v8 =	vadd.s32 v3, v8  }
.Ltmp3:
0x8a: {  	_ = 	snop;
	(pc) =	sbr.rel @p0 .LBB2_4-.Ltmp3, $3  }
0x8b: {  	_ =	sdelay $0x1  }
0x8c: {  	[tilespmem:s23+$0x30] =	vst v7  }
0x8d: {  	s21 =	simm.s32 $0x0;
	s22 =	sadd.s32 $0x80, s22;
	s23 =	sadd.s32 $0x80, s23;
	[tilespmem:v8+s14+$0x0] =	vst.idx.add.s32.msk $0xffff, v4  }
0x8e: {  	s23 =	simm.s32 $0x0  }
0x8f: {  	v7 =	vld [tilespmem:s23+$0x10010]  }
0x90: {  	v8 =	vld [tilespmem:s23+$0x10811]  }
0x91: {  	v9 =	vld [tilespmem:s23+$0x11012]  }
0x92: {  	v10 =	vld [tilespmem:s23+$0x11813]  }
0x93: {  	v11 =	vld [tilespmem:s23+$0x12014]  }
0x94: {  	v12 =	vld [tilespmem:s23+$0x12815]  }
0x95: {  	v13 =	vld [tilespmem:s23+$0x13016]  }
0x96: {  	v7 =	vadd.s32 v7, v8;
	v8 =	vld [tilespmem:s23+$0x13817]  }
0x97: {  	v7 =	vadd.s32 v9, v7;
	v9 =	vld [tilespmem:s23+$0x14018]  }
0x98: {  	v7 =	vadd.s32 v10, v7;
	v10 =	vld [tilespmem:s23+$0x14819]  }
0x99: {  	v7 =	vadd.s32 v11, v7;
	v11 =	vld [tilespmem:s23+$0x1501A]  }
0x9a: {  	v7 =	vadd.s32 v12, v7;
	v12 =	vld [tilespmem:s23+$0x1581B]  }
0x9b: {  	v7 =	vadd.s32 v13, v7;
	v13 =	vld [tilespmem:s23+$0x1601C]  }
0x9c: {  	v7 =	vadd.s32 v8, v7;
	v8 =	vld [tilespmem:s23+$0x1681D]  }
0x9d: {  	v7 =	vadd.s32 v9, v7;
	v9 =	vld [tilespmem:s23+$0x1701E]  }
0x9e: {  	v7 =	vadd.s32 v10, v7;
	v10 =	vld [tilespmem:s23+$0x1781F]  }
0x9f: {  	v7 =	vadd.s32 v11, v7;
	v11 =	vld [tilespmem:s23+$0x10000]  }
0xa0: {  	v7 =	vadd.s32 v12, v7;
	v12 =	vld [tilespmem:s23+$0x10801]  }
0xa1: {  	v7 =	vadd.s32 v13, v7;
	v13 =	vld [tilespmem:s23+$0x11002]  }
0xa2: {  	v7 =	vadd.s32 v8, v7;
	v8 =	vld [tilespmem:s23+$0x11803]  }
0xa3: {  	v7 =	vadd.s32 v9, v7;
	v9 =	vld [tilespmem:s23+$0x12004]  }
0xa4: {  	v7 =	vadd.s32 v10, v7;
	v10 =	vld [tilespmem:s23+$0x12805]  }
0xa5: {  	[tilespmem:s23+$0x18090] =	vst v7;
	v7 =	vadd.s32 v11, v12;
	v11 =	vld [tilespmem:s23+$0x13006]  }
0xa6: {  	v12 =	vld [tilespmem:s23+$0x13807];
	v7 =	vadd.s32 v13, v7  }
0xa7: {  	v13 =	vld [tilespmem:s23+$0x14008];
	v7 =	vadd.s32 v8, v7  }
0xa8: {  	v14 =	vld [tilespmem:s23+$0x14809];
	v7 =	vadd.s32 v9, v7  }
0xa9: {  	v9 =	vld [tilespmem:s23+$0x1500A];
	v7 =	vadd.s32 v10, v7  }
0xaa: {  	v8 =	vadd.s32 v11, v7;
	v7 =	vld [tilespmem:s23+$0x1580B]  }
0xab: {  	v10 =	vadd.s32 v12, v8;
	v8 =	vld [tilespmem:s23+$0x1600C]  }
0xac: {  	s25 =	simm.s32 $0x0;
	v11 =	vadd.s32 v13, v10;
	v10 =	vld [tilespmem:s23+$0x1680D]  }
0xad: {  	s22 =	simm.s32 $0x7F;
	s24 =	simm.s32 $0x18870;
	s26 =	simm.s32 $0x80;
	v12 =	vadd.s32 v14, v11;
	v11 =	vld [tilespmem:s23+$0x1700E]  }
.LBB2_6:
0xae: {  	s0 =	sshra.s32 s26, $0x2;
	v9 =	vadd.s32 v9, v12;
	v12 =	vld [tilespmem:s23+$0x1780F]  }
0xaf: {  	s25 =	sadd.s32 $0x2, s25;
	v13 =	vld [tilespmem:s0+$0x10010];
	v7 =	vadd.s32 v7, v9  }
0xb0: {  	p0 =	slt.u32 s25, $0x7E;
	v9 =	vld [tilespmem:s0+$0x10811];
	v7 =	vadd.s32 v8, v7  }
0xb1: {  	v8 =	vld [tilespmem:s0+$0x11012];
	v7 =	vadd.s32 v10, v7  }
0xb2: {  	v10 =	vld [tilespmem:s0+$0x11813];
	v7 =	vadd.s32 v11, v7  }
0xb3: {  	v11 =	vld [tilespmem:s0+$0x12014];
	v7 =	vadd.s32 v12, v7  }
0xb4: {  	v12 =	vld [tilespmem:s0+$0x12815];
	[tilespmem:s23+$0x18080] =	vst v7;
	s23 =	smov.u32 s0  }
0xb5: {  	v7 =	vadd.s32 v13, v9;
	v9 =	vld [tilespmem:s23+$0x13016]  }
0xb6: {  	v7 =	vadd.s32 v8, v7;
	v8 =	vld [tilespmem:s23+$0x13817]  }
0xb7: {  	v7 =	vadd.s32 v10, v7;
	v10 =	vld [tilespmem:s23+$0x14018]  }
0xb8: {  	v7 =	vadd.s32 v11, v7;
	v11 =	vld [tilespmem:s23+$0x14819]  }
0xb9: {  	v7 =	vadd.s32 v12, v7;
	v12 =	vld [tilespmem:s23+$0x1501A]  }
0xba: {  	v7 =	vadd.s32 v9, v7;
	v9 =	vld [tilespmem:s23+$0x1581B]  }
0xbb: {  	v7 =	vadd.s32 v8, v7;
	v8 =	vld [tilespmem:s23+$0x1601C]  }
0xbc: {  	v7 =	vadd.s32 v10, v7;
	v10 =	vld [tilespmem:s23+$0x1681D]  }
0xbd: {  	v7 =	vadd.s32 v11, v7;
	v11 =	vld [tilespmem:s23+$0x1701E]  }
0xbe: {  	v7 =	vadd.s32 v12, v7;
	v12 =	vld [tilespmem:s23+$0x1781F]  }
0xbf: {  	v13 =	vld [tilespmem:s23+$0x10000];
	v7 =	vadd.s32 v9, v7  }
0xc0: {  	v9 =	vld [tilespmem:s23+$0x10801];
	v7 =	vadd.s32 v8, v7  }
0xc1: {  	v8 =	vld [tilespmem:s23+$0x11002];
	v7 =	vadd.s32 v10, v7  }
0xc2: {  	v10 =	vld [tilespmem:s23+$0x11803];
	v7 =	vadd.s32 v11, v7  }
0xc3: {  	v11 =	vld [tilespmem:s23+$0x12004];
	v7 =	vadd.s32 v12, v7  }
0xc4: {  	v12 =	vld [tilespmem:s23+$0x12805];
	[tilespmem:s23+$0x18090] =	vst v7  }
0xc5: {  	v7 =	vadd.s32 v13, v9;
	v13 =	vld [tilespmem:s23+$0x13006]  }
0xc6: {  	v7 =	vadd.s32 v8, v7;
	v8 =	vld [tilespmem:s23+$0x13807]  }
0xc7: {  	v7 =	vadd.s32 v10, v7;
	v10 =	vld [tilespmem:s23+$0x14008]  }
0xc8: {  	v7 =	vadd.s32 v11, v7;
	v11 =	vld [tilespmem:s23+$0x14809]  }
.Ltmp4:
0xc9: {  	v7 =	vadd.s32 v12, v7;
	v9 =	vld [tilespmem:s23+$0x1500A];
	(pc) =	sbr.rel @p0 .LBB2_6-.Ltmp4, $4  }
0xca: {  	v12 =	vadd.s32 v13, v7;
	v7 =	vld [tilespmem:s23+$0x1580B]  }
0xcb: {  	v12 =	vadd.s32 v8, v12;
	v8 =	vld [tilespmem:s23+$0x1600C]  }
0xcc: {  	v12 =	vadd.s32 v10, v12;
	v10 =	vld [tilespmem:s23+$0x1680D]  }
0xcd: {  	s26 =	sadd.s32 $0x80, s26;
	v12 =	vadd.s32 v11, v12;
	v11 =	vld [tilespmem:s23+$0x1700E]  }
0xce: {  	v9 =	vadd.s32 v9, v12;
	v62 =	vld [tilespmem:s23+$0x1780F]  }
0xcf: {  	v7 =	vadd.s32 v7, v9  }
0xd0: {  	v7 =	vadd.s32 v8, v7  }
0xd1: {  	v7 =	vadd.s32 v10, v7  }
0xd2: {  	v7 =	vadd.s32 v11, v7  }
0xd3: {  	v7 =	vadd.s32 v62, v7  }
0xd4: {  	[tilespmem:s23+$0x18080] =	vst v7  }
0xd5: {  	v7 =	vld [tilespmem:s24+$0x0];
	_ =	sdelay $0x4  }
0xd6: {  	(xrf0) =	vadd.scan.msk.s32 $0xffff, v7;
	_ =	sdelay $0x5  }
0xd7: {  	v7, _, _ =	vpop (xrf0)  }
0xd8: {  	(v2sf) =	vpush v7, $0xF;
	_ =	sdelay $0x1  }
0xd9: {  	s0 =	simm.s32 $0x18860  }
0xda: {  	v7 =	vld [tilespmem:s0+$0x0]  }
0xdb: {  	s26 =	simm.s32 $0x18850  }
0xdc: {  	v8 =	vld [tilespmem:s26+$0x0];
	_ =	sdelay $0x2  }
0xdd: {  	(xrf0) =	vadd.scan.msk.s32 $0xffff, v7;
	_ =	sdelay $0x1  }
0xde: {  	(xrf0) =	vadd.scan.msk.s32 $0xffff, v8;
	_ =	sdelay $0x2  }
0xdf: {  	s30 =	simm.s32 $0x18840  }
0xe0: {  	v63 =	vld [tilespmem:s30+$0x0];
	v8, _, _ =	vpop (xrf0)  }
0xe1: {  	s17 =	spop (v2sf);
	(v2sf) =	vpush v8, $0xF  }
0xe2: {  	v8, _, _ =	vpop (xrf0)  }
0xe3: {  	(v2sf) =	vpush v8, $0xF;
	_ =	sdelay $0x1  }
0xe4: {  	s31 =	simm.s32 $0x18830;
	(xrf0) =	vadd.scan.msk.s32 $0xffff, v63  }
0xe5: {  	v7 =	vld [tilespmem:s31+$0x0];
	_ =	sdelay $0x1  }
0xe6: {  	s28 =	simm.s32 $0x7C;
	s2 =	simm.s32 $0x7A  }
0xe7: {  	p1 =	por $0x1, $0x1;
	s29 =	simm.s32 $0x0;
	s25 =	simm.s32 $0x0  }
0xe8: {  	s26 =	simm.s32 $0x7D;
	s24 =	simm.s32 $0x7B;
	s23 =	sadd.s32 $0x0, s17  }
0xe9: {  	s0 =	simm.s32 $0x7E;
	(xrf0) =	vadd.scan.msk.s32 $0xffff, v7;
	s17 =	simm.s32 $0x18820;
	v7, _, _ =	vpop (xrf0);
	p2 =	sgt.s32 s23, $0x3F  }
.LBB2_8:
0xea: {  	p0 =	sne.s32 s2, $0x0;
	p1 =	por !p1, !p2;
	s18 =	smov.u32 s2  }
0xeb: {  	v8 =	vld [tilespmem:s17+$0x0];
	(v2sf) =	vpush v7, $0xF;
	s2 =	sadd.s32 $0xFFFFFFFF, s2;
	s30 =	smov.u32 s29;
	s29 =	smov.u32 s23  }
.Ltmp5:
0xec: {  	p1 =	por !p1, !p1;
	(pc) =	sbr.rel @p0 .LBB2_8-.Ltmp5, $4  }
0xed: {  	s21 =	smov.u32 @p1 s22;
	s25 =	smov.u32 @p1 s30;
	s22 =	smov.u32 s0  }
0xee: {  	s0 =	smov.u32 s26;
	s26 =	smov.u32 s28;
	s30 =	spop (v2sf)  }
0xef: {  	s28 =	smov.u32 s24;
	s24 =	smov.u32 s18;
	s23 =	sadd.s32 s23, s30  }
0xf0: {  	s17 =	sadd.s32 $0xFFFFFFF0, s17;
	p1 =	slt.s32 s29, $0x40;
	(xrf0) =	vadd.scan.msk.s32 $0xffff, v8;
	v7, _, _ =	vpop (xrf0);
	p2 =	sgt.s32 s23, $0x3F  }
0xf1: {  	_ =	sdelay $0x4  }
0xf2: {  	(v2sf) =	vpush v7, $0xF;
	v7, _, _ =	vpop (xrf0)  }
0xf3: {  	(v2sf) =	vpush v7, $0xF;
	_ =	sdelay $0x7  }
0xf4: {  	s2 =	spop (v2sf)  }
0xf5: {  	s2 =	sadd.s32 s23, s2  }
0xf6: {  	p0 =	por !p1, !p2;
	p3 =	slt.s32 s23, $0x40;
	p4 =	sgt.s32 s2, $0x3F  }
0xf7: {  	p0 =	por !p0, !p0;
	p1 =	por !p3, !p4  }
0xf8: {  	s21 =	smov.u32 @p0 s22;
	p1 =	por !p1, !p1;
	s17 =	spop (v2sf)  }
0xf9: {  	p5 =	slt.s32 s2, $0x40;
	s21 =	smov.u32 @p1 s0;
	s17 =	sadd.s32 s2, s17  }
0xfa: {  	p4 =	sgt.s32 s17, $0x3F;
	p6 =	slt.s32 s17, $0x40;
	s18 =	spop (v2sf)  }
0xfb: {  	p2 =	por !p5, !p4;
	s18 =	sadd.s32 s17, s18;
	s30 =	spop (v2sf)  }
0xfc: {  	p2 =	por !p2, !p2;
	p5 =	sgt.s32 s18, $0x3F;
	s31 =	sadd.s32 s18, s30  }
0xfd: {  	p4 =	por !p6, !p5;
	p6 =	slt.s32 s18, $0x40;
	p3 =	sgt.s32 s31, $0x3F  }
0xfe: {  	s21 =	smov.u32 @p2 s26;
	p4 =	por !p4, !p4;
	p3 =	por !p6, !p3  }
0xff: {  	s21 =	smov.u32 @p4 s28;
	p3 =	por !p3, !p3  }
0x100: {  	s21 =	smov.u32 @p3 s24  }
0x101: {  	s4 =	sshll.u32 s21, $0x4  }
0x102: {  	v7 =	vld [tilespmem:s4+$0x18080];
	_ =	sdelay $0x4  }
0x103: {  	v7 =	vperm.xlane v7, v5;
	_ =	sdelay $0x1  }
0x104: {  	(xrf0) =	vadd.scan.msk.s32 $0xffff, v7;
	_ =	sdelay $0x1  }
0x105: {  	s25 =	smov.u32 @p0 s29  }
0x106: {  	s25 =	smov.u32 @p1 s23  }
0x107: {  	s25 =	smov.u32 @p2 s2  }
0x108: {  	s25 =	smov.u32 @p4 s17  }
0x109: {  	s25 =	smov.u32 @p3 s18;
	v7, _, _ =	vpop (xrf0)  }
0x10a: {  	v7 =	vadd.s32 s25, v7  }
0x10b: {  	vm5 =	vgt.s32 v7, $0x3F  }
0x10c: {  	v7 =	vmctz.xlane vm5;
	_ =	sdelay $0x1  }
0x10d: {  	(v2sf) =	vpush v7, $0x0;
	_ =	sdelay $0xc  }
0x10e: {  	s19 =	simm.s32 $0x8040  }
0x10f: {  	v8 =	vld [tilespmem:s19+$0xFFFFFFC0]  }
0x110: {  	s22 =	spop (v2sf)  }
0x111: {  	s0 =	ssub.s32 s4, s22  }
0x112: {  	s0 =	sshll.u32 s0, $0x15  }
0x113: {  	s0 =	sadd.s32 $0x81E00000, s0  }
0x114: {  	p0 =	por $0x1, $0x1;
	v9 =	vxor.u32 $0x80000000, v8;
	vm5 =	vmmov vm0;
	v7 =	vmov s0  }
0x115: {  	vm5 =	vmneg @p0 vm5;
	vm6 =	vge.s32 v9, v7  }
0x116: {  	vm5 =	vmand vm5, vm6  }
0x117: {  	v9 =	vmpcnt.ones.xlane vm5;
	_ =	sdelay $0x1  }
0x118: {  	(v2sf) =	vpush v9, $0x0;
	_ =	sdelay $0x9  }
0x119: {  	s23 =	simm.s32 $0x0  }
0x11a: {  	[tilespmem:s23+$0x18880] =	vst.msk vm5, v8  }
0x11b: {  	v8 =	vld [tilespmem:s19+$0xFFFFFFD0];
	_ =	sdelay $0x2  }
0x11c: {  	s24 =	spop (v2sf)  }
0x11d: {  	s0 =	sadd.s32 $0x0, s24  }
0x11e: {  	vm5 =	vmmov vm0;
	v9 =	vxor.u32 $0x80000000, v8;
	p0 =	slt.s32 s0, $0x1FF0  }
0x11f: {  	vm6 =	vge.s32 v9, v7;
	vm5 =	vmneg @p0 vm5  }
0x120: {  	vm5 =	vmand vm6, vm5  }
0x121: {  	v9 =	vmpcnt.ones.xlane vm5;
	_ =	sdelay $0x1  }
0x122: {  	(v2sf) =	vpush v9, $0x0;
	_ =	sdelay $0xa  }
0x123: {  	[tilespmem:s0+$0x18880] =	vst.msk vm5, v8  }
0x124: {  	v8 =	vld [tilespmem:s19+$0xFFFFFFE0];
	_ =	sdelay $0x2  }
0x125: {  	s25 =	spop (v2sf)  }
0x126: {  	s0 =	sadd.s32 s0, s25  }
0x127: {  	vm5 =	vmmov vm0;
	v9 =	vxor.u32 $0x80000000, v8;
	p0 =	slt.s32 s0, $0x1FF0  }
0x128: {  	vm6 =	vge.s32 v9, v7;
	vm5 =	vmneg @p0 vm5  }
0x129: {  	vm5 =	vmand vm6, vm5  }
0x12a: {  	v9 =	vmpcnt.ones.xlane vm5;
	_ =	sdelay $0x1  }
0x12b: {  	(v2sf) =	vpush v9, $0x0;
	_ =	sdelay $0xa  }
0x12c: {  	[tilespmem:s0+$0x18880] =	vst.msk vm5, v8  }
0x12d: {  	v8 =	vld [tilespmem:s19+$0xFFFFFFF0];
	_ =	sdelay $0x2  }
0x12e: {  	s26 =	spop (v2sf)  }
0x12f: {  	s0 =	sadd.s32 s0, s26  }
0x130: {  	vm5 =	vmmov vm0;
	v9 =	vxor.u32 $0x80000000, v8;
	p0 =	slt.s32 s0, $0x1FF0  }
0x131: {  	vm6 =	vge.s32 v9, v7;
	vm5 =	vmneg @p0 vm5  }
0x132: {  	vm5 =	vmand vm6, vm5  }
0x133: {  	v9 =	vmpcnt.ones.xlane vm5;
	_ =	sdelay $0x1  }
0x134: {  	(v2sf) =	vpush v9, $0x0;
	_ =	sdelay $0xa  }
0x135: {  	[tilespmem:s0+$0x18880] =	vst.msk vm5, v8  }
0x136: {  	v8 =	vld [tilespmem:s19+$0x0];
	_ =	sdelay $0x2  }
0x137: {  	s28 =	spop (v2sf)  }
0x138: {  	s0 =	sadd.s32 s0, s28  }
0x139: {  	vm5 =	vmmov vm0;
	v9 =	vxor.u32 $0x80000000, v8;
	p0 =	slt.s32 s0, $0x1FF0  }
0x13a: {  	vm6 =	vge.s32 v9, v7;
	vm5 =	vmneg @p0 vm5  }
0x13b: {  	vm5 =	vmand vm6, vm5  }
0x13c: {  	v9 =	vmpcnt.ones.xlane vm5;
	_ =	sdelay $0x1  }
0x13d: {  	(v2sf) =	vpush v9, $0x0;
	_ =	sdelay $0xa  }
0x13e: {  	[tilespmem:s0+$0x18880] =	vst.msk vm5, v8  }
0x13f: {  	v8 =	vld [tilespmem:s19+$0x10];
	_ =	sdelay $0x2  }
0x140: {  	s29 =	spop (v2sf)  }
0x141: {  	s0 =	sadd.s32 s0, s29  }
0x142: {  	vm5 =	vmmov vm0;
	v9 =	vxor.u32 $0x80000000, v8;
	p0 =	slt.s32 s0, $0x1FF0  }
0x143: {  	vm6 =	vge.s32 v9, v7;
	vm5 =	vmneg @p0 vm5  }
0x144: {  	vm5 =	vmand vm6, vm5  }
0x145: {  	v9 =	vmpcnt.ones.xlane vm5;
	_ =	sdelay $0x1  }
0x146: {  	(v2sf) =	vpush v9, $0x0;
	_ =	sdelay $0xa  }
0x147: {  	[tilespmem:s0+$0x18880] =	vst.msk vm5, v8  }
0x148: {  	v8 =	vld [tilespmem:s19+$0x20];
	_ =	sdelay $0x2  }
0x149: {  	s30 =	spop (v2sf)  }
0x14a: {  	s0 =	sadd.s32 s0, s30  }
0x14b: {  	vm5 =	vmmov vm0;
	v9 =	vxor.u32 $0x80000000, v8;
	p0 =	slt.s32 s0, $0x1FF0  }
0x14c: {  	vm6 =	vge.s32 v9, v7;
	vm5 =	vmneg @p0 vm5  }
0x14d: {  	vm5 =	vmand vm6, vm5  }
0x14e: {  	v9 =	vmpcnt.ones.xlane vm5;
	_ =	sdelay $0x1  }
0x14f: {  	(v2sf) =	vpush v9, $0x0;
	_ =	sdelay $0xa  }
0x150: {  	[tilespmem:s0+$0x18880] =	vst.msk vm5, v8  }
0x151: {  	v8 =	vld [tilespmem:s19+$0x30];
	_ =	sdelay $0x2  }
0x152: {  	s31 =	spop (v2sf)  }
0x153: {  	s0 =	sadd.s32 s0, s31  }
0x154: {  	vm5 =	vmmov vm0;
	v9 =	vxor.u32 $0x80000000, v8;
	p0 =	slt.s32 s0, $0x1FF0  }
0x155: {  	vm6 =	vge.s32 v9, v7;
	vm5 =	vmneg @p0 vm5  }
0x156: {  	vm5 =	vmand vm6, vm5  }
0x157: {  	v9 =	vmpcnt.ones.xlane vm5;
	_ =	sdelay $0x1  }
0x158: {  	(v2sf) =	vpush v9, $0x0;
	_ =	sdelay $0xa  }
0x159: {  	s21 =	simm.s32 $0x80C0;
	[tilespmem:s0+$0x18880] =	vst.msk vm5, v8  }
0x15a: {  	v8 =	vld [tilespmem:s21+$0xFFFFFFC0];
	_ =	sdelay $0x2  }
0x15b: {  	s22 =	simm.s32 $0x8;
	s2 =	spop (v2sf)  }
.LBB2_10:
0x15c: {  	s22 =	sadd.s32 $0x8, s22;
	s0 =	sadd.s32 s0, s2  }
0x15d: {  	vm6 =	vmmov vm0;
	p0 =	slt.u32 s22, $0x7F8;
	v9 =	vxor.u32 $0x80000000, v8;
	p1 =	slt.s32 s0, $0x1FF0  }
0x15e: {  	vm5 =	vge.s32 v9, v7;
	vm6 =	vmneg @p1 vm6  }
0x15f: {  	vm5 =	vmand vm6, vm5  }
0x160: {  	[tilespmem:s0+$0x18880] =	vst.msk vm5, v8;
	v8 =	vmpcnt.ones.xlane vm5  }
0x161: {  	v9 =	vld [tilespmem:s21+$0xFFFFFFD0]  }
0x162: {  	(v2sf) =	vpush v8, $0x0;
	_ =	sdelay $0x3  }
0x163: {  	v8 =	vxor.u32 $0x80000000, v9;
	_ =	sdelay $0xa  }
0x164: {  	s2 =	spop (v2sf)  }
0x165: {  	s0 =	sadd.s32 s0, s2  }
0x166: {  	vm6 =	vmmov vm0;
	p1 =	slt.s32 s0, $0x1FF0  }
0x167: {  	vm5 =	vge.s32 v8, v7;
	vm6 =	vmneg @p1 vm6  }
0x168: {  	vm5 =	vmand vm5, vm6  }
0x169: {  	[tilespmem:s0+$0x18880] =	vst.msk vm5, v9;
	v8 =	vmpcnt.ones.xlane vm5  }
0x16a: {  	v9 =	vld [tilespmem:s21+$0xFFFFFFE0]  }
0x16b: {  	(v2sf) =	vpush v8, $0x0;
	_ =	sdelay $0x3  }
0x16c: {  	v8 =	vxor.u32 $0x80000000, v9;
	_ =	sdelay $0xa  }
0x16d: {  	s2 =	spop (v2sf)  }
0x16e: {  	s0 =	sadd.s32 s0, s2  }
0x16f: {  	vm6 =	vmmov vm0;
	p1 =	slt.s32 s0, $0x1FF0  }
0x170: {  	vm5 =	vge.s32 v8, v7;
	vm6 =	vmneg @p1 vm6  }
0x171: {  	vm5 =	vmand vm5, vm6  }
0x172: {  	[tilespmem:s0+$0x18880] =	vst.msk vm5, v9;
	v8 =	vmpcnt.ones.xlane vm5  }
0x173: {  	v9 =	vld [tilespmem:s21+$0xFFFFFFF0]  }
0x174: {  	(v2sf) =	vpush v8, $0x0;
	_ =	sdelay $0x3  }
0x175: {  	v8 =	vxor.u32 $0x80000000, v9;
	_ =	sdelay $0xa  }
0x176: {  	s2 =	spop (v2sf)  }
0x177: {  	s0 =	sadd.s32 s0, s2  }
0x178: {  	vm6 =	vmmov vm0;
	p1 =	slt.s32 s0, $0x1FF0  }
0x179: {  	vm5 =	vge.s32 v8, v7;
	vm6 =	vmneg @p1 vm6  }
0x17a: {  	vm5 =	vmand vm5, vm6  }
0x17b: {  	[tilespmem:s0+$0x18880] =	vst.msk vm5, v9;
	v8 =	vmpcnt.ones.xlane vm5  }
0x17c: {  	v9 =	vld [tilespmem:s21+$0x0]  }
0x17d: {  	(v2sf) =	vpush v8, $0x0;
	_ =	sdelay $0x3  }
0x17e: {  	v8 =	vxor.u32 $0x80000000, v9;
	_ =	sdelay $0xa  }
0x17f: {  	s2 =	spop (v2sf)  }
0x180: {  	s0 =	sadd.s32 s0, s2  }
0x181: {  	vm6 =	vmmov vm0;
	p1 =	slt.s32 s0, $0x1FF0  }
0x182: {  	vm5 =	vge.s32 v8, v7;
	vm6 =	vmneg @p1 vm6  }
0x183: {  	vm5 =	vmand vm5, vm6  }
0x184: {  	[tilespmem:s0+$0x18880] =	vst.msk vm5, v9;
	v8 =	vmpcnt.ones.xlane vm5  }
0x185: {  	v9 =	vld [tilespmem:s21+$0x10]  }
0x186: {  	(v2sf) =	vpush v8, $0x0;
	_ =	sdelay $0x3  }
0x187: {  	v8 =	vxor.u32 $0x80000000, v9;
	_ =	sdelay $0xa  }
0x188: {  	s2 =	spop (v2sf)  }
0x189: {  	s0 =	sadd.s32 s0, s2  }
0x18a: {  	vm6 =	vmmov vm0;
	p1 =	slt.s32 s0, $0x1FF0  }
0x18b: {  	vm5 =	vge.s32 v8, v7;
	vm6 =	vmneg @p1 vm6  }
0x18c: {  	vm5 =	vmand vm5, vm6  }
0x18d: {  	[tilespmem:s0+$0x18880] =	vst.msk vm5, v9;
	v8 =	vmpcnt.ones.xlane vm5  }
0x18e: {  	v9 =	vld [tilespmem:s21+$0x20]  }
0x18f: {  	(v2sf) =	vpush v8, $0x0;
	_ =	sdelay $0x3  }
0x190: {  	v8 =	vxor.u32 $0x80000000, v9;
	_ =	sdelay $0xa  }
0x191: {  	s2 =	spop (v2sf)  }
0x192: {  	s0 =	sadd.s32 s0, s2  }
0x193: {  	vm6 =	vmmov vm0;
	p1 =	slt.s32 s0, $0x1FF0  }
0x194: {  	vm5 =	vge.s32 v8, v7;
	vm6 =	vmneg @p1 vm6  }
0x195: {  	vm5 =	vmand vm5, vm6  }
0x196: {  	[tilespmem:s0+$0x18880] =	vst.msk vm5, v9;
	v8 =	vmpcnt.ones.xlane vm5  }
0x197: {  	v9 =	vld [tilespmem:s21+$0x30]  }
0x198: {  	(v2sf) =	vpush v8, $0x0;
	_ =	sdelay $0x3  }
0x199: {  	v8 =	vxor.u32 $0x80000000, v9;
	_ =	sdelay $0xa  }
0x19a: {  	s2 =	spop (v2sf)  }
0x19b: {  	s0 =	sadd.s32 s0, s2  }
0x19c: {  	vm6 =	vmmov vm0;
	p1 =	slt.s32 s0, $0x1FF0  }
0x19d: {  	vm5 =	vge.s32 v8, v7;
	vm6 =	vmneg @p1 vm6  }
0x19e: {  	vm5 =	vmand vm5, vm6  }
0x19f: {  	[tilespmem:s0+$0x18880] =	vst.msk vm5, v9;
	v8 =	vmpcnt.ones.xlane vm5;
	_ =	sdelay $0x1  }
0x1a0: {  	(v2sf) =	vpush v8, $0x0;
	_ =	sdelay $0xa  }
.Ltmp6:
0x1a1: {  	s21 =	sadd.s32 $0x80, s21;
	(pc) =	sbr.rel @p0 .LBB2_10-.Ltmp6, $2  }
0x1a2: {  	v8 =	vld [tilespmem:s21+$0xFFFFFFC0];
	_ =	sdelay $0x2  }
0x1a3: {  	s2 =	spop (v2sf)  }
0x1a4: {  	s0 =	sadd.s32 s0, s2  }
0x1a5: {  	vm5 =	vmmov vm0;
	v9 =	vxor.u32 $0x80000000, v8;
	p0 =	slt.s32 s0, $0x1FF0  }
0x1a6: {  	vm6 =	vge.s32 v9, v7;
	vm5 =	vmneg @p0 vm5  }
0x1a7: {  	vm5 =	vmand vm5, vm6  }
0x1a8: {  	v50 =	vmpcnt.ones.xlane vm5;
	_ =	sdelay $0x1  }
0x1a9: {  	(v2sf) =	vpush v50, $0x0;
	_ =	sdelay $0xa  }
0x1aa: {  	[tilespmem:s0+$0x18880] =	vst.msk vm5, v8  }
0x1ab: {  	v8 =	vld [tilespmem:s21+$0xFFFFFFD0];
	_ =	sdelay $0x2  }
0x1ac: {  	s22 =	spop (v2sf)  }
0x1ad: {  	s0 =	sadd.s32 s0, s22  }
0x1ae: {  	vm5 =	vmmov vm0;
	v51 =	vxor.u32 $0x80000000, v8;
	p0 =	slt.s32 s0, $0x1FF0  }
0x1af: {  	vm6 =	vge.s32 v51, v7;
	vm5 =	vmneg @p0 vm5  }
0x1b0: {  	vm5 =	vmand vm6, vm5  }
0x1b1: {  	v52 =	vmpcnt.ones.xlane vm5;
	_ =	sdelay $0x1  }
0x1b2: {  	(v2sf) =	vpush v52, $0x0;
	_ =	sdelay $0xa  }
0x1b3: {  	[tilespmem:s0+$0x18880] =	vst.msk vm5, v8  }
0x1b4: {  	v8 =	vld [tilespmem:s21+$0xFFFFFFE0];
	_ =	sdelay $0x2  }
0x1b5: {  	s23 =	spop (v2sf)  }
0x1b6: {  	s0 =	sadd.s32 s0, s23  }
0x1b7: {  	vm5 =	vmmov vm0;
	v53 =	vxor.u32 $0x80000000, v8;
	p0 =	slt.s32 s0, $0x1FF0  }
0x1b8: {  	vm6 =	vge.s32 v53, v7;
	vm5 =	vmneg @p0 vm5  }
0x1b9: {  	vm5 =	vmand vm6, vm5  }
0x1ba: {  	v54 =	vmpcnt.ones.xlane vm5;
	_ =	sdelay $0x1  }
0x1bb: {  	(v2sf) =	vpush v54, $0x0;
	_ =	sdelay $0xa  }
0x1bc: {  	[tilespmem:s0+$0x18880] =	vst.msk vm5, v8  }
0x1bd: {  	v8 =	vld [tilespmem:s21+$0xFFFFFFF0];
	_ =	sdelay $0x2  }
0x1be: {  	s24 =	spop (v2sf)  }
0x1bf: {  	s0 =	sadd.s32 s0, s24  }
0x1c0: {  	vm5 =	vmmov vm0;
	v55 =	vxor.u32 $0x80000000, v8;
	p0 =	slt.s32 s0, $0x1FF0  }
0x1c1: {  	vm6 =	vge.s32 v55, v7;
	vm5 =	vmneg @p0 vm5  }
0x1c2: {  	vm5 =	vmand vm6, vm5  }
0x1c3: {  	v56 =	vmpcnt.ones.xlane vm5;
	_ =	sdelay $0x1  }
0x1c4: {  	(v2sf) =	vpush v56, $0x0;
	_ =	sdelay $0xa  }
0x1c5: {  	[tilespmem:s0+$0x18880] =	vst.msk vm5, v8  }
0x1c6: {  	v8 =	vld [tilespmem:s21+$0x0];
	_ =	sdelay $0x2  }
0x1c7: {  	s25 =	spop (v2sf)  }
0x1c8: {  	s0 =	sadd.s32 s0, s25  }
0x1c9: {  	vm5 =	vmmov vm0;
	v57 =	vxor.u32 $0x80000000, v8;
	p0 =	slt.s32 s0, $0x1FF0  }
0x1ca: {  	vm6 =	vge.s32 v57, v7;
	vm5 =	vmneg @p0 vm5  }
0x1cb: {  	vm5 =	vmand vm6, vm5  }
0x1cc: {  	v58 =	vmpcnt.ones.xlane vm5;
	_ =	sdelay $0x1  }
0x1cd: {  	(v2sf) =	vpush v58, $0x0;
	_ =	sdelay $0xa  }
0x1ce: {  	[tilespmem:s0+$0x18880] =	vst.msk vm5, v8  }
0x1cf: {  	v8 =	vld [tilespmem:s21+$0x10];
	_ =	sdelay $0x2  }
0x1d0: {  	s26 =	spop (v2sf)  }
0x1d1: {  	s0 =	sadd.s32 s0, s26  }
0x1d2: {  	vm5 =	vmmov vm0;
	v59 =	vxor.u32 $0x80000000, v8;
	p0 =	slt.s32 s0, $0x1FF0  }
0x1d3: {  	vm6 =	vge.s32 v59, v7;
	vm5 =	vmneg @p0 vm5  }
0x1d4: {  	vm5 =	vmand vm6, vm5  }
0x1d5: {  	v60 =	vmpcnt.ones.xlane vm5;
	_ =	sdelay $0x1  }
0x1d6: {  	(v2sf) =	vpush v60, $0x0;
	_ =	sdelay $0xa  }
0x1d7: {  	[tilespmem:s0+$0x18880] =	vst.msk vm5, v8  }
0x1d8: {  	v8 =	vld [tilespmem:s21+$0x20];
	_ =	sdelay $0x2  }
0x1d9: {  	s28 =	spop (v2sf)  }
0x1da: {  	s0 =	sadd.s32 s0, s28  }
0x1db: {  	vm5 =	vmmov vm0;
	v61 =	vxor.u32 $0x80000000, v8;
	p0 =	slt.s32 s0, $0x1FF0  }
0x1dc: {  	vm6 =	vge.s32 v61, v7;
	vm5 =	vmneg @p0 vm5  }
0x1dd: {  	vm5 =	vmand vm6, vm5  }
0x1de: {  	v62 =	vmpcnt.ones.xlane vm5;
	_ =	sdelay $0x1  }
0x1df: {  	(v2sf) =	vpush v62, $0x0;
	_ =	sdelay $0xa  }
0x1e0: {  	[tilespmem:s0+$0x18880] =	vst.msk vm5, v8  }
0x1e1: {  	v8 =	vld [tilespmem:s21+$0x30];
	_ =	sdelay $0x2  }
0x1e2: {  	s29 =	spop (v2sf)  }
0x1e3: {  	s0 =	sadd.s32 s0, s29  }
0x1e4: {  	vm5 =	vmmov vm0;
	v63 =	vxor.u32 $0x80000000, v8;
	p0 =	slt.s32 s0, $0x1FF0  }
0x1e5: {  	vm6 =	vge.s32 v63, v7;
	vm5 =	vmneg @p0 vm5  }
0x1e6: {  	vm5 =	vmand vm6, vm5  }
0x1e7: {  	v7 =	vmpcnt.ones.xlane vm5;
	_ =	sdelay $0x1  }
0x1e8: {  	(v2sf) =	vpush v7, $0x0;
	_ =	sdelay $0xe  }
0x1e9: {  	s30 =	spop (v2sf)  }
0x1ea: {  	s2 =	sadd.s32 s0, s30  }
0x1eb: {  	s17 =	sadd.s32 $0xF, s2  }
0x1ec: {  	s18 =	sand.u32 $0xF, s17  }
0x1ed: {  	s31 =	sshra.s32 s17, $0x1F;
	p1 =	slt.s32 s17, $0x1;
	p6 =	sne.s32 s18, $0x0  }
0x1ee: {  	s18 =	sshrl.u32 s31, $0x1C;
	p0 =	por !p1, !p6  }
0x1ef: {  	s17 =	sadd.s32 s18, s17;
	s18 =	simm.s32 $0x1;
	p0 =	por !p0, !p0  }
0x1f0: {  	s17 =	sshra.s32 s17, $0x4;
	s18 =	simm.s32 @!p0 $0x0  }
0x1f1: {  	[tilespmem:s0+$0x18880] =	vst.msk vm5, v8;
	s23 =	ssub.s32 s17, s18  }
0x1f2: {  	s22 =	simm.s32 $0x0;
	s0 =	simm.s32 $0x0;
	[tilespmem:s2+$0x18880] =	vst v2;
	p0 =	slt.s32 s23, $0x1  }
.LBB2_12:
.Ltmp7:
0x1f3: {  	(pc) =	sbr.rel @!p0 .LBB2_13-.Ltmp7, $1  }
0x1f4: {  	_ =	sdelay $0x3  }
0x1f5: {  	s0 =	sadd.s32 $0x1, s0  }
0x1f6: {  	p1 =	sne.s32 s0, $0x20  }
.Ltmp8:
0x1f7: {  	_ = 	snop;
	(pc) =	sbr.rel @p1 .LBB2_12-.Ltmp8, $4  }
.Ltmp9:
0x1f8: {  	_ = 	snop;
	(pc) =	sbr.rel @!p1 .LBB2_21-.Ltmp9, $4  }
0x1f9: {  	_ = 	snop  }
0x1fa: {  	_ = 	snop  }
0x1fb: {  	_ = 	snop  }
0x1fc: {  	_ = 	snop  }
.LBB2_13:
0x1fd: {  	s2 =	simm.s32 $0x18880  }
0x1fe: {  	p3 =	sne.s32 s23, $0x1;
	v9 =	vld [tilespmem:s2+$0x0]  }
.Ltmp10:
0x1ff: {  	_ = 	snop;
	(pc) =	sbr.rel @!p3 .LBB2_15-.Ltmp10, $4  }
0x200: {  	s31 =	sshrl.u32 s16, s0  }
0x201: {  	s2 =	sor.u32 s31, s22  }
0x202: {  	s17 =	sxor.u32 $0x80000000, s2  }
0x203: {  	v7 =	vimm.s32 $0x0;
	s18 =	simm.s32 $0x18890;
	v8 =	vmov s17;
	s17 =	sadd.s32 $0xFFFFFFFF, s23;
	v9 =	vxor.u32 $0x80000000, v9  }
.LBB2_14:
0x204: {  	v10 =	vld [tilespmem:s18+$0x0];
	p1 =	sne.s32 s17, $0x1;
	s17 =	sadd.s32 $0xFFFFFFFF, s17;
	vm5 =	vge.s32 v9, v8  }
.Ltmp11:
0x205: {  	v9 =	vmpcnt.ones.xlane vm5;
	(pc) =	sbr.rel @p1 .LBB2_14-.Ltmp11, $3  }
0x206: {  	_ = 	snop  }
0x207: {  	v7 =	vadd.s32 v7, v9;
	_ =	sdelay $0x1  }
0x208: {  	s18 =	sadd.s32 $0x10, s18;
	v9 =	vxor.u32 $0x80000000, v10  }
.LBB2_15:
0x209: {  	vm5 =	vge.s32 v9, v8  }
0x20a: {  	v8 =	vmpcnt.ones.xlane vm5;
	_ =	sdelay $0x1  }
0x20b: {  	v7 =	vadd.s32 v7, v8  }
0x20c: {  	(v2sf) =	vpush v7, $0x0;
	_ =	sdelay $0xb  }
0x20d: {  	p2 =	seq.s32 s0, $0x1F  }
.Ltmp12:
0x20e: {  	_ = 	snop;
	(pc) =	sbr.rel @!p2 .LBB2_12-.Ltmp12, $4  }
0x20f: {  	_ = 	snop  }
0x210: {  	s17 =	spop (v2sf)  }
0x211: {  	p1 =	sgt.s32 s17, $0x3F  }
0x212: {  	s0 =	sadd.s32 $0x1, s0;
	s22 =	smov.u32 @p1 s2  }
0x213: {  	s0 =	simm.s32 $0x18880  }
0x214: {  	v8 =	vld [tilespmem:s0+$0x0]  }
.Ltmp13:
0x215: {  	_ = 	snop;
	(pc) =	sbr.rel @!p3 .LBB2_18-.Ltmp13, $2  }
0x216: {  	_ =	sdelay $0x2  }
0x217: {  	s21 =	sxor.u32 $0x80000000, s22;
	v7 =	vimm.f32 $-3.399999950e+38;
	s2 =	sadd.s32 $0xFFFFFFFF, s23;
	s17 =	simm.s32 $0x18890;
	vm5 =	vlt.s32 v8, $0x0  }
.LBB2_17:
0x218: {  	v9 =	vld [tilespmem:s17+$0x0];
	p0 =	sne.s32 s2, $0x1;
	s2 =	sadd.s32 $0xFFFFFFFF, s2;
	v10 =	vsel vm5, $0x0, v6  }
.Ltmp14:
0x219: {  	v10 =	vxor.u32 v10, v8;
	(pc) =	sbr.rel @p0 .LBB2_17-.Ltmp14, $4  }
0x21a: {  	vm5 =	veq.s32 v8, $0x0;
	v8 =	vxor.u32 $0x80000000, v10  }
0x21b: {  	v10 =	vsel vm5, $0xFF7FC99E, v8  }
0x21c: {  	v7 =	vmax.f32 v7, v10  }
0x21d: {  	s17 =	sadd.s32 $0x10, s17;
	vm5 =	vlt.s32 v9, $0x0;
	v8 =	vmov v9  }
.LBB2_18:
0x21e: {  	v9 =	vsel vm5, $0x0, v6  }
0x21f: {  	v9 =	vxor.u32 v9, v8  }
0x220: {  	vm5 =	veq.s32 v8, $0x0;
	v8 =	vxor.u32 $0x80000000, v9  }
0x221: {  	v8 =	vsel vm5, $0xFF7FC99E, v8  }
0x222: {  	v7 =	vmax.f32 v7, v8  }
0x223: {  	(xrf0) =	vmax.scan.msk.f32 $0xffff, v7;
	_ =	sdelay $0x5  }
0x224: {  	v7, _, _ =	vpop (xrf0)  }
0x225: {  	(v2sf) =	vpush v7, $0xF;
	_ =	sdelay $0x9  }
0x226: {  	v18 =	vld [tilespmem:s0+$0x0]  }
.Ltmp15:
0x227: {  	_ = 	snop;
	(pc) =	sbr.rel @!p3 .LBB2_19-.Ltmp15, $3  }
0x228: {  	_ =	sdelay $0x1  }
0x229: {  	s0 =	sadd.s32 $0xFFFFFFFF, s23;
	s2 =	simm.s32 $0x18890;
	v10 =	vimm.f32 $0.0e+00;
	p0 =	por $0x0, $0x0;
	v9 =	vmov s21  }
0x22a: {  	p1 =	por $0x0, $0x0;
	p2 =	por $0x0, $0x0;
	v8 =	vimm.s32 $0x0;
	vm5 =	vlt.s32 v18, $0x0;
	v11 =	vbroadcast v7, $0xF;
	s24 =	spop (v2sf)  }
0x22b: {  	v15 =	vld [tilespmem:s2+$0x0];
	p3 =	sne.s32 s0, $0x1  }
.Ltmp16:
0x22c: {  	v12 =	vxor.u32 $0x80000000, v18;
	v13 =	vsel vm5, $0x0, v6;
	(pc) =	sbr.rel @!p3 .LBB2_23-.Ltmp16, $3  }
0x22d: {  	v13 =	vxor.u32 v12, v13  }
0x22e: {  	v13 =	vsub.f32 v13, v11;
	_ =	sdelay $0x1  }
0x22f: {  	s0 =	sadd.s32 $0xFFFFFFFF, s0;
	s2 =	simm.s32 $0x188A0;
	p0 =	por $0x1, $0x1;
	v14 =	vmul.f32 $1.442695020e+00, v13;
	vm5 =	vlt.s32 v15, $0x0  }
0x230: {  	v18 =	vld [tilespmem:s2+$0x0];
	p3 =	sne.s32 s0, $0x1  }
.Ltmp17:
0x231: {  	v13 =	vxor.u32 $0x80000000, v15;
	v15 =	vsel vm5, $0x0, v6;
	(pc) =	sbr.rel @!p3 .LBB2_25-.Ltmp17, $3  }
0x232: {  	v15 =	vxor.u32 v13, v15  }
0x233: {  	v15 =	vsub.f32 v15, v11;
	_ =	sdelay $0x1  }
0x234: {  	s0 =	sadd.s32 $0xFFFFFFFF, s0;
	s2 =	simm.s32 $0x188B0;
	p1 =	por $0x1, $0x1;
	(erf) = vpow2.f32 v14;
	v14 =	vmul.f32 $1.442695020e+00, v15;
	vm5 =	vlt.s32 v18, $0x0  }
0x235: {  	_ =	sdelay $0x4  }
0x236: {  	v20 =	vld [tilespmem:s2+$0x0];
	v19 =	vxor.u32 $0x80000000, v18;
	v15 =	vsel vm5, $0x0, v6;
	p3 =	sne.s32 s0, $0x1;
	(erf) = vpow2.f32 v14  }
.Ltmp18:
0x237: {  	v15 =	vxor.u32 v19, v15;
	(pc) =	sbr.rel @!p3 .LBB2_27-.Ltmp18, $4  }
0x238: {  	v15 =	vsub.f32 v15, v11  }
0x239: {  	vm5 =	vge.s32 v12, v9;
	v16 =	vpop (erf)  }
0x23a: {  	v14 =	vmul.f32 $1.442695020e+00, v15;
	v15 =	vmpcnt.ones.xlane vm5;
	v16 =	vnsel vm5, $0x0, v16  }
0x23b: {  	s0 =	sadd.s32 $0xFFFFFFFF, s0;
	s2 =	simm.s32 $0x188C0;
	p2 =	por $0x1, $0x1;
	vm5 =	vlt.s32 v20, $0x0;
	v17 =	vadd.f32 v16, v10;
	v16 =	vimm.s32 $0x0  }
.LBB2_28:
0x23c: {  	p3 =	sne.s32 s0, $0x1;
	s0 =	sadd.s32 $0xFFFFFFFF, s0;
	v18 =	vxor.u32 $0x80000000, v20;
	v20 =	vld [tilespmem:s2+$0x0];
	v21 =	vsel vm5, $0x0, v6;
	(erf) = vpow2.f32 v14  }
.Ltmp19:
0x23d: {  	v16 =	vadd.s32 v16, v15;
	v14 =	vxor.u32 v18, v21;
	(pc) =	sbr.rel @p3 .LBB2_28-.Ltmp19, $4  }
0x23e: {  	v14 =	vsub.f32 v14, v11  }
0x23f: {  	vm5 =	vge.s32 v13, v9;
	v13 =	vmov v19;
	v19 =	vmov v18;
	v15 =	vpop (erf)  }
0x240: {  	v14 =	vmul.f32 $1.442695020e+00, v14;
	v18 =	vnsel vm5, $0x0, v15;
	v15 =	vmpcnt.ones.xlane vm5  }
0x241: {  	s2 =	sadd.s32 $0x10, s2;
	vm5 =	vlt.s32 v20, $0x0;
	v17 =	vadd.f32 v18, v17  }
0x242: {  	v21 =	vmov v13;
	v18 =	vmov v20;
	v13 =	vmov v19  }
.LBB2_30:
0x243: {  	v18 =	vxor.u32 $0x80000000, v18;
	v19 =	vsel vm5, $0x0, v6  }
0x244: {  	v19 =	vxor.u32 v18, v19  }
0x245: {  	v11 =	vsub.f32 v19, v11  }
0x246: {  	(erf) = vpow2.f32 @p0 v14  }
0x247: {  	v11 =	vmul.f32 $1.442695020e+00, v11;
	_ =	sdelay $0x1  }
0x248: {  	(erf) = vpow2.f32 v11  }
0x249: {  	vm5 =	vge.s32 @p1 v21, v9  }
0x24a: {  	v14 =	vmpcnt.ones.xlane @p1 vm5  }
0x24b: {  	v12 =	vpsel p0, v13, v12;
	v11 =	vpop @p1 (erf)  }
0x24c: {  	v15 =	vadd.s32 @p2 v16, v15;
	v13 =	vpsel p1, v14, v0;
	v11 =	vnsel @p1 vm5, $0x0, v11  }
0x24d: {  	v14 =	vpsel p2, v15, v8;
	vm5 =	vge.s32 @p0 v12, v9;
	v11 =	vadd.f32 @p1 v11, v17  }
0x24e: {  	v13 =	vadd.s32 @p1 v14, v13;
	v12 =	vpop @p0 (erf);
	v15 =	vmpcnt.ones.xlane @p0 vm5  }
.Ltmp20:
0x24f: {  	v13 =	vpsel p1, v13, v8;
	v12 =	vnsel @p0 vm5, $0x0, v12;
	v11 =	vpsel p1, v11, v10;
	(pc) =	sbr.rel .LBB2_31-.Ltmp20, $4  }
0x250: {  	vm5 =	vge.s32 v18, v9;
	v11 =	vadd.f32 @p0 v12, v11;
	v12 =	vpsel p0, v15, v0  }
0x251: {  	v63 =	vmpcnt.ones.xlane vm5;
	v9 =	vadd.s32 @p0 v13, v12;
	v62 =	vpop (erf)  }
0x252: {  	v10 =	vpsel p0, v11, v10;
	v8 =	vpsel p0, v9, v8;
	v11 =	vnsel vm5, $0x0, v62  }
0x253: {  	v8 =	vadd.s32 v8, v63;
	v9 =	vadd.f32 v11, v10  }
.LBB2_21:
0x254: {  	s21 =	sxor.u32 $0x80000000, s22;
	v8 =	vimm.s32 $0x0;
	v9 =	vimm.f32 $0.0e+00;
	s24 =	smov.u32 s11;
	v7 =	vmov v0  }
.LBB2_31:
0x255: {  	s0 =	rddreg [dreg:$0x4]  }
0x256: {  	[tilespmem:s1], [sflag:$0x1] =	stream.strided.gather [hbm4b:s0+s12], $0x8000, s13, s12, $0x38;
	[tilespmem:$0x1AA80] =	vst v63  }
0x257: {  	_ =	swait.ge [sflag:s15], $0x8000  }
0x258: {  	[sflag:s15] =	ssyncset.done $0x0  }
0x259: {  	s0 =	simm.s32 $0x10040;
	[sflag:s15] =	ssyncadd.s32 $0xFFFF8000  }
0x25a: {  	[tilespmem:s0+$0xFFFFFFC0] =	vst v2  }
0x25b: {  	[tilespmem:s0+$0x30] =	vst v2  }
0x25c: {  	[tilespmem:s0+$0x20] =	vst v2  }
0x25d: {  	[tilespmem:s0+$0x10] =	vst v2  }
0x25e: {  	[tilespmem:s0+$0x0] =	vst v2  }
0x25f: {  	[tilespmem:s0+$0xFFFFFFF0] =	vst v2  }
0x260: {  	s2 =	simm.s32 $0x0;
	[tilespmem:s0+$0xFFFFFFE0] =	vst v2  }
.LBB2_32:
0x261: {  	s2 =	sadd.s32 $0x8, s2;
	[tilespmem:s0+$0xFFFFFFD0] =	vst v2;
	s0 =	sadd.s32 $0x80, s0  }
0x262: {  	[tilespmem:s0+$0xFFFFFFC0] =	vst v2;
	p0 =	slt.u32 s2, $0x7F8  }
0x263: {  	[tilespmem:s0+$0x30] =	vst v2  }
.Ltmp21:
0x264: {  	[tilespmem:s0+$0x20] =	vst v2;
	(pc) =	sbr.rel @p0 .LBB2_32-.Ltmp21, $4  }
0x265: {  	[tilespmem:s0+$0x10] =	vst v2  }
0x266: {  	[tilespmem:s0+$0x0] =	vst v2  }
0x267: {  	[tilespmem:s0+$0xFFFFFFF0] =	vst v2  }
0x268: {  	[tilespmem:s0+$0xFFFFFFE0] =	vst v2  }
0x269: {  	[tilespmem:s0+$0xFFFFFFD0] =	vst v2  }
0x26a: {  	[tilespmem:$0x18000] =	vst v2  }
0x26b: {  	s0 =	simm.s32 $0xFFFFFFF8;
	s25 =	simm.s32 $0x40;
	s26 =	simm.s32 $0x8040;
	[tilespmem:$0x18010] =	vst v2  }
.LBB2_34:
0x26c: {  	v10 =	vld [tilespmem:s25+$0xFFFFFFC0];
	_ =	sdelay $0x4  }
0x26d: {  	v11 =	vshra.s32 v10, $0x1F  }
0x26e: {  	v11 =	vor.u32 $0x80000000, v11  }
0x26f: {  	v10 =	vxor.u32 v10, v11  }
0x270: {  	v11 =	vshrl.u32 v10, $0x15  }
0x271: {  	v11 =	vadd.s32 v3, v11;
	_ =	sdelay $0x3  }
0x272: {  	[tilespmem:s26+$0xFFFFFFC0] =	vst v10  }
0x273: {  	[tilespmem:v11+s14+$0x0] =	vst.idx.add.s32.msk $0xffff, v4  }
0x274: {  	v10 =	vld [tilespmem:s25+$0xFFFFFFD0];
	_ =	sdelay $0x4  }
0x275: {  	v11 =	vshra.s32 v10, $0x1F  }
0x276: {  	v11 =	vor.u32 $0x80000000, v11  }
0x277: {  	v10 =	vxor.u32 v10, v11  }
0x278: {  	v11 =	vshrl.u32 v10, $0x15  }
0x279: {  	v11 =	vadd.s32 v3, v11;
	_ =	sdelay $0x3  }
0x27a: {  	[tilespmem:s26+$0xFFFFFFD0] =	vst v10  }
0x27b: {  	[tilespmem:v11+s14+$0x0] =	vst.idx.add.s32.msk $0xffff, v4  }
0x27c: {  	v10 =	vld [tilespmem:s25+$0xFFFFFFE0];
	_ =	sdelay $0x4  }
0x27d: {  	v11 =	vshra.s32 v10, $0x1F  }
0x27e: {  	v11 =	vor.u32 $0x80000000, v11  }
0x27f: {  	v10 =	vxor.u32 v10, v11  }
0x280: {  	v11 =	vshrl.u32 v10, $0x15  }
0x281: {  	v11 =	vadd.s32 v3, v11;
	_ =	sdelay $0x3  }
0x282: {  	[tilespmem:s26+$0xFFFFFFE0] =	vst v10  }
0x283: {  	[tilespmem:v11+s14+$0x0] =	vst.idx.add.s32.msk $0xffff, v4  }
0x284: {  	v10 =	vld [tilespmem:s25+$0xFFFFFFF0];
	_ =	sdelay $0x4  }
0x285: {  	v11 =	vshra.s32 v10, $0x1F  }
0x286: {  	v11 =	vor.u32 $0x80000000, v11  }
0x287: {  	v10 =	vxor.u32 v10, v11  }
0x288: {  	v11 =	vshrl.u32 v10, $0x15  }
0x289: {  	v11 =	vadd.s32 v3, v11;
	_ =	sdelay $0x3  }
0x28a: {  	[tilespmem:s26+$0xFFFFFFF0] =	vst v10  }
0x28b: {  	[tilespmem:v11+s14+$0x0] =	vst.idx.add.s32.msk $0xffff, v4  }
0x28c: {  	v10 =	vld [tilespmem:s25+$0x0];
	_ =	sdelay $0x4  }
0x28d: {  	v11 =	vshra.s32 v10, $0x1F  }
0x28e: {  	v11 =	vor.u32 $0x80000000, v11  }
0x28f: {  	v10 =	vxor.u32 v10, v11  }
0x290: {  	v11 =	vshrl.u32 v10, $0x15  }
0x291: {  	v11 =	vadd.s32 v3, v11;
	_ =	sdelay $0x3  }
0x292: {  	[tilespmem:s26+$0x0] =	vst v10  }
0x293: {  	[tilespmem:v11+s14+$0x0] =	vst.idx.add.s32.msk $0xffff, v4  }
0x294: {  	v10 =	vld [tilespmem:s25+$0x10];
	_ =	sdelay $0x4  }
0x295: {  	v11 =	vshra.s32 v10, $0x1F  }
0x296: {  	v11 =	vor.u32 $0x80000000, v11  }
0x297: {  	v10 =	vxor.u32 v10, v11  }
0x298: {  	v11 =	vshrl.u32 v10, $0x15  }
0x299: {  	v11 =	vadd.s32 v3, v11;
	_ =	sdelay $0x3  }
0x29a: {  	[tilespmem:s26+$0x10] =	vst v10  }
0x29b: {  	[tilespmem:v11+s14+$0x0] =	vst.idx.add.s32.msk $0xffff, v4  }
0x29c: {  	v10 =	vld [tilespmem:s25+$0x20];
	_ =	sdelay $0x4  }
0x29d: {  	v11 =	vshra.s32 v10, $0x1F  }
0x29e: {  	v11 =	vor.u32 $0x80000000, v11  }
0x29f: {  	v10 =	vxor.u32 v10, v11  }
0x2a0: {  	v11 =	vshrl.u32 v10, $0x15  }
0x2a1: {  	v11 =	vadd.s32 v3, v11;
	_ =	sdelay $0x3  }
0x2a2: {  	[tilespmem:s26+$0x20] =	vst v10  }
0x2a3: {  	[tilespmem:v11+s14+$0x0] =	vst.idx.add.s32.msk $0xffff, v4  }
0x2a4: {  	v10 =	vld [tilespmem:s25+$0x30];
	_ =	sdelay $0x4  }
0x2a5: {  	v11 =	vshra.s32 v10, $0x1F  }
0x2a6: {  	v11 =	vor.u32 $0x80000000, v11  }
0x2a7: {  	v10 =	vxor.u32 v10, v11  }
0x2a8: {  	s0 =	sadd.s32 $0x8, s0;
	v11 =	vshrl.u32 v10, $0x15  }
0x2a9: {  	p0 =	slt.u32 s0, $0x7F8;
	v11 =	vadd.s32 v3, v11  }
.Ltmp22:
0x2aa: {  	_ = 	snop;
	(pc) =	sbr.rel @p0 .LBB2_34-.Ltmp22, $3  }
0x2ab: {  	_ =	sdelay $0x1  }
0x2ac: {  	[tilespmem:s26+$0x30] =	vst v10  }
0x2ad: {  	s23 =	simm.s32 $0x0;
	s25 =	sadd.s32 $0x80, s25;
	s26 =	sadd.s32 $0x80, s26;
	[tilespmem:v11+s14+$0x0] =	vst.idx.add.s32.msk $0xffff, v4  }
0x2ae: {  	s25 =	simm.s32 $0x0  }
0x2af: {  	v10 =	vld [tilespmem:s25+$0x10010]  }
0x2b0: {  	v11 =	vld [tilespmem:s25+$0x10811]  }
0x2b1: {  	v12 =	vld [tilespmem:s25+$0x11012]  }
0x2b2: {  	v13 =	vld [tilespmem:s25+$0x11813]  }
0x2b3: {  	v14 =	vld [tilespmem:s25+$0x12014]  }
0x2b4: {  	v15 =	vld [tilespmem:s25+$0x12815]  }
0x2b5: {  	v16 =	vld [tilespmem:s25+$0x13016]  }
0x2b6: {  	v10 =	vadd.s32 v10, v11;
	v11 =	vld [tilespmem:s25+$0x13817]  }
0x2b7: {  	v10 =	vadd.s32 v12, v10;
	v12 =	vld [tilespmem:s25+$0x14018]  }
0x2b8: {  	v10 =	vadd.s32 v13, v10;
	v13 =	vld [tilespmem:s25+$0x14819]  }
0x2b9: {  	v10 =	vadd.s32 v14, v10;
	v14 =	vld [tilespmem:s25+$0x1501A]  }
0x2ba: {  	v10 =	vadd.s32 v15, v10;
	v15 =	vld [tilespmem:s25+$0x1581B]  }
0x2bb: {  	v10 =	vadd.s32 v16, v10;
	v16 =	vld [tilespmem:s25+$0x1601C]  }
0x2bc: {  	v10 =	vadd.s32 v11, v10;
	v11 =	vld [tilespmem:s25+$0x1681D]  }
0x2bd: {  	v10 =	vadd.s32 v12, v10;
	v12 =	vld [tilespmem:s25+$0x1701E]  }
0x2be: {  	v10 =	vadd.s32 v13, v10;
	v13 =	vld [tilespmem:s25+$0x1781F]  }
0x2bf: {  	v10 =	vadd.s32 v14, v10;
	v14 =	vld [tilespmem:s25+$0x10000]  }
0x2c0: {  	v10 =	vadd.s32 v15, v10;
	v15 =	vld [tilespmem:s25+$0x10801]  }
0x2c1: {  	v10 =	vadd.s32 v16, v10;
	v16 =	vld [tilespmem:s25+$0x11002]  }
0x2c2: {  	v10 =	vadd.s32 v11, v10;
	v11 =	vld [tilespmem:s25+$0x11803]  }
0x2c3: {  	v10 =	vadd.s32 v12, v10;
	v12 =	vld [tilespmem:s25+$0x12004]  }
0x2c4: {  	v10 =	vadd.s32 v13, v10;
	v13 =	vld [tilespmem:s25+$0x12805]  }
0x2c5: {  	[tilespmem:s25+$0x18090] =	vst v10;
	v10 =	vadd.s32 v14, v15;
	v14 =	vld [tilespmem:s25+$0x13006]  }
0x2c6: {  	v15 =	vld [tilespmem:s25+$0x13807];
	v10 =	vadd.s32 v16, v10  }
0x2c7: {  	v16 =	vld [tilespmem:s25+$0x14008];
	v10 =	vadd.s32 v11, v10  }
0x2c8: {  	v17 =	vld [tilespmem:s25+$0x14809];
	v10 =	vadd.s32 v12, v10  }
0x2c9: {  	v10 =	vadd.s32 v13, v10;
	v13 =	vld [tilespmem:s25+$0x1500A]  }
0x2ca: {  	v11 =	vadd.s32 v14, v10;
	v10 =	vld [tilespmem:s25+$0x1580B]  }
0x2cb: {  	v12 =	vadd.s32 v15, v11;
	v11 =	vld [tilespmem:s25+$0x1600C]  }
0x2cc: {  	v14 =	vadd.s32 v16, v12;
	v12 =	vld [tilespmem:s25+$0x1680D]  }
0x2cd: {  	s28 =	simm.s32 $0x0;
	s29 =	simm.s32 $0x80;
	v15 =	vadd.s32 v17, v14;
	v14 =	vld [tilespmem:s25+$0x1700E]  }
.LBB2_36:
0x2ce: {  	s0 =	sshra.s32 s29, $0x2;
	v13 =	vadd.s32 v13, v15;
	v15 =	vld [tilespmem:s25+$0x1780F]  }
0x2cf: {  	s28 =	sadd.s32 $0x2, s28;
	v16 =	vld [tilespmem:s0+$0x10010];
	v10 =	vadd.s32 v10, v13  }
0x2d0: {  	p0 =	slt.u32 s28, $0x7E;
	v13 =	vld [tilespmem:s0+$0x10811];
	v10 =	vadd.s32 v11, v10  }
0x2d1: {  	v11 =	vld [tilespmem:s0+$0x11012];
	v10 =	vadd.s32 v12, v10  }
0x2d2: {  	v12 =	vld [tilespmem:s0+$0x11813];
	v10 =	vadd.s32 v14, v10  }
0x2d3: {  	v14 =	vld [tilespmem:s0+$0x12014];
	v10 =	vadd.s32 v15, v10  }
0x2d4: {  	v15 =	vld [tilespmem:s0+$0x12815];
	[tilespmem:s25+$0x18080] =	vst v10;
	s25 =	smov.u32 s0  }
0x2d5: {  	v10 =	vadd.s32 v16, v13;
	v13 =	vld [tilespmem:s25+$0x13016]  }
0x2d6: {  	v10 =	vadd.s32 v11, v10;
	v11 =	vld [tilespmem:s25+$0x13817]  }
0x2d7: {  	v10 =	vadd.s32 v12, v10;
	v12 =	vld [tilespmem:s25+$0x14018]  }
0x2d8: {  	v10 =	vadd.s32 v14, v10;
	v14 =	vld [tilespmem:s25+$0x14819]  }
0x2d9: {  	v10 =	vadd.s32 v15, v10;
	v15 =	vld [tilespmem:s25+$0x1501A]  }
0x2da: {  	v10 =	vadd.s32 v13, v10;
	v13 =	vld [tilespmem:s25+$0x1581B]  }
0x2db: {  	v10 =	vadd.s32 v11, v10;
	v11 =	vld [tilespmem:s25+$0x1601C]  }
0x2dc: {  	v10 =	vadd.s32 v12, v10;
	v12 =	vld [tilespmem:s25+$0x1681D]  }
0x2dd: {  	v10 =	vadd.s32 v14, v10;
	v14 =	vld [tilespmem:s25+$0x1701E]  }
0x2de: {  	v10 =	vadd.s32 v15, v10;
	v15 =	vld [tilespmem:s25+$0x1781F]  }
0x2df: {  	v16 =	vld [tilespmem:s25+$0x10000];
	v10 =	vadd.s32 v13, v10  }
0x2e0: {  	v13 =	vld [tilespmem:s25+$0x10801];
	v10 =	vadd.s32 v11, v10  }
0x2e1: {  	v11 =	vld [tilespmem:s25+$0x11002];
	v10 =	vadd.s32 v12, v10  }
0x2e2: {  	v12 =	vld [tilespmem:s25+$0x11803];
	v10 =	vadd.s32 v14, v10  }
0x2e3: {  	v14 =	vld [tilespmem:s25+$0x12004];
	v10 =	vadd.s32 v15, v10  }
0x2e4: {  	s26 =	simm.s32 $0x7F;
	s0 =	simm.s32 $0x18870;
	v15 =	vld [tilespmem:s25+$0x12805];
	[tilespmem:s25+$0x18090] =	vst v10  }
0x2e5: {  	v10 =	vadd.s32 v16, v13;
	v16 =	vld [tilespmem:s25+$0x13006]  }
0x2e6: {  	v10 =	vadd.s32 v11, v10;
	v11 =	vld [tilespmem:s25+$0x13807]  }
0x2e7: {  	v10 =	vadd.s32 v12, v10;
	v12 =	vld [tilespmem:s25+$0x14008]  }
0x2e8: {  	v10 =	vadd.s32 v14, v10;
	v14 =	vld [tilespmem:s25+$0x14809]  }
.Ltmp23:
0x2e9: {  	v10 =	vadd.s32 v15, v10;
	v13 =	vld [tilespmem:s25+$0x1500A];
	(pc) =	sbr.rel @p0 .LBB2_36-.Ltmp23, $4  }
0x2ea: {  	v15 =	vadd.s32 v16, v10;
	v10 =	vld [tilespmem:s25+$0x1580B]  }
0x2eb: {  	v15 =	vadd.s32 v11, v15;
	v11 =	vld [tilespmem:s25+$0x1600C]  }
0x2ec: {  	v15 =	vadd.s32 v12, v15;
	v12 =	vld [tilespmem:s25+$0x1680D]  }
0x2ed: {  	s29 =	sadd.s32 $0x80, s29;
	v15 =	vadd.s32 v14, v15;
	v14 =	vld [tilespmem:s25+$0x1700E]  }
0x2ee: {  	v13 =	vadd.s32 v13, v15;
	v62 =	vld [tilespmem:s25+$0x1780F]  }
0x2ef: {  	v10 =	vadd.s32 v10, v13  }
0x2f0: {  	v10 =	vadd.s32 v11, v10  }
0x2f1: {  	v10 =	vadd.s32 v12, v10  }
0x2f2: {  	v10 =	vadd.s32 v14, v10  }
0x2f3: {  	v10 =	vadd.s32 v62, v10  }
0x2f4: {  	[tilespmem:s25+$0x18080] =	vst v10  }
0x2f5: {  	v10 =	vld [tilespmem:s0+$0x0];
	_ =	sdelay $0x4  }
0x2f6: {  	(xrf0) =	vadd.scan.msk.s32 $0xffff, v10;
	_ =	sdelay $0x5  }
0x2f7: {  	v10, _, _ =	vpop (xrf0)  }
0x2f8: {  	(v2sf) =	vpush v10, $0xF;
	_ =	sdelay $0x1  }
0x2f9: {  	s4 =	simm.s32 $0x18860  }
0x2fa: {  	v10 =	vld [tilespmem:s4+$0x0]  }
0x2fb: {  	s17 =	simm.s32 $0x18850  }
0x2fc: {  	v11 =	vld [tilespmem:s17+$0x0];
	_ =	sdelay $0x2  }
0x2fd: {  	(xrf0) =	vadd.scan.msk.s32 $0xffff, v10;
	_ =	sdelay $0x1  }
0x2fe: {  	(xrf0) =	vadd.scan.msk.s32 $0xffff, v11;
	_ =	sdelay $0x2  }
0x2ff: {  	s18 =	simm.s32 $0x18840  }
0x300: {  	v63 =	vld [tilespmem:s18+$0x0];
	v11, _, _ =	vpop (xrf0)  }
0x301: {  	s25 =	spop (v2sf);
	(v2sf) =	vpush v11, $0xF  }
0x302: {  	v11, _, _ =	vpop (xrf0)  }
0x303: {  	(v2sf) =	vpush v11, $0xF;
	_ =	sdelay $0x1  }
0x304: {  	s19 =	simm.s32 $0x18830;
	(xrf0) =	vadd.scan.msk.s32 $0xffff, v63  }
0x305: {  	v10 =	vld [tilespmem:s19+$0x0];
	_ =	sdelay $0x1  }
0x306: {  	s2 =	simm.s32 $0x7E;
	s30 =	simm.s32 $0x7D  }
0x307: {  	s31 =	simm.s32 $0x7C;
	s28 =	simm.s32 $0x7B;
	p1 =	por $0x1, $0x1  }
0x308: {  	s29 =	simm.s32 $0x0;
	s17 =	simm.s32 $0x7A;
	s25 =	sadd.s32 $0x0, s25  }
0x309: {  	s18 =	simm.s32 $0x18820;
	s0 =	simm.s32 $0x0;
	(xrf0) =	vadd.scan.msk.s32 $0xffff, v10;
	v10, _, _ =	vpop (xrf0);
	p2 =	sgt.s32 s25, $0x3F  }
.LBB2_38:
0x30a: {  	p0 =	sne.s32 s17, $0x0;
	p1 =	por !p1, !p2;
	s19 =	smov.u32 s17  }
0x30b: {  	v11 =	vld [tilespmem:s18+$0x0];
	(v2sf) =	vpush v10, $0xF;
	s17 =	sadd.s32 $0xFFFFFFFF, s17;
	s4 =	smov.u32 s0;
	s0 =	smov.u32 s25  }
.Ltmp24:
0x30c: {  	p1 =	por !p1, !p1;
	(pc) =	sbr.rel @p0 .LBB2_38-.Ltmp24, $4  }
0x30d: {  	s23 =	smov.u32 @p1 s26;
	s29 =	smov.u32 @p1 s4;
	s26 =	smov.u32 s2  }
0x30e: {  	s2 =	smov.u32 s30;
	s30 =	smov.u32 s31;
	s4 =	spop (v2sf)  }
0x30f: {  	s31 =	smov.u32 s28;
	s28 =	smov.u32 s19;
	s25 =	sadd.s32 s25, s4  }
0x310: {  	s18 =	sadd.s32 $0xFFFFFFF0, s18;
	p1 =	slt.s32 s0, $0x40;
	(xrf0) =	vadd.scan.msk.s32 $0xffff, v11;
	v10, _, _ =	vpop (xrf0);
	p2 =	sgt.s32 s25, $0x3F  }
0x311: {  	_ =	sdelay $0x4  }
0x312: {  	(v2sf) =	vpush v10, $0xF;
	v10, _, _ =	vpop (xrf0)  }
0x313: {  	(v2sf) =	vpush v10, $0xF;
	_ =	sdelay $0x7  }
0x314: {  	s4 =	spop (v2sf)  }
0x315: {  	s4 =	sadd.s32 s25, s4  }
0x316: {  	p0 =	por !p1, !p2;
	p3 =	slt.s32 s25, $0x40;
	p4 =	sgt.s32 s4, $0x3F  }
0x317: {  	p0 =	por !p0, !p0;
	p1 =	por !p3, !p4  }
0x318: {  	s23 =	smov.u32 @p0 s26;
	p1 =	por !p1, !p1;
	s17 =	spop (v2sf)  }
0x319: {  	p5 =	slt.s32 s4, $0x40;
	s23 =	smov.u32 @p1 s2;
	s17 =	sadd.s32 s4, s17  }
0x31a: {  	p4 =	sgt.s32 s17, $0x3F;
	p6 =	slt.s32 s17, $0x40;
	s18 =	spop (v2sf)  }
0x31b: {  	p2 =	por !p5, !p4;
	s18 =	sadd.s32 s17, s18;
	s19 =	spop (v2sf)  }
0x31c: {  	p2 =	por !p2, !p2;
	p5 =	sgt.s32 s18, $0x3F;
	s26 =	sadd.s32 s18, s19  }
0x31d: {  	p4 =	por !p6, !p5;
	p6 =	slt.s32 s18, $0x40;
	p3 =	sgt.s32 s26, $0x3F  }
0x31e: {  	s23 =	smov.u32 @p2 s30;
	p4 =	por !p4, !p4;
	p3 =	por !p6, !p3  }
0x31f: {  	s23 =	smov.u32 @p4 s31;
	p3 =	por !p3, !p3  }
0x320: {  	s23 =	smov.u32 @p3 s28  }
0x321: {  	s31 =	sshll.u32 s23, $0x4  }
0x322: {  	v10 =	vld [tilespmem:s31+$0x18080];
	_ =	sdelay $0x4  }
0x323: {  	v10 =	vperm.xlane v10, v5;
	_ =	sdelay $0x1  }
0x324: {  	(xrf0) =	vadd.scan.msk.s32 $0xffff, v10;
	_ =	sdelay $0x1  }
0x325: {  	s29 =	smov.u32 @p0 s0  }
0x326: {  	s29 =	smov.u32 @p1 s25  }
0x327: {  	s29 =	smov.u32 @p2 s4  }
0x328: {  	s29 =	smov.u32 @p4 s17  }
0x329: {  	s29 =	smov.u32 @p3 s18;
	v10, _, _ =	vpop (xrf0)  }
0x32a: {  	v10 =	vadd.s32 s29, v10  }
0x32b: {  	vm5 =	vgt.s32 v10, $0x3F  }
0x32c: {  	v10 =	vmctz.xlane vm5;
	_ =	sdelay $0x1  }
0x32d: {  	(v2sf) =	vpush v10, $0x0;
	_ =	sdelay $0xc  }
0x32e: {  	s4 =	simm.s32 $0x8040  }
0x32f: {  	v11 =	vld [tilespmem:s4+$0xFFFFFFC0]  }
0x330: {  	s17 =	spop (v2sf)  }
0x331: {  	s0 =	ssub.s32 s31, s17  }
0x332: {  	s0 =	sshll.u32 s0, $0x15  }
0x333: {  	s0 =	sadd.s32 $0x81E00000, s0  }
0x334: {  	p0 =	por $0x1, $0x1;
	v12 =	vxor.u32 $0x80000000, v11;
	vm5 =	vmmov vm0;
	v10 =	vmov s0  }
0x335: {  	vm5 =	vmneg @p0 vm5;
	vm6 =	vge.s32 v12, v10  }
0x336: {  	vm5 =	vmand vm5, vm6  }
0x337: {  	v49 =	vmpcnt.ones.xlane vm5;
	_ =	sdelay $0x1  }
0x338: {  	(v2sf) =	vpush v49, $0x0;
	_ =	sdelay $0x9  }
0x339: {  	s18 =	simm.s32 $0x0  }
0x33a: {  	[tilespmem:s18+$0x18880] =	vst.msk vm5, v11  }
0x33b: {  	v11 =	vld [tilespmem:s4+$0xFFFFFFD0];
	_ =	sdelay $0x2  }
0x33c: {  	s19 =	spop (v2sf)  }
0x33d: {  	s0 =	sadd.s32 $0x0, s19  }
0x33e: {  	vm5 =	vmmov vm0;
	v50 =	vxor.u32 $0x80000000, v11;
	p0 =	slt.s32 s0, $0x1FF0  }
0x33f: {  	vm6 =	vge.s32 v50, v10;
	vm5 =	vmneg @p0 vm5  }
0x340: {  	vm5 =	vmand vm6, vm5  }
0x341: {  	v51 =	vmpcnt.ones.xlane vm5;
	_ =	sdelay $0x1  }
0x342: {  	(v2sf) =	vpush v51, $0x0;
	_ =	sdelay $0xa  }
0x343: {  	[tilespmem:s0+$0x18880] =	vst.msk vm5, v11  }
0x344: {  	v11 =	vld [tilespmem:s4+$0xFFFFFFE0];
	_ =	sdelay $0x2  }
0x345: {  	s25 =	spop (v2sf)  }
0x346: {  	s0 =	sadd.s32 s0, s25  }
0x347: {  	vm5 =	vmmov vm0;
	v52 =	vxor.u32 $0x80000000, v11;
	p0 =	slt.s32 s0, $0x1FF0  }
0x348: {  	vm6 =	vge.s32 v52, v10;
	vm5 =	vmneg @p0 vm5  }
0x349: {  	vm5 =	vmand vm6, vm5  }
0x34a: {  	v53 =	vmpcnt.ones.xlane vm5;
	_ =	sdelay $0x1  }
0x34b: {  	(v2sf) =	vpush v53, $0x0;
	_ =	sdelay $0xa  }
0x34c: {  	[tilespmem:s0+$0x18880] =	vst.msk vm5, v11  }
0x34d: {  	v11 =	vld [tilespmem:s4+$0xFFFFFFF0];
	_ =	sdelay $0x2  }
0x34e: {  	s26 =	spop (v2sf)  }
0x34f: {  	s0 =	sadd.s32 s0, s26  }
0x350: {  	vm5 =	vmmov vm0;
	v54 =	vxor.u32 $0x80000000, v11;
	p0 =	slt.s32 s0, $0x1FF0  }
0x351: {  	vm6 =	vge.s32 v54, v10;
	vm5 =	vmneg @p0 vm5  }
0x352: {  	vm5 =	vmand vm6, vm5  }
0x353: {  	v55 =	vmpcnt.ones.xlane vm5;
	_ =	sdelay $0x1  }
0x354: {  	(v2sf) =	vpush v55, $0x0;
	_ =	sdelay $0xa  }
0x355: {  	[tilespmem:s0+$0x18880] =	vst.msk vm5, v11  }
0x356: {  	v11 =	vld [tilespmem:s4+$0x0];
	_ =	sdelay $0x2  }
0x357: {  	s28 =	spop (v2sf)  }
0x358: {  	s0 =	sadd.s32 s0, s28  }
0x359: {  	vm5 =	vmmov vm0;
	v56 =	vxor.u32 $0x80000000, v11;
	p0 =	slt.s32 s0, $0x1FF0  }
0x35a: {  	vm6 =	vge.s32 v56, v10;
	vm5 =	vmneg @p0 vm5  }
0x35b: {  	vm5 =	vmand vm6, vm5  }
0x35c: {  	v57 =	vmpcnt.ones.xlane vm5;
	_ =	sdelay $0x1  }
0x35d: {  	(v2sf) =	vpush v57, $0x0;
	_ =	sdelay $0xa  }
0x35e: {  	[tilespmem:s0+$0x18880] =	vst.msk vm5, v11  }
0x35f: {  	v11 =	vld [tilespmem:s4+$0x10];
	_ =	sdelay $0x2  }
0x360: {  	s29 =	spop (v2sf)  }
0x361: {  	s0 =	sadd.s32 s0, s29  }
0x362: {  	vm5 =	vmmov vm0;
	v58 =	vxor.u32 $0x80000000, v11;
	p0 =	slt.s32 s0, $0x1FF0  }
0x363: {  	vm6 =	vge.s32 v58, v10;
	vm5 =	vmneg @p0 vm5  }
0x364: {  	vm5 =	vmand vm6, vm5  }
0x365: {  	v59 =	vmpcnt.ones.xlane vm5;
	_ =	sdelay $0x1  }
0x366: {  	(v2sf) =	vpush v59, $0x0;
	_ =	sdelay $0xa  }
0x367: {  	[tilespmem:s0+$0x18880] =	vst.msk vm5, v11  }
0x368: {  	v11 =	vld [tilespmem:s4+$0x20];
	_ =	sdelay $0x2  }
0x369: {  	s30 =	spop (v2sf)  }
0x36a: {  	s0 =	sadd.s32 s0, s30  }
0x36b: {  	vm5 =	vmmov vm0;
	v60 =	vxor.u32 $0x80000000, v11;
	p0 =	slt.s32 s0, $0x1FF0  }
0x36c: {  	vm6 =	vge.s32 v60, v10;
	vm5 =	vmneg @p0 vm5  }
0x36d: {  	vm5 =	vmand vm6, vm5  }
0x36e: {  	v61 =	vmpcnt.ones.xlane vm5;
	_ =	sdelay $0x1  }
0x36f: {  	(v2sf) =	vpush v61, $0x0;
	_ =	sdelay $0xa  }
0x370: {  	[tilespmem:s0+$0x18880] =	vst.msk vm5, v11  }
0x371: {  	v11 =	vld [tilespmem:s4+$0x30];
	_ =	sdelay $0x2  }
0x372: {  	s31 =	spop (v2sf)  }
0x373: {  	s0 =	sadd.s32 s0, s31  }
0x374: {  	vm5 =	vmmov vm0;
	v62 =	vxor.u32 $0x80000000, v11;
	p0 =	slt.s32 s0, $0x1FF0  }
0x375: {  	vm6 =	vge.s32 v62, v10;
	vm5 =	vmneg @p0 vm5  }
0x376: {  	vm5 =	vmand vm6, vm5  }
0x377: {  	v63 =	vmpcnt.ones.xlane vm5;
	_ =	sdelay $0x1  }
0x378: {  	(v2sf) =	vpush v63, $0x0;
	_ =	sdelay $0xa  }
0x379: {  	s23 =	simm.s32 $0x80C0;
	[tilespmem:s0+$0x18880] =	vst.msk vm5, v11  }
0x37a: {  	v11 =	vld [tilespmem:s23+$0xFFFFFFC0];
	_ =	sdelay $0x2  }
0x37b: {  	s25 =	simm.s32 $0x8;
	s2 =	spop (v2sf)  }
.LBB2_40:
0x37c: {  	s25 =	sadd.s32 $0x8, s25;
	s0 =	sadd.s32 s0, s2  }
0x37d: {  	vm6 =	vmmov vm0;
	p0 =	slt.u32 s25, $0x7F8;
	v12 =	vxor.u32 $0x80000000, v11;
	p1 =	slt.s32 s0, $0x1FF0  }
0x37e: {  	vm5 =	vge.s32 v12, v10;
	vm6 =	vmneg @p1 vm6  }
0x37f: {  	vm5 =	vmand vm6, vm5  }
0x380: {  	[tilespmem:s0+$0x18880] =	vst.msk vm5, v11;
	v11 =	vmpcnt.ones.xlane vm5  }
0x381: {  	v12 =	vld [tilespmem:s23+$0xFFFFFFD0]  }
0x382: {  	(v2sf) =	vpush v11, $0x0;
	_ =	sdelay $0x3  }
0x383: {  	v11 =	vxor.u32 $0x80000000, v12;
	_ =	sdelay $0xa  }
0x384: {  	s2 =	spop (v2sf)  }
0x385: {  	s0 =	sadd.s32 s0, s2  }
0x386: {  	vm6 =	vmmov vm0;
	p1 =	slt.s32 s0, $0x1FF0  }
0x387: {  	vm5 =	vge.s32 v11, v10;
	vm6 =	vmneg @p1 vm6  }
0x388: {  	vm5 =	vmand vm5, vm6  }
0x389: {  	[tilespmem:s0+$0x18880] =	vst.msk vm5, v12;
	v11 =	vmpcnt.ones.xlane vm5  }
0x38a: {  	v12 =	vld [tilespmem:s23+$0xFFFFFFE0]  }
0x38b: {  	(v2sf) =	vpush v11, $0x0;
	_ =	sdelay $0x3  }
0x38c: {  	v11 =	vxor.u32 $0x80000000, v12;
	_ =	sdelay $0xa  }
0x38d: {  	s2 =	spop (v2sf)  }
0x38e: {  	s0 =	sadd.s32 s0, s2  }
0x38f: {  	vm6 =	vmmov vm0;
	p1 =	slt.s32 s0, $0x1FF0  }
0x390: {  	vm5 =	vge.s32 v11, v10;
	vm6 =	vmneg @p1 vm6  }
0x391: {  	vm5 =	vmand vm5, vm6  }
0x392: {  	[tilespmem:s0+$0x18880] =	vst.msk vm5, v12;
	v11 =	vmpcnt.ones.xlane vm5  }
0x393: {  	v12 =	vld [tilespmem:s23+$0xFFFFFFF0]  }
0x394: {  	(v2sf) =	vpush v11, $0x0;
	_ =	sdelay $0x3  }
0x395: {  	v11 =	vxor.u32 $0x80000000, v12;
	_ =	sdelay $0xa  }
0x396: {  	s2 =	spop (v2sf)  }
0x397: {  	s0 =	sadd.s32 s0, s2  }
0x398: {  	vm6 =	vmmov vm0;
	p1 =	slt.s32 s0, $0x1FF0  }
0x399: {  	vm5 =	vge.s32 v11, v10;
	vm6 =	vmneg @p1 vm6  }
0x39a: {  	vm5 =	vmand vm5, vm6  }
0x39b: {  	[tilespmem:s0+$0x18880] =	vst.msk vm5, v12;
	v11 =	vmpcnt.ones.xlane vm5  }
0x39c: {  	v12 =	vld [tilespmem:s23+$0x0]  }
0x39d: {  	(v2sf) =	vpush v11, $0x0;
	_ =	sdelay $0x3  }
0x39e: {  	v11 =	vxor.u32 $0x80000000, v12;
	_ =	sdelay $0xa  }
0x39f: {  	s2 =	spop (v2sf)  }
0x3a0: {  	s0 =	sadd.s32 s0, s2  }
0x3a1: {  	vm6 =	vmmov vm0;
	p1 =	slt.s32 s0, $0x1FF0  }
0x3a2: {  	vm5 =	vge.s32 v11, v10;
	vm6 =	vmneg @p1 vm6  }
0x3a3: {  	vm5 =	vmand vm5, vm6  }
0x3a4: {  	[tilespmem:s0+$0x18880] =	vst.msk vm5, v12;
	v11 =	vmpcnt.ones.xlane vm5  }
0x3a5: {  	v12 =	vld [tilespmem:s23+$0x10]  }
0x3a6: {  	(v2sf) =	vpush v11, $0x0;
	_ =	sdelay $0x3  }
0x3a7: {  	v11 =	vxor.u32 $0x80000000, v12;
	_ =	sdelay $0xa  }
0x3a8: {  	s2 =	spop (v2sf)  }
0x3a9: {  	s0 =	sadd.s32 s0, s2  }
0x3aa: {  	vm6 =	vmmov vm0;
	p1 =	slt.s32 s0, $0x1FF0  }
0x3ab: {  	vm5 =	vge.s32 v11, v10;
	vm6 =	vmneg @p1 vm6  }
0x3ac: {  	vm5 =	vmand vm5, vm6  }
0x3ad: {  	[tilespmem:s0+$0x18880] =	vst.msk vm5, v12;
	v11 =	vmpcnt.ones.xlane vm5  }
0x3ae: {  	v12 =	vld [tilespmem:s23+$0x20]  }
0x3af: {  	(v2sf) =	vpush v11, $0x0;
	_ =	sdelay $0x3  }
0x3b0: {  	v11 =	vxor.u32 $0x80000000, v12;
	_ =	sdelay $0xa  }
0x3b1: {  	s2 =	spop (v2sf)  }
0x3b2: {  	s0 =	sadd.s32 s0, s2  }
0x3b3: {  	vm6 =	vmmov vm0;
	p1 =	slt.s32 s0, $0x1FF0  }
0x3b4: {  	vm5 =	vge.s32 v11, v10;
	vm6 =	vmneg @p1 vm6  }
0x3b5: {  	vm5 =	vmand vm5, vm6  }
0x3b6: {  	[tilespmem:s0+$0x18880] =	vst.msk vm5, v12;
	v11 =	vmpcnt.ones.xlane vm5  }
0x3b7: {  	v12 =	vld [tilespmem:s23+$0x30]  }
0x3b8: {  	(v2sf) =	vpush v11, $0x0;
	_ =	sdelay $0x3  }
0x3b9: {  	v11 =	vxor.u32 $0x80000000, v12;
	_ =	sdelay $0xa  }
0x3ba: {  	s2 =	spop (v2sf)  }
0x3bb: {  	s0 =	sadd.s32 s0, s2  }
0x3bc: {  	vm6 =	vmmov vm0;
	p1 =	slt.s32 s0, $0x1FF0  }
0x3bd: {  	vm5 =	vge.s32 v11, v10;
	vm6 =	vmneg @p1 vm6  }
0x3be: {  	vm5 =	vmand vm5, vm6  }
0x3bf: {  	[tilespmem:s0+$0x18880] =	vst.msk vm5, v12;
	v11 =	vmpcnt.ones.xlane vm5;
	_ =	sdelay $0x1  }
0x3c0: {  	(v2sf) =	vpush v11, $0x0;
	_ =	sdelay $0xa  }
.Ltmp25:
0x3c1: {  	s23 =	sadd.s32 $0x80, s23;
	(pc) =	sbr.rel @p0 .LBB2_40-.Ltmp25, $2  }
0x3c2: {  	v11 =	vld [tilespmem:s23+$0xFFFFFFC0];
	_ =	sdelay $0x2  }
0x3c3: {  	s2 =	spop (v2sf)  }
0x3c4: {  	s0 =	sadd.s32 s0, s2  }
0x3c5: {  	vm5 =	vmmov vm0;
	v12 =	vxor.u32 $0x80000000, v11;
	p0 =	slt.s32 s0, $0x1FF0  }
0x3c6: {  	vm6 =	vge.s32 v12, v10;
	vm5 =	vmneg @p0 vm5  }
0x3c7: {  	vm5 =	vmand vm5, vm6  }
0x3c8: {  	v50 =	vmpcnt.ones.xlane vm5;
	_ =	sdelay $0x1  }
0x3c9: {  	(v2sf) =	vpush v50, $0x0;
	_ =	sdelay $0xa  }
0x3ca: {  	[tilespmem:s0+$0x18880] =	vst.msk vm5, v11  }
0x3cb: {  	v11 =	vld [tilespmem:s23+$0xFFFFFFD0];
	_ =	sdelay $0x2  }
0x3cc: {  	s4 =	spop (v2sf)  }
0x3cd: {  	s0 =	sadd.s32 s0, s4  }
0x3ce: {  	vm5 =	vmmov vm0;
	v51 =	vxor.u32 $0x80000000, v11;
	p0 =	slt.s32 s0, $0x1FF0  }
0x3cf: {  	vm6 =	vge.s32 v51, v10;
	vm5 =	vmneg @p0 vm5  }
0x3d0: {  	vm5 =	vmand vm6, vm5  }
0x3d1: {  	v52 =	vmpcnt.ones.xlane vm5;
	_ =	sdelay $0x1  }
0x3d2: {  	(v2sf) =	vpush v52, $0x0;
	_ =	sdelay $0xa  }
0x3d3: {  	[tilespmem:s0+$0x18880] =	vst.msk vm5, v11  }
0x3d4: {  	v11 =	vld [tilespmem:s23+$0xFFFFFFE0];
	_ =	sdelay $0x2  }
0x3d5: {  	s17 =	spop (v2sf)  }
0x3d6: {  	s0 =	sadd.s32 s0, s17  }
0x3d7: {  	vm5 =	vmmov vm0;
	v53 =	vxor.u32 $0x80000000, v11;
	p0 =	slt.s32 s0, $0x1FF0  }
0x3d8: {  	vm6 =	vge.s32 v53, v10;
	vm5 =	vmneg @p0 vm5  }
0x3d9: {  	vm5 =	vmand vm6, vm5  }
0x3da: {  	v54 =	vmpcnt.ones.xlane vm5;
	_ =	sdelay $0x1  }
0x3db: {  	(v2sf) =	vpush v54, $0x0;
	_ =	sdelay $0xa  }
0x3dc: {  	[tilespmem:s0+$0x18880] =	vst.msk vm5, v11  }
0x3dd: {  	v11 =	vld [tilespmem:s23+$0xFFFFFFF0];
	_ =	sdelay $0x2  }
0x3de: {  	s18 =	spop (v2sf)  }
0x3df: {  	s0 =	sadd.s32 s0, s18  }
0x3e0: {  	vm5 =	vmmov vm0;
	v55 =	vxor.u32 $0x80000000, v11;
	p0 =	slt.s32 s0, $0x1FF0  }
0x3e1: {  	vm6 =	vge.s32 v55, v10;
	vm5 =	vmneg @p0 vm5  }
0x3e2: {  	vm5 =	vmand vm6, vm5  }
0x3e3: {  	v56 =	vmpcnt.ones.xlane vm5;
	_ =	sdelay $0x1  }
0x3e4: {  	(v2sf) =	vpush v56, $0x0;
	_ =	sdelay $0xa  }
0x3e5: {  	[tilespmem:s0+$0x18880] =	vst.msk vm5, v11  }
0x3e6: {  	v11 =	vld [tilespmem:s23+$0x0];
	_ =	sdelay $0x2  }
0x3e7: {  	s19 =	spop (v2sf)  }
0x3e8: {  	s0 =	sadd.s32 s0, s19  }
0x3e9: {  	vm5 =	vmmov vm0;
	v57 =	vxor.u32 $0x80000000, v11;
	p0 =	slt.s32 s0, $0x1FF0  }
0x3ea: {  	vm6 =	vge.s32 v57, v10;
	vm5 =	vmneg @p0 vm5  }
0x3eb: {  	vm5 =	vmand vm6, vm5  }
0x3ec: {  	v58 =	vmpcnt.ones.xlane vm5;
	_ =	sdelay $0x1  }
0x3ed: {  	(v2sf) =	vpush v58, $0x0;
	_ =	sdelay $0xa  }
0x3ee: {  	[tilespmem:s0+$0x18880] =	vst.msk vm5, v11  }
0x3ef: {  	v11 =	vld [tilespmem:s23+$0x10];
	_ =	sdelay $0x2  }
0x3f0: {  	s25 =	spop (v2sf)  }
0x3f1: {  	s0 =	sadd.s32 s0, s25  }
0x3f2: {  	vm5 =	vmmov vm0;
	v59 =	vxor.u32 $0x80000000, v11;
	p0 =	slt.s32 s0, $0x1FF0  }
0x3f3: {  	vm6 =	vge.s32 v59, v10;
	vm5 =	vmneg @p0 vm5  }
0x3f4: {  	vm5 =	vmand vm6, vm5  }
0x3f5: {  	v60 =	vmpcnt.ones.xlane vm5;
	_ =	sdelay $0x1  }
0x3f6: {  	(v2sf) =	vpush v60, $0x0;
	_ =	sdelay $0xa  }
0x3f7: {  	[tilespmem:s0+$0x18880] =	vst.msk vm5, v11  }
0x3f8: {  	v11 =	vld [tilespmem:s23+$0x20];
	_ =	sdelay $0x2  }
0x3f9: {  	s26 =	spop (v2sf)  }
0x3fa: {  	s0 =	sadd.s32 s0, s26  }
0x3fb: {  	vm5 =	vmmov vm0;
	v61 =	vxor.u32 $0x80000000, v11;
	p0 =	slt.s32 s0, $0x1FF0  }
0x3fc: {  	vm6 =	vge.s32 v61, v10;
	vm5 =	vmneg @p0 vm5  }
0x3fd: {  	vm5 =	vmand vm6, vm5  }
0x3fe: {  	v62 =	vmpcnt.ones.xlane vm5;
	_ =	sdelay $0x1  }
0x3ff: {  	(v2sf) =	vpush v62, $0x0;
	_ =	sdelay $0xa  }
0x400: {  	[tilespmem:s0+$0x18880] =	vst.msk vm5, v11  }
0x401: {  	v11 =	vld [tilespmem:s23+$0x30];
	_ =	sdelay $0x2  }
0x402: {  	s28 =	spop (v2sf)  }
0x403: {  	s0 =	sadd.s32 s0, s28  }
0x404: {  	vm5 =	vmmov vm0;
	v63 =	vxor.u32 $0x80000000, v11;
	p0 =	slt.s32 s0, $0x1FF0  }
0x405: {  	vm6 =	vge.s32 v63, v10;
	vm5 =	vmneg @p0 vm5  }
0x406: {  	vm5 =	vmand vm6, vm5  }
0x407: {  	v10 =	vmpcnt.ones.xlane vm5;
	_ =	sdelay $0x1  }
0x408: {  	(v2sf) =	vpush v10, $0x0;
	_ =	sdelay $0xe  }
0x409: {  	s30 =	spop (v2sf)  }
0x40a: {  	s2 =	sadd.s32 s0, s30  }
0x40b: {  	s4 =	sadd.s32 $0xF, s2  }
0x40c: {  	s17 =	sand.u32 $0xF, s4  }
0x40d: {  	s31 =	sshra.s32 s4, $0x1F;
	p1 =	slt.s32 s4, $0x1;
	p6 =	sne.s32 s17, $0x0  }
.Ltmp26:
0x40e: {  	s17 =	sshrl.u32 s31, $0x1C;
	p0 =	por !p1, !p6;
	(pc) =	sbr.rel .LBB2_42-.Ltmp26, $4  }
0x40f: {  	s4 =	sadd.s32 s17, s4;
	s17 =	simm.s32 $0x1;
	p0 =	por !p0, !p0  }
0x410: {  	s4 =	sshra.s32 s4, $0x4;
	s17 =	simm.s32 @!p0 $0x0  }
0x411: {  	[tilespmem:s0+$0x18880] =	vst.msk vm5, v11;
	s29 =	ssub.s32 s4, s17  }
0x412: {  	s23 =	simm.s32 $0x0;
	s0 =	simm.s32 $0x0;
	[tilespmem:s2+$0x18880] =	vst v2;
	p0 =	slt.s32 s29, $0x1  }
.LBB2_43:
0x413: {  	v10 =	vimm.s32 $0x0  }
.LBB2_47:
0x414: {  	(v2sf) =	vpush v10, $0x0;
	_ =	sdelay $0xa  }
0x415: {  	s0 =	sadd.s32 $0x1, s0  }
0x416: {  	p2 =	sne.s32 s0, $0x20  }
.Ltmp27:
0x417: {  	_ = 	snop;
	(pc) =	sbr.rel @!p2 .LBB2_48-.Ltmp27, $4  }
0x418: {  	_ = 	snop  }
0x419: {  	s4 =	spop (v2sf)  }
0x41a: {  	p1 =	sgt.s32 s4, $0x3F  }
0x41b: {  	s23 =	smov.u32 @p1 s2  }
.LBB2_42:
.Ltmp28:
0x41c: {  	(pc) =	sbr.rel @p0 .LBB2_43-.Ltmp28, $3  }
0x41d: {  	_ =	sdelay $0x1  }
0x41e: {  	s2 =	sshrl.u32 s16, s0  }
0x41f: {  	s2 =	sor.u32 s2, s23  }
0x420: {  	s4 =	simm.s32 $0x18880  }
0x421: {  	p1 =	sne.s32 s29, $0x1;
	v12 =	vld [tilespmem:s4+$0x0]  }
.Ltmp29:
0x422: {  	_ = 	snop;
	(pc) =	sbr.rel @!p1 .LBB2_46-.Ltmp29, $3  }
0x423: {  	_ =	sdelay $0x1  }
0x424: {  	s31 =	sxor.u32 $0x80000000, s2  }
0x425: {  	v10 =	vimm.s32 $0x0;
	s17 =	sadd.s32 $0xFFFFFFFF, s29;
	s18 =	simm.s32 $0x18890;
	v11 =	vmov s31;
	v12 =	vxor.u32 $0x80000000, v12  }
.LBB2_45:
0x426: {  	v13 =	vld [tilespmem:s18+$0x0];
	p1 =	sne.s32 s17, $0x1;
	s17 =	sadd.s32 $0xFFFFFFFF, s17;
	vm5 =	vge.s32 v12, v11  }
.Ltmp30:
0x427: {  	v12 =	vmpcnt.ones.xlane vm5;
	(pc) =	sbr.rel @p1 .LBB2_45-.Ltmp30, $3  }
0x428: {  	_ = 	snop  }
0x429: {  	v10 =	vadd.s32 v10, v12;
	_ =	sdelay $0x1  }
0x42a: {  	s18 =	sadd.s32 $0x10, s18;
	v12 =	vxor.u32 $0x80000000, v13  }
.LBB2_46:
.Ltmp31:
0x42b: {  	(pc) =	sbr.rel .LBB2_47-.Ltmp31, $3  }
0x42c: {  	vm5 =	vge.s32 v12, v11  }
0x42d: {  	v11 =	vmpcnt.ones.xlane vm5;
	_ =	sdelay $0x1  }
0x42e: {  	v10 =	vadd.s32 v10, v11  }
.LBB2_48:
0x42f: {  	s0 =	sxor.u32 $0xFFFFFFFF, s22;
	p1 =	slt.s32 s22, $0x0  }
0x430: {  	s0 =	smov.u32 @p1 s21  }
0x431: {  	s0 =	ssub.f32 s0, s24;
	_ =	sdelay $0x1  }
0x432: {  	v10 =	vmov s0  }
0x433: {  	v10 =	vmul.f32 $1.442695020e+00, v10  }
0x434: {  	(xrf2) =	vadd.scan.msk.f32 $0xffff, v9  }
0x435: {  	v62 =	vbroadcast v10, $0x0;
	_ =	sdelay $0x1  }
0x436: {  	(erf) = vpow2.f32 v62;
	_ =	sdelay $0x6  }
0x437: {  	v63, _, _ =	vpop (xrf2)  }
0x438: {  	(v2sf) =	vpush v63, $0xF  }
0x439: {  	(v2sf) =	vpush v8, $0x0;
	v8 =	vpop (erf)  }
0x43a: {  	(v2sf) =	vpush v8, $0x0;
	_ =	sdelay $0xa  }
.Ltmp32:
0x43b: {  	_ = 	snop;
	(pc) =	sbr.rel @p0 .LBB2_49-.Ltmp32, $4  }
0x43c: {  	_ = 	snop  }
0x43d: {  	s24 =	spop (v2sf)  }
0x43e: {  	s28 =	spop (v2sf)  }
0x43f: {  	s22 =	sxor.u32 $0x80000000, s23;
	s26 =	spop (v2sf)  }
0x440: {  	s0 =	simm.s32 $0x18880  }
0x441: {  	p3 =	sne.s32 s29, $0x1;
	v9 =	vld [tilespmem:s0+$0x0]  }
.Ltmp33:
0x442: {  	_ = 	snop;
	(pc) =	sbr.rel @!p3 .LBB2_52-.Ltmp33, $2  }
0x443: {  	_ =	sdelay $0x2  }
0x444: {  	v8 =	vimm.f32 $-3.399999950e+38;
	s2 =	sadd.s32 $0xFFFFFFFF, s29;
	s17 =	simm.s32 $0x18890;
	vm5 =	vlt.s32 v9, $0x0  }
.LBB2_51:
0x445: {  	v10 =	vld [tilespmem:s17+$0x0];
	p0 =	sne.s32 s2, $0x1;
	s2 =	sadd.s32 $0xFFFFFFFF, s2;
	v11 =	vsel vm5, $0x0, v6  }
.Ltmp34:
0x446: {  	v11 =	vxor.u32 v11, v9;
	(pc) =	sbr.rel @p0 .LBB2_51-.Ltmp34, $4  }
0x447: {  	vm5 =	veq.s32 v9, $0x0;
	v9 =	vxor.u32 $0x80000000, v11  }
0x448: {  	v11 =	vsel vm5, $0xFF7FC99E, v9  }
0x449: {  	v8 =	vmax.f32 v8, v11  }
0x44a: {  	s17 =	sadd.s32 $0x10, s17;
	vm5 =	vlt.s32 v10, $0x0;
	v9 =	vmov v10  }
.LBB2_52:
0x44b: {  	v10 =	vsel vm5, $0x0, v6  }
0x44c: {  	v10 =	vxor.u32 v10, v9  }
0x44d: {  	vm5 =	veq.s32 v9, $0x0;
	v9 =	vxor.u32 $0x80000000, v10  }
0x44e: {  	v9 =	vsel vm5, $0xFF7FC99E, v9  }
0x44f: {  	v8 =	vmax.f32 v8, v9  }
0x450: {  	(xrf0) =	vmax.scan.msk.f32 $0xffff, v8;
	_ =	sdelay $0x5  }
0x451: {  	v8, _, _ =	vpop (xrf0)  }
0x452: {  	(v2sf) =	vpush v8, $0xF;
	_ =	sdelay $0x9  }
0x453: {  	v19 =	vld [tilespmem:s0+$0x0]  }
.Ltmp35:
0x454: {  	_ = 	snop;
	(pc) =	sbr.rel @!p3 .LBB2_53-.Ltmp35, $3  }
0x455: {  	_ =	sdelay $0x1  }
0x456: {  	s0 =	sadd.s32 $0xFFFFFFFF, s29;
	s2 =	simm.s32 $0x18890;
	v11 =	vimm.f32 $0.0e+00;
	p0 =	por $0x0, $0x0;
	v10 =	vmov s22  }
0x457: {  	p1 =	por $0x0, $0x0;
	p2 =	por $0x0, $0x0;
	v9 =	vimm.s32 $0x0;
	vm5 =	vlt.s32 v19, $0x0;
	v12 =	vbroadcast v8, $0xF;
	s25 =	spop (v2sf)  }
0x458: {  	v16 =	vld [tilespmem:s2+$0x0];
	p3 =	sne.s32 s0, $0x1  }
.Ltmp36:
0x459: {  	v13 =	vxor.u32 $0x80000000, v19;
	v14 =	vsel vm5, $0x0, v6;
	(pc) =	sbr.rel @!p3 .LBB2_55-.Ltmp36, $3  }
0x45a: {  	v14 =	vxor.u32 v13, v14  }
0x45b: {  	v14 =	vsub.f32 v14, v12;
	_ =	sdelay $0x1  }
0x45c: {  	s0 =	sadd.s32 $0xFFFFFFFF, s0;
	s2 =	simm.s32 $0x188A0;
	p0 =	por $0x1, $0x1;
	v15 =	vmul.f32 $1.442695020e+00, v14;
	vm5 =	vlt.s32 v16, $0x0  }
0x45d: {  	v19 =	vld [tilespmem:s2+$0x0];
	p3 =	sne.s32 s0, $0x1  }
.Ltmp37:
0x45e: {  	v14 =	vxor.u32 $0x80000000, v16;
	v16 =	vsel vm5, $0x0, v6;
	(pc) =	sbr.rel @!p3 .LBB2_57-.Ltmp37, $3  }
0x45f: {  	v16 =	vxor.u32 v14, v16  }
0x460: {  	v16 =	vsub.f32 v16, v12;
	_ =	sdelay $0x1  }
0x461: {  	s0 =	sadd.s32 $0xFFFFFFFF, s0;
	s2 =	simm.s32 $0x188B0;
	p1 =	por $0x1, $0x1;
	(erf) = vpow2.f32 v15;
	v15 =	vmul.f32 $1.442695020e+00, v16;
	vm5 =	vlt.s32 v19, $0x0  }
0x462: {  	_ =	sdelay $0x4  }
0x463: {  	v21 =	vld [tilespmem:s2+$0x0];
	v20 =	vxor.u32 $0x80000000, v19;
	v16 =	vsel vm5, $0x0, v6;
	p3 =	sne.s32 s0, $0x1;
	(erf) = vpow2.f32 v15  }
.Ltmp38:
0x464: {  	v16 =	vxor.u32 v20, v16;
	(pc) =	sbr.rel @!p3 .LBB2_59-.Ltmp38, $4  }
0x465: {  	v16 =	vsub.f32 v16, v12  }
0x466: {  	vm5 =	vge.s32 v13, v10;
	v17 =	vpop (erf)  }
0x467: {  	v15 =	vmul.f32 $1.442695020e+00, v16;
	v16 =	vmpcnt.ones.xlane vm5;
	v17 =	vnsel vm5, $0x0, v17  }
0x468: {  	s0 =	sadd.s32 $0xFFFFFFFF, s0;
	s2 =	simm.s32 $0x188C0;
	p2 =	por $0x1, $0x1;
	vm5 =	vlt.s32 v21, $0x0;
	v18 =	vadd.f32 v17, v11;
	v17 =	vimm.s32 $0x0  }
.LBB2_60:
0x469: {  	p3 =	sne.s32 s0, $0x1;
	s0 =	sadd.s32 $0xFFFFFFFF, s0;
	v19 =	vxor.u32 $0x80000000, v21;
	v21 =	vld [tilespmem:s2+$0x0];
	v22 =	vsel vm5, $0x0, v6;
	(erf) = vpow2.f32 v15  }
.Ltmp39:
0x46a: {  	v17 =	vadd.s32 v17, v16;
	v15 =	vxor.u32 v19, v22;
	(pc) =	sbr.rel @p3 .LBB2_60-.Ltmp39, $4  }
0x46b: {  	v15 =	vsub.f32 v15, v12  }
0x46c: {  	vm5 =	vge.s32 v14, v10;
	v14 =	vmov v20;
	v20 =	vmov v19;
	v16 =	vpop (erf)  }
0x46d: {  	v15 =	vmul.f32 $1.442695020e+00, v15;
	v19 =	vnsel vm5, $0x0, v16;
	v16 =	vmpcnt.ones.xlane vm5  }
0x46e: {  	s2 =	sadd.s32 $0x10, s2;
	vm5 =	vlt.s32 v21, $0x0;
	v18 =	vadd.f32 v19, v18  }
0x46f: {  	v22 =	vmov v14;
	v19 =	vmov v21;
	v14 =	vmov v20  }
.LBB2_62:
0x470: {  	v19 =	vxor.u32 $0x80000000, v19;
	v20 =	vsel vm5, $0x0, v6  }
0x471: {  	v20 =	vxor.u32 v19, v20  }
0x472: {  	(erf) = vpow2.f32 @p0 v15;
	v12 =	vsub.f32 v20, v12;
	_ =	sdelay $0x1  }
0x473: {  	v12 =	vmul.f32 $1.442695020e+00, v12;
	_ =	sdelay $0x2  }
0x474: {  	(erf) = vpow2.f32 v12  }
0x475: {  	vm5 =	vge.s32 @p1 v22, v10;
	v13 =	vpsel p0, v14, v13;
	v12 =	vpop @p1 (erf)  }
0x476: {  	v15 =	vmpcnt.ones.xlane @p1 vm5;
	v12 =	vnsel @p1 vm5, $0x0, v12  }
0x477: {  	v16 =	vadd.s32 @p2 v17, v16;
	vm5 =	vge.s32 @p0 v13, v10;
	v12 =	vadd.f32 @p1 v12, v18  }
0x478: {  	v14 =	vpsel p1, v15, v0;
	v15 =	vpsel p2, v16, v9;
	v13 =	vpop @p0 (erf);
	v16 =	vmpcnt.ones.xlane @p0 vm5  }
0x479: {  	v13 =	vnsel @p0 vm5, $0x0, v13;
	v12 =	vpsel p1, v12, v11  }
0x47a: {  	v12 =	vadd.f32 @p0 v13, v12;
	v13 =	vpsel p0, v16, v0  }
.Ltmp40:
0x47b: {  	v14 =	vadd.s32 @p1 v15, v14;
	(pc) =	sbr.rel .LBB2_63-.Ltmp40, $4  }
0x47c: {  	v14 =	vpsel p1, v14, v9;
	vm5 =	vge.s32 v19, v10  }
0x47d: {  	v10 =	vadd.s32 @p0 v14, v13;
	v14 =	vmpcnt.ones.xlane vm5;
	v13 =	vpop (erf)  }
0x47e: {  	v11 =	vpsel p0, v12, v11;
	v9 =	vpsel p0, v10, v9;
	v12 =	vnsel vm5, $0x0, v13  }
0x47f: {  	v13 =	vadd.f32 v12, v11;
	v12 =	vadd.s32 v9, v14  }
.LBB2_49:
0x480: {  	v12 =	vimm.s32 $0x0;
	v13 =	vimm.f32 $0.0e+00;
	s25 =	smov.u32 s11;
	v8 =	vmov v0  }
.LBB2_63:
0x481: {  	[tilespmem:s1], [sflag:$0x1] =	stream.strided.gather [hbm4b:s5+s12], $0x8000, s13, s12, $0x38;
	[tilespmem:$0x1AA80] =	vst v63  }
0x482: {  	_ =	swait.ge [sflag:s15], $0x8000  }
0x483: {  	s0 =	sadd.s32 $0xFFFFFFC0, s28;
	[sflag:s15] =	ssyncset.done $0x0  }
0x484: {  	s2 =	scvt.s32.f32 s0;
	s0 =	simm.s32 $0x10040;
	[sflag:s15] =	ssyncadd.s32 $0xFFFF8000  }
0x485: {  	[tilespmem:s0+$0xFFFFFFC0] =	vst v2  }
0x486: {  	s2 =	smul.f32 s2, s26;
	[tilespmem:s0+$0x30] =	vst v2  }
0x487: {  	[tilespmem:s0+$0x20] =	vst v2  }
0x488: {  	[tilespmem:s0+$0x10] =	vst v2;
	s2 =	ssub.f32 s24, s2  }
0x489: {  	v7 =	vbroadcast v7, $0xF;
	v10 =	vmov s21;
	[tilespmem:s0+$0x0] =	vst v2  }
0x48a: {  	vm5 =	vmmov $0x1;
	vm6 =	veq.s32 v1, $0x0;
	[tilespmem:s0+$0xFFFFFFF0] =	vst v2;
	v11 =	vmov s2  }
0x48b: {  	v10 =	vnsel vm1, $0x0, v10;
	v9 =	vnsel vm5, $0x0, v7;
	[tilespmem:s0+$0xFFFFFFE0] =	vst v2;
	s2 =	simm.s32 $0x0;
	v11 =	vnsel vm6, $0x0, v11  }
.LBB2_64:
0x48c: {  	s2 =	sadd.s32 $0x8, s2;
	[tilespmem:s0+$0xFFFFFFD0] =	vst v2;
	s0 =	sadd.s32 $0x80, s0  }
0x48d: {  	[tilespmem:s0+$0xFFFFFFC0] =	vst v2;
	p0 =	slt.u32 s2, $0x7F8  }
0x48e: {  	[tilespmem:s0+$0x30] =	vst v2  }
.Ltmp41:
0x48f: {  	[tilespmem:s0+$0x20] =	vst v2;
	(pc) =	sbr.rel @p0 .LBB2_64-.Ltmp41, $4  }
0x490: {  	[tilespmem:s0+$0x10] =	vst v2  }
0x491: {  	[tilespmem:s0+$0x0] =	vst v2  }
0x492: {  	[tilespmem:s0+$0xFFFFFFF0] =	vst v2  }
0x493: {  	[tilespmem:s0+$0xFFFFFFE0] =	vst v2  }
0x494: {  	[tilespmem:s0+$0xFFFFFFD0] =	vst v2  }
0x495: {  	[tilespmem:$0x18000] =	vst v2  }
0x496: {  	s0 =	simm.s32 $0xFFFFFFF8;
	s24 =	simm.s32 $0x40;
	s26 =	simm.s32 $0x8040;
	[tilespmem:$0x18010] =	vst v2  }
.LBB2_66:
0x497: {  	v7 =	vld [tilespmem:s24+$0xFFFFFFC0];
	_ =	sdelay $0x4  }
0x498: {  	v14 =	vshra.s32 v7, $0x1F  }
0x499: {  	v14 =	vor.u32 $0x80000000, v14  }
0x49a: {  	v7 =	vxor.u32 v7, v14  }
0x49b: {  	v14 =	vshrl.u32 v7, $0x15  }
0x49c: {  	v14 =	vadd.s32 v3, v14;
	_ =	sdelay $0x3  }
0x49d: {  	[tilespmem:s26+$0xFFFFFFC0] =	vst v7  }
0x49e: {  	[tilespmem:v14+s14+$0x0] =	vst.idx.add.s32.msk $0xffff, v4  }
0x49f: {  	v7 =	vld [tilespmem:s24+$0xFFFFFFD0];
	_ =	sdelay $0x4  }
0x4a0: {  	v14 =	vshra.s32 v7, $0x1F  }
0x4a1: {  	v14 =	vor.u32 $0x80000000, v14  }
0x4a2: {  	v7 =	vxor.u32 v7, v14  }
0x4a3: {  	v14 =	vshrl.u32 v7, $0x15  }
0x4a4: {  	v14 =	vadd.s32 v3, v14;
	_ =	sdelay $0x3  }
0x4a5: {  	[tilespmem:s26+$0xFFFFFFD0] =	vst v7  }
0x4a6: {  	[tilespmem:v14+s14+$0x0] =	vst.idx.add.s32.msk $0xffff, v4  }
0x4a7: {  	v7 =	vld [tilespmem:s24+$0xFFFFFFE0];
	_ =	sdelay $0x4  }
0x4a8: {  	v14 =	vshra.s32 v7, $0x1F  }
0x4a9: {  	v14 =	vor.u32 $0x80000000, v14  }
0x4aa: {  	v7 =	vxor.u32 v7, v14  }
0x4ab: {  	v14 =	vshrl.u32 v7, $0x15  }
0x4ac: {  	v14 =	vadd.s32 v3, v14;
	_ =	sdelay $0x3  }
0x4ad: {  	[tilespmem:s26+$0xFFFFFFE0] =	vst v7  }
0x4ae: {  	[tilespmem:v14+s14+$0x0] =	vst.idx.add.s32.msk $0xffff, v4  }
0x4af: {  	v7 =	vld [tilespmem:s24+$0xFFFFFFF0];
	_ =	sdelay $0x4  }
0x4b0: {  	v14 =	vshra.s32 v7, $0x1F  }
0x4b1: {  	v14 =	vor.u32 $0x80000000, v14  }
0x4b2: {  	v7 =	vxor.u32 v7, v14  }
0x4b3: {  	v14 =	vshrl.u32 v7, $0x15  }
0x4b4: {  	v14 =	vadd.s32 v3, v14;
	_ =	sdelay $0x3  }
0x4b5: {  	[tilespmem:s26+$0xFFFFFFF0] =	vst v7  }
0x4b6: {  	[tilespmem:v14+s14+$0x0] =	vst.idx.add.s32.msk $0xffff, v4  }
0x4b7: {  	v7 =	vld [tilespmem:s24+$0x0];
	_ =	sdelay $0x4  }
0x4b8: {  	v14 =	vshra.s32 v7, $0x1F  }
0x4b9: {  	v14 =	vor.u32 $0x80000000, v14  }
0x4ba: {  	v7 =	vxor.u32 v7, v14  }
0x4bb: {  	v14 =	vshrl.u32 v7, $0x15  }
0x4bc: {  	v14 =	vadd.s32 v3, v14;
	_ =	sdelay $0x3  }
0x4bd: {  	[tilespmem:s26+$0x0] =	vst v7  }
0x4be: {  	[tilespmem:v14+s14+$0x0] =	vst.idx.add.s32.msk $0xffff, v4  }
0x4bf: {  	v7 =	vld [tilespmem:s24+$0x10];
	_ =	sdelay $0x4  }
0x4c0: {  	v14 =	vshra.s32 v7, $0x1F  }
0x4c1: {  	v14 =	vor.u32 $0x80000000, v14  }
0x4c2: {  	v7 =	vxor.u32 v7, v14  }
0x4c3: {  	v14 =	vshrl.u32 v7, $0x15  }
0x4c4: {  	v14 =	vadd.s32 v3, v14;
	_ =	sdelay $0x3  }
0x4c5: {  	[tilespmem:s26+$0x10] =	vst v7  }
0x4c6: {  	[tilespmem:v14+s14+$0x0] =	vst.idx.add.s32.msk $0xffff, v4  }
0x4c7: {  	v7 =	vld [tilespmem:s24+$0x20];
	_ =	sdelay $0x4  }
0x4c8: {  	v14 =	vshra.s32 v7, $0x1F  }
0x4c9: {  	v14 =	vor.u32 $0x80000000, v14  }
0x4ca: {  	v7 =	vxor.u32 v7, v14  }
0x4cb: {  	v14 =	vshrl.u32 v7, $0x15  }
0x4cc: {  	v14 =	vadd.s32 v3, v14;
	_ =	sdelay $0x3  }
0x4cd: {  	[tilespmem:s26+$0x20] =	vst v7  }
0x4ce: {  	[tilespmem:v14+s14+$0x0] =	vst.idx.add.s32.msk $0xffff, v4  }
0x4cf: {  	v7 =	vld [tilespmem:s24+$0x30];
	_ =	sdelay $0x4  }
0x4d0: {  	v14 =	vshra.s32 v7, $0x1F  }
0x4d1: {  	v14 =	vor.u32 $0x80000000, v14  }
0x4d2: {  	v7 =	vxor.u32 v7, v14  }
0x4d3: {  	s0 =	sadd.s32 $0x8, s0;
	v14 =	vshrl.u32 v7, $0x15  }
0x4d4: {  	p0 =	slt.u32 s0, $0x7F8;
	v14 =	vadd.s32 v3, v14  }
.Ltmp42:
0x4d5: {  	_ = 	snop;
	(pc) =	sbr.rel @p0 .LBB2_66-.Ltmp42, $3  }
0x4d6: {  	_ =	sdelay $0x1  }
0x4d7: {  	[tilespmem:s26+$0x30] =	vst v7  }
0x4d8: {  	s21 =	simm.s32 $0x0;
	s24 =	sadd.s32 $0x80, s24;
	s26 =	sadd.s32 $0x80, s26;
	[tilespmem:v14+s14+$0x0] =	vst.idx.add.s32.msk $0xffff, v4  }
0x4d9: {  	s24 =	simm.s32 $0x0  }
0x4da: {  	v7 =	vld [tilespmem:s24+$0x10010]  }
0x4db: {  	v14 =	vld [tilespmem:s24+$0x10811]  }
0x4dc: {  	v15 =	vld [tilespmem:s24+$0x11012]  }
0x4dd: {  	v16 =	vld [tilespmem:s24+$0x11813]  }
0x4de: {  	v17 =	vld [tilespmem:s24+$0x12014]  }
0x4df: {  	v18 =	vld [tilespmem:s24+$0x12815]  }
0x4e0: {  	v19 =	vld [tilespmem:s24+$0x13016]  }
0x4e1: {  	v7 =	vadd.s32 v7, v14;
	v14 =	vld [tilespmem:s24+$0x13817]  }
0x4e2: {  	v7 =	vadd.s32 v15, v7;
	v15 =	vld [tilespmem:s24+$0x14018]  }
0x4e3: {  	v7 =	vadd.s32 v16, v7;
	v16 =	vld [tilespmem:s24+$0x14819]  }
0x4e4: {  	v7 =	vadd.s32 v17, v7;
	v17 =	vld [tilespmem:s24+$0x1501A]  }
0x4e5: {  	v7 =	vadd.s32 v18, v7;
	v18 =	vld [tilespmem:s24+$0x1581B]  }
0x4e6: {  	v7 =	vadd.s32 v19, v7;
	v19 =	vld [tilespmem:s24+$0x1601C]  }
0x4e7: {  	v7 =	vadd.s32 v14, v7;
	v14 =	vld [tilespmem:s24+$0x1681D]  }
0x4e8: {  	v7 =	vadd.s32 v15, v7;
	v15 =	vld [tilespmem:s24+$0x1701E]  }
0x4e9: {  	v7 =	vadd.s32 v16, v7;
	v16 =	vld [tilespmem:s24+$0x1781F]  }
0x4ea: {  	v7 =	vadd.s32 v17, v7;
	v17 =	vld [tilespmem:s24+$0x10000]  }
0x4eb: {  	v7 =	vadd.s32 v18, v7;
	v18 =	vld [tilespmem:s24+$0x10801]  }
0x4ec: {  	v7 =	vadd.s32 v19, v7;
	v19 =	vld [tilespmem:s24+$0x11002]  }
0x4ed: {  	v7 =	vadd.s32 v14, v7;
	v14 =	vld [tilespmem:s24+$0x11803]  }
0x4ee: {  	v7 =	vadd.s32 v15, v7;
	v15 =	vld [tilespmem:s24+$0x12004]  }
0x4ef: {  	v7 =	vadd.s32 v16, v7;
	v16 =	vld [tilespmem:s24+$0x12805]  }
0x4f0: {  	[tilespmem:s24+$0x18090] =	vst v7;
	v7 =	vadd.s32 v17, v18;
	v17 =	vld [tilespmem:s24+$0x13006]  }
0x4f1: {  	v18 =	vld [tilespmem:s24+$0x13807];
	v7 =	vadd.s32 v19, v7  }
0x4f2: {  	v19 =	vld [tilespmem:s24+$0x14008];
	v7 =	vadd.s32 v14, v7  }
0x4f3: {  	v20 =	vld [tilespmem:s24+$0x14809];
	v7 =	vadd.s32 v15, v7  }
0x4f4: {  	v7 =	vadd.s32 v16, v7;
	v16 =	vld [tilespmem:s24+$0x1500A]  }
0x4f5: {  	v14 =	vadd.s32 v17, v7;
	v7 =	vld [tilespmem:s24+$0x1580B]  }
0x4f6: {  	v15 =	vadd.s32 v18, v14;
	v14 =	vld [tilespmem:s24+$0x1600C]  }
0x4f7: {  	v17 =	vadd.s32 v19, v15;
	v15 =	vld [tilespmem:s24+$0x1680D]  }
0x4f8: {  	s28 =	simm.s32 $0x0;
	s29 =	simm.s32 $0x80;
	v18 =	vadd.s32 v20, v17;
	v17 =	vld [tilespmem:s24+$0x1700E]  }
.LBB2_68:
0x4f9: {  	s0 =	sshra.s32 s29, $0x2;
	v16 =	vadd.s32 v16, v18;
	v18 =	vld [tilespmem:s24+$0x1780F]  }
0x4fa: {  	s28 =	sadd.s32 $0x2, s28;
	v19 =	vld [tilespmem:s0+$0x10010];
	v7 =	vadd.s32 v7, v16  }
0x4fb: {  	p0 =	slt.u32 s28, $0x7E;
	v16 =	vld [tilespmem:s0+$0x10811];
	v7 =	vadd.s32 v14, v7  }
0x4fc: {  	v14 =	vld [tilespmem:s0+$0x11012];
	v7 =	vadd.s32 v15, v7  }
0x4fd: {  	v15 =	vld [tilespmem:s0+$0x11813];
	v7 =	vadd.s32 v17, v7  }
0x4fe: {  	v17 =	vld [tilespmem:s0+$0x12014];
	v7 =	vadd.s32 v18, v7  }
0x4ff: {  	v18 =	vld [tilespmem:s0+$0x12815];
	[tilespmem:s24+$0x18080] =	vst v7;
	s24 =	smov.u32 s0  }
0x500: {  	v7 =	vadd.s32 v19, v16;
	v16 =	vld [tilespmem:s24+$0x13016]  }
0x501: {  	v7 =	vadd.s32 v14, v7;
	v14 =	vld [tilespmem:s24+$0x13817]  }
0x502: {  	v7 =	vadd.s32 v15, v7;
	v15 =	vld [tilespmem:s24+$0x14018]  }
0x503: {  	v7 =	vadd.s32 v17, v7;
	v17 =	vld [tilespmem:s24+$0x14819]  }
0x504: {  	v7 =	vadd.s32 v18, v7;
	v18 =	vld [tilespmem:s24+$0x1501A]  }
0x505: {  	v7 =	vadd.s32 v16, v7;
	v16 =	vld [tilespmem:s24+$0x1581B]  }
0x506: {  	v7 =	vadd.s32 v14, v7;
	v14 =	vld [tilespmem:s24+$0x1601C]  }
0x507: {  	v7 =	vadd.s32 v15, v7;
	v15 =	vld [tilespmem:s24+$0x1681D]  }
0x508: {  	v7 =	vadd.s32 v17, v7;
	v17 =	vld [tilespmem:s24+$0x1701E]  }
0x509: {  	v7 =	vadd.s32 v18, v7;
	v18 =	vld [tilespmem:s24+$0x1781F]  }
0x50a: {  	v19 =	vld [tilespmem:s24+$0x10000];
	v7 =	vadd.s32 v16, v7  }
0x50b: {  	v16 =	vld [tilespmem:s24+$0x10801];
	v7 =	vadd.s32 v14, v7  }
0x50c: {  	v14 =	vld [tilespmem:s24+$0x11002];
	v7 =	vadd.s32 v15, v7  }
0x50d: {  	v15 =	vld [tilespmem:s24+$0x11803];
	v7 =	vadd.s32 v17, v7  }
0x50e: {  	v17 =	vld [tilespmem:s24+$0x12004];
	v7 =	vadd.s32 v18, v7  }
0x50f: {  	s26 =	simm.s32 $0x7F;
	s0 =	simm.s32 $0x18870;
	v18 =	vld [tilespmem:s24+$0x12805];
	[tilespmem:s24+$0x18090] =	vst v7  }
0x510: {  	v7 =	vadd.s32 v19, v16;
	v19 =	vld [tilespmem:s24+$0x13006]  }
0x511: {  	v7 =	vadd.s32 v14, v7;
	v14 =	vld [tilespmem:s24+$0x13807]  }
0x512: {  	v7 =	vadd.s32 v15, v7;
	v15 =	vld [tilespmem:s24+$0x14008]  }
0x513: {  	v7 =	vadd.s32 v17, v7;
	v17 =	vld [tilespmem:s24+$0x14809]  }
.Ltmp43:
0x514: {  	v7 =	vadd.s32 v18, v7;
	v16 =	vld [tilespmem:s24+$0x1500A];
	(pc) =	sbr.rel @p0 .LBB2_68-.Ltmp43, $4  }
0x515: {  	v18 =	vadd.s32 v19, v7;
	v7 =	vld [tilespmem:s24+$0x1580B]  }
0x516: {  	v18 =	vadd.s32 v14, v18;
	v14 =	vld [tilespmem:s24+$0x1600C]  }
0x517: {  	v18 =	vadd.s32 v15, v18;
	v15 =	vld [tilespmem:s24+$0x1680D]  }
0x518: {  	s29 =	sadd.s32 $0x80, s29;
	v18 =	vadd.s32 v17, v18;
	v17 =	vld [tilespmem:s24+$0x1700E]  }
0x519: {  	v16 =	vadd.s32 v16, v18;
	v63 =	vld [tilespmem:s24+$0x1780F]  }
0x51a: {  	v7 =	vadd.s32 v7, v16  }
0x51b: {  	v7 =	vadd.s32 v14, v7  }
0x51c: {  	v7 =	vadd.s32 v15, v7  }
0x51d: {  	v7 =	vadd.s32 v17, v7  }
0x51e: {  	v7 =	vadd.s32 v63, v7  }
0x51f: {  	[tilespmem:s24+$0x18080] =	vst v7  }
0x520: {  	v7 =	vld [tilespmem:s0+$0x0];
	_ =	sdelay $0x4  }
0x521: {  	(xrf0) =	vadd.scan.msk.s32 $0xffff, v7;
	_ =	sdelay $0x5  }
0x522: {  	v7, _, _ =	vpop (xrf0)  }
0x523: {  	(v2sf) =	vpush v7, $0xF;
	_ =	sdelay $0x1  }
0x524: {  	s4 =	simm.s32 $0x18860  }
0x525: {  	v7 =	vld [tilespmem:s4+$0x0]  }
0x526: {  	s17 =	simm.s32 $0x18850  }
0x527: {  	v14 =	vld [tilespmem:s17+$0x0];
	_ =	sdelay $0x2  }
0x528: {  	(xrf0) =	vadd.scan.msk.s32 $0xffff, v7;
	_ =	sdelay $0x1  }
0x529: {  	(xrf0) =	vadd.scan.msk.s32 $0xffff, v14;
	_ =	sdelay $0x2  }
0x52a: {  	s18 =	simm.s32 $0x18840  }
0x52b: {  	v15 =	vld [tilespmem:s18+$0x0];
	v14, _, _ =	vpop (xrf0)  }
0x52c: {  	s24 =	spop (v2sf);
	(v2sf) =	vpush v14, $0xF  }
0x52d: {  	v14, _, _ =	vpop (xrf0)  }
0x52e: {  	(v2sf) =	vpush v14, $0xF;
	_ =	sdelay $0x1  }
0x52f: {  	s19 =	simm.s32 $0x18830;
	(xrf0) =	vadd.scan.msk.s32 $0xffff, v15  }
0x530: {  	v7 =	vld [tilespmem:s19+$0x0];
	_ =	sdelay $0x1  }
0x531: {  	s2 =	simm.s32 $0x7E;
	s30 =	simm.s32 $0x7D  }
0x532: {  	s31 =	simm.s32 $0x7C;
	s28 =	simm.s32 $0x7B;
	p1 =	por $0x1, $0x1  }
0x533: {  	s29 =	simm.s32 $0x0;
	s17 =	simm.s32 $0x7A;
	s24 =	sadd.s32 $0x0, s24  }
0x534: {  	s18 =	simm.s32 $0x18820;
	s0 =	simm.s32 $0x0;
	(xrf0) =	vadd.scan.msk.s32 $0xffff, v7;
	v7, _, _ =	vpop (xrf0);
	p2 =	sgt.s32 s24, $0x3F  }
.LBB2_70:
0x535: {  	p0 =	sne.s32 s17, $0x0;
	p1 =	por !p1, !p2;
	s4 =	smov.u32 s17  }
0x536: {  	v14 =	vld [tilespmem:s18+$0x0];
	(v2sf) =	vpush v7, $0xF;
	s17 =	sadd.s32 $0xFFFFFFFF, s17;
	s19 =	smov.u32 s0;
	s0 =	smov.u32 s24  }
.Ltmp44:
0x537: {  	p1 =	por !p1, !p1;
	(pc) =	sbr.rel @p0 .LBB2_70-.Ltmp44, $4  }
0x538: {  	s21 =	smov.u32 @p1 s26;
	s29 =	smov.u32 @p1 s19;
	s26 =	smov.u32 s2  }
0x539: {  	s2 =	smov.u32 s30;
	s30 =	smov.u32 s31;
	s19 =	spop (v2sf)  }
0x53a: {  	s31 =	smov.u32 s28;
	s28 =	smov.u32 s4;
	s24 =	sadd.s32 s24, s19  }
0x53b: {  	s18 =	sadd.s32 $0xFFFFFFF0, s18;
	p1 =	slt.s32 s0, $0x40;
	(xrf0) =	vadd.scan.msk.s32 $0xffff, v14;
	v7, _, _ =	vpop (xrf0);
	p2 =	sgt.s32 s24, $0x3F  }
0x53c: {  	_ =	sdelay $0x4  }
0x53d: {  	(v2sf) =	vpush v7, $0xF;
	v7, _, _ =	vpop (xrf0)  }
0x53e: {  	(v2sf) =	vpush v7, $0xF;
	_ =	sdelay $0x7  }
0x53f: {  	s4 =	spop (v2sf)  }
0x540: {  	s4 =	sadd.s32 s24, s4  }
0x541: {  	p0 =	por !p1, !p2;
	p3 =	slt.s32 s24, $0x40;
	p4 =	sgt.s32 s4, $0x3F  }
0x542: {  	p0 =	por !p0, !p0;
	p1 =	por !p3, !p4  }
0x543: {  	s21 =	smov.u32 @p0 s26;
	p1 =	por !p1, !p1;
	s17 =	spop (v2sf)  }
0x544: {  	p5 =	slt.s32 s4, $0x40;
	s21 =	smov.u32 @p1 s2;
	s17 =	sadd.s32 s4, s17  }
0x545: {  	p4 =	sgt.s32 s17, $0x3F;
	p6 =	slt.s32 s17, $0x40;
	s18 =	spop (v2sf)  }
0x546: {  	p2 =	por !p5, !p4;
	s18 =	sadd.s32 s17, s18;
	s19 =	spop (v2sf)  }
0x547: {  	p2 =	por !p2, !p2;
	p5 =	sgt.s32 s18, $0x3F;
	s26 =	sadd.s32 s18, s19  }
0x548: {  	p4 =	por !p6, !p5;
	p6 =	slt.s32 s18, $0x40;
	p3 =	sgt.s32 s26, $0x3F  }
0x549: {  	s21 =	smov.u32 @p2 s30;
	p4 =	por !p4, !p4;
	p3 =	por !p6, !p3  }
0x54a: {  	s21 =	smov.u32 @p4 s31;
	p3 =	por !p3, !p3  }
0x54b: {  	s21 =	smov.u32 @p3 s28  }
0x54c: {  	s31 =	sshll.u32 s21, $0x4  }
0x54d: {  	v7 =	vld [tilespmem:s31+$0x18080];
	_ =	sdelay $0x4  }
0x54e: {  	v7 =	vperm.xlane v7, v5;
	_ =	sdelay $0x1  }
0x54f: {  	(xrf0) =	vadd.scan.msk.s32 $0xffff, v7;
	_ =	sdelay $0x1  }
0x550: {  	s29 =	smov.u32 @p0 s0  }
0x551: {  	s29 =	smov.u32 @p1 s24  }
0x552: {  	s29 =	smov.u32 @p2 s4  }
0x553: {  	s29 =	smov.u32 @p4 s17  }
0x554: {  	s29 =	smov.u32 @p3 s18;
	v7, _, _ =	vpop (xrf0)  }
0x555: {  	v7 =	vadd.s32 s29, v7  }
0x556: {  	vm5 =	vgt.s32 v7, $0x3F  }
0x557: {  	v7 =	vmctz.xlane vm5;
	_ =	sdelay $0x1  }
0x558: {  	(v2sf) =	vpush v7, $0x0;
	_ =	sdelay $0xc  }
0x559: {  	s4 =	simm.s32 $0x8040  }
0x55a: {  	v14 =	vld [tilespmem:s4+$0xFFFFFFC0]  }
0x55b: {  	s17 =	spop (v2sf)  }
0x55c: {  	s0 =	ssub.s32 s31, s17  }
0x55d: {  	s0 =	sshll.u32 s0, $0x15  }
0x55e: {  	s0 =	sadd.s32 $0x81E00000, s0  }
0x55f: {  	p0 =	por $0x1, $0x1;
	v15 =	vxor.u32 $0x80000000, v14;
	vm5 =	vmmov vm0;
	v7 =	vmov s0  }
0x560: {  	vm5 =	vmneg @p0 vm5;
	vm6 =	vge.s32 v15, v7  }
0x561: {  	vm5 =	vmand vm5, vm6  }
0x562: {  	v15 =	vmpcnt.ones.xlane vm5;
	_ =	sdelay $0x1  }
0x563: {  	(v2sf) =	vpush v15, $0x0;
	_ =	sdelay $0x9  }
0x564: {  	s18 =	simm.s32 $0x0  }
0x565: {  	[tilespmem:s18+$0x18880] =	vst.msk vm5, v14  }
0x566: {  	v14 =	vld [tilespmem:s4+$0xFFFFFFD0];
	_ =	sdelay $0x2  }
0x567: {  	s19 =	spop (v2sf)  }
0x568: {  	s0 =	sadd.s32 $0x0, s19  }
0x569: {  	vm5 =	vmmov vm0;
	v15 =	vxor.u32 $0x80000000, v14;
	p0 =	slt.s32 s0, $0x1FF0  }
0x56a: {  	vm6 =	vge.s32 v15, v7;
	vm5 =	vmneg @p0 vm5  }
0x56b: {  	vm5 =	vmand vm6, vm5  }
0x56c: {  	v15 =	vmpcnt.ones.xlane vm5;
	_ =	sdelay $0x1  }
0x56d: {  	(v2sf) =	vpush v15, $0x0;
	_ =	sdelay $0xa  }
0x56e: {  	[tilespmem:s0+$0x18880] =	vst.msk vm5, v14  }
0x56f: {  	v14 =	vld [tilespmem:s4+$0xFFFFFFE0];
	_ =	sdelay $0x2  }
0x570: {  	s24 =	spop (v2sf)  }
0x571: {  	s0 =	sadd.s32 s0, s24  }
0x572: {  	vm5 =	vmmov vm0;
	v15 =	vxor.u32 $0x80000000, v14;
	p0 =	slt.s32 s0, $0x1FF0  }
0x573: {  	vm6 =	vge.s32 v15, v7;
	vm5 =	vmneg @p0 vm5  }
0x574: {  	vm5 =	vmand vm6, vm5  }
0x575: {  	v15 =	vmpcnt.ones.xlane vm5;
	_ =	sdelay $0x1  }
0x576: {  	(v2sf) =	vpush v15, $0x0;
	_ =	sdelay $0xa  }
0x577: {  	[tilespmem:s0+$0x18880] =	vst.msk vm5, v14  }
0x578: {  	v14 =	vld [tilespmem:s4+$0xFFFFFFF0];
	_ =	sdelay $0x2  }
0x579: {  	s26 =	spop (v2sf)  }
0x57a: {  	s0 =	sadd.s32 s0, s26  }
0x57b: {  	vm5 =	vmmov vm0;
	v15 =	vxor.u32 $0x80000000, v14;
	p0 =	slt.s32 s0, $0x1FF0  }
0x57c: {  	vm6 =	vge.s32 v15, v7;
	vm5 =	vmneg @p0 vm5  }
0x57d: {  	vm5 =	vmand vm6, vm5  }
0x57e: {  	v15 =	vmpcnt.ones.xlane vm5;
	_ =	sdelay $0x1  }
0x57f: {  	(v2sf) =	vpush v15, $0x0;
	_ =	sdelay $0xa  }
0x580: {  	[tilespmem:s0+$0x18880] =	vst.msk vm5, v14  }
0x581: {  	v14 =	vld [tilespmem:s4+$0x0];
	_ =	sdelay $0x2  }
0x582: {  	s28 =	spop (v2sf)  }
0x583: {  	s0 =	sadd.s32 s0, s28  }
0x584: {  	vm5 =	vmmov vm0;
	v15 =	vxor.u32 $0x80000000, v14;
	p0 =	slt.s32 s0, $0x1FF0  }
0x585: {  	vm6 =	vge.s32 v15, v7;
	vm5 =	vmneg @p0 vm5  }
0x586: {  	vm5 =	vmand vm6, vm5  }
0x587: {  	v15 =	vmpcnt.ones.xlane vm5;
	_ =	sdelay $0x1  }
0x588: {  	(v2sf) =	vpush v15, $0x0;
	_ =	sdelay $0xa  }
0x589: {  	[tilespmem:s0+$0x18880] =	vst.msk vm5, v14  }
0x58a: {  	v14 =	vld [tilespmem:s4+$0x10];
	_ =	sdelay $0x2  }
0x58b: {  	s29 =	spop (v2sf)  }
0x58c: {  	s0 =	sadd.s32 s0, s29  }
0x58d: {  	vm5 =	vmmov vm0;
	v15 =	vxor.u32 $0x80000000, v14;
	p0 =	slt.s32 s0, $0x1FF0  }
0x58e: {  	vm6 =	vge.s32 v15, v7;
	vm5 =	vmneg @p0 vm5  }
0x58f: {  	vm5 =	vmand vm6, vm5  }
0x590: {  	v15 =	vmpcnt.ones.xlane vm5;
	_ =	sdelay $0x1  }
0x591: {  	(v2sf) =	vpush v15, $0x0;
	_ =	sdelay $0xa  }
0x592: {  	[tilespmem:s0+$0x18880] =	vst.msk vm5, v14  }
0x593: {  	v14 =	vld [tilespmem:s4+$0x20];
	_ =	sdelay $0x2  }
0x594: {  	s30 =	spop (v2sf)  }
0x595: {  	s0 =	sadd.s32 s0, s30  }
0x596: {  	vm5 =	vmmov vm0;
	v15 =	vxor.u32 $0x80000000, v14;
	p0 =	slt.s32 s0, $0x1FF0  }
0x597: {  	vm6 =	vge.s32 v15, v7;
	vm5 =	vmneg @p0 vm5  }
0x598: {  	vm5 =	vmand vm6, vm5  }
0x599: {  	v15 =	vmpcnt.ones.xlane vm5;
	_ =	sdelay $0x1  }
0x59a: {  	(v2sf) =	vpush v15, $0x0;
	_ =	sdelay $0xa  }
0x59b: {  	[tilespmem:s0+$0x18880] =	vst.msk vm5, v14  }
0x59c: {  	v14 =	vld [tilespmem:s4+$0x30];
	_ =	sdelay $0x2  }
0x59d: {  	s31 =	spop (v2sf)  }
0x59e: {  	s0 =	sadd.s32 s0, s31  }
0x59f: {  	vm5 =	vmmov vm0;
	v15 =	vxor.u32 $0x80000000, v14;
	p0 =	slt.s32 s0, $0x1FF0  }
0x5a0: {  	vm6 =	vge.s32 v15, v7;
	vm5 =	vmneg @p0 vm5  }
0x5a1: {  	vm5 =	vmand vm6, vm5  }
0x5a2: {  	v15 =	vmpcnt.ones.xlane vm5;
	_ =	sdelay $0x1  }
0x5a3: {  	(v2sf) =	vpush v15, $0x0;
	_ =	sdelay $0xa  }
0x5a4: {  	s21 =	simm.s32 $0x80C0;
	[tilespmem:s0+$0x18880] =	vst.msk vm5, v14  }
0x5a5: {  	v14 =	vld [tilespmem:s21+$0xFFFFFFC0];
	_ =	sdelay $0x2  }
0x5a6: {  	s24 =	simm.s32 $0x8;
	s2 =	spop (v2sf)  }
.LBB2_72:
0x5a7: {  	s24 =	sadd.s32 $0x8, s24;
	s0 =	sadd.s32 s0, s2  }
0x5a8: {  	vm6 =	vmmov vm0;
	p0 =	slt.u32 s24, $0x7F8;
	v15 =	vxor.u32 $0x80000000, v14;
	p1 =	slt.s32 s0, $0x1FF0  }
0x5a9: {  	vm5 =	vge.s32 v15, v7;
	vm6 =	vmneg @p1 vm6  }
0x5aa: {  	vm5 =	vmand vm6, vm5  }
0x5ab: {  	[tilespmem:s0+$0x18880] =	vst.msk vm5, v14;
	v14 =	vmpcnt.ones.xlane vm5  }
0x5ac: {  	v15 =	vld [tilespmem:s21+$0xFFFFFFD0]  }
0x5ad: {  	(v2sf) =	vpush v14, $0x0;
	_ =	sdelay $0x3  }
0x5ae: {  	v14 =	vxor.u32 $0x80000000, v15;
	_ =	sdelay $0xa  }
0x5af: {  	s2 =	spop (v2sf)  }
0x5b0: {  	s0 =	sadd.s32 s0, s2  }
0x5b1: {  	vm6 =	vmmov vm0;
	p1 =	slt.s32 s0, $0x1FF0  }
0x5b2: {  	vm5 =	vge.s32 v14, v7;
	vm6 =	vmneg @p1 vm6  }
0x5b3: {  	vm5 =	vmand vm5, vm6  }
0x5b4: {  	[tilespmem:s0+$0x18880] =	vst.msk vm5, v15;
	v14 =	vmpcnt.ones.xlane vm5  }
0x5b5: {  	v15 =	vld [tilespmem:s21+$0xFFFFFFE0]  }
0x5b6: {  	(v2sf) =	vpush v14, $0x0;
	_ =	sdelay $0x3  }
0x5b7: {  	v14 =	vxor.u32 $0x80000000, v15;
	_ =	sdelay $0xa  }
0x5b8: {  	s2 =	spop (v2sf)  }
0x5b9: {  	s0 =	sadd.s32 s0, s2  }
0x5ba: {  	vm6 =	vmmov vm0;
	p1 =	slt.s32 s0, $0x1FF0  }
0x5bb: {  	vm5 =	vge.s32 v14, v7;
	vm6 =	vmneg @p1 vm6  }
0x5bc: {  	vm5 =	vmand vm5, vm6  }
0x5bd: {  	[tilespmem:s0+$0x18880] =	vst.msk vm5, v15;
	v14 =	vmpcnt.ones.xlane vm5  }
0x5be: {  	v15 =	vld [tilespmem:s21+$0xFFFFFFF0]  }
0x5bf: {  	(v2sf) =	vpush v14, $0x0;
	_ =	sdelay $0x3  }
0x5c0: {  	v14 =	vxor.u32 $0x80000000, v15;
	_ =	sdelay $0xa  }
0x5c1: {  	s2 =	spop (v2sf)  }
0x5c2: {  	s0 =	sadd.s32 s0, s2  }
0x5c3: {  	vm6 =	vmmov vm0;
	p1 =	slt.s32 s0, $0x1FF0  }
0x5c4: {  	vm5 =	vge.s32 v14, v7;
	vm6 =	vmneg @p1 vm6  }
0x5c5: {  	vm5 =	vmand vm5, vm6  }
0x5c6: {  	[tilespmem:s0+$0x18880] =	vst.msk vm5, v15;
	v14 =	vmpcnt.ones.xlane vm5  }
0x5c7: {  	v15 =	vld [tilespmem:s21+$0x0]  }
0x5c8: {  	(v2sf) =	vpush v14, $0x0;
	_ =	sdelay $0x3  }
0x5c9: {  	v14 =	vxor.u32 $0x80000000, v15;
	_ =	sdelay $0xa  }
0x5ca: {  	s2 =	spop (v2sf)  }
0x5cb: {  	s0 =	sadd.s32 s0, s2  }
0x5cc: {  	vm6 =	vmmov vm0;
	p1 =	slt.s32 s0, $0x1FF0  }
0x5cd: {  	vm5 =	vge.s32 v14, v7;
	vm6 =	vmneg @p1 vm6  }
0x5ce: {  	vm5 =	vmand vm5, vm6  }
0x5cf: {  	[tilespmem:s0+$0x18880] =	vst.msk vm5, v15;
	v14 =	vmpcnt.ones.xlane vm5  }
0x5d0: {  	v15 =	vld [tilespmem:s21+$0x10]  }
0x5d1: {  	(v2sf) =	vpush v14, $0x0;
	_ =	sdelay $0x3  }
0x5d2: {  	v14 =	vxor.u32 $0x80000000, v15;
	_ =	sdelay $0xa  }
0x5d3: {  	s2 =	spop (v2sf)  }
0x5d4: {  	s0 =	sadd.s32 s0, s2  }
0x5d5: {  	vm6 =	vmmov vm0;
	p1 =	slt.s32 s0, $0x1FF0  }
0x5d6: {  	vm5 =	vge.s32 v14, v7;
	vm6 =	vmneg @p1 vm6  }
0x5d7: {  	vm5 =	vmand vm5, vm6  }
0x5d8: {  	[tilespmem:s0+$0x18880] =	vst.msk vm5, v15;
	v14 =	vmpcnt.ones.xlane vm5  }
0x5d9: {  	v15 =	vld [tilespmem:s21+$0x20]  }
0x5da: {  	(v2sf) =	vpush v14, $0x0;
	_ =	sdelay $0x3  }
0x5db: {  	v14 =	vxor.u32 $0x80000000, v15;
	_ =	sdelay $0xa  }
0x5dc: {  	s2 =	spop (v2sf)  }
0x5dd: {  	s0 =	sadd.s32 s0, s2  }
0x5de: {  	vm6 =	vmmov vm0;
	p1 =	slt.s32 s0, $0x1FF0  }
0x5df: {  	vm5 =	vge.s32 v14, v7;
	vm6 =	vmneg @p1 vm6  }
0x5e0: {  	vm5 =	vmand vm5, vm6  }
0x5e1: {  	[tilespmem:s0+$0x18880] =	vst.msk vm5, v15;
	v14 =	vmpcnt.ones.xlane vm5  }
0x5e2: {  	v15 =	vld [tilespmem:s21+$0x30]  }
0x5e3: {  	(v2sf) =	vpush v14, $0x0;
	_ =	sdelay $0x3  }
0x5e4: {  	v14 =	vxor.u32 $0x80000000, v15;
	_ =	sdelay $0xa  }
0x5e5: {  	s2 =	spop (v2sf)  }
0x5e6: {  	s0 =	sadd.s32 s0, s2  }
0x5e7: {  	vm6 =	vmmov vm0;
	p1 =	slt.s32 s0, $0x1FF0  }
0x5e8: {  	vm5 =	vge.s32 v14, v7;
	vm6 =	vmneg @p1 vm6  }
0x5e9: {  	vm5 =	vmand vm5, vm6  }
0x5ea: {  	[tilespmem:s0+$0x18880] =	vst.msk vm5, v15;
	v14 =	vmpcnt.ones.xlane vm5;
	_ =	sdelay $0x1  }
0x5eb: {  	(v2sf) =	vpush v14, $0x0;
	_ =	sdelay $0xa  }
.Ltmp45:
0x5ec: {  	s21 =	sadd.s32 $0x80, s21;
	(pc) =	sbr.rel @p0 .LBB2_72-.Ltmp45, $2  }
0x5ed: {  	v14 =	vld [tilespmem:s21+$0xFFFFFFC0];
	_ =	sdelay $0x2  }
0x5ee: {  	s2 =	spop (v2sf)  }
0x5ef: {  	s0 =	sadd.s32 s0, s2  }
0x5f0: {  	vm5 =	vmmov vm0;
	v15 =	vxor.u32 $0x80000000, v14;
	p0 =	slt.s32 s0, $0x1FF0  }
0x5f1: {  	vm6 =	vge.s32 v15, v7;
	vm5 =	vmneg @p0 vm5  }
0x5f2: {  	vm5 =	vmand vm5, vm6  }
0x5f3: {  	v15 =	vmpcnt.ones.xlane vm5;
	_ =	sdelay $0x1  }
0x5f4: {  	(v2sf) =	vpush v15, $0x0;
	_ =	sdelay $0xa  }
0x5f5: {  	[tilespmem:s0+$0x18880] =	vst.msk vm5, v14  }
0x5f6: {  	v14 =	vld [tilespmem:s21+$0xFFFFFFD0];
	_ =	sdelay $0x2  }
0x5f7: {  	s4 =	spop (v2sf)  }
0x5f8: {  	s0 =	sadd.s32 s0, s4  }
0x5f9: {  	vm5 =	vmmov vm0;
	v15 =	vxor.u32 $0x80000000, v14;
	p0 =	slt.s32 s0, $0x1FF0  }
0x5fa: {  	vm6 =	vge.s32 v15, v7;
	vm5 =	vmneg @p0 vm5  }
0x5fb: {  	vm5 =	vmand vm6, vm5  }
0x5fc: {  	v15 =	vmpcnt.ones.xlane vm5;
	_ =	sdelay $0x1  }
0x5fd: {  	(v2sf) =	vpush v15, $0x0;
	_ =	sdelay $0xa  }
0x5fe: {  	[tilespmem:s0+$0x18880] =	vst.msk vm5, v14  }
0x5ff: {  	v14 =	vld [tilespmem:s21+$0xFFFFFFE0];
	_ =	sdelay $0x2  }
0x600: {  	s17 =	spop (v2sf)  }
0x601: {  	s0 =	sadd.s32 s0, s17  }
0x602: {  	vm5 =	vmmov vm0;
	v15 =	vxor.u32 $0x80000000, v14;
	p0 =	slt.s32 s0, $0x1FF0  }
0x603: {  	vm6 =	vge.s32 v15, v7;
	vm5 =	vmneg @p0 vm5  }
0x604: {  	vm5 =	vmand vm6, vm5  }
0x605: {  	v15 =	vmpcnt.ones.xlane vm5;
	_ =	sdelay $0x1  }
0x606: {  	(v2sf) =	vpush v15, $0x0;
	_ =	sdelay $0xa  }
0x607: {  	[tilespmem:s0+$0x18880] =	vst.msk vm5, v14  }
0x608: {  	v14 =	vld [tilespmem:s21+$0xFFFFFFF0];
	_ =	sdelay $0x2  }
0x609: {  	s18 =	spop (v2sf)  }
0x60a: {  	s0 =	sadd.s32 s0, s18  }
0x60b: {  	vm5 =	vmmov vm0;
	v15 =	vxor.u32 $0x80000000, v14;
	p0 =	slt.s32 s0, $0x1FF0  }
0x60c: {  	vm6 =	vge.s32 v15, v7;
	vm5 =	vmneg @p0 vm5  }
0x60d: {  	vm5 =	vmand vm6, vm5  }
0x60e: {  	v15 =	vmpcnt.ones.xlane vm5;
	_ =	sdelay $0x1  }
0x60f: {  	(v2sf) =	vpush v15, $0x0;
	_ =	sdelay $0xa  }
0x610: {  	[tilespmem:s0+$0x18880] =	vst.msk vm5, v14  }
0x611: {  	v14 =	vld [tilespmem:s21+$0x0];
	_ =	sdelay $0x2  }
0x612: {  	s19 =	spop (v2sf)  }
0x613: {  	s0 =	sadd.s32 s0, s19  }
0x614: {  	vm5 =	vmmov vm0;
	v15 =	vxor.u32 $0x80000000, v14;
	p0 =	slt.s32 s0, $0x1FF0  }
0x615: {  	vm6 =	vge.s32 v15, v7;
	vm5 =	vmneg @p0 vm5  }
0x616: {  	vm5 =	vmand vm6, vm5  }
0x617: {  	v15 =	vmpcnt.ones.xlane vm5;
	_ =	sdelay $0x1  }
0x618: {  	(v2sf) =	vpush v15, $0x0;
	_ =	sdelay $0xa  }
0x619: {  	[tilespmem:s0+$0x18880] =	vst.msk vm5, v14  }
0x61a: {  	v14 =	vld [tilespmem:s21+$0x10];
	_ =	sdelay $0x2  }
0x61b: {  	s24 =	spop (v2sf)  }
0x61c: {  	s0 =	sadd.s32 s0, s24  }
0x61d: {  	vm5 =	vmmov vm0;
	v15 =	vxor.u32 $0x80000000, v14;
	p0 =	slt.s32 s0, $0x1FF0  }
0x61e: {  	vm6 =	vge.s32 v15, v7;
	vm5 =	vmneg @p0 vm5  }
0x61f: {  	vm5 =	vmand vm6, vm5  }
0x620: {  	v15 =	vmpcnt.ones.xlane vm5;
	_ =	sdelay $0x1  }
0x621: {  	(v2sf) =	vpush v15, $0x0;
	_ =	sdelay $0xa  }
0x622: {  	[tilespmem:s0+$0x18880] =	vst.msk vm5, v14  }
0x623: {  	v14 =	vld [tilespmem:s21+$0x20];
	_ =	sdelay $0x2  }
0x624: {  	s26 =	spop (v2sf)  }
0x625: {  	s0 =	sadd.s32 s0, s26  }
0x626: {  	vm5 =	vmmov vm0;
	v15 =	vxor.u32 $0x80000000, v14;
	p0 =	slt.s32 s0, $0x1FF0  }
0x627: {  	vm6 =	vge.s32 v15, v7;
	vm5 =	vmneg @p0 vm5  }
0x628: {  	vm5 =	vmand vm6, vm5  }
0x629: {  	v15 =	vmpcnt.ones.xlane vm5;
	_ =	sdelay $0x1  }
0x62a: {  	(v2sf) =	vpush v15, $0x0;
	_ =	sdelay $0xa  }
0x62b: {  	[tilespmem:s0+$0x18880] =	vst.msk vm5, v14  }
0x62c: {  	v14 =	vld [tilespmem:s21+$0x30];
	_ =	sdelay $0x2  }
0x62d: {  	s28 =	spop (v2sf)  }
0x62e: {  	s0 =	sadd.s32 s0, s28  }
0x62f: {  	vm5 =	vmmov vm0;
	v15 =	vxor.u32 $0x80000000, v14;
	p0 =	slt.s32 s0, $0x1FF0  }
0x630: {  	vm6 =	vge.s32 v15, v7;
	vm5 =	vmneg @p0 vm5  }
0x631: {  	vm5 =	vmand vm6, vm5  }
0x632: {  	v7 =	vmpcnt.ones.xlane vm5;
	_ =	sdelay $0x1  }
0x633: {  	(v2sf) =	vpush v7, $0x0;
	_ =	sdelay $0xe  }
0x634: {  	s30 =	spop (v2sf)  }
0x635: {  	s2 =	sadd.s32 s0, s30  }
0x636: {  	s4 =	sadd.s32 $0xF, s2  }
0x637: {  	s17 =	sand.u32 $0xF, s4  }
0x638: {  	s31 =	sshra.s32 s4, $0x1F;
	p1 =	slt.s32 s4, $0x1;
	p6 =	sne.s32 s17, $0x0  }
.Ltmp46:
0x639: {  	s17 =	sshrl.u32 s31, $0x1C;
	p0 =	por !p1, !p6;
	(pc) =	sbr.rel .LBB2_74-.Ltmp46, $4  }
0x63a: {  	s4 =	sadd.s32 s17, s4;
	s17 =	simm.s32 $0x1;
	p0 =	por !p0, !p0  }
0x63b: {  	s4 =	sshra.s32 s4, $0x4;
	s17 =	simm.s32 @!p0 $0x0  }
0x63c: {  	[tilespmem:s0+$0x18880] =	vst.msk vm5, v14;
	s29 =	ssub.s32 s4, s17  }
0x63d: {  	s24 =	simm.s32 $0x0;
	s0 =	simm.s32 $0x0;
	[tilespmem:s2+$0x18880] =	vst v2;
	p0 =	slt.s32 s29, $0x1  }
.LBB2_75:
0x63e: {  	v7 =	vimm.s32 $0x0  }
.LBB2_79:
0x63f: {  	(v2sf) =	vpush v7, $0x0;
	_ =	sdelay $0xa  }
0x640: {  	s0 =	sadd.s32 $0x1, s0  }
0x641: {  	p2 =	sne.s32 s0, $0x20  }
.Ltmp47:
0x642: {  	_ = 	snop;
	(pc) =	sbr.rel @!p2 .LBB2_80-.Ltmp47, $4  }
0x643: {  	_ = 	snop  }
0x644: {  	s4 =	spop (v2sf)  }
0x645: {  	p1 =	sgt.s32 s4, $0x3F  }
0x646: {  	s24 =	smov.u32 @p1 s2  }
.LBB2_74:
.Ltmp48:
0x647: {  	(pc) =	sbr.rel @p0 .LBB2_75-.Ltmp48, $3  }
0x648: {  	_ =	sdelay $0x1  }
0x649: {  	s2 =	sshrl.u32 s16, s0  }
0x64a: {  	s2 =	sor.u32 s2, s24  }
0x64b: {  	s4 =	simm.s32 $0x18880  }
0x64c: {  	p1 =	sne.s32 s29, $0x1;
	v15 =	vld [tilespmem:s4+$0x0]  }
.Ltmp49:
0x64d: {  	_ = 	snop;
	(pc) =	sbr.rel @!p1 .LBB2_78-.Ltmp49, $3  }
0x64e: {  	_ =	sdelay $0x1  }
0x64f: {  	s31 =	sxor.u32 $0x80000000, s2  }
0x650: {  	v7 =	vimm.s32 $0x0;
	s17 =	sadd.s32 $0xFFFFFFFF, s29;
	s18 =	simm.s32 $0x18890;
	v14 =	vmov s31;
	v15 =	vxor.u32 $0x80000000, v15  }
.LBB2_77:
0x651: {  	v16 =	vld [tilespmem:s18+$0x0];
	p1 =	sne.s32 s17, $0x1;
	s17 =	sadd.s32 $0xFFFFFFFF, s17;
	vm5 =	vge.s32 v15, v14  }
.Ltmp50:
0x652: {  	v15 =	vmpcnt.ones.xlane vm5;
	(pc) =	sbr.rel @p1 .LBB2_77-.Ltmp50, $3  }
0x653: {  	_ = 	snop  }
0x654: {  	v7 =	vadd.s32 v7, v15;
	_ =	sdelay $0x1  }
0x655: {  	s18 =	sadd.s32 $0x10, s18;
	v15 =	vxor.u32 $0x80000000, v16  }
.LBB2_78:
.Ltmp51:
0x656: {  	(pc) =	sbr.rel .LBB2_79-.Ltmp51, $3  }
0x657: {  	vm5 =	vge.s32 v15, v14  }
0x658: {  	v14 =	vmpcnt.ones.xlane vm5;
	_ =	sdelay $0x1  }
0x659: {  	v7 =	vadd.s32 v7, v14  }
.LBB2_80:
0x65a: {  	s0 =	sxor.u32 $0xFFFFFFFF, s23;
	p1 =	slt.s32 s23, $0x0  }
0x65b: {  	s0 =	smov.u32 @p1 s22  }
0x65c: {  	s0 =	ssub.f32 s0, s25;
	_ =	sdelay $0x1  }
0x65d: {  	v7 =	vmov s0  }
0x65e: {  	v7 =	vmul.f32 $1.442695020e+00, v7  }
0x65f: {  	(xrf2) =	vadd.scan.msk.f32 $0xffff, v13  }
0x660: {  	v7 =	vbroadcast v7, $0x0;
	_ =	sdelay $0x1  }
0x661: {  	(erf) = vpow2.f32 v7;
	_ =	sdelay $0x6  }
0x662: {  	v7, _, _ =	vpop (xrf2)  }
0x663: {  	(v2sf) =	vpush v7, $0xF  }
0x664: {  	(v2sf) =	vpush v12, $0x0;
	v7 =	vpop (erf)  }
0x665: {  	(v2sf) =	vpush v7, $0x0;
	_ =	sdelay $0xa  }
.Ltmp52:
0x666: {  	_ = 	snop;
	(pc) =	sbr.rel @p0 .LBB2_81-.Ltmp52, $4  }
0x667: {  	_ = 	snop  }
0x668: {  	s25 =	spop (v2sf)  }
0x669: {  	s28 =	spop (v2sf)  }
0x66a: {  	s21 =	sxor.u32 $0x80000000, s24;
	s26 =	spop (v2sf)  }
0x66b: {  	s0 =	simm.s32 $0x18880  }
0x66c: {  	p3 =	sne.s32 s29, $0x1;
	v12 =	vld [tilespmem:s0+$0x0]  }
.Ltmp53:
0x66d: {  	_ = 	snop;
	(pc) =	sbr.rel @!p3 .LBB2_84-.Ltmp53, $2  }
0x66e: {  	_ =	sdelay $0x2  }
0x66f: {  	v7 =	vimm.f32 $-3.399999950e+38;
	s2 =	sadd.s32 $0xFFFFFFFF, s29;
	s17 =	simm.s32 $0x18890;
	vm5 =	vlt.s32 v12, $0x0  }
.LBB2_83:
0x670: {  	v13 =	vld [tilespmem:s17+$0x0];
	p0 =	sne.s32 s2, $0x1;
	s2 =	sadd.s32 $0xFFFFFFFF, s2;
	v14 =	vsel vm5, $0x0, v6  }
.Ltmp54:
0x671: {  	v14 =	vxor.u32 v14, v12;
	(pc) =	sbr.rel @p0 .LBB2_83-.Ltmp54, $4  }
0x672: {  	vm5 =	veq.s32 v12, $0x0;
	v12 =	vxor.u32 $0x80000000, v14  }
0x673: {  	v14 =	vsel vm5, $0xFF7FC99E, v12  }
0x674: {  	v7 =	vmax.f32 v7, v14  }
0x675: {  	s17 =	sadd.s32 $0x10, s17;
	vm5 =	vlt.s32 v13, $0x0;
	v12 =	vmov v13  }
.LBB2_84:
0x676: {  	v13 =	vsel vm5, $0x0, v6  }
0x677: {  	v13 =	vxor.u32 v13, v12  }
0x678: {  	vm5 =	veq.s32 v12, $0x0;
	v12 =	vxor.u32 $0x80000000, v13  }
0x679: {  	v12 =	vsel vm5, $0xFF7FC99E, v12  }
0x67a: {  	v7 =	vmax.f32 v7, v12  }
0x67b: {  	(xrf0) =	vmax.scan.msk.f32 $0xffff, v7;
	_ =	sdelay $0x5  }
0x67c: {  	v7, _, _ =	vpop (xrf0)  }
0x67d: {  	(v2sf) =	vpush v7, $0xF;
	_ =	sdelay $0x9  }
0x67e: {  	v22 =	vld [tilespmem:s0+$0x0]  }
.Ltmp55:
0x67f: {  	_ = 	snop;
	(pc) =	sbr.rel @!p3 .LBB2_85-.Ltmp55, $3  }
0x680: {  	_ =	sdelay $0x1  }
0x681: {  	s0 =	sadd.s32 $0xFFFFFFFF, s29;
	s2 =	simm.s32 $0x18890;
	v14 =	vimm.f32 $0.0e+00;
	p0 =	por $0x0, $0x0;
	v13 =	vmov s21  }
0x682: {  	p1 =	por $0x0, $0x0;
	p2 =	por $0x0, $0x0;
	v12 =	vimm.s32 $0x0;
	vm5 =	vlt.s32 v22, $0x0;
	v15 =	vbroadcast v7, $0xF;
	s23 =	spop (v2sf)  }
0x683: {  	v19 =	vld [tilespmem:s2+$0x0];
	p3 =	sne.s32 s0, $0x1  }
.Ltmp56:
0x684: {  	v16 =	vxor.u32 $0x80000000, v22;
	v17 =	vsel vm5, $0x0, v6;
	(pc) =	sbr.rel @!p3 .LBB2_87-.Ltmp56, $3  }
0x685: {  	v17 =	vxor.u32 v16, v17  }
0x686: {  	v17 =	vsub.f32 v17, v15;
	_ =	sdelay $0x1  }
0x687: {  	s0 =	sadd.s32 $0xFFFFFFFF, s0;
	s2 =	simm.s32 $0x188A0;
	p0 =	por $0x1, $0x1;
	v18 =	vmul.f32 $1.442695020e+00, v17;
	vm5 =	vlt.s32 v19, $0x0  }
0x688: {  	v22 =	vld [tilespmem:s2+$0x0];
	p3 =	sne.s32 s0, $0x1  }
.Ltmp57:
0x689: {  	v17 =	vxor.u32 $0x80000000, v19;
	v19 =	vsel vm5, $0x0, v6;
	(pc) =	sbr.rel @!p3 .LBB2_89-.Ltmp57, $3  }
0x68a: {  	v19 =	vxor.u32 v17, v19  }
0x68b: {  	v19 =	vsub.f32 v19, v15;
	_ =	sdelay $0x1  }
0x68c: {  	s0 =	sadd.s32 $0xFFFFFFFF, s0;
	s2 =	simm.s32 $0x188B0;
	p1 =	por $0x1, $0x1;
	(erf) = vpow2.f32 v18;
	v18 =	vmul.f32 $1.442695020e+00, v19;
	vm5 =	vlt.s32 v22, $0x0  }
0x68d: {  	_ =	sdelay $0x4  }
0x68e: {  	v24 =	vld [tilespmem:s2+$0x0];
	v23 =	vxor.u32 $0x80000000, v22;
	v19 =	vsel vm5, $0x0, v6;
	p3 =	sne.s32 s0, $0x1;
	(erf) = vpow2.f32 v18  }
.Ltmp58:
0x68f: {  	v19 =	vxor.u32 v23, v19;
	(pc) =	sbr.rel @!p3 .LBB2_91-.Ltmp58, $4  }
0x690: {  	v19 =	vsub.f32 v19, v15  }
0x691: {  	vm5 =	vge.s32 v16, v13;
	v20 =	vpop (erf)  }
0x692: {  	v18 =	vmul.f32 $1.442695020e+00, v19;
	v19 =	vmpcnt.ones.xlane vm5;
	v20 =	vnsel vm5, $0x0, v20  }
0x693: {  	s0 =	sadd.s32 $0xFFFFFFFF, s0;
	s2 =	simm.s32 $0x188C0;
	p2 =	por $0x1, $0x1;
	vm5 =	vlt.s32 v24, $0x0;
	v21 =	vadd.f32 v20, v14;
	v20 =	vimm.s32 $0x0  }
.LBB2_92:
0x694: {  	p3 =	sne.s32 s0, $0x1;
	s0 =	sadd.s32 $0xFFFFFFFF, s0;
	v22 =	vxor.u32 $0x80000000, v24;
	v24 =	vld [tilespmem:s2+$0x0];
	v25 =	vsel vm5, $0x0, v6;
	(erf) = vpow2.f32 v18  }
.Ltmp59:
0x695: {  	v20 =	vadd.s32 v20, v19;
	v18 =	vxor.u32 v22, v25;
	(pc) =	sbr.rel @p3 .LBB2_92-.Ltmp59, $4  }
0x696: {  	v18 =	vsub.f32 v18, v15  }
0x697: {  	vm5 =	vge.s32 v17, v13;
	v17 =	vmov v23;
	v23 =	vmov v22;
	v19 =	vpop (erf)  }
0x698: {  	v18 =	vmul.f32 $1.442695020e+00, v18;
	v22 =	vnsel vm5, $0x0, v19;
	v19 =	vmpcnt.ones.xlane vm5  }
0x699: {  	s2 =	sadd.s32 $0x10, s2;
	vm5 =	vlt.s32 v24, $0x0;
	v21 =	vadd.f32 v22, v21  }
0x69a: {  	v25 =	vmov v17;
	v22 =	vmov v24;
	v17 =	vmov v23  }
.LBB2_94:
0x69b: {  	v22 =	vxor.u32 $0x80000000, v22;
	v23 =	vsel vm5, $0x0, v6  }
0x69c: {  	v23 =	vxor.u32 v22, v23  }
0x69d: {  	v15 =	vsub.f32 v23, v15  }
0x69e: {  	(erf) = vpow2.f32 @p0 v18  }
0x69f: {  	v15 =	vmul.f32 $1.442695020e+00, v15;
	_ =	sdelay $0x1  }
0x6a0: {  	(erf) = vpow2.f32 v15  }
0x6a1: {  	vm5 =	vge.s32 @p1 v25, v13  }
0x6a2: {  	v18 =	vmpcnt.ones.xlane @p1 vm5  }
0x6a3: {  	v16 =	vpsel p0, v17, v16;
	v15 =	vpop @p1 (erf)  }
0x6a4: {  	v19 =	vadd.s32 @p2 v20, v19;
	v17 =	vpsel p1, v18, v0;
	v15 =	vnsel @p1 vm5, $0x0, v15  }
0x6a5: {  	v18 =	vpsel p2, v19, v12;
	vm5 =	vge.s32 @p0 v16, v13;
	v15 =	vadd.f32 @p1 v15, v21  }
0x6a6: {  	v17 =	vadd.s32 @p1 v18, v17;
	v16 =	vpop @p0 (erf);
	v19 =	vmpcnt.ones.xlane @p0 vm5  }
.Ltmp60:
0x6a7: {  	v17 =	vpsel p1, v17, v12;
	v16 =	vnsel @p0 vm5, $0x0, v16;
	v15 =	vpsel p1, v15, v14;
	(pc) =	sbr.rel .LBB2_95-.Ltmp60, $4  }
0x6a8: {  	vm5 =	vge.s32 v22, v13;
	v15 =	vadd.f32 @p0 v16, v15;
	v16 =	vpsel p0, v19, v0  }
0x6a9: {  	v63 =	vmpcnt.ones.xlane vm5;
	v13 =	vadd.s32 @p0 v17, v16;
	v62 =	vpop (erf)  }
0x6aa: {  	v14 =	vpsel p0, v15, v14;
	v12 =	vpsel p0, v13, v12;
	v15 =	vnsel vm5, $0x0, v62  }
0x6ab: {  	v12 =	vadd.s32 v12, v63;
	v13 =	vadd.f32 v15, v14  }
.LBB2_81:
0x6ac: {  	v12 =	vimm.s32 $0x0;
	v13 =	vimm.f32 $0.0e+00;
	s23 =	smov.u32 s11;
	v7 =	vmov v0  }
.LBB2_95:
0x6ad: {  	[tilespmem:s1], [sflag:$0x1] =	stream.strided.gather [hbm4b:s6+s12], $0x8000, s13, s12, $0x38;
	[tilespmem:$0x1AA80] =	vst v63  }
0x6ae: {  	_ =	swait.ge [sflag:s15], $0x8000  }
0x6af: {  	[sflag:s15] =	ssyncset.done $0x0  }
0x6b0: {  	s2 =	sadd.s32 $0xFFFFFFC0, s28;
	s0 =	simm.s32 $0x10040;
	[sflag:s15] =	ssyncadd.s32 $0xFFFF8000  }
0x6b1: {  	s2 =	scvt.s32.f32 s2;
	[tilespmem:s0+$0xFFFFFFC0] =	vst v2  }
0x6b2: {  	[tilespmem:s0+$0x30] =	vst v2  }
0x6b3: {  	s2 =	smul.f32 s2, s26;
	[tilespmem:s0+$0x20] =	vst v2  }
0x6b4: {  	[tilespmem:s0+$0x10] =	vst v2  }
0x6b5: {  	v8 =	vbroadcast v8, $0xF;
	[tilespmem:s0+$0x0] =	vst v2;
	s2 =	ssub.f32 s25, s2  }
0x6b6: {  	vm5 =	veq.s32 v1, $0x1;
	[tilespmem:s0+$0xFFFFFFF0] =	vst v2  }
0x6b7: {  	v10 =	vsel vm5, s22, v10;
	v9 =	vsel vm2, v8, v9;
	[tilespmem:s0+$0xFFFFFFE0] =	vst v2;
	v8 =	vsel vm5, s2, v11;
	s2 =	simm.s32 $0x0  }
.LBB2_96:
0x6b8: {  	s2 =	sadd.s32 $0x8, s2;
	[tilespmem:s0+$0xFFFFFFD0] =	vst v2;
	s0 =	sadd.s32 $0x80, s0  }
0x6b9: {  	[tilespmem:s0+$0xFFFFFFC0] =	vst v2;
	p0 =	slt.u32 s2, $0x7F8  }
0x6ba: {  	[tilespmem:s0+$0x30] =	vst v2  }
.Ltmp61:
0x6bb: {  	[tilespmem:s0+$0x20] =	vst v2;
	(pc) =	sbr.rel @p0 .LBB2_96-.Ltmp61, $4  }
0x6bc: {  	[tilespmem:s0+$0x10] =	vst v2  }
0x6bd: {  	[tilespmem:s0+$0x0] =	vst v2  }
0x6be: {  	[tilespmem:s0+$0xFFFFFFF0] =	vst v2  }
0x6bf: {  	[tilespmem:s0+$0xFFFFFFE0] =	vst v2  }
0x6c0: {  	[tilespmem:s0+$0xFFFFFFD0] =	vst v2  }
0x6c1: {  	[tilespmem:$0x18000] =	vst v2  }
0x6c2: {  	s0 =	simm.s32 $0xFFFFFFF8;
	s25 =	simm.s32 $0x40;
	s26 =	simm.s32 $0x8040;
	[tilespmem:$0x18010] =	vst v2  }
.LBB2_98:
0x6c3: {  	v11 =	vld [tilespmem:s25+$0xFFFFFFC0];
	_ =	sdelay $0x4  }
0x6c4: {  	v14 =	vshra.s32 v11, $0x1F  }
0x6c5: {  	v14 =	vor.u32 $0x80000000, v14  }
0x6c6: {  	v11 =	vxor.u32 v11, v14  }
0x6c7: {  	v14 =	vshrl.u32 v11, $0x15  }
0x6c8: {  	v14 =	vadd.s32 v3, v14;
	_ =	sdelay $0x3  }
0x6c9: {  	[tilespmem:s26+$0xFFFFFFC0] =	vst v11  }
0x6ca: {  	[tilespmem:v14+s14+$0x0] =	vst.idx.add.s32.msk $0xffff, v4  }
0x6cb: {  	v11 =	vld [tilespmem:s25+$0xFFFFFFD0];
	_ =	sdelay $0x4  }
0x6cc: {  	v14 =	vshra.s32 v11, $0x1F  }
0x6cd: {  	v14 =	vor.u32 $0x80000000, v14  }
0x6ce: {  	v11 =	vxor.u32 v11, v14  }
0x6cf: {  	v14 =	vshrl.u32 v11, $0x15  }
0x6d0: {  	v14 =	vadd.s32 v3, v14;
	_ =	sdelay $0x3  }
0x6d1: {  	[tilespmem:s26+$0xFFFFFFD0] =	vst v11  }
0x6d2: {  	[tilespmem:v14+s14+$0x0] =	vst.idx.add.s32.msk $0xffff, v4  }
0x6d3: {  	v11 =	vld [tilespmem:s25+$0xFFFFFFE0];
	_ =	sdelay $0x4  }
0x6d4: {  	v14 =	vshra.s32 v11, $0x1F  }
0x6d5: {  	v14 =	vor.u32 $0x80000000, v14  }
0x6d6: {  	v11 =	vxor.u32 v11, v14  }
0x6d7: {  	v14 =	vshrl.u32 v11, $0x15  }
0x6d8: {  	v14 =	vadd.s32 v3, v14;
	_ =	sdelay $0x3  }
0x6d9: {  	[tilespmem:s26+$0xFFFFFFE0] =	vst v11  }
0x6da: {  	[tilespmem:v14+s14+$0x0] =	vst.idx.add.s32.msk $0xffff, v4  }
0x6db: {  	v11 =	vld [tilespmem:s25+$0xFFFFFFF0];
	_ =	sdelay $0x4  }
0x6dc: {  	v14 =	vshra.s32 v11, $0x1F  }
0x6dd: {  	v14 =	vor.u32 $0x80000000, v14  }
0x6de: {  	v11 =	vxor.u32 v11, v14  }
0x6df: {  	v14 =	vshrl.u32 v11, $0x15  }
0x6e0: {  	v14 =	vadd.s32 v3, v14;
	_ =	sdelay $0x3  }
0x6e1: {  	[tilespmem:s26+$0xFFFFFFF0] =	vst v11  }
0x6e2: {  	[tilespmem:v14+s14+$0x0] =	vst.idx.add.s32.msk $0xffff, v4  }
0x6e3: {  	v11 =	vld [tilespmem:s25+$0x0];
	_ =	sdelay $0x4  }
0x6e4: {  	v14 =	vshra.s32 v11, $0x1F  }
0x6e5: {  	v14 =	vor.u32 $0x80000000, v14  }
0x6e6: {  	v11 =	vxor.u32 v11, v14  }
0x6e7: {  	v14 =	vshrl.u32 v11, $0x15  }
0x6e8: {  	v14 =	vadd.s32 v3, v14;
	_ =	sdelay $0x3  }
0x6e9: {  	[tilespmem:s26+$0x0] =	vst v11  }
0x6ea: {  	[tilespmem:v14+s14+$0x0] =	vst.idx.add.s32.msk $0xffff, v4  }
0x6eb: {  	v11 =	vld [tilespmem:s25+$0x10];
	_ =	sdelay $0x4  }
0x6ec: {  	v14 =	vshra.s32 v11, $0x1F  }
0x6ed: {  	v14 =	vor.u32 $0x80000000, v14  }
0x6ee: {  	v11 =	vxor.u32 v11, v14  }
0x6ef: {  	v14 =	vshrl.u32 v11, $0x15  }
0x6f0: {  	v14 =	vadd.s32 v3, v14;
	_ =	sdelay $0x3  }
0x6f1: {  	[tilespmem:s26+$0x10] =	vst v11  }
0x6f2: {  	[tilespmem:v14+s14+$0x0] =	vst.idx.add.s32.msk $0xffff, v4  }
0x6f3: {  	v11 =	vld [tilespmem:s25+$0x20];
	_ =	sdelay $0x4  }
0x6f4: {  	v14 =	vshra.s32 v11, $0x1F  }
0x6f5: {  	v14 =	vor.u32 $0x80000000, v14  }
0x6f6: {  	v11 =	vxor.u32 v11, v14  }
0x6f7: {  	v14 =	vshrl.u32 v11, $0x15  }
0x6f8: {  	v14 =	vadd.s32 v3, v14;
	_ =	sdelay $0x3  }
0x6f9: {  	[tilespmem:s26+$0x20] =	vst v11  }
0x6fa: {  	[tilespmem:v14+s14+$0x0] =	vst.idx.add.s32.msk $0xffff, v4  }
0x6fb: {  	v11 =	vld [tilespmem:s25+$0x30];
	_ =	sdelay $0x4  }
0x6fc: {  	v14 =	vshra.s32 v11, $0x1F  }
0x6fd: {  	v14 =	vor.u32 $0x80000000, v14  }
0x6fe: {  	v11 =	vxor.u32 v11, v14  }
0x6ff: {  	s0 =	sadd.s32 $0x8, s0;
	v14 =	vshrl.u32 v11, $0x15  }
0x700: {  	p0 =	slt.u32 s0, $0x7F8;
	v14 =	vadd.s32 v3, v14  }
.Ltmp62:
0x701: {  	_ = 	snop;
	(pc) =	sbr.rel @p0 .LBB2_98-.Ltmp62, $3  }
0x702: {  	_ =	sdelay $0x1  }
0x703: {  	[tilespmem:s26+$0x30] =	vst v11  }
0x704: {  	s22 =	simm.s32 $0x0;
	s25 =	sadd.s32 $0x80, s25;
	s26 =	sadd.s32 $0x80, s26;
	[tilespmem:v14+s14+$0x0] =	vst.idx.add.s32.msk $0xffff, v4  }
0x705: {  	s25 =	simm.s32 $0x0  }
0x706: {  	v11 =	vld [tilespmem:s25+$0x10010]  }
0x707: {  	v14 =	vld [tilespmem:s25+$0x10811]  }
0x708: {  	v15 =	vld [tilespmem:s25+$0x11012]  }
0x709: {  	v16 =	vld [tilespmem:s25+$0x11813]  }
0x70a: {  	v17 =	vld [tilespmem:s25+$0x12014]  }
0x70b: {  	v18 =	vld [tilespmem:s25+$0x12815]  }
0x70c: {  	v19 =	vld [tilespmem:s25+$0x13016]  }
0x70d: {  	v11 =	vadd.s32 v11, v14;
	v14 =	vld [tilespmem:s25+$0x13817]  }
0x70e: {  	v11 =	vadd.s32 v15, v11;
	v15 =	vld [tilespmem:s25+$0x14018]  }
0x70f: {  	v11 =	vadd.s32 v16, v11;
	v16 =	vld [tilespmem:s25+$0x14819]  }
0x710: {  	v11 =	vadd.s32 v17, v11;
	v17 =	vld [tilespmem:s25+$0x1501A]  }
0x711: {  	v11 =	vadd.s32 v18, v11;
	v18 =	vld [tilespmem:s25+$0x1581B]  }
0x712: {  	v11 =	vadd.s32 v19, v11;
	v19 =	vld [tilespmem:s25+$0x1601C]  }
0x713: {  	v11 =	vadd.s32 v14, v11;
	v14 =	vld [tilespmem:s25+$0x1681D]  }
0x714: {  	v11 =	vadd.s32 v15, v11;
	v15 =	vld [tilespmem:s25+$0x1701E]  }
0x715: {  	v11 =	vadd.s32 v16, v11;
	v16 =	vld [tilespmem:s25+$0x1781F]  }
0x716: {  	v11 =	vadd.s32 v17, v11;
	v17 =	vld [tilespmem:s25+$0x10000]  }
0x717: {  	v11 =	vadd.s32 v18, v11;
	v18 =	vld [tilespmem:s25+$0x10801]  }
0x718: {  	v11 =	vadd.s32 v19, v11;
	v19 =	vld [tilespmem:s25+$0x11002]  }
0x719: {  	v11 =	vadd.s32 v14, v11;
	v14 =	vld [tilespmem:s25+$0x11803]  }
0x71a: {  	v11 =	vadd.s32 v15, v11;
	v15 =	vld [tilespmem:s25+$0x12004]  }
0x71b: {  	v11 =	vadd.s32 v16, v11;
	v16 =	vld [tilespmem:s25+$0x12805]  }
0x71c: {  	[tilespmem:s25+$0x18090] =	vst v11;
	v11 =	vadd.s32 v17, v18;
	v17 =	vld [tilespmem:s25+$0x13006]  }
0x71d: {  	v18 =	vld [tilespmem:s25+$0x13807];
	v11 =	vadd.s32 v19, v11  }
0x71e: {  	v19 =	vld [tilespmem:s25+$0x14008];
	v11 =	vadd.s32 v14, v11  }
0x71f: {  	v20 =	vld [tilespmem:s25+$0x14809];
	v11 =	vadd.s32 v15, v11  }
0x720: {  	v11 =	vadd.s32 v16, v11;
	v16 =	vld [tilespmem:s25+$0x1500A]  }
0x721: {  	v14 =	vadd.s32 v17, v11;
	v11 =	vld [tilespmem:s25+$0x1580B]  }
0x722: {  	v15 =	vadd.s32 v18, v14;
	v14 =	vld [tilespmem:s25+$0x1600C]  }
0x723: {  	v17 =	vadd.s32 v19, v15;
	v15 =	vld [tilespmem:s25+$0x1680D]  }
0x724: {  	s28 =	simm.s32 $0x0;
	s29 =	simm.s32 $0x80;
	v18 =	vadd.s32 v20, v17;
	v17 =	vld [tilespmem:s25+$0x1700E]  }
.LBB2_100:
0x725: {  	s0 =	sshra.s32 s29, $0x2;
	v16 =	vadd.s32 v16, v18;
	v18 =	vld [tilespmem:s25+$0x1780F]  }
0x726: {  	s28 =	sadd.s32 $0x2, s28;
	v19 =	vld [tilespmem:s0+$0x10010];
	v11 =	vadd.s32 v11, v16  }
0x727: {  	p0 =	slt.u32 s28, $0x7E;
	v16 =	vld [tilespmem:s0+$0x10811];
	v11 =	vadd.s32 v14, v11  }
0x728: {  	v14 =	vld [tilespmem:s0+$0x11012];
	v11 =	vadd.s32 v15, v11  }
0x729: {  	v15 =	vld [tilespmem:s0+$0x11813];
	v11 =	vadd.s32 v17, v11  }
0x72a: {  	v17 =	vld [tilespmem:s0+$0x12014];
	v11 =	vadd.s32 v18, v11  }
0x72b: {  	v18 =	vld [tilespmem:s0+$0x12815];
	[tilespmem:s25+$0x18080] =	vst v11;
	s25 =	smov.u32 s0  }
0x72c: {  	v11 =	vadd.s32 v19, v16;
	v16 =	vld [tilespmem:s25+$0x13016]  }
0x72d: {  	v11 =	vadd.s32 v14, v11;
	v14 =	vld [tilespmem:s25+$0x13817]  }
0x72e: {  	v11 =	vadd.s32 v15, v11;
	v15 =	vld [tilespmem:s25+$0x14018]  }
0x72f: {  	v11 =	vadd.s32 v17, v11;
	v17 =	vld [tilespmem:s25+$0x14819]  }
0x730: {  	v11 =	vadd.s32 v18, v11;
	v18 =	vld [tilespmem:s25+$0x1501A]  }
0x731: {  	v11 =	vadd.s32 v16, v11;
	v16 =	vld [tilespmem:s25+$0x1581B]  }
0x732: {  	v11 =	vadd.s32 v14, v11;
	v14 =	vld [tilespmem:s25+$0x1601C]  }
0x733: {  	v11 =	vadd.s32 v15, v11;
	v15 =	vld [tilespmem:s25+$0x1681D]  }
0x734: {  	v11 =	vadd.s32 v17, v11;
	v17 =	vld [tilespmem:s25+$0x1701E]  }
0x735: {  	v11 =	vadd.s32 v18, v11;
	v18 =	vld [tilespmem:s25+$0x1781F]  }
0x736: {  	v19 =	vld [tilespmem:s25+$0x10000];
	v11 =	vadd.s32 v16, v11  }
0x737: {  	v16 =	vld [tilespmem:s25+$0x10801];
	v11 =	vadd.s32 v14, v11  }
0x738: {  	v14 =	vld [tilespmem:s25+$0x11002];
	v11 =	vadd.s32 v15, v11  }
0x739: {  	v15 =	vld [tilespmem:s25+$0x11803];
	v11 =	vadd.s32 v17, v11  }
0x73a: {  	v17 =	vld [tilespmem:s25+$0x12004];
	v11 =	vadd.s32 v18, v11  }
0x73b: {  	s26 =	simm.s32 $0x7F;
	s0 =	simm.s32 $0x18870;
	v18 =	vld [tilespmem:s25+$0x12805];
	[tilespmem:s25+$0x18090] =	vst v11  }
0x73c: {  	v11 =	vadd.s32 v19, v16;
	v19 =	vld [tilespmem:s25+$0x13006]  }
0x73d: {  	v11 =	vadd.s32 v14, v11;
	v14 =	vld [tilespmem:s25+$0x13807]  }
0x73e: {  	v11 =	vadd.s32 v15, v11;
	v15 =	vld [tilespmem:s25+$0x14008]  }
0x73f: {  	v11 =	vadd.s32 v17, v11;
	v17 =	vld [tilespmem:s25+$0x14809]  }
.Ltmp63:
0x740: {  	v11 =	vadd.s32 v18, v11;
	v16 =	vld [tilespmem:s25+$0x1500A];
	(pc) =	sbr.rel @p0 .LBB2_100-.Ltmp63, $4  }
0x741: {  	v18 =	vadd.s32 v19, v11;
	v11 =	vld [tilespmem:s25+$0x1580B]  }
0x742: {  	v18 =	vadd.s32 v14, v18;
	v14 =	vld [tilespmem:s25+$0x1600C]  }
0x743: {  	v18 =	vadd.s32 v15, v18;
	v15 =	vld [tilespmem:s25+$0x1680D]  }
0x744: {  	s29 =	sadd.s32 $0x80, s29;
	v18 =	vadd.s32 v17, v18;
	v17 =	vld [tilespmem:s25+$0x1700E]  }
0x745: {  	v16 =	vadd.s32 v16, v18;
	v63 =	vld [tilespmem:s25+$0x1780F]  }
0x746: {  	v11 =	vadd.s32 v11, v16  }
0x747: {  	v11 =	vadd.s32 v14, v11  }
0x748: {  	v11 =	vadd.s32 v15, v11  }
0x749: {  	v11 =	vadd.s32 v17, v11  }
0x74a: {  	v11 =	vadd.s32 v63, v11  }
0x74b: {  	[tilespmem:s25+$0x18080] =	vst v11  }
0x74c: {  	v11 =	vld [tilespmem:s0+$0x0];
	_ =	sdelay $0x4  }
0x74d: {  	(xrf0) =	vadd.scan.msk.s32 $0xffff, v11;
	_ =	sdelay $0x5  }
0x74e: {  	v11, _, _ =	vpop (xrf0)  }
0x74f: {  	(v2sf) =	vpush v11, $0xF;
	_ =	sdelay $0x1  }
0x750: {  	s4 =	simm.s32 $0x18860  }
0x751: {  	v11 =	vld [tilespmem:s4+$0x0]  }
0x752: {  	s17 =	simm.s32 $0x18850  }
0x753: {  	v14 =	vld [tilespmem:s17+$0x0];
	_ =	sdelay $0x2  }
0x754: {  	(xrf0) =	vadd.scan.msk.s32 $0xffff, v11;
	_ =	sdelay $0x1  }
0x755: {  	(xrf0) =	vadd.scan.msk.s32 $0xffff, v14;
	_ =	sdelay $0x2  }
0x756: {  	s18 =	simm.s32 $0x18840  }
0x757: {  	v15 =	vld [tilespmem:s18+$0x0];
	v14, _, _ =	vpop (xrf0)  }
0x758: {  	s25 =	spop (v2sf);
	(v2sf) =	vpush v14, $0xF  }
0x759: {  	v14, _, _ =	vpop (xrf0)  }
0x75a: {  	(v2sf) =	vpush v14, $0xF;
	_ =	sdelay $0x1  }
0x75b: {  	s19 =	simm.s32 $0x18830;
	(xrf0) =	vadd.scan.msk.s32 $0xffff, v15  }
0x75c: {  	v11 =	vld [tilespmem:s19+$0x0];
	_ =	sdelay $0x1  }
0x75d: {  	s2 =	simm.s32 $0x7E;
	s30 =	simm.s32 $0x7D  }
0x75e: {  	s31 =	simm.s32 $0x7C;
	s28 =	simm.s32 $0x7B;
	p1 =	por $0x1, $0x1  }
0x75f: {  	s29 =	simm.s32 $0x0;
	s17 =	simm.s32 $0x7A;
	s25 =	sadd.s32 $0x0, s25  }
0x760: {  	s18 =	simm.s32 $0x18820;
	s0 =	simm.s32 $0x0;
	(xrf0) =	vadd.scan.msk.s32 $0xffff, v11;
	v11, _, _ =	vpop (xrf0);
	p2 =	sgt.s32 s25, $0x3F  }
.LBB2_102:
0x761: {  	p0 =	sne.s32 s17, $0x0;
	p1 =	por !p1, !p2;
	s4 =	smov.u32 s17  }
0x762: {  	v14 =	vld [tilespmem:s18+$0x0];
	(v2sf) =	vpush v11, $0xF;
	s17 =	sadd.s32 $0xFFFFFFFF, s17;
	s19 =	smov.u32 s0;
	s0 =	smov.u32 s25  }
.Ltmp64:
0x763: {  	p1 =	por !p1, !p1;
	(pc) =	sbr.rel @p0 .LBB2_102-.Ltmp64, $4  }
0x764: {  	s22 =	smov.u32 @p1 s26;
	s29 =	smov.u32 @p1 s19;
	s26 =	smov.u32 s2  }
0x765: {  	s2 =	smov.u32 s30;
	s30 =	smov.u32 s31;
	s19 =	spop (v2sf)  }
0x766: {  	s31 =	smov.u32 s28;
	s28 =	smov.u32 s4;
	s25 =	sadd.s32 s25, s19  }
0x767: {  	s18 =	sadd.s32 $0xFFFFFFF0, s18;
	p1 =	slt.s32 s0, $0x40;
	(xrf0) =	vadd.scan.msk.s32 $0xffff, v14;
	v11, _, _ =	vpop (xrf0);
	p2 =	sgt.s32 s25, $0x3F  }
0x768: {  	_ =	sdelay $0x4  }
0x769: {  	(v2sf) =	vpush v11, $0xF;
	v11, _, _ =	vpop (xrf0)  }
0x76a: {  	(v2sf) =	vpush v11, $0xF;
	_ =	sdelay $0x7  }
0x76b: {  	s4 =	spop (v2sf)  }
0x76c: {  	s4 =	sadd.s32 s25, s4  }
0x76d: {  	p0 =	por !p1, !p2;
	p3 =	slt.s32 s25, $0x40;
	p4 =	sgt.s32 s4, $0x3F  }
0x76e: {  	p0 =	por !p0, !p0;
	p1 =	por !p3, !p4  }
0x76f: {  	s22 =	smov.u32 @p0 s26;
	p1 =	por !p1, !p1;
	s17 =	spop (v2sf)  }
0x770: {  	p5 =	slt.s32 s4, $0x40;
	s22 =	smov.u32 @p1 s2;
	s17 =	sadd.s32 s4, s17  }
0x771: {  	p4 =	sgt.s32 s17, $0x3F;
	p6 =	slt.s32 s17, $0x40;
	s18 =	spop (v2sf)  }
0x772: {  	p2 =	por !p5, !p4;
	s18 =	sadd.s32 s17, s18;
	s19 =	spop (v2sf)  }
0x773: {  	p2 =	por !p2, !p2;
	p5 =	sgt.s32 s18, $0x3F;
	s26 =	sadd.s32 s18, s19  }
0x774: {  	p4 =	por !p6, !p5;
	p6 =	slt.s32 s18, $0x40;
	p3 =	sgt.s32 s26, $0x3F  }
0x775: {  	s22 =	smov.u32 @p2 s30;
	p4 =	por !p4, !p4;
	p3 =	por !p6, !p3  }
0x776: {  	s22 =	smov.u32 @p4 s31;
	p3 =	por !p3, !p3  }
0x777: {  	s22 =	smov.u32 @p3 s28  }
0x778: {  	s31 =	sshll.u32 s22, $0x4  }
0x779: {  	v11 =	vld [tilespmem:s31+$0x18080];
	_ =	sdelay $0x4  }
0x77a: {  	v11 =	vperm.xlane v11, v5;
	_ =	sdelay $0x1  }
0x77b: {  	(xrf0) =	vadd.scan.msk.s32 $0xffff, v11;
	_ =	sdelay $0x1  }
0x77c: {  	s29 =	smov.u32 @p0 s0  }
0x77d: {  	s29 =	smov.u32 @p1 s25  }
0x77e: {  	s29 =	smov.u32 @p2 s4  }
0x77f: {  	s29 =	smov.u32 @p4 s17  }
0x780: {  	s29 =	smov.u32 @p3 s18;
	v11, _, _ =	vpop (xrf0)  }
0x781: {  	v11 =	vadd.s32 s29, v11  }
0x782: {  	vm5 =	vgt.s32 v11, $0x3F  }
0x783: {  	v11 =	vmctz.xlane vm5;
	_ =	sdelay $0x1  }
0x784: {  	(v2sf) =	vpush v11, $0x0;
	_ =	sdelay $0xc  }
0x785: {  	s4 =	simm.s32 $0x8040  }
0x786: {  	v14 =	vld [tilespmem:s4+$0xFFFFFFC0]  }
0x787: {  	s17 =	spop (v2sf)  }
0x788: {  	s0 =	ssub.s32 s31, s17  }
0x789: {  	s0 =	sshll.u32 s0, $0x15  }
0x78a: {  	s0 =	sadd.s32 $0x81E00000, s0  }
0x78b: {  	p0 =	por $0x1, $0x1;
	v15 =	vxor.u32 $0x80000000, v14;
	vm5 =	vmmov vm0;
	v11 =	vmov s0  }
0x78c: {  	vm5 =	vmneg @p0 vm5;
	vm6 =	vge.s32 v15, v11  }
0x78d: {  	vm5 =	vmand vm5, vm6  }
0x78e: {  	v15 =	vmpcnt.ones.xlane vm5;
	_ =	sdelay $0x1  }
0x78f: {  	(v2sf) =	vpush v15, $0x0;
	_ =	sdelay $0x9  }
0x790: {  	s18 =	simm.s32 $0x0  }
0x791: {  	[tilespmem:s18+$0x18880] =	vst.msk vm5, v14  }
0x792: {  	v14 =	vld [tilespmem:s4+$0xFFFFFFD0];
	_ =	sdelay $0x2  }
0x793: {  	s19 =	spop (v2sf)  }
0x794: {  	s0 =	sadd.s32 $0x0, s19  }
0x795: {  	vm5 =	vmmov vm0;
	v15 =	vxor.u32 $0x80000000, v14;
	p0 =	slt.s32 s0, $0x1FF0  }
0x796: {  	vm6 =	vge.s32 v15, v11;
	vm5 =	vmneg @p0 vm5  }
0x797: {  	vm5 =	vmand vm6, vm5  }
0x798: {  	v15 =	vmpcnt.ones.xlane vm5;
	_ =	sdelay $0x1  }
0x799: {  	(v2sf) =	vpush v15, $0x0;
	_ =	sdelay $0xa  }
0x79a: {  	[tilespmem:s0+$0x18880] =	vst.msk vm5, v14  }
0x79b: {  	v14 =	vld [tilespmem:s4+$0xFFFFFFE0];
	_ =	sdelay $0x2  }
0x79c: {  	s25 =	spop (v2sf)  }
0x79d: {  	s0 =	sadd.s32 s0, s25  }
0x79e: {  	vm5 =	vmmov vm0;
	v15 =	vxor.u32 $0x80000000, v14;
	p0 =	slt.s32 s0, $0x1FF0  }
0x79f: {  	vm6 =	vge.s32 v15, v11;
	vm5 =	vmneg @p0 vm5  }
0x7a0: {  	vm5 =	vmand vm6, vm5  }
0x7a1: {  	v15 =	vmpcnt.ones.xlane vm5;
	_ =	sdelay $0x1  }
0x7a2: {  	(v2sf) =	vpush v15, $0x0;
	_ =	sdelay $0xa  }
0x7a3: {  	[tilespmem:s0+$0x18880] =	vst.msk vm5, v14  }
0x7a4: {  	v14 =	vld [tilespmem:s4+$0xFFFFFFF0];
	_ =	sdelay $0x2  }
0x7a5: {  	s26 =	spop (v2sf)  }
0x7a6: {  	s0 =	sadd.s32 s0, s26  }
0x7a7: {  	vm5 =	vmmov vm0;
	v15 =	vxor.u32 $0x80000000, v14;
	p0 =	slt.s32 s0, $0x1FF0  }
0x7a8: {  	vm6 =	vge.s32 v15, v11;
	vm5 =	vmneg @p0 vm5  }
0x7a9: {  	vm5 =	vmand vm6, vm5  }
0x7aa: {  	v15 =	vmpcnt.ones.xlane vm5;
	_ =	sdelay $0x1  }
0x7ab: {  	(v2sf) =	vpush v15, $0x0;
	_ =	sdelay $0xa  }
0x7ac: {  	[tilespmem:s0+$0x18880] =	vst.msk vm5, v14  }
0x7ad: {  	v14 =	vld [tilespmem:s4+$0x0];
	_ =	sdelay $0x2  }
0x7ae: {  	s28 =	spop (v2sf)  }
0x7af: {  	s0 =	sadd.s32 s0, s28  }
0x7b0: {  	vm5 =	vmmov vm0;
	v15 =	vxor.u32 $0x80000000, v14;
	p0 =	slt.s32 s0, $0x1FF0  }
0x7b1: {  	vm6 =	vge.s32 v15, v11;
	vm5 =	vmneg @p0 vm5  }
0x7b2: {  	vm5 =	vmand vm6, vm5  }
0x7b3: {  	v15 =	vmpcnt.ones.xlane vm5;
	_ =	sdelay $0x1  }
0x7b4: {  	(v2sf) =	vpush v15, $0x0;
	_ =	sdelay $0xa  }
0x7b5: {  	[tilespmem:s0+$0x18880] =	vst.msk vm5, v14  }
0x7b6: {  	v14 =	vld [tilespmem:s4+$0x10];
	_ =	sdelay $0x2  }
0x7b7: {  	s29 =	spop (v2sf)  }
0x7b8: {  	s0 =	sadd.s32 s0, s29  }
0x7b9: {  	vm5 =	vmmov vm0;
	v15 =	vxor.u32 $0x80000000, v14;
	p0 =	slt.s32 s0, $0x1FF0  }
0x7ba: {  	vm6 =	vge.s32 v15, v11;
	vm5 =	vmneg @p0 vm5  }
0x7bb: {  	vm5 =	vmand vm6, vm5  }
0x7bc: {  	v15 =	vmpcnt.ones.xlane vm5;
	_ =	sdelay $0x1  }
0x7bd: {  	(v2sf) =	vpush v15, $0x0;
	_ =	sdelay $0xa  }
0x7be: {  	[tilespmem:s0+$0x18880] =	vst.msk vm5, v14  }
0x7bf: {  	v14 =	vld [tilespmem:s4+$0x20];
	_ =	sdelay $0x2  }
0x7c0: {  	s30 =	spop (v2sf)  }
0x7c1: {  	s0 =	sadd.s32 s0, s30  }
0x7c2: {  	vm5 =	vmmov vm0;
	v15 =	vxor.u32 $0x80000000, v14;
	p0 =	slt.s32 s0, $0x1FF0  }
0x7c3: {  	vm6 =	vge.s32 v15, v11;
	vm5 =	vmneg @p0 vm5  }
0x7c4: {  	vm5 =	vmand vm6, vm5  }
0x7c5: {  	v15 =	vmpcnt.ones.xlane vm5;
	_ =	sdelay $0x1  }
0x7c6: {  	(v2sf) =	vpush v15, $0x0;
	_ =	sdelay $0xa  }
0x7c7: {  	[tilespmem:s0+$0x18880] =	vst.msk vm5, v14  }
0x7c8: {  	v14 =	vld [tilespmem:s4+$0x30];
	_ =	sdelay $0x2  }
0x7c9: {  	s31 =	spop (v2sf)  }
0x7ca: {  	s0 =	sadd.s32 s0, s31  }
0x7cb: {  	vm5 =	vmmov vm0;
	v15 =	vxor.u32 $0x80000000, v14;
	p0 =	slt.s32 s0, $0x1FF0  }
0x7cc: {  	vm6 =	vge.s32 v15, v11;
	vm5 =	vmneg @p0 vm5  }
0x7cd: {  	vm5 =	vmand vm6, vm5  }
0x7ce: {  	v15 =	vmpcnt.ones.xlane vm5;
	_ =	sdelay $0x1  }
0x7cf: {  	(v2sf) =	vpush v15, $0x0;
	_ =	sdelay $0xa  }
0x7d0: {  	s22 =	simm.s32 $0x80C0;
	[tilespmem:s0+$0x18880] =	vst.msk vm5, v14  }
0x7d1: {  	v14 =	vld [tilespmem:s22+$0xFFFFFFC0];
	_ =	sdelay $0x2  }
0x7d2: {  	s25 =	simm.s32 $0x8;
	s2 =	spop (v2sf)  }
.LBB2_104:
0x7d3: {  	s25 =	sadd.s32 $0x8, s25;
	s0 =	sadd.s32 s0, s2  }
0x7d4: {  	vm6 =	vmmov vm0;
	p0 =	slt.u32 s25, $0x7F8;
	v15 =	vxor.u32 $0x80000000, v14;
	p1 =	slt.s32 s0, $0x1FF0  }
0x7d5: {  	vm5 =	vge.s32 v15, v11;
	vm6 =	vmneg @p1 vm6  }
0x7d6: {  	vm5 =	vmand vm6, vm5  }
0x7d7: {  	[tilespmem:s0+$0x18880] =	vst.msk vm5, v14;
	v14 =	vmpcnt.ones.xlane vm5  }
0x7d8: {  	v15 =	vld [tilespmem:s22+$0xFFFFFFD0]  }
0x7d9: {  	(v2sf) =	vpush v14, $0x0;
	_ =	sdelay $0x3  }
0x7da: {  	v14 =	vxor.u32 $0x80000000, v15;
	_ =	sdelay $0xa  }
0x7db: {  	s2 =	spop (v2sf)  }
0x7dc: {  	s0 =	sadd.s32 s0, s2  }
0x7dd: {  	vm6 =	vmmov vm0;
	p1 =	slt.s32 s0, $0x1FF0  }
0x7de: {  	vm5 =	vge.s32 v14, v11;
	vm6 =	vmneg @p1 vm6  }
0x7df: {  	vm5 =	vmand vm5, vm6  }
0x7e0: {  	[tilespmem:s0+$0x18880] =	vst.msk vm5, v15;
	v14 =	vmpcnt.ones.xlane vm5  }
0x7e1: {  	v15 =	vld [tilespmem:s22+$0xFFFFFFE0]  }
0x7e2: {  	(v2sf) =	vpush v14, $0x0;
	_ =	sdelay $0x3  }
0x7e3: {  	v14 =	vxor.u32 $0x80000000, v15;
	_ =	sdelay $0xa  }
0x7e4: {  	s2 =	spop (v2sf)  }
0x7e5: {  	s0 =	sadd.s32 s0, s2  }
0x7e6: {  	vm6 =	vmmov vm0;
	p1 =	slt.s32 s0, $0x1FF0  }
0x7e7: {  	vm5 =	vge.s32 v14, v11;
	vm6 =	vmneg @p1 vm6  }
0x7e8: {  	vm5 =	vmand vm5, vm6  }
0x7e9: {  	[tilespmem:s0+$0x18880] =	vst.msk vm5, v15;
	v14 =	vmpcnt.ones.xlane vm5  }
0x7ea: {  	v15 =	vld [tilespmem:s22+$0xFFFFFFF0]  }
0x7eb: {  	(v2sf) =	vpush v14, $0x0;
	_ =	sdelay $0x3  }
0x7ec: {  	v14 =	vxor.u32 $0x80000000, v15;
	_ =	sdelay $0xa  }
0x7ed: {  	s2 =	spop (v2sf)  }
0x7ee: {  	s0 =	sadd.s32 s0, s2  }
0x7ef: {  	vm6 =	vmmov vm0;
	p1 =	slt.s32 s0, $0x1FF0  }
0x7f0: {  	vm5 =	vge.s32 v14, v11;
	vm6 =	vmneg @p1 vm6  }
0x7f1: {  	vm5 =	vmand vm5, vm6  }
0x7f2: {  	[tilespmem:s0+$0x18880] =	vst.msk vm5, v15;
	v14 =	vmpcnt.ones.xlane vm5  }
0x7f3: {  	v15 =	vld [tilespmem:s22+$0x0]  }
0x7f4: {  	(v2sf) =	vpush v14, $0x0;
	_ =	sdelay $0x3  }
0x7f5: {  	v14 =	vxor.u32 $0x80000000, v15;
	_ =	sdelay $0xa  }
0x7f6: {  	s2 =	spop (v2sf)  }
0x7f7: {  	s0 =	sadd.s32 s0, s2  }
0x7f8: {  	vm6 =	vmmov vm0;
	p1 =	slt.s32 s0, $0x1FF0  }
0x7f9: {  	vm5 =	vge.s32 v14, v11;
	vm6 =	vmneg @p1 vm6  }
0x7fa: {  	vm5 =	vmand vm5, vm6  }
0x7fb: {  	[tilespmem:s0+$0x18880] =	vst.msk vm5, v15;
	v14 =	vmpcnt.ones.xlane vm5  }
0x7fc: {  	v15 =	vld [tilespmem:s22+$0x10]  }
0x7fd: {  	(v2sf) =	vpush v14, $0x0;
	_ =	sdelay $0x3  }
0x7fe: {  	v14 =	vxor.u32 $0x80000000, v15;
	_ =	sdelay $0xa  }
0x7ff: {  	s2 =	spop (v2sf)  }
0x800: {  	s0 =	sadd.s32 s0, s2  }
0x801: {  	vm6 =	vmmov vm0;
	p1 =	slt.s32 s0, $0x1FF0  }
0x802: {  	vm5 =	vge.s32 v14, v11;
	vm6 =	vmneg @p1 vm6  }
0x803: {  	vm5 =	vmand vm5, vm6  }
0x804: {  	[tilespmem:s0+$0x18880] =	vst.msk vm5, v15;
	v14 =	vmpcnt.ones.xlane vm5  }
0x805: {  	v15 =	vld [tilespmem:s22+$0x20]  }
0x806: {  	(v2sf) =	vpush v14, $0x0;
	_ =	sdelay $0x3  }
0x807: {  	v14 =	vxor.u32 $0x80000000, v15;
	_ =	sdelay $0xa  }
0x808: {  	s2 =	spop (v2sf)  }
0x809: {  	s0 =	sadd.s32 s0, s2  }
0x80a: {  	vm6 =	vmmov vm0;
	p1 =	slt.s32 s0, $0x1FF0  }
0x80b: {  	vm5 =	vge.s32 v14, v11;
	vm6 =	vmneg @p1 vm6  }
0x80c: {  	vm5 =	vmand vm5, vm6  }
0x80d: {  	[tilespmem:s0+$0x18880] =	vst.msk vm5, v15;
	v14 =	vmpcnt.ones.xlane vm5  }
0x80e: {  	v15 =	vld [tilespmem:s22+$0x30]  }
0x80f: {  	(v2sf) =	vpush v14, $0x0;
	_ =	sdelay $0x3  }
0x810: {  	v14 =	vxor.u32 $0x80000000, v15;
	_ =	sdelay $0xa  }
0x811: {  	s2 =	spop (v2sf)  }
0x812: {  	s0 =	sadd.s32 s0, s2  }
0x813: {  	vm6 =	vmmov vm0;
	p1 =	slt.s32 s0, $0x1FF0  }
0x814: {  	vm5 =	vge.s32 v14, v11;
	vm6 =	vmneg @p1 vm6  }
0x815: {  	vm5 =	vmand vm5, vm6  }
0x816: {  	[tilespmem:s0+$0x18880] =	vst.msk vm5, v15;
	v14 =	vmpcnt.ones.xlane vm5;
	_ =	sdelay $0x1  }
0x817: {  	(v2sf) =	vpush v14, $0x0;
	_ =	sdelay $0xa  }
.Ltmp65:
0x818: {  	s22 =	sadd.s32 $0x80, s22;
	(pc) =	sbr.rel @p0 .LBB2_104-.Ltmp65, $2  }
0x819: {  	v14 =	vld [tilespmem:s22+$0xFFFFFFC0];
	_ =	sdelay $0x2  }
0x81a: {  	s2 =	spop (v2sf)  }
0x81b: {  	s0 =	sadd.s32 s0, s2  }
0x81c: {  	vm5 =	vmmov vm0;
	v15 =	vxor.u32 $0x80000000, v14;
	p0 =	slt.s32 s0, $0x1FF0  }
0x81d: {  	vm6 =	vge.s32 v15, v11;
	vm5 =	vmneg @p0 vm5  }
0x81e: {  	vm5 =	vmand vm5, vm6  }
0x81f: {  	v15 =	vmpcnt.ones.xlane vm5;
	_ =	sdelay $0x1  }
0x820: {  	(v2sf) =	vpush v15, $0x0;
	_ =	sdelay $0xa  }
0x821: {  	[tilespmem:s0+$0x18880] =	vst.msk vm5, v14  }
0x822: {  	v14 =	vld [tilespmem:s22+$0xFFFFFFD0];
	_ =	sdelay $0x2  }
0x823: {  	s4 =	spop (v2sf)  }
0x824: {  	s0 =	sadd.s32 s0, s4  }
0x825: {  	vm5 =	vmmov vm0;
	v15 =	vxor.u32 $0x80000000, v14;
	p0 =	slt.s32 s0, $0x1FF0  }
0x826: {  	vm6 =	vge.s32 v15, v11;
	vm5 =	vmneg @p0 vm5  }
0x827: {  	vm5 =	vmand vm6, vm5  }
0x828: {  	v15 =	vmpcnt.ones.xlane vm5;
	_ =	sdelay $0x1  }
0x829: {  	(v2sf) =	vpush v15, $0x0;
	_ =	sdelay $0xa  }
0x82a: {  	[tilespmem:s0+$0x18880] =	vst.msk vm5, v14  }
0x82b: {  	v14 =	vld [tilespmem:s22+$0xFFFFFFE0];
	_ =	sdelay $0x2  }
0x82c: {  	s17 =	spop (v2sf)  }
0x82d: {  	s0 =	sadd.s32 s0, s17  }
0x82e: {  	vm5 =	vmmov vm0;
	v15 =	vxor.u32 $0x80000000, v14;
	p0 =	slt.s32 s0, $0x1FF0  }
0x82f: {  	vm6 =	vge.s32 v15, v11;
	vm5 =	vmneg @p0 vm5  }
0x830: {  	vm5 =	vmand vm6, vm5  }
0x831: {  	v15 =	vmpcnt.ones.xlane vm5;
	_ =	sdelay $0x1  }
0x832: {  	(v2sf) =	vpush v15, $0x0;
	_ =	sdelay $0xa  }
0x833: {  	[tilespmem:s0+$0x18880] =	vst.msk vm5, v14  }
0x834: {  	v14 =	vld [tilespmem:s22+$0xFFFFFFF0];
	_ =	sdelay $0x2  }
0x835: {  	s18 =	spop (v2sf)  }
0x836: {  	s0 =	sadd.s32 s0, s18  }
0x837: {  	vm5 =	vmmov vm0;
	v15 =	vxor.u32 $0x80000000, v14;
	p0 =	slt.s32 s0, $0x1FF0  }
0x838: {  	vm6 =	vge.s32 v15, v11;
	vm5 =	vmneg @p0 vm5  }
0x839: {  	vm5 =	vmand vm6, vm5  }
0x83a: {  	v15 =	vmpcnt.ones.xlane vm5;
	_ =	sdelay $0x1  }
0x83b: {  	(v2sf) =	vpush v15, $0x0;
	_ =	sdelay $0xa  }
0x83c: {  	[tilespmem:s0+$0x18880] =	vst.msk vm5, v14  }
0x83d: {  	v14 =	vld [tilespmem:s22+$0x0];
	_ =	sdelay $0x2  }
0x83e: {  	s19 =	spop (v2sf)  }
0x83f: {  	s0 =	sadd.s32 s0, s19  }
0x840: {  	vm5 =	vmmov vm0;
	v15 =	vxor.u32 $0x80000000, v14;
	p0 =	slt.s32 s0, $0x1FF0  }
0x841: {  	vm6 =	vge.s32 v15, v11;
	vm5 =	vmneg @p0 vm5  }
0x842: {  	vm5 =	vmand vm6, vm5  }
0x843: {  	v15 =	vmpcnt.ones.xlane vm5;
	_ =	sdelay $0x1  }
0x844: {  	(v2sf) =	vpush v15, $0x0;
	_ =	sdelay $0xa  }
0x845: {  	[tilespmem:s0+$0x18880] =	vst.msk vm5, v14  }
0x846: {  	v14 =	vld [tilespmem:s22+$0x10];
	_ =	sdelay $0x2  }
0x847: {  	s25 =	spop (v2sf)  }
0x848: {  	s0 =	sadd.s32 s0, s25  }
0x849: {  	vm5 =	vmmov vm0;
	v15 =	vxor.u32 $0x80000000, v14;
	p0 =	slt.s32 s0, $0x1FF0  }
0x84a: {  	vm6 =	vge.s32 v15, v11;
	vm5 =	vmneg @p0 vm5  }
0x84b: {  	vm5 =	vmand vm6, vm5  }
0x84c: {  	v15 =	vmpcnt.ones.xlane vm5;
	_ =	sdelay $0x1  }
0x84d: {  	(v2sf) =	vpush v15, $0x0;
	_ =	sdelay $0xa  }
0x84e: {  	[tilespmem:s0+$0x18880] =	vst.msk vm5, v14  }
0x84f: {  	v14 =	vld [tilespmem:s22+$0x20];
	_ =	sdelay $0x2  }
0x850: {  	s26 =	spop (v2sf)  }
0x851: {  	s0 =	sadd.s32 s0, s26  }
0x852: {  	vm5 =	vmmov vm0;
	v15 =	vxor.u32 $0x80000000, v14;
	p0 =	slt.s32 s0, $0x1FF0  }
0x853: {  	vm6 =	vge.s32 v15, v11;
	vm5 =	vmneg @p0 vm5  }
0x854: {  	vm5 =	vmand vm6, vm5  }
0x855: {  	v15 =	vmpcnt.ones.xlane vm5;
	_ =	sdelay $0x1  }
0x856: {  	(v2sf) =	vpush v15, $0x0;
	_ =	sdelay $0xa  }
0x857: {  	[tilespmem:s0+$0x18880] =	vst.msk vm5, v14  }
0x858: {  	v14 =	vld [tilespmem:s22+$0x30];
	_ =	sdelay $0x2  }
0x859: {  	s28 =	spop (v2sf)  }
0x85a: {  	s0 =	sadd.s32 s0, s28  }
0x85b: {  	vm5 =	vmmov vm0;
	v15 =	vxor.u32 $0x80000000, v14;
	p0 =	slt.s32 s0, $0x1FF0  }
0x85c: {  	vm6 =	vge.s32 v15, v11;
	vm5 =	vmneg @p0 vm5  }
0x85d: {  	vm5 =	vmand vm6, vm5  }
0x85e: {  	v11 =	vmpcnt.ones.xlane vm5;
	_ =	sdelay $0x1  }
0x85f: {  	(v2sf) =	vpush v11, $0x0;
	_ =	sdelay $0xe  }
0x860: {  	s30 =	spop (v2sf)  }
0x861: {  	s2 =	sadd.s32 s0, s30  }
0x862: {  	s4 =	sadd.s32 $0xF, s2  }
0x863: {  	s17 =	sand.u32 $0xF, s4  }
0x864: {  	s31 =	sshra.s32 s4, $0x1F;
	p1 =	slt.s32 s4, $0x1;
	p6 =	sne.s32 s17, $0x0  }
.Ltmp66:
0x865: {  	s17 =	sshrl.u32 s31, $0x1C;
	p0 =	por !p1, !p6;
	(pc) =	sbr.rel .LBB2_106-.Ltmp66, $4  }
0x866: {  	s4 =	sadd.s32 s17, s4;
	s17 =	simm.s32 $0x1;
	p0 =	por !p0, !p0  }
0x867: {  	s4 =	sshra.s32 s4, $0x4;
	s17 =	simm.s32 @!p0 $0x0  }
0x868: {  	[tilespmem:s0+$0x18880] =	vst.msk vm5, v14;
	s29 =	ssub.s32 s4, s17  }
0x869: {  	s22 =	simm.s32 $0x0;
	s0 =	simm.s32 $0x0;
	[tilespmem:s2+$0x18880] =	vst v2;
	p0 =	slt.s32 s29, $0x1  }
.LBB2_107:
0x86a: {  	v11 =	vimm.s32 $0x0  }
.LBB2_111:
0x86b: {  	(v2sf) =	vpush v11, $0x0;
	_ =	sdelay $0xa  }
0x86c: {  	s0 =	sadd.s32 $0x1, s0  }
0x86d: {  	p2 =	sne.s32 s0, $0x20  }
.Ltmp67:
0x86e: {  	_ = 	snop;
	(pc) =	sbr.rel @!p2 .LBB2_112-.Ltmp67, $4  }
0x86f: {  	_ = 	snop  }
0x870: {  	s4 =	spop (v2sf)  }
0x871: {  	p1 =	sgt.s32 s4, $0x3F  }
0x872: {  	s22 =	smov.u32 @p1 s2  }
.LBB2_106:
.Ltmp68:
0x873: {  	(pc) =	sbr.rel @p0 .LBB2_107-.Ltmp68, $3  }
0x874: {  	_ =	sdelay $0x1  }
0x875: {  	s2 =	sshrl.u32 s16, s0  }
0x876: {  	s2 =	sor.u32 s2, s22  }
0x877: {  	s4 =	simm.s32 $0x18880  }
0x878: {  	p1 =	sne.s32 s29, $0x1;
	v15 =	vld [tilespmem:s4+$0x0]  }
.Ltmp69:
0x879: {  	_ = 	snop;
	(pc) =	sbr.rel @!p1 .LBB2_110-.Ltmp69, $3  }
0x87a: {  	_ =	sdelay $0x1  }
0x87b: {  	s31 =	sxor.u32 $0x80000000, s2  }
0x87c: {  	v11 =	vimm.s32 $0x0;
	s17 =	sadd.s32 $0xFFFFFFFF, s29;
	s18 =	simm.s32 $0x18890;
	v14 =	vmov s31;
	v15 =	vxor.u32 $0x80000000, v15  }
.LBB2_109:
0x87d: {  	v16 =	vld [tilespmem:s18+$0x0];
	p1 =	sne.s32 s17, $0x1;
	s17 =	sadd.s32 $0xFFFFFFFF, s17;
	vm5 =	vge.s32 v15, v14  }
.Ltmp70:
0x87e: {  	v15 =	vmpcnt.ones.xlane vm5;
	(pc) =	sbr.rel @p1 .LBB2_109-.Ltmp70, $3  }
0x87f: {  	_ = 	snop  }
0x880: {  	v11 =	vadd.s32 v11, v15;
	_ =	sdelay $0x1  }
0x881: {  	s18 =	sadd.s32 $0x10, s18;
	v15 =	vxor.u32 $0x80000000, v16  }
.LBB2_110:
.Ltmp71:
0x882: {  	(pc) =	sbr.rel .LBB2_111-.Ltmp71, $3  }
0x883: {  	vm5 =	vge.s32 v15, v14  }
0x884: {  	v14 =	vmpcnt.ones.xlane vm5;
	_ =	sdelay $0x1  }
0x885: {  	v11 =	vadd.s32 v11, v14  }
.LBB2_112:
0x886: {  	s0 =	sxor.u32 $0xFFFFFFFF, s24;
	p1 =	slt.s32 s24, $0x0  }
0x887: {  	s0 =	smov.u32 @p1 s21  }
0x888: {  	s0 =	ssub.f32 s0, s23;
	_ =	sdelay $0x1  }
0x889: {  	v11 =	vmov s0  }
0x88a: {  	v11 =	vmul.f32 $1.442695020e+00, v11  }
0x88b: {  	(xrf2) =	vadd.scan.msk.f32 $0xffff, v13  }
0x88c: {  	v11 =	vbroadcast v11, $0x0;
	_ =	sdelay $0x1  }
0x88d: {  	(erf) = vpow2.f32 v11;
	_ =	sdelay $0x6  }
0x88e: {  	v11, _, _ =	vpop (xrf2)  }
0x88f: {  	(v2sf) =	vpush v11, $0xF  }
0x890: {  	(v2sf) =	vpush v12, $0x0;
	v11 =	vpop (erf)  }
0x891: {  	(v2sf) =	vpush v11, $0x0;
	_ =	sdelay $0xa  }
.Ltmp72:
0x892: {  	_ = 	snop;
	(pc) =	sbr.rel @p0 .LBB2_113-.Ltmp72, $4  }
0x893: {  	_ = 	snop  }
0x894: {  	s24 =	spop (v2sf)  }
0x895: {  	s26 =	spop (v2sf)  }
0x896: {  	s23 =	sxor.u32 $0x80000000, s22;
	s25 =	spop (v2sf)  }
0x897: {  	s0 =	simm.s32 $0x18880  }
0x898: {  	p3 =	sne.s32 s29, $0x1;
	v12 =	vld [tilespmem:s0+$0x0]  }
.Ltmp73:
0x899: {  	_ = 	snop;
	(pc) =	sbr.rel @!p3 .LBB2_116-.Ltmp73, $2  }
0x89a: {  	_ =	sdelay $0x2  }
0x89b: {  	v11 =	vimm.f32 $-3.399999950e+38;
	s2 =	sadd.s32 $0xFFFFFFFF, s29;
	s17 =	simm.s32 $0x18890;
	vm5 =	vlt.s32 v12, $0x0  }
.LBB2_115:
0x89c: {  	v13 =	vld [tilespmem:s17+$0x0];
	p0 =	sne.s32 s2, $0x1;
	s2 =	sadd.s32 $0xFFFFFFFF, s2;
	v14 =	vsel vm5, $0x0, v6  }
.Ltmp74:
0x89d: {  	v14 =	vxor.u32 v14, v12;
	(pc) =	sbr.rel @p0 .LBB2_115-.Ltmp74, $4  }
0x89e: {  	vm5 =	veq.s32 v12, $0x0;
	v12 =	vxor.u32 $0x80000000, v14  }
0x89f: {  	v14 =	vsel vm5, $0xFF7FC99E, v12  }
0x8a0: {  	v11 =	vmax.f32 v11, v14  }
0x8a1: {  	s17 =	sadd.s32 $0x10, s17;
	vm5 =	vlt.s32 v13, $0x0;
	v12 =	vmov v13  }
.LBB2_116:
0x8a2: {  	v13 =	vsel vm5, $0x0, v6  }
0x8a3: {  	v13 =	vxor.u32 v13, v12  }
0x8a4: {  	vm5 =	veq.s32 v12, $0x0;
	v12 =	vxor.u32 $0x80000000, v13  }
0x8a5: {  	v12 =	vsel vm5, $0xFF7FC99E, v12  }
0x8a6: {  	v11 =	vmax.f32 v11, v12  }
0x8a7: {  	(xrf0) =	vmax.scan.msk.f32 $0xffff, v11;
	_ =	sdelay $0x5  }
0x8a8: {  	v11, _, _ =	vpop (xrf0)  }
0x8a9: {  	(v2sf) =	vpush v11, $0xF;
	_ =	sdelay $0x9  }
0x8aa: {  	v22 =	vld [tilespmem:s0+$0x0]  }
.Ltmp75:
0x8ab: {  	_ = 	snop;
	(pc) =	sbr.rel @!p3 .LBB2_117-.Ltmp75, $3  }
0x8ac: {  	_ =	sdelay $0x1  }
0x8ad: {  	s0 =	sadd.s32 $0xFFFFFFFF, s29;
	s2 =	simm.s32 $0x18890;
	v14 =	vimm.f32 $0.0e+00;
	p0 =	por $0x0, $0x0;
	v13 =	vmov s23  }
0x8ae: {  	p1 =	por $0x0, $0x0;
	p2 =	por $0x0, $0x0;
	v12 =	vimm.s32 $0x0;
	vm5 =	vlt.s32 v22, $0x0;
	v15 =	vbroadcast v11, $0xF;
	s28 =	spop (v2sf)  }
0x8af: {  	v19 =	vld [tilespmem:s2+$0x0];
	p3 =	sne.s32 s0, $0x1  }
.Ltmp76:
0x8b0: {  	v16 =	vxor.u32 $0x80000000, v22;
	v17 =	vsel vm5, $0x0, v6;
	(pc) =	sbr.rel @!p3 .LBB2_119-.Ltmp76, $3  }
0x8b1: {  	v17 =	vxor.u32 v16, v17  }
0x8b2: {  	v17 =	vsub.f32 v17, v15;
	_ =	sdelay $0x1  }
0x8b3: {  	s0 =	sadd.s32 $0xFFFFFFFF, s0;
	s2 =	simm.s32 $0x188A0;
	p0 =	por $0x1, $0x1;
	v18 =	vmul.f32 $1.442695020e+00, v17;
	vm5 =	vlt.s32 v19, $0x0  }
0x8b4: {  	v22 =	vld [tilespmem:s2+$0x0];
	p3 =	sne.s32 s0, $0x1  }
.Ltmp77:
0x8b5: {  	v17 =	vxor.u32 $0x80000000, v19;
	v19 =	vsel vm5, $0x0, v6;
	(pc) =	sbr.rel @!p3 .LBB2_121-.Ltmp77, $3  }
0x8b6: {  	v19 =	vxor.u32 v17, v19  }
0x8b7: {  	v19 =	vsub.f32 v19, v15;
	_ =	sdelay $0x1  }
0x8b8: {  	s0 =	sadd.s32 $0xFFFFFFFF, s0;
	s2 =	simm.s32 $0x188B0;
	p1 =	por $0x1, $0x1;
	(erf) = vpow2.f32 v18;
	v18 =	vmul.f32 $1.442695020e+00, v19;
	vm5 =	vlt.s32 v22, $0x0  }
0x8b9: {  	_ =	sdelay $0x4  }
0x8ba: {  	v24 =	vld [tilespmem:s2+$0x0];
	v23 =	vxor.u32 $0x80000000, v22;
	v19 =	vsel vm5, $0x0, v6;
	p3 =	sne.s32 s0, $0x1;
	(erf) = vpow2.f32 v18  }
.Ltmp78:
0x8bb: {  	v19 =	vxor.u32 v23, v19;
	(pc) =	sbr.rel @!p3 .LBB2_123-.Ltmp78, $4  }
0x8bc: {  	v19 =	vsub.f32 v19, v15  }
0x8bd: {  	vm5 =	vge.s32 v16, v13;
	v20 =	vpop (erf)  }
0x8be: {  	v18 =	vmul.f32 $1.442695020e+00, v19;
	v19 =	vmpcnt.ones.xlane vm5;
	v20 =	vnsel vm5, $0x0, v20  }
0x8bf: {  	s0 =	sadd.s32 $0xFFFFFFFF, s0;
	s2 =	simm.s32 $0x188C0;
	p2 =	por $0x1, $0x1;
	vm5 =	vlt.s32 v24, $0x0;
	v21 =	vadd.f32 v20, v14;
	v20 =	vimm.s32 $0x0  }
.LBB2_124:
0x8c0: {  	p3 =	sne.s32 s0, $0x1;
	s0 =	sadd.s32 $0xFFFFFFFF, s0;
	v22 =	vxor.u32 $0x80000000, v24;
	v24 =	vld [tilespmem:s2+$0x0];
	v25 =	vsel vm5, $0x0, v6;
	(erf) = vpow2.f32 v18  }
.Ltmp79:
0x8c1: {  	v20 =	vadd.s32 v20, v19;
	v18 =	vxor.u32 v22, v25;
	(pc) =	sbr.rel @p3 .LBB2_124-.Ltmp79, $4  }
0x8c2: {  	v18 =	vsub.f32 v18, v15  }
0x8c3: {  	vm5 =	vge.s32 v17, v13;
	v17 =	vmov v23;
	v23 =	vmov v22;
	v19 =	vpop (erf)  }
0x8c4: {  	v18 =	vmul.f32 $1.442695020e+00, v18;
	v22 =	vnsel vm5, $0x0, v19;
	v19 =	vmpcnt.ones.xlane vm5  }
0x8c5: {  	s2 =	sadd.s32 $0x10, s2;
	vm5 =	vlt.s32 v24, $0x0;
	v21 =	vadd.f32 v22, v21  }
0x8c6: {  	v25 =	vmov v17;
	v22 =	vmov v24;
	v17 =	vmov v23  }
.LBB2_126:
0x8c7: {  	v22 =	vxor.u32 $0x80000000, v22;
	v23 =	vsel vm5, $0x0, v6  }
0x8c8: {  	v23 =	vxor.u32 v22, v23  }
0x8c9: {  	v15 =	vsub.f32 v23, v15  }
0x8ca: {  	(erf) = vpow2.f32 @p0 v18  }
0x8cb: {  	v15 =	vmul.f32 $1.442695020e+00, v15;
	_ =	sdelay $0x1  }
0x8cc: {  	(erf) = vpow2.f32 v15  }
0x8cd: {  	vm5 =	vge.s32 @p1 v25, v13  }
0x8ce: {  	v18 =	vmpcnt.ones.xlane @p1 vm5  }
0x8cf: {  	v16 =	vpsel p0, v17, v16;
	v15 =	vpop @p1 (erf)  }
0x8d0: {  	v19 =	vadd.s32 @p2 v20, v19;
	v17 =	vpsel p1, v18, v0;
	v15 =	vnsel @p1 vm5, $0x0, v15  }
0x8d1: {  	v18 =	vpsel p2, v19, v12;
	vm5 =	vge.s32 @p0 v16, v13;
	v15 =	vadd.f32 @p1 v15, v21  }
0x8d2: {  	v17 =	vadd.s32 @p1 v18, v17;
	v16 =	vpop @p0 (erf);
	v19 =	vmpcnt.ones.xlane @p0 vm5  }
.Ltmp80:
0x8d3: {  	v17 =	vpsel p1, v17, v12;
	v16 =	vnsel @p0 vm5, $0x0, v16;
	v15 =	vpsel p1, v15, v14;
	(pc) =	sbr.rel .LBB2_127-.Ltmp80, $4  }
0x8d4: {  	vm5 =	vge.s32 v22, v13;
	v15 =	vadd.f32 @p0 v16, v15;
	v16 =	vpsel p0, v19, v0  }
0x8d5: {  	v63 =	vmpcnt.ones.xlane vm5;
	v13 =	vadd.s32 @p0 v17, v16;
	v62 =	vpop (erf)  }
0x8d6: {  	v14 =	vpsel p0, v15, v14;
	v12 =	vpsel p0, v13, v12;
	v15 =	vnsel vm5, $0x0, v62  }
0x8d7: {  	v12 =	vadd.s32 v12, v63;
	v13 =	vadd.f32 v15, v14  }
.LBB2_53:
.Ltmp81:
0x8d8: {  	(pc) =	sbr.rel .LBB2_62-.Ltmp81, $2  }
0x8d9: {  	_ =	sdelay $0x2  }
0x8da: {  	v17 =	vimm.s32 $0x0;
	v18 =	vimm.f32 $0.0e+00  }
.LBB2_85:
.Ltmp82:
0x8db: {  	(pc) =	sbr.rel .LBB2_94-.Ltmp82, $2  }
0x8dc: {  	_ =	sdelay $0x2  }
0x8dd: {  	v20 =	vimm.s32 $0x0;
	v21 =	vimm.f32 $0.0e+00  }
.LBB2_117:
.Ltmp83:
0x8de: {  	(pc) =	sbr.rel .LBB2_126-.Ltmp83, $2  }
0x8df: {  	_ =	sdelay $0x2  }
0x8e0: {  	v20 =	vimm.s32 $0x0;
	v21 =	vimm.f32 $0.0e+00  }
.LBB2_55:
.Ltmp84:
0x8e1: {  	(pc) =	sbr.rel .LBB2_62-.Ltmp84, $2  }
0x8e2: {  	_ =	sdelay $0x2  }
0x8e3: {  	v14 =	vmovc v13;
	v19 =	vmov v16;
	v17 =	vimm.s32 $0x0;
	v18 =	vimm.f32 $0.0e+00  }
.LBB2_87:
.Ltmp85:
0x8e4: {  	(pc) =	sbr.rel .LBB2_94-.Ltmp85, $2  }
0x8e5: {  	_ =	sdelay $0x2  }
0x8e6: {  	v17 =	vmovc v16;
	v22 =	vmov v19;
	v20 =	vimm.s32 $0x0;
	v21 =	vimm.f32 $0.0e+00  }
.LBB2_119:
.Ltmp86:
0x8e7: {  	(pc) =	sbr.rel .LBB2_126-.Ltmp86, $2  }
0x8e8: {  	_ =	sdelay $0x2  }
0x8e9: {  	v17 =	vmovc v16;
	v22 =	vmov v19;
	v20 =	vimm.s32 $0x0;
	v21 =	vimm.f32 $0.0e+00  }
.LBB2_57:
.Ltmp87:
0x8ea: {  	(pc) =	sbr.rel .LBB2_62-.Ltmp87, $2  }
0x8eb: {  	_ =	sdelay $0x2  }
0x8ec: {  	v17 =	vimm.s32 $0x0;
	v22 =	vmov v13;
	v18 =	vimm.f32 $0.0e+00  }
.LBB2_89:
.Ltmp88:
0x8ed: {  	(pc) =	sbr.rel .LBB2_94-.Ltmp88, $2  }
0x8ee: {  	_ =	sdelay $0x2  }
0x8ef: {  	v20 =	vimm.s32 $0x0;
	v25 =	vmov v16;
	v21 =	vimm.f32 $0.0e+00  }
.LBB2_121:
.Ltmp89:
0x8f0: {  	(pc) =	sbr.rel .LBB2_126-.Ltmp89, $2  }
0x8f1: {  	_ =	sdelay $0x2  }
0x8f2: {  	v20 =	vimm.s32 $0x0;
	v25 =	vmov v16;
	v21 =	vimm.f32 $0.0e+00  }
.LBB2_59:
.Ltmp90:
0x8f3: {  	(pc) =	sbr.rel .LBB2_62-.Ltmp90, $2  }
0x8f4: {  	_ =	sdelay $0x2  }
0x8f5: {  	v22 =	vmovc v14;
	v19 =	vmov v21;
	v17 =	vimm.s32 $0x0;
	v14 =	vmov v20  }
.LBB2_91:
.Ltmp91:
0x8f6: {  	(pc) =	sbr.rel .LBB2_94-.Ltmp91, $2  }
0x8f7: {  	_ =	sdelay $0x2  }
0x8f8: {  	v25 =	vmovc v17;
	v22 =	vmov v24;
	v20 =	vimm.s32 $0x0;
	v17 =	vmov v23  }
.LBB2_123:
.Ltmp92:
0x8f9: {  	(pc) =	sbr.rel .LBB2_126-.Ltmp92, $2  }
0x8fa: {  	_ =	sdelay $0x2  }
0x8fb: {  	v25 =	vmovc v17;
	v22 =	vmov v24;
	v20 =	vimm.s32 $0x0;
	v17 =	vmov v23  }
.LBB2_19:
.Ltmp93:
0x8fc: {  	(pc) =	sbr.rel .LBB2_30-.Ltmp93, $2  }
0x8fd: {  	_ =	sdelay $0x2  }
0x8fe: {  	v16 =	vimm.s32 $0x0;
	v17 =	vimm.f32 $0.0e+00  }
.LBB2_23:
.Ltmp94:
0x8ff: {  	(pc) =	sbr.rel .LBB2_30-.Ltmp94, $2  }
0x900: {  	_ =	sdelay $0x2  }
0x901: {  	v13 =	vmovc v12;
	v18 =	vmov v15;
	v16 =	vimm.s32 $0x0;
	v17 =	vimm.f32 $0.0e+00  }
.LBB2_25:
.Ltmp95:
0x902: {  	(pc) =	sbr.rel .LBB2_30-.Ltmp95, $2  }
0x903: {  	_ =	sdelay $0x2  }
0x904: {  	v16 =	vimm.s32 $0x0;
	v21 =	vmov v12;
	v17 =	vimm.f32 $0.0e+00  }
.LBB2_27:
.Ltmp96:
0x905: {  	(pc) =	sbr.rel .LBB2_30-.Ltmp96, $2  }
0x906: {  	_ =	sdelay $0x2  }
0x907: {  	v21 =	vmovc v13;
	v18 =	vmov v20;
	v16 =	vimm.s32 $0x0;
	v13 =	vmov v19  }
.LBB2_128:
0x908: {  	_ =	sfence.sel $0x180000  }
0x909: {  	[bflag:$0x0] =	sbarrier.arrive $0xFFFF  }
0x90a: {  	_ =	strace $0x90000047  }
0x90b: {  	s0 =	stileid.u32;
	[bflag:$0x2] =	sbarrier.arrive $0xFFFF  }
0x90c: {  	p0 =	sne.s32 s0, $0x0;
	s0 =	rddreg [dreg:$0x3]  }
0x90d: {  	s0 =	sadd.s32 @!p0 $0x100000, s0  }
0x90e: {  	[sflag:s0] =	ssyncadd.tile.s32 @!p0 $0x1;
	_ =	shalt  }
.Lfunc_end2:
_tile_overlayer_lowered:
.L_overlay_start_2:
0x90f: {  	(tag) =	ssettag $0x2  }
0x910: {  	s0 =	rddreg [dreg:$0x0];
	s2 =	stileid.u32  }
0x911: {  	s1 =	rddreg [dreg:$0x1];
	p0 =	sne.s32 s2, $0x0  }
0x912: {  	s3 =	rddreg [dreg:$0x2];
	[bflag:$0x3] =	sbarrier.arrive $0xFFFF;
	s2 =	simm.s32 @!p0 $0x1C01  }
0x913: {  	[timem:s3], [sflag:s2] =	dma.local @!p0 [hbm:s0], s1  }
0x914: {  	s0 =	simm.s32 @!p0 $0x1  }
0x915: {  	_ =	swait.ge @!p0 [sflag:s0], s1  }
0x916: {  	s1 =	ssub.s32 @!p0 $0x0, s1;
	[sflag:s0] =	ssyncset.done @!p0 $0x0  }
0x917: {  	[sflag:s0] =	ssyncadd.s32 @!p0 s1  }
0x918: {  	[bflag:$0x3] =	sbarrier.arrive $0xFFFF  }
0x919: {  	_ =	shalt  }

</sc_bundles>
